<compile_context>
chip_gen: v7x
topology: tpu7x:2x2x1
jax: 0.10.2.dev20260603
libtpu: 0.0.44.dev20260713+nightly
codegen_flags: <defaults>
</compile_context>

<pallas_src>
import functools

import jax
import jax.numpy as jnp
from jax import lax
from jax.experimental import pallas as pl
from jax.experimental.pallas import tpu as pltpu
from jax.experimental.pallas import tpu_sc as plsc

N = 10000
D = 128
E = 320000
NC = 2
NS = 16
NW = NC * NS
EPR = 128
RPW = 80
E_PAD = NW * RPW * EPR
N_PAD = N + 1
ROWS_PT = 632
NACC = ROWS_PT * NS
DEG_PAD = 640 * NS

_f32 = jnp.float32
_mesh = plsc.VectorSubcoreMesh(core_axis_name="c", subcore_axis_name="s")
_sc_params = pltpu.CompilerParams(needs_layout_passes=False)


def _zero_vmem_2d(ref, nrows):
  def zr(i, _):
    for cc in range(D // 16):
      ref[i, pl.ds(cc * 16, 16)] = jnp.zeros((16,), _f32)
    return 0
  lax.fori_loop(0, nrows, zr, 0)


def _zero_acc_slice(rows, acc, s):
  for j in range(4):
    pltpu.sync_copy(rows.at[pl.ds(0, EPR)],
                    acc.at[pl.ds(s * ROWS_PT + j * EPR, EPR)])
  pltpu.sync_copy(rows.at[pl.ds(0, ROWS_PT - 4 * EPR)],
                  acc.at[pl.ds(s * ROWS_PT + 4 * EPR, ROWS_PT - 4 * EPR)])


def _dump_acc_slice(acc, out_hbm, c, s):
  for j in range(4):
    pltpu.sync_copy(acc.at[pl.ds(s * ROWS_PT + j * EPR, EPR)],
                    out_hbm.at[c, pl.ds(s * ROWS_PT + j * EPR, EPR)])
  pltpu.sync_copy(acc.at[pl.ds(s * ROWS_PT + 4 * EPR, ROWS_PT - 4 * EPR)],
                  out_hbm.at[c, pl.ds(s * ROWS_PT + 4 * EPR, ROWS_PT - 4 * EPR)])


@functools.partial(
    pl.kernel,
    out_type=jax.ShapeDtypeStruct((NC, DEG_PAD), _f32),
    mesh=_mesh,
    compiler_params=_sc_params,
    scratch_types=[
        pltpu.MemorySpace.VMEM((RPW, EPR), jnp.int32),
        pltpu.MemorySpace.VMEM((640,), _f32),
        pltpu.MemorySpace.VMEM_SHARED((DEG_PAD,), _f32),
        pltpu.SemaphoreType.DMA,
    ],
)
def _deg_kernel(dst_hbm, out_hbm, didx, buf, dacc, ssem):
  c = lax.axis_index("c")
  s = lax.axis_index("s")
  w = c * NS + s

  def zb(i, _):
    buf[pl.ds(i * 16, 16)] = jnp.zeros((16,), _f32)
    return 0
  lax.fori_loop(0, 640 // 16, zb, 0)
  pltpu.sync_copy(buf, dacc.at[pl.ds(s * 640, 640)])
  pltpu.sync_copy(dst_hbm.at[pl.ds(w * RPW, RPW)], didx)

  def ob(i, _):
    buf[pl.ds(i * 16, 16)] = jnp.ones((16,), _f32)
    return 0
  lax.fori_loop(0, EPR // 16, ob, 0)
  plsc.subcore_barrier()

  def fire(g, _):
    pltpu.async_copy(buf.at[pl.ds(0, EPR)], dacc.at[didx.at[g]], ssem,
                     add=True)
    return 0
  lax.fori_loop(0, RPW, fire, 0)

  def drain(g, _):
    pltpu.make_async_copy(buf.at[pl.ds(0, EPR)], dacc.at[didx.at[0]],
                          ssem).wait()
    return 0
  lax.fori_loop(0, RPW, drain, 0)
  plsc.subcore_barrier()
  pltpu.sync_copy(dacc.at[pl.ds(s * 640, 640)], out_hbm.at[c, pl.ds(s * 640, 640)])


@functools.partial(
    pl.kernel,
    out_type=jax.ShapeDtypeStruct((NC, NACC, D), _f32),
    mesh=_mesh,
    compiler_params=_sc_params,
    scratch_types=[
        pltpu.MemorySpace.VMEM((16, EPR), jnp.int32),
        pltpu.MemorySpace.VMEM((16, EPR), jnp.int32),
        pltpu.MemorySpace.VMEM((2 * EPR, D), _f32),
        pltpu.MemorySpace.VMEM_SHARED((NACC, D), _f32),
        pltpu.SemaphoreType.DMA((2,)),
        pltpu.SemaphoreType.DMA((2,)),
    ],
)
def _segsum_kernel(xs_hbm, src_hbm, dst_hbm, out_hbm, sidx, didx, rows, acc,
                   gsem, isem):
  c = lax.axis_index("c")
  s = lax.axis_index("s")
  w = c * NS + s

  _zero_vmem_2d(rows, 2 * EPR)
  _zero_acc_slice(rows, acc, s)
  base = w * RPW
  pltpu.sync_copy(src_hbm.at[pl.ds(base, 8)], sidx.at[pl.ds(0, 8)])
  pltpu.sync_copy(dst_hbm.at[pl.ds(base, 8)], didx.at[pl.ds(0, 8)])
  plsc.subcore_barrier()
  pltpu.async_copy(xs_hbm.at[sidx.at[0]], rows.at[pl.ds(0, EPR)], gsem.at[0])

  def body(g, _):
    b = lax.rem(g, 2)
    j = lax.div(g, 8)
    k = lax.rem(g, 8)
    q = lax.rem(j, 2)
    pltpu.make_async_copy(
        xs_hbm.at[sidx.at[0]], rows.at[pl.ds(b * EPR, EPR)], gsem.at[b]
    ).wait()

    @pl.when(g + 1 < RPW)
    def _():
      g1 = g + 1
      b1 = lax.rem(g1, 2)
      k1 = lax.rem(g1, 8)
      q1 = lax.rem(lax.div(g1, 8), 2)

      @pl.when(k1 == 0)
      def _():
        pltpu.make_async_copy(
            src_hbm.at[pl.ds(base, 8)], sidx.at[pl.ds(0, 8)], isem.at[0]
        ).wait()
        pltpu.make_async_copy(
            dst_hbm.at[pl.ds(base, 8)], didx.at[pl.ds(0, 8)], isem.at[1]
        ).wait()
      pltpu.async_copy(
          xs_hbm.at[sidx.at[q1 * 8 + k1]],
          rows.at[pl.ds(b1 * EPR, EPR)],
          gsem.at[b1],
      )

    pltpu.sync_copy(rows.at[pl.ds(b * EPR, EPR)], acc.at[didx.at[q * 8 + k]],
                    add=True)

    @pl.when(jnp.logical_and(k == 0, g + 8 < RPW))
    def _():
      qn = 1 - q
      pltpu.async_copy(src_hbm.at[pl.ds(base + (j + 1) * 8, 8)],
                       sidx.at[pl.ds(qn * 8, 8)], isem.at[0])
      pltpu.async_copy(dst_hbm.at[pl.ds(base + (j + 1) * 8, 8)],
                       didx.at[pl.ds(qn * 8, 8)], isem.at[1])
    return 0
  lax.fori_loop(0, RPW, body, 0)
  plsc.subcore_barrier()
  _dump_acc_slice(acc, out_hbm, c, s)


@functools.partial(
    pl.kernel,
    out_type=jax.ShapeDtypeStruct((NC, NACC, D), _f32),
    mesh=_mesh,
    compiler_params=_sc_params,
    scratch_types=[
        pltpu.MemorySpace.VMEM((8, EPR), jnp.int32),
        pltpu.MemorySpace.VMEM((8, EPR), jnp.int32),
        pltpu.MemorySpace.VMEM((EPR, D), _f32),
        pltpu.MemorySpace.VMEM((EPR, D), _f32),
        pltpu.MemorySpace.VMEM((16, 16), _f32),
        pltpu.MemorySpace.VMEM((16,), _f32),
        pltpu.MemorySpace.VMEM_SHARED((NACC, D), _f32),
        pltpu.SemaphoreType.DMA,
        pltpu.SemaphoreType.DMA,
    ],
)
def _gated_kernel(h_hbm, hl_hbm, src_hbm, dst_hbm, out_hbm,
                  sidx, didx, arows, brows, pbuf, wbuf, acc, sem_a, sem_b):
  c = lax.axis_index("c")
  s = lax.axis_index("s")
  w = c * NS + s

  _zero_vmem_2d(arows, EPR)
  _zero_acc_slice(arows, acc, s)
  plsc.subcore_barrier()

  il = jnp.arange(16, dtype=jnp.int32)

  def outer(j, _):
    pltpu.sync_copy(src_hbm.at[pl.ds(w * RPW + j * 8, 8)], sidx)
    pltpu.sync_copy(dst_hbm.at[pl.ds(w * RPW + j * 8, 8)], didx)
    lax.fori_loop(0, 8, _chunk, 0)
    return 0

  def _chunk(k, _):
    cp_a = pltpu.async_copy(h_hbm.at[sidx.at[k]], arows, sem_a)
    cp_b = pltpu.async_copy(hl_hbm.at[didx.at[k]], brows, sem_b)
    cp_a.wait()
    cp_b.wait()

    def grp(q, _):
      base = q * 16
      for r in range(16):
        e = base + r
        p = arows[e, pl.ds(0, 16)] * brows[e, pl.ds(0, 16)]
        for cc in range(1, D // 16):
          p = p + arows[e, pl.ds(cc * 16, 16)] * brows[e, pl.ds(cc * 16, 16)]
        plsc.store_scatter(pbuf, [il, jnp.full((16,), r, jnp.int32)], p)
      sv = pbuf[0, :]
      for l in range(1, 16):
        sv = sv + pbuf[l, :]
      wbuf[...] = 1.0 / (1.0 + jnp.exp(-sv))
      for r in range(16):
        e = base + r
        wv = plsc.load_gather(wbuf, [jnp.full((16,), r, jnp.int32)])
        for cc in range(D // 16):
          arows[e, pl.ds(cc * 16, 16)] = arows[e, pl.ds(cc * 16, 16)] * wv
      return 0
    lax.fori_loop(0, EPR // 16, grp, 0)
    pltpu.sync_copy(arows, acc.at[didx.at[k]], add=True)
    return 0
  lax.fori_loop(0, RPW // 8, outer, 0)
  plsc.subcore_barrier()
  _dump_acc_slice(acc, out_hbm, c, s)



def _tc1_body(deg_ref, x_ref, inv_ref, xs_ref):
  d = deg_ref[0] + deg_ref[1]
  inv = lax.rsqrt(jnp.maximum(d, 1.0))
  invn = inv[0:N, :]
  inv_ref[...] = invn
  xs_ref[0:N, :] = x_ref[...] * invn
  xs_ref[N:N_PAD, :] = jnp.zeros((N_PAD - N, D), _f32)


_tc1 = pl.pallas_call(
    _tc1_body,
    out_shape=(jax.ShapeDtypeStruct((N, 1), _f32),
               jax.ShapeDtypeStruct((N_PAD, D), _f32)),
)


def _tc2_body(p_ref, inv_ref, w_ref, o_ref):
  t = (p_ref[0, 0:N, :] + p_ref[1, 0:N, :]) * inv_ref[...]
  h = jnp.maximum(jnp.dot(t, w_ref[...], preferred_element_type=_f32), 0.0)
  o_ref[0:N, :] = h * inv_ref[...]
  o_ref[N:N_PAD, :] = jnp.zeros((N_PAD - N, D), _f32)


_tc2 = pl.pallas_call(
    _tc2_body,
    out_shape=jax.ShapeDtypeStruct((N_PAD, D), _f32),
)


def _tc3_body(p_ref, inv_ref, w_ref, wl_ref, h_ref, hl_ref):
  t = (p_ref[0, 0:N, :] + p_ref[1, 0:N, :]) * inv_ref[...]
  h = jnp.maximum(jnp.dot(t, w_ref[...], preferred_element_type=_f32), 0.0)
  h_ref[0:N, :] = h
  h_ref[N:N_PAD, :] = jnp.zeros((N_PAD - N, D), _f32)
  hl_ref[0:N, :] = h * wl_ref[...]
  hl_ref[N:N_PAD, :] = jnp.zeros((N_PAD - N, D), _f32)


_tc3 = pl.pallas_call(
    _tc3_body,
    out_shape=(jax.ShapeDtypeStruct((N_PAD, D), _f32),
               jax.ShapeDtypeStruct((N_PAD, D), _f32)),
)


def _tc4_body(p_ref, w_ref, o_ref):
  t = p_ref[0, 0:N, :] + p_ref[1, 0:N, :]
  o_ref[...] = jnp.maximum(jnp.dot(t, w_ref[...], preferred_element_type=_f32), 0.0)


_tc4 = pl.pallas_call(
    _tc4_body,
    out_shape=jax.ShapeDtypeStruct((N, D), _f32),
)


def kernel(x, edge_index, W1, W2, Wlink, Wnode):
  pad = jnp.full((E_PAD - E,), N, jnp.int32)
  src2 = jnp.concatenate([edge_index[0], pad]).reshape(NW * RPW, EPR)
  dst2 = jnp.concatenate([edge_index[1], pad]).reshape(NW * RPW, EPR)

  deg2 = _deg_kernel(dst2)
  inv, xs = _tc1(deg2.reshape(NC, DEG_PAD, 1), x)
  p1 = _segsum_kernel(xs, src2, dst2)
  xs2 = _tc2(p1, inv, W1)
  p2 = _segsum_kernel(xs2, src2, dst2)
  h, hl = _tc3(p2, inv, W2, Wlink.reshape(1, D))
  p3 = _gated_kernel(h, hl, src2, dst2)
  return _tc4(p3, Wnode)

# --- scband reference (transcript-rebuilt; emitter-appended) ---
"""Pipeline reference for scband-full-predictor-67267777790474 (READ-ONLY COPY).

The authoritative reference and input builder live on the scoring server;
editing this copy changes nothing except your own understanding.
"""

import jax, jax.numpy as jnp
import numpy as np

N_NODES = 10000
D_FEAT = 128
N_EDGES = 320000


def setup_inputs(seed: int = 0) -> dict:
    key = jax.random.key(seed)
    k1, k2, k3, k4, k5, k6 = jax.random.split(key, 6)
    x = jax.random.normal(k1, (N_NODES, D_FEAT), dtype=jnp.float32)
    edge_index = jax.random.randint(k2, (2, N_EDGES), 0, N_NODES, dtype=jnp.int32)
    scale = 1.0 / np.sqrt(D_FEAT)
    W1 = jax.random.normal(k3, (D_FEAT, D_FEAT), dtype=jnp.float32) * scale
    W2 = jax.random.normal(k4, (D_FEAT, D_FEAT), dtype=jnp.float32) * scale
    Wlink = jax.random.normal(k5, (D_FEAT,), dtype=jnp.float32) * scale
    Wnode = jax.random.normal(k6, (D_FEAT, D_FEAT), dtype=jnp.float32) * scale
    return {"x": x, "edge_index": edge_index, "W1": W1, "W2": W2, "Wlink": Wlink, "Wnode": Wnode}


def _gcn_layer(x, src, dst, W, n):
    # symmetric-normalized GCN message passing (scatter-add aggregation)
    ones = jnp.ones((src.shape[0],), dtype=jnp.float32)
    deg = jax.ops.segment_sum(ones, dst, num_segments=n)
    deg = jnp.maximum(deg, 1.0)
    inv_sqrt = jax.lax.rsqrt(deg)
    coef = inv_sqrt[src] * inv_sqrt[dst]
    msg = x[src] * coef[:, None]           # gather
    agg = jax.ops.segment_sum(msg, dst, num_segments=n)  # scatter-add
    return jax.nn.relu(agg @ W)


def reference(x, edge_index, W1, W2, Wlink, Wnode):
    n = x.shape[0]
    src = edge_index[0]
    dst = edge_index[1]
    # link model: 2-layer GCN encoder
    h = _gcn_layer(x, src, dst, W1, n)
    h = _gcn_layer(h, src, dst, W2, n)
    # link prediction scores on candidate edges (dot-product style scorer)
    pos_scores = (h[src] * h[dst]) @ Wlink
    # edge gating via sigmoid(score) (soft version of edge_threshold masking)
    w = jax.nn.sigmoid(pos_scores)
    # node model: one weighted message-passing step on the gated topology
    msg = h[src] * w[:, None]
    agg = jax.ops.segment_sum(msg, dst, num_segments=n)
    node_pred = jax.nn.relu(agg @ Wnode)
    # _update_node_features: predictions replace the node feature slots
    return node_pred

if __name__ == "__main__":
    import jax
    _d = setup_inputs()
    print(jax.jit(kernel)(*tuple(_d.values())))

</pallas_src>

<mosaic_0001>
#map = affine_map<(d0, d1) -> (0, 0)>
module attributes {stable_mosaic.version = 14 : i64} {
  func.func @_deg_kernel(%arg0: i32, %arg1: i32, %arg2: memref<2560x128xi32, #tpu.memory_space<hbm>>, %arg3: memref<2x10240xf32, #tpu.memory_space<hbm>>, %arg4: memref<80x128xi32, #tpu.memory_space<vmem>>, %arg5: memref<640xf32, #tpu.memory_space<vmem>>, %arg6: memref<10240xf32, #tpu.memory_space<vmem_shared>>, %arg7: memref<!tpu.dma_semaphore, #tpu.memory_space<semaphore_mem>>) attributes {dimension_semantics = [#tpu.dimension_semantics<core_parallel>, #tpu.dimension_semantics<subcore_parallel>], iteration_bounds = array<i64: 2, 16>, scalar_prefetch = 0 : i64, scratch_operands = 4 : i64, tpu.core_type = #tpu.core_type<sc_vector_subcore>, window_params = [{transform_indices = #map}, {transform_indices = #map}]} {
    %mul3A = arith.constant 16 : i32
    %mul3A_0 = arith.muli %arg0, %mul3A : i32
    %add3A = arith.addi %mul3A_0, %arg1 : i32
    %scan3A = arith.constant 0 : i32
    %scan3A_1 = arith.constant 0 : i32
    %scan3A_2 = arith.constant 40 : i32
    %scan3A_3 = arith.addi %scan3A_1, %scan3A_2 : i32
    %scan3A_4 = arith.constant 1 : i32
    %scan3A_5 = scf.for %scan3A_37 = %scan3A_1 to %scan3A_3 step %scan3A_4 iter_args(%scan3A_38 = %scan3A) -> (i32)  : i32 {
      %broadcast_in_dim3A = arith.constant 0.000000e+00 : f32
      %broadcast_in_dim3A_39 = vector.broadcast %broadcast_in_dim3A : f32 to vector<16xf32>
      %mul3A_40 = arith.constant 16 : i32
      %mul3A_41 = arith.muli %scan3A_37, %mul3A_40 : i32
      %swap3A = arith.index_cast %mul3A_41 : i32 to index
      %swap3A_42 = tpu.vector_load %arg5[%swap3A] {strides = array<i32>} : memref<640xf32, #tpu.memory_space<vmem>>, vector<16xf32>,
      tpu.vector_store %arg5[%swap3A], %broadcast_in_dim3A_39 {strides = array<i32>} : memref<640xf32, #tpu.memory_space<vmem>>, vector<16xf32>,
      %scan3A_43 = arith.constant 0 : i32
      scf.yield %scan3A_43 : i32
    }
    %scan3A_6 = arith.constant 40 : i32
    %mul3A_7 = arith.constant 640 : i32
    %mul3A_8 = arith.muli %arg1, %mul3A_7 : i32
    "tpu.region"() ({
      %run_scoped3A = tpu.sem_alloc : memref<!tpu.dma_semaphore, #tpu.memory_space<semaphore_mem>>
      %dma_start3A = tpu.memref_slice %arg6[%mul3A_8] : memref<10240xf32, #tpu.memory_space<vmem_shared>> -> memref<640xf32, #tpu.memory_space<vmem_shared>>
      %dma_start3A_37 = tpu.memref_slice %arg6[%mul3A_8] : memref<10240xf32, #tpu.memory_space<vmem_shared>> -> memref<640xf32, #tpu.memory_space<vmem_shared>>
      tpu.enqueue_dma source(%arg5 : memref<640xf32, #tpu.memory_space<vmem>>) target(%dma_start3A_37 : memref<640xf32, #tpu.memory_space<vmem_shared>>) target_semaphore(%run_scoped3A : memref<!tpu.dma_semaphore, #tpu.memory_space<semaphore_mem>>)
      %dma_wait3A = tpu.memref_slice %arg6[%mul3A_8] : memref<10240xf32, #tpu.memory_space<vmem_shared>> -> memref<640xf32, #tpu.memory_space<vmem_shared>>
      %dma_wait3A_38 = tpu.memref_slice %arg6[%mul3A_8] : memref<10240xf32, #tpu.memory_space<vmem_shared>> -> memref<640xf32, #tpu.memory_space<vmem_shared>>
      tpu.wait_dma2 semaphore(%run_scoped3A : memref<!tpu.dma_semaphore, #tpu.memory_space<semaphore_mem>>) src(%arg5 : memref<640xf32, #tpu.memory_space<vmem>>) dst(%dma_wait3A_38 : memref<640xf32, #tpu.memory_space<vmem_shared>>)
      tpu.yield
    }) : () -> ()
    %mul3A_9 = arith.constant 80 : i32
    %mul3A_10 = arith.muli %add3A, %mul3A_9 : i32
    "tpu.region"() ({
      %run_scoped3A = tpu.sem_alloc : memref<!tpu.dma_semaphore, #tpu.memory_space<semaphore_mem>>
      %dma_start3A = arith.constant 0 : i32
      %dma_start3A_37 = tpu.memref_slice %arg2[%mul3A_10, %dma_start3A] : memref<2560x128xi32, #tpu.memory_space<hbm>> -> memref<80x128xi32, #tpu.memory_space<hbm>>
      %dma_start3A_38 = arith.constant 0 : i32
      %dma_start3A_39 = tpu.memref_slice %arg2[%mul3A_10, %dma_start3A_38] : memref<2560x128xi32, #tpu.memory_space<hbm>> -> memref<80x128xi32, #tpu.memory_space<hbm>>
      tpu.enqueue_dma source(%dma_start3A_39 : memref<80x128xi32, #tpu.memory_space<hbm>>) target(%arg4 : memref<80x128xi32, #tpu.memory_space<vmem>>) target_semaphore(%run_scoped3A : memref<!tpu.dma_semaphore, #tpu.memory_space<semaphore_mem>>)
      %dma_wait3A = arith.constant 0 : i32
      %dma_wait3A_40 = tpu.memref_slice %arg2[%mul3A_10, %dma_wait3A] : memref<2560x128xi32, #tpu.memory_space<hbm>> -> memref<80x128xi32, #tpu.memory_space<hbm>>
      %dma_wait3A_41 = arith.constant 0 : i32
      %dma_wait3A_42 = tpu.memref_slice %arg2[%mul3A_10, %dma_wait3A_41] : memref<2560x128xi32, #tpu.memory_space<hbm>> -> memref<80x128xi32, #tpu.memory_space<hbm>>
      tpu.wait_dma2 semaphore(%run_scoped3A : memref<!tpu.dma_semaphore, #tpu.memory_space<semaphore_mem>>) src(%dma_wait3A_42 : memref<80x128xi32, #tpu.memory_space<hbm>>) dst(%arg4 : memref<80x128xi32, #tpu.memory_space<vmem>>)
      tpu.yield
    }) : () -> ()
    %scan3A_11 = arith.constant 0 : i32
    %scan3A_12 = arith.constant 0 : i32
    %scan3A_13 = arith.constant 8 : i32
    %scan3A_14 = arith.addi %scan3A_12, %scan3A_13 : i32
    %scan3A_15 = arith.constant 1 : i32
    %scan3A_16 = scf.for %scan3A_37 = %scan3A_12 to %scan3A_14 step %scan3A_15 iter_args(%scan3A_38 = %scan3A_11) -> (i32)  : i32 {
      %broadcast_in_dim3A = arith.constant 1.000000e+00 : f32
      %broadcast_in_dim3A_39 = vector.broadcast %broadcast_in_dim3A : f32 to vector<16xf32>
      %mul3A_40 = arith.constant 16 : i32
      %mul3A_41 = arith.muli %scan3A_37, %mul3A_40 : i32
      %swap3A = arith.index_cast %mul3A_41 : i32 to index
      %swap3A_42 = tpu.vector_load %arg5[%swap3A] {strides = array<i32>} : memref<640xf32, #tpu.memory_space<vmem>>, vector<16xf32>,
      tpu.vector_store %arg5[%swap3A], %broadcast_in_dim3A_39 {strides = array<i32>} : memref<640xf32, #tpu.memory_space<vmem>>, vector<16xf32>,
      %scan3A_43 = arith.constant 0 : i32
      scf.yield %scan3A_43 : i32
    }
    %scan3A_17 = arith.constant 8 : i32
    %barrier3A = arith.constant 0 : index
    tpu.barrier barrier_id(%barrier3A)
    %scan3A_18 = arith.constant 0 : i32
    %scan3A_19 = arith.constant 0 : i32
    %scan3A_20 = arith.constant 80 : i32
    %scan3A_21 = arith.addi %scan3A_19, %scan3A_20 : i32
    %scan3A_22 = arith.constant 1 : i32
    %scan3A_23 = scf.for %scan3A_37 = %scan3A_19 to %scan3A_21 step %scan3A_22 iter_args(%scan3A_38 = %scan3A_18) -> (i32)  : i32 {
      %dma_start3A = arith.constant 0 : i32
      %dma_start3A_39 = tpu.memref_slice %arg5[%dma_start3A] : memref<640xf32, #tpu.memory_space<vmem>> -> memref<128xf32, #tpu.memory_space<vmem>>
      %dma_start3A_40 = arith.constant 0 : i32
      %dma_start3A_41 = tpu.memref_slice %arg4[%scan3A_37, %dma_start3A_40] : memref<80x128xi32, #tpu.memory_space<vmem>> -> memref<1x128xi32, #tpu.memory_space<vmem>>
      %dma_start3A_42 = tpu.memref_squeeze %dma_start3A_41 : memref<1x128xi32, #tpu.memory_space<vmem>> -> memref<128xi32, #tpu.memory_space<vmem>>
      %dma_start3A_43 = arith.constant 0 : i32
      %dma_start3A_44 = tpu.memref_slice %arg6[%dma_start3A_43] : memref<10240xf32, #tpu.memory_space<vmem_shared>> -> memref<10240xf32, #tpu.memory_space<vmem_shared>>
      tpu.enqueue_indirect_dma source(%dma_start3A_39 : memref<128xf32, #tpu.memory_space<vmem>>) target(%dma_start3A_44 : memref<10240xf32, #tpu.memory_space<vmem_shared>>) offsets(%dma_start3A_42 : memref<128xi32, #tpu.memory_space<vmem>>) semaphore(%arg7 : memref<!tpu.dma_semaphore, #tpu.memory_space<semaphore_mem>>) {add = true}
      %scan3A_45 = arith.constant 0 : i32
      scf.yield %scan3A_45 : i32
    }
    %scan3A_24 = arith.constant 80 : i32
    %scan3A_25 = arith.constant 0 : i32
    %scan3A_26 = arith.constant 0 : i32
    %scan3A_27 = arith.constant 80 : i32
    %scan3A_28 = arith.addi %scan3A_26, %scan3A_27 : i32
    %scan3A_29 = arith.constant 1 : i32
    %scan3A_30 = scf.for %scan3A_37 = %scan3A_26 to %scan3A_28 step %scan3A_29 iter_args(%scan3A_38 = %scan3A_25) -> (i32)  : i32 {
      %dma_wait3A = arith.constant 0 : i32
      %dma_wait3A_39 = arith.constant 0 : i32
      %dma_wait3A_40 = tpu.memref_slice %arg5[%dma_wait3A_39] : memref<640xf32, #tpu.memory_space<vmem>> -> memref<128xf32, #tpu.memory_space<vmem>>
      %dma_wait3A_41 = arith.constant 0 : i32
      %dma_wait3A_42 = tpu.memref_slice %arg4[%dma_wait3A, %dma_wait3A_41] : memref<80x128xi32, #tpu.memory_space<vmem>> -> memref<1x128xi32, #tpu.memory_space<vmem>>
      %dma_wait3A_43 = tpu.memref_squeeze %dma_wait3A_42 : memref<1x128xi32, #tpu.memory_space<vmem>> -> memref<128xi32, #tpu.memory_space<vmem>>
      %dma_wait3A_44 = arith.constant 0 : i32
      %dma_wait3A_45 = tpu.memref_slice %arg6[%dma_wait3A_44] : memref<10240xf32, #tpu.memory_space<vmem_shared>> -> memref<10240xf32, #tpu.memory_space<vmem_shared>>
      tpu.wait_indirect_dma semaphore(%arg7 : memref<!tpu.dma_semaphore, #tpu.memory_space<semaphore_mem>>) src(%dma_wait3A_40 : memref<128xf32, #tpu.memory_space<vmem>>) dst(%dma_wait3A_45 : memref<10240xf32, #tpu.memory_space<vmem_shared>>)
      %scan3A_46 = arith.constant 0 : i32
      scf.yield %scan3A_46 : i32
    }
    %scan3A_31 = arith.constant 80 : i32
    %barrier3A_32 = arith.constant 0 : index
    tpu.barrier barrier_id(%barrier3A_32)
    %mul3A_33 = arith.constant 640 : i32
    %mul3A_34 = arith.muli %arg1, %mul3A_33 : i32
    %mul3A_35 = arith.constant 640 : i32
    %mul3A_36 = arith.muli %arg1, %mul3A_35 : i32
    "tpu.region"() ({
      %run_scoped3A = tpu.sem_alloc : memref<!tpu.dma_semaphore, #tpu.memory_space<semaphore_mem>>
      %dma_start3A = tpu.memref_slice %arg3[%arg0, %mul3A_36] : memref<2x10240xf32, #tpu.memory_space<hbm>> -> memref<1x640xf32, #tpu.memory_space<hbm>>
      %dma_start3A_37 = tpu.memref_squeeze %dma_start3A : memref<1x640xf32, #tpu.memory_space<hbm>> -> memref<640xf32, #tpu.memory_space<hbm>>
      %dma_start3A_38 = tpu.memref_slice %arg6[%mul3A_34] : memref<10240xf32, #tpu.memory_space<vmem_shared>> -> memref<640xf32, #tpu.memory_space<vmem_shared>>
      tpu.enqueue_dma source(%dma_start3A_38 : memref<640xf32, #tpu.memory_space<vmem_shared>>) target(%dma_start3A_37 : memref<640xf32, #tpu.memory_space<hbm>>) target_semaphore(%run_scoped3A : memref<!tpu.dma_semaphore, #tpu.memory_space<semaphore_mem>>)
      %dma_wait3A = tpu.memref_slice %arg3[%arg0, %mul3A_36] : memref<2x10240xf32, #tpu.memory_space<hbm>> -> memref<1x640xf32, #tpu.memory_space<hbm>>
      %dma_wait3A_39 = tpu.memref_squeeze %dma_wait3A : memref<1x640xf32, #tpu.memory_space<hbm>> -> memref<640xf32, #tpu.memory_space<hbm>>
      %dma_wait3A_40 = tpu.memref_slice %arg6[%mul3A_34] : memref<10240xf32, #tpu.memory_space<vmem_shared>> -> memref<640xf32, #tpu.memory_space<vmem_shared>>
      tpu.wait_dma2 semaphore(%run_scoped3A : memref<!tpu.dma_semaphore, #tpu.memory_space<semaphore_mem>>) src(%dma_wait3A_40 : memref<640xf32, #tpu.memory_space<vmem_shared>>) dst(%dma_wait3A_39 : memref<640xf32, #tpu.memory_space<hbm>>)
      tpu.yield
    }) : () -> ()
    return
  }
}

#map = affine_map<(d0, d1) -> (0, 0)>
#map1 = affine_map<(d0, d1) -> (0, 0, 0)>
module attributes {stable_mosaic.version = 14 : i64} {
  func.func @_gated_kernel(%arg0: i32, %arg1: i32, %arg2: memref<10001x128xf32, #tpu.memory_space<hbm>>, %arg3: memref<10001x128xf32, #tpu.memory_space<hbm>>, %arg4: memref<2560x128xi32, #tpu.memory_space<hbm>>, %arg5: memref<2560x128xi32, #tpu.memory_space<hbm>>, %arg6: memref<2x10112x128xf32, #tpu.memory_space<hbm>>, %arg7: memref<8x128xi32, #tpu.memory_space<vmem>>, %arg8: memref<8x128xi32, #tpu.memory_space<vmem>>, %arg9: memref<128x128xf32, #tpu.memory_space<vmem>>, %arg10: memref<128x128xf32, #tpu.memory_space<vmem>>, %arg11: memref<16x16xf32, #tpu.memory_space<vmem>>, %arg12: memref<16xf32, #tpu.memory_space<vmem>>, %arg13: memref<10112x128xf32, #tpu.memory_space<vmem_shared>>, %arg14: memref<!tpu.dma_semaphore, #tpu.memory_space<semaphore_mem>>, %arg15: memref<!tpu.dma_semaphore, #tpu.memory_space<semaphore_mem>>) attributes {dimension_semantics = [#tpu.dimension_semantics<core_parallel>, #tpu.dimension_semantics<subcore_parallel>], iteration_bounds = array<i64: 2, 16>, scalar_prefetch = 0 : i64, scratch_operands = 9 : i64, tpu.core_type = #tpu.core_type<sc_vector_subcore>, window_params = [{transform_indices = #map}, {transform_indices = #map}, {transform_indices = #map}, {transform_indices = #map}, {transform_indices = #map1}]} {
    %mul3A = arith.constant 16 : i32
    %mul3A_0 = arith.muli %arg0, %mul3A : i32
    %add3A = arith.addi %mul3A_0, %arg1 : i32
    %scan3A = arith.constant 0 : i32
    %scan3A_1 = arith.constant 0 : i32
    %scan3A_2 = arith.constant 128 : i32
    %scan3A_3 = arith.addi %scan3A_1, %scan3A_2 : i32
    %scan3A_4 = arith.constant 1 : i32
    %scan3A_5 = scf.for %scan3A_75 = %scan3A_1 to %scan3A_3 step %scan3A_4 iter_args(%scan3A_76 = %scan3A) -> (i32)  : i32 {
      %broadcast_in_dim3A = arith.constant 0.000000e+00 : f32
      %broadcast_in_dim3A_77 = vector.broadcast %broadcast_in_dim3A : f32 to vector<16xf32>
      %swap3A = arith.index_cast %scan3A_75 : i32 to index
      %swap3A_78 = arith.constant 0 : index
      %swap3A_79 = tpu.vector_load %arg9[%swap3A, %swap3A_78] {strides = array<i32>} : memref<128x128xf32, #tpu.memory_space<vmem>>, vector<16xf32>,
      tpu.vector_store %arg9[%swap3A, %swap3A_78], %broadcast_in_dim3A_77 {strides = array<i32>} : memref<128x128xf32, #tpu.memory_space<vmem>>, vector<16xf32>,
      %broadcast_in_dim3A_80 = arith.constant 0.000000e+00 : f32
      %broadcast_in_dim3A_81 = vector.broadcast %broadcast_in_dim3A_80 : f32 to vector<16xf32>
      %swap3A_82 = arith.index_cast %scan3A_75 : i32 to index
      %swap3A_83 = arith.constant 16 : index
      %swap3A_84 = tpu.vector_load %arg9[%swap3A_82, %swap3A_83] {strides = array<i32>} : memref<128x128xf32, #tpu.memory_space<vmem>>, vector<16xf32>,
      tpu.vector_store %arg9[%swap3A_82, %swap3A_83], %broadcast_in_dim3A_81 {strides = array<i32>} : memref<128x128xf32, #tpu.memory_space<vmem>>, vector<16xf32>,
      %broadcast_in_dim3A_85 = arith.constant 0.000000e+00 : f32
      %broadcast_in_dim3A_86 = vector.broadcast %broadcast_in_dim3A_85 : f32 to vector<16xf32>
      %swap3A_87 = arith.index_cast %scan3A_75 : i32 to index
      %swap3A_88 = arith.constant 32 : index
      %swap3A_89 = tpu.vector_load %arg9[%swap3A_87, %swap3A_88] {strides = array<i32>} : memref<128x128xf32, #tpu.memory_space<vmem>>, vector<16xf32>,
      tpu.vector_store %arg9[%swap3A_87, %swap3A_88], %broadcast_in_dim3A_86 {strides = array<i32>} : memref<128x128xf32, #tpu.memory_space<vmem>>, vector<16xf32>,
      %broadcast_in_dim3A_90 = arith.constant 0.000000e+00 : f32
      %broadcast_in_dim3A_91 = vector.broadcast %broadcast_in_dim3A_90 : f32 to vector<16xf32>
      %swap3A_92 = arith.index_cast %scan3A_75 : i32 to index
      %swap3A_93 = arith.constant 48 : index
      %swap3A_94 = tpu.vector_load %arg9[%swap3A_92, %swap3A_93] {strides = array<i32>} : memref<128x128xf32, #tpu.memory_space<vmem>>, vector<16xf32>,
      tpu.vector_store %arg9[%swap3A_92, %swap3A_93], %broadcast_in_dim3A_91 {strides = array<i32>} : memref<128x128xf32, #tpu.memory_space<vmem>>, vector<16xf32>,
      %broadcast_in_dim3A_95 = arith.constant 0.000000e+00 : f32
      %broadcast_in_dim3A_96 = vector.broadcast %broadcast_in_dim3A_95 : f32 to vector<16xf32>
      %swap3A_97 = arith.index_cast %scan3A_75 : i32 to index
      %swap3A_98 = arith.constant 64 : index
      %swap3A_99 = tpu.vector_load %arg9[%swap3A_97, %swap3A_98] {strides = array<i32>} : memref<128x128xf32, #tpu.memory_space<vmem>>, vector<16xf32>,
      tpu.vector_store %arg9[%swap3A_97, %swap3A_98], %broadcast_in_dim3A_96 {strides = array<i32>} : memref<128x128xf32, #tpu.memory_space<vmem>>, vector<16xf32>,
      %broadcast_in_dim3A_100 = arith.constant 0.000000e+00 : f32
      %broadcast_in_dim3A_101 = vector.broadcast %broadcast_in_dim3A_100 : f32 to vector<16xf32>
      %swap3A_102 = arith.index_cast %scan3A_75 : i32 to index
      %swap3A_103 = arith.constant 80 : index
      %swap3A_104 = tpu.vector_load %arg9[%swap3A_102, %swap3A_103] {strides = array<i32>} : memref<128x128xf32, #tpu.memory_space<vmem>>, vector<16xf32>,
      tpu.vector_store %arg9[%swap3A_102, %swap3A_103], %broadcast_in_dim3A_101 {strides = array<i32>} : memref<128x128xf32, #tpu.memory_space<vmem>>, vector<16xf32>,
      %broadcast_in_dim3A_105 = arith.constant 0.000000e+00 : f32
      %broadcast_in_dim3A_106 = vector.broadcast %broadcast_in_dim3A_105 : f32 to vector<16xf32>
      %swap3A_107 = arith.index_cast %scan3A_75 : i32 to index
      %swap3A_108 = arith.constant 96 : index
      %swap3A_109 = tpu.vector_load %arg9[%swap3A_107, %swap3A_108] {strides = array<i32>} : memref<128x128xf32, #tpu.memory_space<vmem>>, vector<16xf32>,
      tpu.vector_store %arg9[%swap3A_107, %swap3A_108], %broadcast_in_dim3A_106 {strides = array<i32>} : memref<128x128xf32, #tpu.memory_space<vmem>>, vector<16xf32>,
      %broadcast_in_dim3A_110 = arith.constant 0.000000e+00 : f32
      %broadcast_in_dim3A_111 = vector.broadcast %broadcast_in_dim3A_110 : f32 to vector<16xf32>
      %swap3A_112 = arith.index_cast %scan3A_75 : i32 to index
      %swap3A_113 = arith.constant 112 : index
      %swap3A_114 = tpu.vector_load %arg9[%swap3A_112, %swap3A_113] {strides = array<i32>} : memref<128x128xf32, #tpu.memory_space<vmem>>, vector<16xf32>,
      tpu.vector_store %arg9[%swap3A_112, %swap3A_113], %broadcast_in_dim3A_111 {strides = array<i32>} : memref<128x128xf32, #tpu.memory_space<vmem>>, vector<16xf32>,
      %scan3A_115 = arith.constant 0 : i32
      scf.yield %scan3A_115 : i32
    }
    %scan3A_6 = arith.constant 128 : i32
    %mul3A_7 = arith.constant 632 : i32
    %mul3A_8 = arith.muli %arg1, %mul3A_7 : i32
    %add3A_9 = arith.constant 0 : i32
    %add3A_10 = arith.addi %mul3A_8, %add3A_9 : i32
    "tpu.region"() ({
      %run_scoped3A = tpu.sem_alloc : memref<!tpu.dma_semaphore, #tpu.memory_space<semaphore_mem>>
      %dma_start3A = arith.constant 0 : i32
      %dma_start3A_75 = arith.constant 0 : i32
      %dma_start3A_76 = tpu.memref_slice %arg9[%dma_start3A, %dma_start3A_75] : memref<128x128xf32, #tpu.memory_space<vmem>> -> memref<128x128xf32, #tpu.memory_space<vmem>>
      %dma_start3A_77 = arith.constant 0 : i32
      %dma_start3A_78 = tpu.memref_slice %arg13[%add3A_10, %dma_start3A_77] : memref<10112x128xf32, #tpu.memory_space<vmem_shared>> -> memref<128x128xf32, #tpu.memory_space<vmem_shared>>
      %dma_start3A_79 = arith.constant 0 : i32
      %dma_start3A_80 = tpu.memref_slice %arg13[%add3A_10, %dma_start3A_79] : memref<10112x128xf32, #tpu.memory_space<vmem_shared>> -> memref<128x128xf32, #tpu.memory_space<vmem_shared>>
      %dma_start3A_81 = arith.constant 0 : i32
      %dma_start3A_82 = arith.constant 0 : i32
      %dma_start3A_83 = tpu.memref_slice %arg9[%dma_start3A_81, %dma_start3A_82] : memref<128x128xf32, #tpu.memory_space<vmem>> -> memref<128x128xf32, #tpu.memory_space<vmem>>
      tpu.enqueue_dma source(%dma_start3A_83 : memref<128x128xf32, #tpu.memory_space<vmem>>) target(%dma_start3A_80 : memref<128x128xf32, #tpu.memory_space<vmem_shared>>) target_semaphore(%run_scoped3A : memref<!tpu.dma_semaphore, #tpu.memory_space<semaphore_mem>>)
      %dma_wait3A = arith.constant 0 : i32
      %dma_wait3A_84 = arith.constant 0 : i32
      %dma_wait3A_85 = tpu.memref_slice %arg9[%dma_wait3A, %dma_wait3A_84] : memref<128x128xf32, #tpu.memory_space<vmem>> -> memref<128x128xf32, #tpu.memory_space<vmem>>
      %dma_wait3A_86 = arith.constant 0 : i32
      %dma_wait3A_87 = tpu.memref_slice %arg13[%add3A_10, %dma_wait3A_86] : memref<10112x128xf32, #tpu.memory_space<vmem_shared>> -> memref<128x128xf32, #tpu.memory_space<vmem_shared>>
      %dma_wait3A_88 = arith.constant 0 : i32
      %dma_wait3A_89 = tpu.memref_slice %arg13[%add3A_10, %dma_wait3A_88] : memref<10112x128xf32, #tpu.memory_space<vmem_shared>> -> memref<128x128xf32, #tpu.memory_space<vmem_shared>>
      %dma_wait3A_90 = arith.constant 0 : i32
      %dma_wait3A_91 = arith.constant 0 : i32
      %dma_wait3A_92 = tpu.memref_slice %arg9[%dma_wait3A_90, %dma_wait3A_91] : memref<128x128xf32, #tpu.memory_space<vmem>> -> memref<128x128xf32, #tpu.memory_space<vmem>>
      tpu.wait_dma2 semaphore(%run_scoped3A : memref<!tpu.dma_semaphore, #tpu.memory_space<semaphore_mem>>) src(%dma_wait3A_92 : memref<128x128xf32, #tpu.memory_space<vmem>>) dst(%dma_wait3A_89 : memref<128x128xf32, #tpu.memory_space<vmem_shared>>)
      tpu.yield
    }) : () -> ()
    %mul3A_11 = arith.constant 632 : i32
    %mul3A_12 = arith.muli %arg1, %mul3A_11 : i32
    %add3A_13 = arith.constant 128 : i32
    %add3A_14 = arith.addi %mul3A_12, %add3A_13 : i32
    "tpu.region"() ({
      %run_scoped3A = tpu.sem_alloc : memref<!tpu.dma_semaphore, #tpu.memory_space<semaphore_mem>>
      %dma_start3A = arith.constant 0 : i32
      %dma_start3A_75 = arith.constant 0 : i32
      %dma_start3A_76 = tpu.memref_slice %arg9[%dma_start3A, %dma_start3A_75] : memref<128x128xf32, #tpu.memory_space<vmem>> -> memref<128x128xf32, #tpu.memory_space<vmem>>
      %dma_start3A_77 = arith.constant 0 : i32
      %dma_start3A_78 = tpu.memref_slice %arg13[%add3A_14, %dma_start3A_77] : memref<10112x128xf32, #tpu.memory_space<vmem_shared>> -> memref<128x128xf32, #tpu.memory_space<vmem_shared>>
      %dma_start3A_79 = arith.constant 0 : i32
      %dma_start3A_80 = tpu.memref_slice %arg13[%add3A_14, %dma_start3A_79] : memref<10112x128xf32, #tpu.memory_space<vmem_shared>> -> memref<128x128xf32, #tpu.memory_space<vmem_shared>>
      %dma_start3A_81 = arith.constant 0 : i32
      %dma_start3A_82 = arith.constant 0 : i32
      %dma_start3A_83 = tpu.memref_slice %arg9[%dma_start3A_81, %dma_start3A_82] : memref<128x128xf32, #tpu.memory_space<vmem>> -> memref<128x128xf32, #tpu.memory_space<vmem>>
      tpu.enqueue_dma source(%dma_start3A_83 : memref<128x128xf32, #tpu.memory_space<vmem>>) target(%dma_start3A_80 : memref<128x128xf32, #tpu.memory_space<vmem_shared>>) target_semaphore(%run_scoped3A : memref<!tpu.dma_semaphore, #tpu.memory_space<semaphore_mem>>)
      %dma_wait3A = arith.constant 0 : i32
      %dma_wait3A_84 = arith.constant 0 : i32
      %dma_wait3A_85 = tpu.memref_slice %arg9[%dma_wait3A, %dma_wait3A_84] : memref<128x128xf32, #tpu.memory_space<vmem>> -> memref<128x128xf32, #tpu.memory_space<vmem>>
      %dma_wait3A_86 = arith.constant 0 : i32
      %dma_wait3A_87 = tpu.memref_slice %arg13[%add3A_14, %dma_wait3A_86] : memref<10112x128xf32, #tpu.memory_space<vmem_shared>> -> memref<128x128xf32, #tpu.memory_space<vmem_shared>>
      %dma_wait3A_88 = arith.constant 0 : i32
      %dma_wait3A_89 = tpu.memref_slice %arg13[%add3A_14, %dma_wait3A_88] : memref<10112x128xf32, #tpu.memory_space<vmem_shared>> -> memref<128x128xf32, #tpu.memory_space<vmem_shared>>
      %dma_wait3A_90 = arith.constant 0 : i32
      %dma_wait3A_91 = arith.constant 0 : i32
      %dma_wait3A_92 = tpu.memref_slice %arg9[%dma_wait3A_90, %dma_wait3A_91] : memref<128x128xf32, #tpu.memory_space<vmem>> -> memref<128x128xf32, #tpu.memory_space<vmem>>
      tpu.wait_dma2 semaphore(%run_scoped3A : memref<!tpu.dma_semaphore, #tpu.memory_space<semaphore_mem>>) src(%dma_wait3A_92 : memref<128x128xf32, #tpu.memory_space<vmem>>) dst(%dma_wait3A_89 : memref<128x128xf32, #tpu.memory_space<vmem_shared>>)
      tpu.yield
    }) : () -> ()
    %mul3A_15 = arith.constant 632 : i32
    %mul3A_16 = arith.muli %arg1, %mul3A_15 : i32
    %add3A_17 = arith.constant 256 : i32
    %add3A_18 = arith.addi %mul3A_16, %add3A_17 : i32
    "tpu.region"() ({
      %run_scoped3A = tpu.sem_alloc : memref<!tpu.dma_semaphore, #tpu.memory_space<semaphore_mem>>
      %dma_start3A = arith.constant 0 : i32
      %dma_start3A_75 = arith.constant 0 : i32
      %dma_start3A_76 = tpu.memref_slice %arg9[%dma_start3A, %dma_start3A_75] : memref<128x128xf32, #tpu.memory_space<vmem>> -> memref<128x128xf32, #tpu.memory_space<vmem>>
      %dma_start3A_77 = arith.constant 0 : i32
      %dma_start3A_78 = tpu.memref_slice %arg13[%add3A_18, %dma_start3A_77] : memref<10112x128xf32, #tpu.memory_space<vmem_shared>> -> memref<128x128xf32, #tpu.memory_space<vmem_shared>>
      %dma_start3A_79 = arith.constant 0 : i32
      %dma_start3A_80 = tpu.memref_slice %arg13[%add3A_18, %dma_start3A_79] : memref<10112x128xf32, #tpu.memory_space<vmem_shared>> -> memref<128x128xf32, #tpu.memory_space<vmem_shared>>
      %dma_start3A_81 = arith.constant 0 : i32
      %dma_start3A_82 = arith.constant 0 : i32
      %dma_start3A_83 = tpu.memref_slice %arg9[%dma_start3A_81, %dma_start3A_82] : memref<128x128xf32, #tpu.memory_space<vmem>> -> memref<128x128xf32, #tpu.memory_space<vmem>>
      tpu.enqueue_dma source(%dma_start3A_83 : memref<128x128xf32, #tpu.memory_space<vmem>>) target(%dma_start3A_80 : memref<128x128xf32, #tpu.memory_space<vmem_shared>>) target_semaphore(%run_scoped3A : memref<!tpu.dma_semaphore, #tpu.memory_space<semaphore_mem>>)
      %dma_wait3A = arith.constant 0 : i32
      %dma_wait3A_84 = arith.constant 0 : i32
      %dma_wait3A_85 = tpu.memref_slice %arg9[%dma_wait3A, %dma_wait3A_84] : memref<128x128xf32, #tpu.memory_space<vmem>> -> memref<128x128xf32, #tpu.memory_space<vmem>>
      %dma_wait3A_86 = arith.constant 0 : i32
      %dma_wait3A_87 = tpu.memref_slice %arg13[%add3A_18, %dma_wait3A_86] : memref<10112x128xf32, #tpu.memory_space<vmem_shared>> -> memref<128x128xf32, #tpu.memory_space<vmem_shared>>
      %dma_wait3A_88 = arith.constant 0 : i32
      %dma_wait3A_89 = tpu.memref_slice %arg13[%add3A_18, %dma_wait3A_88] : memref<10112x128xf32, #tpu.memory_space<vmem_shared>> -> memref<128x128xf32, #tpu.memory_space<vmem_shared>>
      %dma_wait3A_90 = arith.constant 0 : i32
      %dma_wait3A_91 = arith.constant 0 : i32
      %dma_wait3A_92 = tpu.memref_slice %arg9[%dma_wait3A_90, %dma_wait3A_91] : memref<128x128xf32, #tpu.memory_space<vmem>> -> memref<128x128xf32, #tpu.memory_space<vmem>>
      tpu.wait_dma2 semaphore(%run_scoped3A : memref<!tpu.dma_semaphore, #tpu.memory_space<semaphore_mem>>) src(%dma_wait3A_92 : memref<128x128xf32, #tpu.memory_space<vmem>>) dst(%dma_wait3A_89 : memref<128x128xf32, #tpu.memory_space<vmem_shared>>)
      tpu.yield
    }) : () -> ()
    %mul3A_19 = arith.constant 632 : i32
    %mul3A_20 = arith.muli %arg1, %mul3A_19 : i32
    %add3A_21 = arith.constant 384 : i32
    %add3A_22 = arith.addi %mul3A_20, %add3A_21 : i32
    "tpu.region"() ({
      %run_scoped3A = tpu.sem_alloc : memref<!tpu.dma_semaphore, #tpu.memory_space<semaphore_mem>>
      %dma_start3A = arith.constant 0 : i32
      %dma_start3A_75 = arith.constant 0 : i32
      %dma_start3A_76 = tpu.memref_slice %arg9[%dma_start3A, %dma_start3A_75] : memref<128x128xf32, #tpu.memory_space<vmem>> -> memref<128x128xf32, #tpu.memory_space<vmem>>
      %dma_start3A_77 = arith.constant 0 : i32
      %dma_start3A_78 = tpu.memref_slice %arg13[%add3A_22, %dma_start3A_77] : memref<10112x128xf32, #tpu.memory_space<vmem_shared>> -> memref<128x128xf32, #tpu.memory_space<vmem_shared>>
      %dma_start3A_79 = arith.constant 0 : i32
      %dma_start3A_80 = tpu.memref_slice %arg13[%add3A_22, %dma_start3A_79] : memref<10112x128xf32, #tpu.memory_space<vmem_shared>> -> memref<128x128xf32, #tpu.memory_space<vmem_shared>>
      %dma_start3A_81 = arith.constant 0 : i32
      %dma_start3A_82 = arith.constant 0 : i32
      %dma_start3A_83 = tpu.memref_slice %arg9[%dma_start3A_81, %dma_start3A_82] : memref<128x128xf32, #tpu.memory_space<vmem>> -> memref<128x128xf32, #tpu.memory_space<vmem>>
      tpu.enqueue_dma source(%dma_start3A_83 : memref<128x128xf32, #tpu.memory_space<vmem>>) target(%dma_start3A_80 : memref<128x128xf32, #tpu.memory_space<vmem_shared>>) target_semaphore(%run_scoped3A : memref<!tpu.dma_semaphore, #tpu.memory_space<semaphore_mem>>)
      %dma_wait3A = arith.constant 0 : i32
      %dma_wait3A_84 = arith.constant 0 : i32
      %dma_wait3A_85 = tpu.memref_slice %arg9[%dma_wait3A, %dma_wait3A_84] : memref<128x128xf32, #tpu.memory_space<vmem>> -> memref<128x128xf32, #tpu.memory_space<vmem>>
      %dma_wait3A_86 = arith.constant 0 : i32
      %dma_wait3A_87 = tpu.memref_slice %arg13[%add3A_22, %dma_wait3A_86] : memref<10112x128xf32, #tpu.memory_space<vmem_shared>> -> memref<128x128xf32, #tpu.memory_space<vmem_shared>>
      %dma_wait3A_88 = arith.constant 0 : i32
      %dma_wait3A_89 = tpu.memref_slice %arg13[%add3A_22, %dma_wait3A_88] : memref<10112x128xf32, #tpu.memory_space<vmem_shared>> -> memref<128x128xf32, #tpu.memory_space<vmem_shared>>
      %dma_wait3A_90 = arith.constant 0 : i32
      %dma_wait3A_91 = arith.constant 0 : i32
      %dma_wait3A_92 = tpu.memref_slice %arg9[%dma_wait3A_90, %dma_wait3A_91] : memref<128x128xf32, #tpu.memory_space<vmem>> -> memref<128x128xf32, #tpu.memory_space<vmem>>
      tpu.wait_dma2 semaphore(%run_scoped3A : memref<!tpu.dma_semaphore, #tpu.memory_space<semaphore_mem>>) src(%dma_wait3A_92 : memref<128x128xf32, #tpu.memory_space<vmem>>) dst(%dma_wait3A_89 : memref<128x128xf32, #tpu.memory_space<vmem_shared>>)
      tpu.yield
    }) : () -> ()
    %mul3A_23 = arith.constant 632 : i32
    %mul3A_24 = arith.muli %arg1, %mul3A_23 : i32
    %add3A_25 = arith.constant 512 : i32
    %add3A_26 = arith.addi %mul3A_24, %add3A_25 : i32
    "tpu.region"() ({
      %run_scoped3A = tpu.sem_alloc : memref<!tpu.dma_semaphore, #tpu.memory_space<semaphore_mem>>
      %dma_start3A = arith.constant 0 : i32
      %dma_start3A_75 = arith.constant 0 : i32
      %dma_start3A_76 = tpu.memref_slice %arg9[%dma_start3A, %dma_start3A_75] : memref<128x128xf32, #tpu.memory_space<vmem>> -> memref<120x128xf32, #tpu.memory_space<vmem>>
      %dma_start3A_77 = arith.constant 0 : i32
      %dma_start3A_78 = tpu.memref_slice %arg13[%add3A_26, %dma_start3A_77] : memref<10112x128xf32, #tpu.memory_space<vmem_shared>> -> memref<120x128xf32, #tpu.memory_space<vmem_shared>>
      %dma_start3A_79 = arith.constant 0 : i32
      %dma_start3A_80 = tpu.memref_slice %arg13[%add3A_26, %dma_start3A_79] : memref<10112x128xf32, #tpu.memory_space<vmem_shared>> -> memref<120x128xf32, #tpu.memory_space<vmem_shared>>
      %dma_start3A_81 = arith.constant 0 : i32
      %dma_start3A_82 = arith.constant 0 : i32
      %dma_start3A_83 = tpu.memref_slice %arg9[%dma_start3A_81, %dma_start3A_82] : memref<128x128xf32, #tpu.memory_space<vmem>> -> memref<120x128xf32, #tpu.memory_space<vmem>>
      tpu.enqueue_dma source(%dma_start3A_83 : memref<120x128xf32, #tpu.memory_space<vmem>>) target(%dma_start3A_80 : memref<120x128xf32, #tpu.memory_space<vmem_shared>>) target_semaphore(%run_scoped3A : memref<!tpu.dma_semaphore, #tpu.memory_space<semaphore_mem>>)
      %dma_wait3A = arith.constant 0 : i32
      %dma_wait3A_84 = arith.constant 0 : i32
      %dma_wait3A_85 = tpu.memref_slice %arg9[%dma_wait3A, %dma_wait3A_84] : memref<128x128xf32, #tpu.memory_space<vmem>> -> memref<120x128xf32, #tpu.memory_space<vmem>>
      %dma_wait3A_86 = arith.constant 0 : i32
      %dma_wait3A_87 = tpu.memref_slice %arg13[%add3A_26, %dma_wait3A_86] : memref<10112x128xf32, #tpu.memory_space<vmem_shared>> -> memref<120x128xf32, #tpu.memory_space<vmem_shared>>
      %dma_wait3A_88 = arith.constant 0 : i32
      %dma_wait3A_89 = tpu.memref_slice %arg13[%add3A_26, %dma_wait3A_88] : memref<10112x128xf32, #tpu.memory_space<vmem_shared>> -> memref<120x128xf32, #tpu.memory_space<vmem_shared>>
      %dma_wait3A_90 = arith.constant 0 : i32
      %dma_wait3A_91 = arith.constant 0 : i32
      %dma_wait3A_92 = tpu.memref_slice %arg9[%dma_wait3A_90, %dma_wait3A_91] : memref<128x128xf32, #tpu.memory_space<vmem>> -> memref<120x128xf32, #tpu.memory_space<vmem>>
      tpu.wait_dma2 semaphore(%run_scoped3A : memref<!tpu.dma_semaphore, #tpu.memory_space<semaphore_mem>>) src(%dma_wait3A_92 : memref<120x128xf32, #tpu.memory_space<vmem>>) dst(%dma_wait3A_89 : memref<120x128xf32, #tpu.memory_space<vmem_shared>>)
      tpu.yield
    }) : () -> ()
    %barrier3A = arith.constant 0 : index
    tpu.barrier barrier_id(%barrier3A)
    %iota3A = tpu.iota {dimensions = array<i32: 0>} : vector<16xi32>
    %scan3A_27 = arith.constant 0 : i32
    %scan3A_28 = arith.constant 0 : i32
    %scan3A_29 = arith.constant 10 : i32
    %scan3A_30 = arith.addi %scan3A_28, %scan3A_29 : i32
    %scan3A_31 = arith.constant 1 : i32
    %scan3A_32 = scf.for %scan3A_75 = %scan3A_28 to %scan3A_30 step %scan3A_31 iter_args(%scan3A_76 = %scan3A_27) -> (i32)  : i32 {
      %mul3A_77 = arith.constant 80 : i32
      %mul3A_78 = arith.muli %add3A, %mul3A_77 : i32
      %mul3A_79 = arith.constant 8 : i32
      %mul3A_80 = arith.muli %scan3A_75, %mul3A_79 : i32
      %add3A_81 = arith.addi %mul3A_78, %mul3A_80 : i32
      "tpu.region"() ({
        %run_scoped3A = tpu.sem_alloc : memref<!tpu.dma_semaphore, #tpu.memory_space<semaphore_mem>>
        %dma_start3A = arith.constant 0 : i32
        %dma_start3A_95 = tpu.memref_slice %arg4[%add3A_81, %dma_start3A] : memref<2560x128xi32, #tpu.memory_space<hbm>> -> memref<8x128xi32, #tpu.memory_space<hbm>>
        %dma_start3A_96 = arith.constant 0 : i32
        %dma_start3A_97 = tpu.memref_slice %arg4[%add3A_81, %dma_start3A_96] : memref<2560x128xi32, #tpu.memory_space<hbm>> -> memref<8x128xi32, #tpu.memory_space<hbm>>
        tpu.enqueue_dma source(%dma_start3A_97 : memref<8x128xi32, #tpu.memory_space<hbm>>) target(%arg7 : memref<8x128xi32, #tpu.memory_space<vmem>>) target_semaphore(%run_scoped3A : memref<!tpu.dma_semaphore, #tpu.memory_space<semaphore_mem>>)
        %dma_wait3A = arith.constant 0 : i32
        %dma_wait3A_98 = tpu.memref_slice %arg4[%add3A_81, %dma_wait3A] : memref<2560x128xi32, #tpu.memory_space<hbm>> -> memref<8x128xi32, #tpu.memory_space<hbm>>
        %dma_wait3A_99 = arith.constant 0 : i32
        %dma_wait3A_100 = tpu.memref_slice %arg4[%add3A_81, %dma_wait3A_99] : memref<2560x128xi32, #tpu.memory_space<hbm>> -> memref<8x128xi32, #tpu.memory_space<hbm>>
        tpu.wait_dma2 semaphore(%run_scoped3A : memref<!tpu.dma_semaphore, #tpu.memory_space<semaphore_mem>>) src(%dma_wait3A_100 : memref<8x128xi32, #tpu.memory_space<hbm>>) dst(%arg7 : memref<8x128xi32, #tpu.memory_space<vmem>>)
        tpu.yield
      }) : () -> ()
      %mul3A_82 = arith.constant 80 : i32
      %mul3A_83 = arith.muli %add3A, %mul3A_82 : i32
      %mul3A_84 = arith.constant 8 : i32
      %mul3A_85 = arith.muli %scan3A_75, %mul3A_84 : i32
      %add3A_86 = arith.addi %mul3A_83, %mul3A_85 : i32
      "tpu.region"() ({
        %run_scoped3A = tpu.sem_alloc : memref<!tpu.dma_semaphore, #tpu.memory_space<semaphore_mem>>
        %dma_start3A = arith.constant 0 : i32
        %dma_start3A_95 = tpu.memref_slice %arg5[%add3A_86, %dma_start3A] : memref<2560x128xi32, #tpu.memory_space<hbm>> -> memref<8x128xi32, #tpu.memory_space<hbm>>
        %dma_start3A_96 = arith.constant 0 : i32
        %dma_start3A_97 = tpu.memref_slice %arg5[%add3A_86, %dma_start3A_96] : memref<2560x128xi32, #tpu.memory_space<hbm>> -> memref<8x128xi32, #tpu.memory_space<hbm>>
        tpu.enqueue_dma source(%dma_start3A_97 : memref<8x128xi32, #tpu.memory_space<hbm>>) target(%arg8 : memref<8x128xi32, #tpu.memory_space<vmem>>) target_semaphore(%run_scoped3A : memref<!tpu.dma_semaphore, #tpu.memory_space<semaphore_mem>>)
        %dma_wait3A = arith.constant 0 : i32
        %dma_wait3A_98 = tpu.memref_slice %arg5[%add3A_86, %dma_wait3A] : memref<2560x128xi32, #tpu.memory_space<hbm>> -> memref<8x128xi32, #tpu.memory_space<hbm>>
        %dma_wait3A_99 = arith.constant 0 : i32
        %dma_wait3A_100 = tpu.memref_slice %arg5[%add3A_86, %dma_wait3A_99] : memref<2560x128xi32, #tpu.memory_space<hbm>> -> memref<8x128xi32, #tpu.memory_space<hbm>>
        tpu.wait_dma2 semaphore(%run_scoped3A : memref<!tpu.dma_semaphore, #tpu.memory_space<semaphore_mem>>) src(%dma_wait3A_100 : memref<8x128xi32, #tpu.memory_space<hbm>>) dst(%arg8 : memref<8x128xi32, #tpu.memory_space<vmem>>)
        tpu.yield
      }) : () -> ()
      %scan3A_87 = arith.constant 0 : i32
      %scan3A_88 = arith.constant 0 : i32
      %scan3A_89 = arith.constant 8 : i32
      %scan3A_90 = arith.addi %scan3A_88, %scan3A_89 : i32
      %scan3A_91 = arith.constant 1 : i32
      %scan3A_92 = scf.for %scan3A_95 = %scan3A_88 to %scan3A_90 step %scan3A_91 iter_args(%scan3A_96 = %scan3A_87) -> (i32)  : i32 {
        %dma_start3A = arith.constant 0 : i32
        %dma_start3A_97 = tpu.memref_slice %arg7[%scan3A_95, %dma_start3A] : memref<8x128xi32, #tpu.memory_space<vmem>> -> memref<1x128xi32, #tpu.memory_space<vmem>>
        %dma_start3A_98 = tpu.memref_squeeze %dma_start3A_97 : memref<1x128xi32, #tpu.memory_space<vmem>> -> memref<128xi32, #tpu.memory_space<vmem>>
        %dma_start3A_99 = arith.constant 0 : i32
        %dma_start3A_100 = arith.constant 0 : i32
        %dma_start3A_101 = tpu.memref_slice %arg2[%dma_start3A_99, %dma_start3A_100] : memref<10001x128xf32, #tpu.memory_space<hbm>> -> memref<10001x128xf32, #tpu.memory_space<hbm>>
        tpu.enqueue_indirect_dma source(%dma_start3A_101 : memref<10001x128xf32, #tpu.memory_space<hbm>>) target(%arg9 : memref<128x128xf32, #tpu.memory_space<vmem>>) offsets(%dma_start3A_98 : memref<128xi32, #tpu.memory_space<vmem>>) semaphore(%arg14 : memref<!tpu.dma_semaphore, #tpu.memory_space<semaphore_mem>>)
        %dma_start3A_102 = arith.constant 0 : i32
        %dma_start3A_103 = tpu.memref_slice %arg8[%scan3A_95, %dma_start3A_102] : memref<8x128xi32, #tpu.memory_space<vmem>> -> memref<1x128xi32, #tpu.memory_space<vmem>>
        %dma_start3A_104 = tpu.memref_squeeze %dma_start3A_103 : memref<1x128xi32, #tpu.memory_space<vmem>> -> memref<128xi32, #tpu.memory_space<vmem>>
        %dma_start3A_105 = arith.constant 0 : i32
        %dma_start3A_106 = arith.constant 0 : i32
        %dma_start3A_107 = tpu.memref_slice %arg3[%dma_start3A_105, %dma_start3A_106] : memref<10001x128xf32, #tpu.memory_space<hbm>> -> memref<10001x128xf32, #tpu.memory_space<hbm>>
        tpu.enqueue_indirect_dma source(%dma_start3A_107 : memref<10001x128xf32, #tpu.memory_space<hbm>>) target(%arg10 : memref<128x128xf32, #tpu.memory_space<vmem>>) offsets(%dma_start3A_104 : memref<128xi32, #tpu.memory_space<vmem>>) semaphore(%arg15 : memref<!tpu.dma_semaphore, #tpu.memory_space<semaphore_mem>>)
        %dma_wait3A = arith.constant 0 : i32
        %dma_wait3A_108 = tpu.memref_slice %arg7[%scan3A_95, %dma_wait3A] : memref<8x128xi32, #tpu.memory_space<vmem>> -> memref<1x128xi32, #tpu.memory_space<vmem>>
        %dma_wait3A_109 = tpu.memref_squeeze %dma_wait3A_108 : memref<1x128xi32, #tpu.memory_space<vmem>> -> memref<128xi32, #tpu.memory_space<vmem>>
        %dma_wait3A_110 = arith.constant 0 : i32
        %dma_wait3A_111 = arith.constant 0 : i32
        %dma_wait3A_112 = tpu.memref_slice %arg2[%dma_wait3A_110, %dma_wait3A_111] : memref<10001x128xf32, #tpu.memory_space<hbm>> -> memref<10001x128xf32, #tpu.memory_space<hbm>>
        tpu.wait_indirect_dma semaphore(%arg14 : memref<!tpu.dma_semaphore, #tpu.memory_space<semaphore_mem>>) src(%dma_wait3A_112 : memref<10001x128xf32, #tpu.memory_space<hbm>>) dst(%arg9 : memref<128x128xf32, #tpu.memory_space<vmem>>)
        %dma_wait3A_113 = arith.constant 0 : i32
        %dma_wait3A_114 = tpu.memref_slice %arg8[%scan3A_95, %dma_wait3A_113] : memref<8x128xi32, #tpu.memory_space<vmem>> -> memref<1x128xi32, #tpu.memory_space<vmem>>
        %dma_wait3A_115 = tpu.memref_squeeze %dma_wait3A_114 : memref<1x128xi32, #tpu.memory_space<vmem>> -> memref<128xi32, #tpu.memory_space<vmem>>
        %dma_wait3A_116 = arith.constant 0 : i32
        %dma_wait3A_117 = arith.constant 0 : i32
        %dma_wait3A_118 = tpu.memref_slice %arg3[%dma_wait3A_116, %dma_wait3A_117] : memref<10001x128xf32, #tpu.memory_space<hbm>> -> memref<10001x128xf32, #tpu.memory_space<hbm>>
        tpu.wait_indirect_dma semaphore(%arg15 : memref<!tpu.dma_semaphore, #tpu.memory_space<semaphore_mem>>) src(%dma_wait3A_118 : memref<10001x128xf32, #tpu.memory_space<hbm>>) dst(%arg10 : memref<128x128xf32, #tpu.memory_space<vmem>>)
        %scan3A_119 = arith.constant 0 : i32
        %scan3A_120 = arith.constant 0 : i32
        %scan3A_121 = arith.constant 8 : i32
        %scan3A_122 = arith.addi %scan3A_120, %scan3A_121 : i32
        %scan3A_123 = arith.constant 1 : i32
        %scan3A_124 = scf.for %scan3A_127 = %scan3A_120 to %scan3A_122 step %scan3A_123 iter_args(%scan3A_128 = %scan3A_119) -> (i32)  : i32 {
          %mul3A_129 = arith.constant 16 : i32
          %mul3A_130 = arith.muli %scan3A_127, %mul3A_129 : i32
          %add3A_131 = arith.constant 0 : i32
          %add3A_132 = arith.addi %mul3A_130, %add3A_131 : i32
          %get3A = arith.index_cast %add3A_132 : i32 to index
          %get3A_133 = arith.constant 0 : index
          %get3A_134 = tpu.vector_load %arg9[%get3A, %get3A_133] {strides = array<i32>} : memref<128x128xf32, #tpu.memory_space<vmem>>, vector<16xf32>,
          %get3A_135 = arith.index_cast %add3A_132 : i32 to index
          %get3A_136 = arith.constant 0 : index
          %get3A_137 = tpu.vector_load %arg10[%get3A_135, %get3A_136] {strides = array<i32>} : memref<128x128xf32, #tpu.memory_space<vmem>>, vector<16xf32>,
          %mul3A_138 = arith.mulf %get3A_134, %get3A_137 : vector<16xf32>
          %get3A_139 = arith.index_cast %add3A_132 : i32 to index
          %get3A_140 = arith.constant 16 : index
          %get3A_141 = tpu.vector_load %arg9[%get3A_139, %get3A_140] {strides = array<i32>} : memref<128x128xf32, #tpu.memory_space<vmem>>, vector<16xf32>,
          %get3A_142 = arith.index_cast %add3A_132 : i32 to index
          %get3A_143 = arith.constant 16 : index
          %get3A_144 = tpu.vector_load %arg10[%get3A_142, %get3A_143] {strides = array<i32>} : memref<128x128xf32, #tpu.memory_space<vmem>>, vector<16xf32>,
          %mul3A_145 = arith.mulf %get3A_141, %get3A_144 : vector<16xf32>
          %add3A_146 = arith.addf %mul3A_138, %mul3A_145 : vector<16xf32>
          %get3A_147 = arith.index_cast %add3A_132 : i32 to index
          %get3A_148 = arith.constant 32 : index
          %get3A_149 = tpu.vector_load %arg9[%get3A_147, %get3A_148] {strides = array<i32>} : memref<128x128xf32, #tpu.memory_space<vmem>>, vector<16xf32>,
          %get3A_150 = arith.index_cast %add3A_132 : i32 to index
          %get3A_151 = arith.constant 32 : index
          %get3A_152 = tpu.vector_load %arg10[%get3A_150, %get3A_151] {strides = array<i32>} : memref<128x128xf32, #tpu.memory_space<vmem>>, vector<16xf32>,
          %mul3A_153 = arith.mulf %get3A_149, %get3A_152 : vector<16xf32>
          %add3A_154 = arith.addf %add3A_146, %mul3A_153 : vector<16xf32>
          %get3A_155 = arith.index_cast %add3A_132 : i32 to index
          %get3A_156 = arith.constant 48 : index
          %get3A_157 = tpu.vector_load %arg9[%get3A_155, %get3A_156] {strides = array<i32>} : memref<128x128xf32, #tpu.memory_space<vmem>>, vector<16xf32>,
          %get3A_158 = arith.index_cast %add3A_132 : i32 to index
          %get3A_159 = arith.constant 48 : index
          %get3A_160 = tpu.vector_load %arg10[%get3A_158, %get3A_159] {strides = array<i32>} : memref<128x128xf32, #tpu.memory_space<vmem>>, vector<16xf32>,
          %mul3A_161 = arith.mulf %get3A_157, %get3A_160 : vector<16xf32>
          %add3A_162 = arith.addf %add3A_154, %mul3A_161 : vector<16xf32>
          %get3A_163 = arith.index_cast %add3A_132 : i32 to index
          %get3A_164 = arith.constant 64 : index
          %get3A_165 = tpu.vector_load %arg9[%get3A_163, %get3A_164] {strides = array<i32>} : memref<128x128xf32, #tpu.memory_space<vmem>>, vector<16xf32>,
          %get3A_166 = arith.index_cast %add3A_132 : i32 to index
          %get3A_167 = arith.constant 64 : index
          %get3A_168 = tpu.vector_load %arg10[%get3A_166, %get3A_167] {strides = array<i32>} : memref<128x128xf32, #tpu.memory_space<vmem>>, vector<16xf32>,
          %mul3A_169 = arith.mulf %get3A_165, %get3A_168 : vector<16xf32>
          %add3A_170 = arith.addf %add3A_162, %mul3A_169 : vector<16xf32>
          %get3A_171 = arith.index_cast %add3A_132 : i32 to index
          %get3A_172 = arith.constant 80 : index
          %get3A_173 = tpu.vector_load %arg9[%get3A_171, %get3A_172] {strides = array<i32>} : memref<128x128xf32, #tpu.memory_space<vmem>>, vector<16xf32>,
          %get3A_174 = arith.index_cast %add3A_132 : i32 to index
          %get3A_175 = arith.constant 80 : index
          %get3A_176 = tpu.vector_load %arg10[%get3A_174, %get3A_175] {strides = array<i32>} : memref<128x128xf32, #tpu.memory_space<vmem>>, vector<16xf32>,
          %mul3A_177 = arith.mulf %get3A_173, %get3A_176 : vector<16xf32>
          %add3A_178 = arith.addf %add3A_170, %mul3A_177 : vector<16xf32>
          %get3A_179 = arith.index_cast %add3A_132 : i32 to index
          %get3A_180 = arith.constant 96 : index
          %get3A_181 = tpu.vector_load %arg9[%get3A_179, %get3A_180] {strides = array<i32>} : memref<128x128xf32, #tpu.memory_space<vmem>>, vector<16xf32>,
          %get3A_182 = arith.index_cast %add3A_132 : i32 to index
          %get3A_183 = arith.constant 96 : index
          %get3A_184 = tpu.vector_load %arg10[%get3A_182, %get3A_183] {strides = array<i32>} : memref<128x128xf32, #tpu.memory_space<vmem>>, vector<16xf32>,
          %mul3A_185 = arith.mulf %get3A_181, %get3A_184 : vector<16xf32>
          %add3A_186 = arith.addf %add3A_178, %mul3A_185 : vector<16xf32>
          %get3A_187 = arith.index_cast %add3A_132 : i32 to index
          %get3A_188 = arith.constant 112 : index
          %get3A_189 = tpu.vector_load %arg9[%get3A_187, %get3A_188] {strides = array<i32>} : memref<128x128xf32, #tpu.memory_space<vmem>>, vector<16xf32>,
          %get3A_190 = arith.index_cast %add3A_132 : i32 to index
          %get3A_191 = arith.constant 112 : index
          %get3A_192 = tpu.vector_load %arg10[%get3A_190, %get3A_191] {strides = array<i32>} : memref<128x128xf32, #tpu.memory_space<vmem>>, vector<16xf32>,
          %mul3A_193 = arith.mulf %get3A_189, %get3A_192 : vector<16xf32>
          %add3A_194 = arith.addf %add3A_186, %mul3A_193 : vector<16xf32>
          %broadcast_in_dim3A = arith.constant 0 : i32
          %broadcast_in_dim3A_195 = vector.broadcast %broadcast_in_dim3A : i32 to vector<16xi32>
          tpu.vector_store_idx %arg11[%iota3A, %broadcast_in_dim3A_195], %add3A_194 : memref<16x16xf32, #tpu.memory_space<vmem>>[vector<16xi32>, vector<16xi32>], vector<16xf32>,
          %add3A_196 = arith.constant 1 : i32
          %add3A_197 = arith.addi %mul3A_130, %add3A_196 : i32
          %get3A_198 = arith.index_cast %add3A_197 : i32 to index
          %get3A_199 = arith.constant 0 : index
          %get3A_200 = tpu.vector_load %arg9[%get3A_198, %get3A_199] {strides = array<i32>} : memref<128x128xf32, #tpu.memory_space<vmem>>, vector<16xf32>,
          %get3A_201 = arith.index_cast %add3A_197 : i32 to index
          %get3A_202 = arith.constant 0 : index
          %get3A_203 = tpu.vector_load %arg10[%get3A_201, %get3A_202] {strides = array<i32>} : memref<128x128xf32, #tpu.memory_space<vmem>>, vector<16xf32>,
          %mul3A_204 = arith.mulf %get3A_200, %get3A_203 : vector<16xf32>
          %get3A_205 = arith.index_cast %add3A_197 : i32 to index
          %get3A_206 = arith.constant 16 : index
          %get3A_207 = tpu.vector_load %arg9[%get3A_205, %get3A_206] {strides = array<i32>} : memref<128x128xf32, #tpu.memory_space<vmem>>, vector<16xf32>,
          %get3A_208 = arith.index_cast %add3A_197 : i32 to index
          %get3A_209 = arith.constant 16 : index
          %get3A_210 = tpu.vector_load %arg10[%get3A_208, %get3A_209] {strides = array<i32>} : memref<128x128xf32, #tpu.memory_space<vmem>>, vector<16xf32>,
          %mul3A_211 = arith.mulf %get3A_207, %get3A_210 : vector<16xf32>
          %add3A_212 = arith.addf %mul3A_204, %mul3A_211 : vector<16xf32>
          %get3A_213 = arith.index_cast %add3A_197 : i32 to index
          %get3A_214 = arith.constant 32 : index
          %get3A_215 = tpu.vector_load %arg9[%get3A_213, %get3A_214] {strides = array<i32>} : memref<128x128xf32, #tpu.memory_space<vmem>>, vector<16xf32>,
          %get3A_216 = arith.index_cast %add3A_197 : i32 to index
          %get3A_217 = arith.constant 32 : index
          %get3A_218 = tpu.vector_load %arg10[%get3A_216, %get3A_217] {strides = array<i32>} : memref<128x128xf32, #tpu.memory_space<vmem>>, vector<16xf32>,
          %mul3A_219 = arith.mulf %get3A_215, %get3A_218 : vector<16xf32>
          %add3A_220 = arith.addf %add3A_212, %mul3A_219 : vector<16xf32>
          %get3A_221 = arith.index_cast %add3A_197 : i32 to index
          %get3A_222 = arith.constant 48 : index
          %get3A_223 = tpu.vector_load %arg9[%get3A_221, %get3A_222] {strides = array<i32>} : memref<128x128xf32, #tpu.memory_space<vmem>>, vector<16xf32>,
          %get3A_224 = arith.index_cast %add3A_197 : i32 to index
          %get3A_225 = arith.constant 48 : index
          %get3A_226 = tpu.vector_load %arg10[%get3A_224, %get3A_225] {strides = array<i32>} : memref<128x128xf32, #tpu.memory_space<vmem>>, vector<16xf32>,
          %mul3A_227 = arith.mulf %get3A_223, %get3A_226 : vector<16xf32>
          %add3A_228 = arith.addf %add3A_220, %mul3A_227 : vector<16xf32>
          %get3A_229 = arith.index_cast %add3A_197 : i32 to index
          %get3A_230 = arith.constant 64 : index
          %get3A_231 = tpu.vector_load %arg9[%get3A_229, %get3A_230] {strides = array<i32>} : memref<128x128xf32, #tpu.memory_space<vmem>>, vector<16xf32>,
          %get3A_232 = arith.index_cast %add3A_197 : i32 to index
          %get3A_233 = arith.constant 64 : index
          %get3A_234 = tpu.vector_load %arg10[%get3A_232, %get3A_233] {strides = array<i32>} : memref<128x128xf32, #tpu.memory_space<vmem>>, vector<16xf32>,
          %mul3A_235 = arith.mulf %get3A_231, %get3A_234 : vector<16xf32>
          %add3A_236 = arith.addf %add3A_228, %mul3A_235 : vector<16xf32>
          %get3A_237 = arith.index_cast %add3A_197 : i32 to index
          %get3A_238 = arith.constant 80 : index
          %get3A_239 = tpu.vector_load %arg9[%get3A_237, %get3A_238] {strides = array<i32>} : memref<128x128xf32, #tpu.memory_space<vmem>>, vector<16xf32>,
          %get3A_240 = arith.index_cast %add3A_197 : i32 to index
          %get3A_241 = arith.constant 80 : index
          %get3A_242 = tpu.vector_load %arg10[%get3A_240, %get3A_241] {strides = array<i32>} : memref<128x128xf32, #tpu.memory_space<vmem>>, vector<16xf32>,
          %mul3A_243 = arith.mulf %get3A_239, %get3A_242 : vector<16xf32>
          %add3A_244 = arith.addf %add3A_236, %mul3A_243 : vector<16xf32>
          %get3A_245 = arith.index_cast %add3A_197 : i32 to index
          %get3A_246 = arith.constant 96 : index
          %get3A_247 = tpu.vector_load %arg9[%get3A_245, %get3A_246] {strides = array<i32>} : memref<128x128xf32, #tpu.memory_space<vmem>>, vector<16xf32>,
          %get3A_248 = arith.index_cast %add3A_197 : i32 to index
          %get3A_249 = arith.constant 96 : index
          %get3A_250 = tpu.vector_load %arg10[%get3A_248, %get3A_249] {strides = array<i32>} : memref<128x128xf32, #tpu.memory_space<vmem>>, vector<16xf32>,
          %mul3A_251 = arith.mulf %get3A_247, %get3A_250 : vector<16xf32>
          %add3A_252 = arith.addf %add3A_244, %mul3A_251 : vector<16xf32>
          %get3A_253 = arith.index_cast %add3A_197 : i32 to index
          %get3A_254 = arith.constant 112 : index
          %get3A_255 = tpu.vector_load %arg9[%get3A_253, %get3A_254] {strides = array<i32>} : memref<128x128xf32, #tpu.memory_space<vmem>>, vector<16xf32>,
          %get3A_256 = arith.index_cast %add3A_197 : i32 to index
          %get3A_257 = arith.constant 112 : index
          %get3A_258 = tpu.vector_load %arg10[%get3A_256, %get3A_257] {strides = array<i32>} : memref<128x128xf32, #tpu.memory_space<vmem>>, vector<16xf32>,
          %mul3A_259 = arith.mulf %get3A_255, %get3A_258 : vector<16xf32>
          %add3A_260 = arith.addf %add3A_252, %mul3A_259 : vector<16xf32>
          %broadcast_in_dim3A_261 = arith.constant 1 : i32
          %broadcast_in_dim3A_262 = vector.broadcast %broadcast_in_dim3A_261 : i32 to vector<16xi32>
          tpu.vector_store_idx %arg11[%iota3A, %broadcast_in_dim3A_262], %add3A_260 : memref<16x16xf32, #tpu.memory_space<vmem>>[vector<16xi32>, vector<16xi32>], vector<16xf32>,
          %add3A_263 = arith.constant 2 : i32
          %add3A_264 = arith.addi %mul3A_130, %add3A_263 : i32
          %get3A_265 = arith.index_cast %add3A_264 : i32 to index
          %get3A_266 = arith.constant 0 : index
          %get3A_267 = tpu.vector_load %arg9[%get3A_265, %get3A_266] {strides = array<i32>} : memref<128x128xf32, #tpu.memory_space<vmem>>, vector<16xf32>,
          %get3A_268 = arith.index_cast %add3A_264 : i32 to index
          %get3A_269 = arith.constant 0 : index
          %get3A_270 = tpu.vector_load %arg10[%get3A_268, %get3A_269] {strides = array<i32>} : memref<128x128xf32, #tpu.memory_space<vmem>>, vector<16xf32>,
          %mul3A_271 = arith.mulf %get3A_267, %get3A_270 : vector<16xf32>
          %get3A_272 = arith.index_cast %add3A_264 : i32 to index
          %get3A_273 = arith.constant 16 : index
          %get3A_274 = tpu.vector_load %arg9[%get3A_272, %get3A_273] {strides = array<i32>} : memref<128x128xf32, #tpu.memory_space<vmem>>, vector<16xf32>,
          %get3A_275 = arith.index_cast %add3A_264 : i32 to index
          %get3A_276 = arith.constant 16 : index
          %get3A_277 = tpu.vector_load %arg10[%get3A_275, %get3A_276] {strides = array<i32>} : memref<128x128xf32, #tpu.memory_space<vmem>>, vector<16xf32>,
          %mul3A_278 = arith.mulf %get3A_274, %get3A_277 : vector<16xf32>
          %add3A_279 = arith.addf %mul3A_271, %mul3A_278 : vector<16xf32>
          %get3A_280 = arith.index_cast %add3A_264 : i32 to index
          %get3A_281 = arith.constant 32 : index
          %get3A_282 = tpu.vector_load %arg9[%get3A_280, %get3A_281] {strides = array<i32>} : memref<128x128xf32, #tpu.memory_space<vmem>>, vector<16xf32>,
          %get3A_283 = arith.index_cast %add3A_264 : i32 to index
          %get3A_284 = arith.constant 32 : index
          %get3A_285 = tpu.vector_load %arg10[%get3A_283, %get3A_284] {strides = array<i32>} : memref<128x128xf32, #tpu.memory_space<vmem>>, vector<16xf32>,
          %mul3A_286 = arith.mulf %get3A_282, %get3A_285 : vector<16xf32>
          %add3A_287 = arith.addf %add3A_279, %mul3A_286 : vector<16xf32>
          %get3A_288 = arith.index_cast %add3A_264 : i32 to index
          %get3A_289 = arith.constant 48 : index
          %get3A_290 = tpu.vector_load %arg9[%get3A_288, %get3A_289] {strides = array<i32>} : memref<128x128xf32, #tpu.memory_space<vmem>>, vector<16xf32>,
          %get3A_291 = arith.index_cast %add3A_264 : i32 to index
          %get3A_292 = arith.constant 48 : index
          %get3A_293 = tpu.vector_load %arg10[%get3A_291, %get3A_292] {strides = array<i32>} : memref<128x128xf32, #tpu.memory_space<vmem>>, vector<16xf32>,
          %mul3A_294 = arith.mulf %get3A_290, %get3A_293 : vector<16xf32>
          %add3A_295 = arith.addf %add3A_287, %mul3A_294 : vector<16xf32>
          %get3A_296 = arith.index_cast %add3A_264 : i32 to index
          %get3A_297 = arith.constant 64 : index
          %get3A_298 = tpu.vector_load %arg9[%get3A_296, %get3A_297] {strides = array<i32>} : memref<128x128xf32, #tpu.memory_space<vmem>>, vector<16xf32>,
          %get3A_299 = arith.index_cast %add3A_264 : i32 to index
          %get3A_300 = arith.constant 64 : index
          %get3A_301 = tpu.vector_load %arg10[%get3A_299, %get3A_300] {strides = array<i32>} : memref<128x128xf32, #tpu.memory_space<vmem>>, vector<16xf32>,
          %mul3A_302 = arith.mulf %get3A_298, %get3A_301 : vector<16xf32>
          %add3A_303 = arith.addf %add3A_295, %mul3A_302 : vector<16xf32>
          %get3A_304 = arith.index_cast %add3A_264 : i32 to index
          %get3A_305 = arith.constant 80 : index
          %get3A_306 = tpu.vector_load %arg9[%get3A_304, %get3A_305] {strides = array<i32>} : memref<128x128xf32, #tpu.memory_space<vmem>>, vector<16xf32>,
          %get3A_307 = arith.index_cast %add3A_264 : i32 to index
          %get3A_308 = arith.constant 80 : index
          %get3A_309 = tpu.vector_load %arg10[%get3A_307, %get3A_308] {strides = array<i32>} : memref<128x128xf32, #tpu.memory_space<vmem>>, vector<16xf32>,
          %mul3A_310 = arith.mulf %get3A_306, %get3A_309 : vector<16xf32>
          %add3A_311 = arith.addf %add3A_303, %mul3A_310 : vector<16xf32>
          %get3A_312 = arith.index_cast %add3A_264 : i32 to index
          %get3A_313 = arith.constant 96 : index
          %get3A_314 = tpu.vector_load %arg9[%get3A_312, %get3A_313] {strides = array<i32>} : memref<128x128xf32, #tpu.memory_space<vmem>>, vector<16xf32>,
          %get3A_315 = arith.index_cast %add3A_264 : i32 to index
          %get3A_316 = arith.constant 96 : index
          %get3A_317 = tpu.vector_load %arg10[%get3A_315, %get3A_316] {strides = array<i32>} : memref<128x128xf32, #tpu.memory_space<vmem>>, vector<16xf32>,
          %mul3A_318 = arith.mulf %get3A_314, %get3A_317 : vector<16xf32>
          %add3A_319 = arith.addf %add3A_311, %mul3A_318 : vector<16xf32>
          %get3A_320 = arith.index_cast %add3A_264 : i32 to index
          %get3A_321 = arith.constant 112 : index
          %get3A_322 = tpu.vector_load %arg9[%get3A_320, %get3A_321] {strides = array<i32>} : memref<128x128xf32, #tpu.memory_space<vmem>>, vector<16xf32>,
          %get3A_323 = arith.index_cast %add3A_264 : i32 to index
          %get3A_324 = arith.constant 112 : index
          %get3A_325 = tpu.vector_load %arg10[%get3A_323, %get3A_324] {strides = array<i32>} : memref<128x128xf32, #tpu.memory_space<vmem>>, vector<16xf32>,
          %mul3A_326 = arith.mulf %get3A_322, %get3A_325 : vector<16xf32>
          %add3A_327 = arith.addf %add3A_319, %mul3A_326 : vector<16xf32>
          %broadcast_in_dim3A_328 = arith.constant 2 : i32
          %broadcast_in_dim3A_329 = vector.broadcast %broadcast_in_dim3A_328 : i32 to vector<16xi32>
          tpu.vector_store_idx %arg11[%iota3A, %broadcast_in_dim3A_329], %add3A_327 : memref<16x16xf32, #tpu.memory_space<vmem>>[vector<16xi32>, vector<16xi32>], vector<16xf32>,
          %add3A_330 = arith.constant 3 : i32
          %add3A_331 = arith.addi %mul3A_130, %add3A_330 : i32
          %get3A_332 = arith.index_cast %add3A_331 : i32 to index
          %get3A_333 = arith.constant 0 : index
          %get3A_334 = tpu.vector_load %arg9[%get3A_332, %get3A_333] {strides = array<i32>} : memref<128x128xf32, #tpu.memory_space<vmem>>, vector<16xf32>,
          %get3A_335 = arith.index_cast %add3A_331 : i32 to index
          %get3A_336 = arith.constant 0 : index
          %get3A_337 = tpu.vector_load %arg10[%get3A_335, %get3A_336] {strides = array<i32>} : memref<128x128xf32, #tpu.memory_space<vmem>>, vector<16xf32>,
          %mul3A_338 = arith.mulf %get3A_334, %get3A_337 : vector<16xf32>
          %get3A_339 = arith.index_cast %add3A_331 : i32 to index
          %get3A_340 = arith.constant 16 : index
          %get3A_341 = tpu.vector_load %arg9[%get3A_339, %get3A_340] {strides = array<i32>} : memref<128x128xf32, #tpu.memory_space<vmem>>, vector<16xf32>,
          %get3A_342 = arith.index_cast %add3A_331 : i32 to index
          %get3A_343 = arith.constant 16 : index
          %get3A_344 = tpu.vector_load %arg10[%get3A_342, %get3A_343] {strides = array<i32>} : memref<128x128xf32, #tpu.memory_space<vmem>>, vector<16xf32>,
          %mul3A_345 = arith.mulf %get3A_341, %get3A_344 : vector<16xf32>
          %add3A_346 = arith.addf %mul3A_338, %mul3A_345 : vector<16xf32>
          %get3A_347 = arith.index_cast %add3A_331 : i32 to index
          %get3A_348 = arith.constant 32 : index
          %get3A_349 = tpu.vector_load %arg9[%get3A_347, %get3A_348] {strides = array<i32>} : memref<128x128xf32, #tpu.memory_space<vmem>>, vector<16xf32>,
          %get3A_350 = arith.index_cast %add3A_331 : i32 to index
          %get3A_351 = arith.constant 32 : index
          %get3A_352 = tpu.vector_load %arg10[%get3A_350, %get3A_351] {strides = array<i32>} : memref<128x128xf32, #tpu.memory_space<vmem>>, vector<16xf32>,
          %mul3A_353 = arith.mulf %get3A_349, %get3A_352 : vector<16xf32>
          %add3A_354 = arith.addf %add3A_346, %mul3A_353 : vector<16xf32>
          %get3A_355 = arith.index_cast %add3A_331 : i32 to index
          %get3A_356 = arith.constant 48 : index
          %get3A_357 = tpu.vector_load %arg9[%get3A_355, %get3A_356] {strides = array<i32>} : memref<128x128xf32, #tpu.memory_space<vmem>>, vector<16xf32>,
          %get3A_358 = arith.index_cast %add3A_331 : i32 to index
          %get3A_359 = arith.constant 48 : index
          %get3A_360 = tpu.vector_load %arg10[%get3A_358, %get3A_359] {strides = array<i32>} : memref<128x128xf32, #tpu.memory_space<vmem>>, vector<16xf32>,
          %mul3A_361 = arith.mulf %get3A_357, %get3A_360 : vector<16xf32>
          %add3A_362 = arith.addf %add3A_354, %mul3A_361 : vector<16xf32>
          %get3A_363 = arith.index_cast %add3A_331 : i32 to index
          %get3A_364 = arith.constant 64 : index
          %get3A_365 = tpu.vector_load %arg9[%get3A_363, %get3A_364] {strides = array<i32>} : memref<128x128xf32, #tpu.memory_space<vmem>>, vector<16xf32>,
          %get3A_366 = arith.index_cast %add3A_331 : i32 to index
          %get3A_367 = arith.constant 64 : index
          %get3A_368 = tpu.vector_load %arg10[%get3A_366, %get3A_367] {strides = array<i32>} : memref<128x128xf32, #tpu.memory_space<vmem>>, vector<16xf32>,
          %mul3A_369 = arith.mulf %get3A_365, %get3A_368 : vector<16xf32>
          %add3A_370 = arith.addf %add3A_362, %mul3A_369 : vector<16xf32>
          %get3A_371 = arith.index_cast %add3A_331 : i32 to index
          %get3A_372 = arith.constant 80 : index
          %get3A_373 = tpu.vector_load %arg9[%get3A_371, %get3A_372] {strides = array<i32>} : memref<128x128xf32, #tpu.memory_space<vmem>>, vector<16xf32>,
          %get3A_374 = arith.index_cast %add3A_331 : i32 to index
          %get3A_375 = arith.constant 80 : index
          %get3A_376 = tpu.vector_load %arg10[%get3A_374, %get3A_375] {strides = array<i32>} : memref<128x128xf32, #tpu.memory_space<vmem>>, vector<16xf32>,
          %mul3A_377 = arith.mulf %get3A_373, %get3A_376 : vector<16xf32>
          %add3A_378 = arith.addf %add3A_370, %mul3A_377 : vector<16xf32>
          %get3A_379 = arith.index_cast %add3A_331 : i32 to index
          %get3A_380 = arith.constant 96 : index
          %get3A_381 = tpu.vector_load %arg9[%get3A_379, %get3A_380] {strides = array<i32>} : memref<128x128xf32, #tpu.memory_space<vmem>>, vector<16xf32>,
          %get3A_382 = arith.index_cast %add3A_331 : i32 to index
          %get3A_383 = arith.constant 96 : index
          %get3A_384 = tpu.vector_load %arg10[%get3A_382, %get3A_383] {strides = array<i32>} : memref<128x128xf32, #tpu.memory_space<vmem>>, vector<16xf32>,
          %mul3A_385 = arith.mulf %get3A_381, %get3A_384 : vector<16xf32>
          %add3A_386 = arith.addf %add3A_378, %mul3A_385 : vector<16xf32>
          %get3A_387 = arith.index_cast %add3A_331 : i32 to index
          %get3A_388 = arith.constant 112 : index
          %get3A_389 = tpu.vector_load %arg9[%get3A_387, %get3A_388] {strides = array<i32>} : memref<128x128xf32, #tpu.memory_space<vmem>>, vector<16xf32>,
          %get3A_390 = arith.index_cast %add3A_331 : i32 to index
          %get3A_391 = arith.constant 112 : index
          %get3A_392 = tpu.vector_load %arg10[%get3A_390, %get3A_391] {strides = array<i32>} : memref<128x128xf32, #tpu.memory_space<vmem>>, vector<16xf32>,
          %mul3A_393 = arith.mulf %get3A_389, %get3A_392 : vector<16xf32>
          %add3A_394 = arith.addf %add3A_386, %mul3A_393 : vector<16xf32>
          %broadcast_in_dim3A_395 = arith.constant 3 : i32
          %broadcast_in_dim3A_396 = vector.broadcast %broadcast_in_dim3A_395 : i32 to vector<16xi32>
          tpu.vector_store_idx %arg11[%iota3A, %broadcast_in_dim3A_396], %add3A_394 : memref<16x16xf32, #tpu.memory_space<vmem>>[vector<16xi32>, vector<16xi32>], vector<16xf32>,
          %add3A_397 = arith.constant 4 : i32
          %add3A_398 = arith.addi %mul3A_130, %add3A_397 : i32
          %get3A_399 = arith.index_cast %add3A_398 : i32 to index
          %get3A_400 = arith.constant 0 : index
          %get3A_401 = tpu.vector_load %arg9[%get3A_399, %get3A_400] {strides = array<i32>} : memref<128x128xf32, #tpu.memory_space<vmem>>, vector<16xf32>,
          %get3A_402 = arith.index_cast %add3A_398 : i32 to index
          %get3A_403 = arith.constant 0 : index
          %get3A_404 = tpu.vector_load %arg10[%get3A_402, %get3A_403] {strides = array<i32>} : memref<128x128xf32, #tpu.memory_space<vmem>>, vector<16xf32>,
          %mul3A_405 = arith.mulf %get3A_401, %get3A_404 : vector<16xf32>
          %get3A_406 = arith.index_cast %add3A_398 : i32 to index
          %get3A_407 = arith.constant 16 : index
          %get3A_408 = tpu.vector_load %arg9[%get3A_406, %get3A_407] {strides = array<i32>} : memref<128x128xf32, #tpu.memory_space<vmem>>, vector<16xf32>,
          %get3A_409 = arith.index_cast %add3A_398 : i32 to index
          %get3A_410 = arith.constant 16 : index
          %get3A_411 = tpu.vector_load %arg10[%get3A_409, %get3A_410] {strides = array<i32>} : memref<128x128xf32, #tpu.memory_space<vmem>>, vector<16xf32>,
          %mul3A_412 = arith.mulf %get3A_408, %get3A_411 : vector<16xf32>
          %add3A_413 = arith.addf %mul3A_405, %mul3A_412 : vector<16xf32>
          %get3A_414 = arith.index_cast %add3A_398 : i32 to index
          %get3A_415 = arith.constant 32 : index
          %get3A_416 = tpu.vector_load %arg9[%get3A_414, %get3A_415] {strides = array<i32>} : memref<128x128xf32, #tpu.memory_space<vmem>>, vector<16xf32>,
          %get3A_417 = arith.index_cast %add3A_398 : i32 to index
          %get3A_418 = arith.constant 32 : index
          %get3A_419 = tpu.vector_load %arg10[%get3A_417, %get3A_418] {strides = array<i32>} : memref<128x128xf32, #tpu.memory_space<vmem>>, vector<16xf32>,
          %mul3A_420 = arith.mulf %get3A_416, %get3A_419 : vector<16xf32>
          %add3A_421 = arith.addf %add3A_413, %mul3A_420 : vector<16xf32>
          %get3A_422 = arith.index_cast %add3A_398 : i32 to index
          %get3A_423 = arith.constant 48 : index
          %get3A_424 = tpu.vector_load %arg9[%get3A_422, %get3A_423] {strides = array<i32>} : memref<128x128xf32, #tpu.memory_space<vmem>>, vector<16xf32>,
          %get3A_425 = arith.index_cast %add3A_398 : i32 to index
          %get3A_426 = arith.constant 48 : index
          %get3A_427 = tpu.vector_load %arg10[%get3A_425, %get3A_426] {strides = array<i32>} : memref<128x128xf32, #tpu.memory_space<vmem>>, vector<16xf32>,
          %mul3A_428 = arith.mulf %get3A_424, %get3A_427 : vector<16xf32>
          %add3A_429 = arith.addf %add3A_421, %mul3A_428 : vector<16xf32>
          %get3A_430 = arith.index_cast %add3A_398 : i32 to index
          %get3A_431 = arith.constant 64 : index
          %get3A_432 = tpu.vector_load %arg9[%get3A_430, %get3A_431] {strides = array<i32>} : memref<128x128xf32, #tpu.memory_space<vmem>>, vector<16xf32>,
          %get3A_433 = arith.index_cast %add3A_398 : i32 to index
          %get3A_434 = arith.constant 64 : index
          %get3A_435 = tpu.vector_load %arg10[%get3A_433, %get3A_434] {strides = array<i32>} : memref<128x128xf32, #tpu.memory_space<vmem>>, vector<16xf32>,
          %mul3A_436 = arith.mulf %get3A_432, %get3A_435 : vector<16xf32>
          %add3A_437 = arith.addf %add3A_429, %mul3A_436 : vector<16xf32>
          %get3A_438 = arith.index_cast %add3A_398 : i32 to index
          %get3A_439 = arith.constant 80 : index
          %get3A_440 = tpu.vector_load %arg9[%get3A_438, %get3A_439] {strides = array<i32>} : memref<128x128xf32, #tpu.memory_space<vmem>>, vector<16xf32>,
          %get3A_441 = arith.index_cast %add3A_398 : i32 to index
          %get3A_442 = arith.constant 80 : index
          %get3A_443 = tpu.vector_load %arg10[%get3A_441, %get3A_442] {strides = array<i32>} : memref<128x128xf32, #tpu.memory_space<vmem>>, vector<16xf32>,
          %mul3A_444 = arith.mulf %get3A_440, %get3A_443 : vector<16xf32>
          %add3A_445 = arith.addf %add3A_437, %mul3A_444 : vector<16xf32>
          %get3A_446 = arith.index_cast %add3A_398 : i32 to index
          %get3A_447 = arith.constant 96 : index
          %get3A_448 = tpu.vector_load %arg9[%get3A_446, %get3A_447] {strides = array<i32>} : memref<128x128xf32, #tpu.memory_space<vmem>>, vector<16xf32>,
          %get3A_449 = arith.index_cast %add3A_398 : i32 to index
          %get3A_450 = arith.constant 96 : index
          %get3A_451 = tpu.vector_load %arg10[%get3A_449, %get3A_450] {strides = array<i32>} : memref<128x128xf32, #tpu.memory_space<vmem>>, vector<16xf32>,
          %mul3A_452 = arith.mulf %get3A_448, %get3A_451 : vector<16xf32>
          %add3A_453 = arith.addf %add3A_445, %mul3A_452 : vector<16xf32>
          %get3A_454 = arith.index_cast %add3A_398 : i32 to index
          %get3A_455 = arith.constant 112 : index
          %get3A_456 = tpu.vector_load %arg9[%get3A_454, %get3A_455] {strides = array<i32>} : memref<128x128xf32, #tpu.memory_space<vmem>>, vector<16xf32>,
          %get3A_457 = arith.index_cast %add3A_398 : i32 to index
          %get3A_458 = arith.constant 112 : index
          %get3A_459 = tpu.vector_load %arg10[%get3A_457, %get3A_458] {strides = array<i32>} : memref<128x128xf32, #tpu.memory_space<vmem>>, vector<16xf32>,
          %mul3A_460 = arith.mulf %get3A_456, %get3A_459 : vector<16xf32>
          %add3A_461 = arith.addf %add3A_453, %mul3A_460 : vector<16xf32>
          %broadcast_in_dim3A_462 = arith.constant 4 : i32
          %broadcast_in_dim3A_463 = vector.broadcast %broadcast_in_dim3A_462 : i32 to vector<16xi32>
          tpu.vector_store_idx %arg11[%iota3A, %broadcast_in_dim3A_463], %add3A_461 : memref<16x16xf32, #tpu.memory_space<vmem>>[vector<16xi32>, vector<16xi32>], vector<16xf32>,
          %add3A_464 = arith.constant 5 : i32
          %add3A_465 = arith.addi %mul3A_130, %add3A_464 : i32
          %get3A_466 = arith.index_cast %add3A_465 : i32 to index
          %get3A_467 = arith.constant 0 : index
          %get3A_468 = tpu.vector_load %arg9[%get3A_466, %get3A_467] {strides = array<i32>} : memref<128x128xf32, #tpu.memory_space<vmem>>, vector<16xf32>,
          %get3A_469 = arith.index_cast %add3A_465 : i32 to index
          %get3A_470 = arith.constant 0 : index
          %get3A_471 = tpu.vector_load %arg10[%get3A_469, %get3A_470] {strides = array<i32>} : memref<128x128xf32, #tpu.memory_space<vmem>>, vector<16xf32>,
          %mul3A_472 = arith.mulf %get3A_468, %get3A_471 : vector<16xf32>
          %get3A_473 = arith.index_cast %add3A_465 : i32 to index
          %get3A_474 = arith.constant 16 : index
          %get3A_475 = tpu.vector_load %arg9[%get3A_473, %get3A_474] {strides = array<i32>} : memref<128x128xf32, #tpu.memory_space<vmem>>, vector<16xf32>,
          %get3A_476 = arith.index_cast %add3A_465 : i32 to index
          %get3A_477 = arith.constant 16 : index
          %get3A_478 = tpu.vector_load %arg10[%get3A_476, %get3A_477] {strides = array<i32>} : memref<128x128xf32, #tpu.memory_space<vmem>>, vector<16xf32>,
          %mul3A_479 = arith.mulf %get3A_475, %get3A_478 : vector<16xf32>
          %add3A_480 = arith.addf %mul3A_472, %mul3A_479 : vector<16xf32>
          %get3A_481 = arith.index_cast %add3A_465 : i32 to index
          %get3A_482 = arith.constant 32 : index
          %get3A_483 = tpu.vector_load %arg9[%get3A_481, %get3A_482] {strides = array<i32>} : memref<128x128xf32, #tpu.memory_space<vmem>>, vector<16xf32>,
          %get3A_484 = arith.index_cast %add3A_465 : i32 to index
          %get3A_485 = arith.constant 32 : index
          %get3A_486 = tpu.vector_load %arg10[%get3A_484, %get3A_485] {strides = array<i32>} : memref<128x128xf32, #tpu.memory_space<vmem>>, vector<16xf32>,
          %mul3A_487 = arith.mulf %get3A_483, %get3A_486 : vector<16xf32>
          %add3A_488 = arith.addf %add3A_480, %mul3A_487 : vector<16xf32>
          %get3A_489 = arith.index_cast %add3A_465 : i32 to index
          %get3A_490 = arith.constant 48 : index
          %get3A_491 = tpu.vector_load %arg9[%get3A_489, %get3A_490] {strides = array<i32>} : memref<128x128xf32, #tpu.memory_space<vmem>>, vector<16xf32>,
          %get3A_492 = arith.index_cast %add3A_465 : i32 to index
          %get3A_493 = arith.constant 48 : index
          %get3A_494 = tpu.vector_load %arg10[%get3A_492, %get3A_493] {strides = array<i32>} : memref<128x128xf32, #tpu.memory_space<vmem>>, vector<16xf32>,
          %mul3A_495 = arith.mulf %get3A_491, %get3A_494 : vector<16xf32>
          %add3A_496 = arith.addf %add3A_488, %mul3A_495 : vector<16xf32>
          %get3A_497 = arith.index_cast %add3A_465 : i32 to index
          %get3A_498 = arith.constant 64 : index
          %get3A_499 = tpu.vector_load %arg9[%get3A_497, %get3A_498] {strides = array<i32>} : memref<128x128xf32, #tpu.memory_space<vmem>>, vector<16xf32>,
          %get3A_500 = arith.index_cast %add3A_465 : i32 to index
          %get3A_501 = arith.constant 64 : index
          %get3A_502 = tpu.vector_load %arg10[%get3A_500, %get3A_501] {strides = array<i32>} : memref<128x128xf32, #tpu.memory_space<vmem>>, vector<16xf32>,
          %mul3A_503 = arith.mulf %get3A_499, %get3A_502 : vector<16xf32>
          %add3A_504 = arith.addf %add3A_496, %mul3A_503 : vector<16xf32>
          %get3A_505 = arith.index_cast %add3A_465 : i32 to index
          %get3A_506 = arith.constant 80 : index
          %get3A_507 = tpu.vector_load %arg9[%get3A_505, %get3A_506] {strides = array<i32>} : memref<128x128xf32, #tpu.memory_space<vmem>>, vector<16xf32>,
          %get3A_508 = arith.index_cast %add3A_465 : i32 to index
          %get3A_509 = arith.constant 80 : index
          %get3A_510 = tpu.vector_load %arg10[%get3A_508, %get3A_509] {strides = array<i32>} : memref<128x128xf32, #tpu.memory_space<vmem>>, vector<16xf32>,
          %mul3A_511 = arith.mulf %get3A_507, %get3A_510 : vector<16xf32>
          %add3A_512 = arith.addf %add3A_504, %mul3A_511 : vector<16xf32>
          %get3A_513 = arith.index_cast %add3A_465 : i32 to index
          %get3A_514 = arith.constant 96 : index
          %get3A_515 = tpu.vector_load %arg9[%get3A_513, %get3A_514] {strides = array<i32>} : memref<128x128xf32, #tpu.memory_space<vmem>>, vector<16xf32>,
          %get3A_516 = arith.index_cast %add3A_465 : i32 to index
          %get3A_517 = arith.constant 96 : index
          %get3A_518 = tpu.vector_load %arg10[%get3A_516, %get3A_517] {strides = array<i32>} : memref<128x128xf32, #tpu.memory_space<vmem>>, vector<16xf32>,
          %mul3A_519 = arith.mulf %get3A_515, %get3A_518 : vector<16xf32>
          %add3A_520 = arith.addf %add3A_512, %mul3A_519 : vector<16xf32>
          %get3A_521 = arith.index_cast %add3A_465 : i32 to index
          %get3A_522 = arith.constant 112 : index
          %get3A_523 = tpu.vector_load %arg9[%get3A_521, %get3A_522] {strides = array<i32>} : memref<128x128xf32, #tpu.memory_space<vmem>>, vector<16xf32>,
          %get3A_524 = arith.index_cast %add3A_465 : i32 to index
          %get3A_525 = arith.constant 112 : index
          %get3A_526 = tpu.vector_load %arg10[%get3A_524, %get3A_525] {strides = array<i32>} : memref<128x128xf32, #tpu.memory_space<vmem>>, vector<16xf32>,
          %mul3A_527 = arith.mulf %get3A_523, %get3A_526 : vector<16xf32>
          %add3A_528 = arith.addf %add3A_520, %mul3A_527 : vector<16xf32>
          %broadcast_in_dim3A_529 = arith.constant 5 : i32
          %broadcast_in_dim3A_530 = vector.broadcast %broadcast_in_dim3A_529 : i32 to vector<16xi32>
          tpu.vector_store_idx %arg11[%iota3A, %broadcast_in_dim3A_530], %add3A_528 : memref<16x16xf32, #tpu.memory_space<vmem>>[vector<16xi32>, vector<16xi32>], vector<16xf32>,
          %add3A_531 = arith.constant 6 : i32
          %add3A_532 = arith.addi %mul3A_130, %add3A_531 : i32
          %get3A_533 = arith.index_cast %add3A_532 : i32 to index
          %get3A_534 = arith.constant 0 : index
          %get3A_535 = tpu.vector_load %arg9[%get3A_533, %get3A_534] {strides = array<i32>} : memref<128x128xf32, #tpu.memory_space<vmem>>, vector<16xf32>,
          %get3A_536 = arith.index_cast %add3A_532 : i32 to index
          %get3A_537 = arith.constant 0 : index
          %get3A_538 = tpu.vector_load %arg10[%get3A_536, %get3A_537] {strides = array<i32>} : memref<128x128xf32, #tpu.memory_space<vmem>>, vector<16xf32>,
          %mul3A_539 = arith.mulf %get3A_535, %get3A_538 : vector<16xf32>
          %get3A_540 = arith.index_cast %add3A_532 : i32 to index
          %get3A_541 = arith.constant 16 : index
          %get3A_542 = tpu.vector_load %arg9[%get3A_540, %get3A_541] {strides = array<i32>} : memref<128x128xf32, #tpu.memory_space<vmem>>, vector<16xf32>,
          %get3A_543 = arith.index_cast %add3A_532 : i32 to index
          %get3A_544 = arith.constant 16 : index
          %get3A_545 = tpu.vector_load %arg10[%get3A_543, %get3A_544] {strides = array<i32>} : memref<128x128xf32, #tpu.memory_space<vmem>>, vector<16xf32>,
          %mul3A_546 = arith.mulf %get3A_542, %get3A_545 : vector<16xf32>
          %add3A_547 = arith.addf %mul3A_539, %mul3A_546 : vector<16xf32>
          %get3A_548 = arith.index_cast %add3A_532 : i32 to index
          %get3A_549 = arith.constant 32 : index
          %get3A_550 = tpu.vector_load %arg9[%get3A_548, %get3A_549] {strides = array<i32>} : memref<128x128xf32, #tpu.memory_space<vmem>>, vector<16xf32>,
          %get3A_551 = arith.index_cast %add3A_532 : i32 to index
          %get3A_552 = arith.constant 32 : index
          %get3A_553 = tpu.vector_load %arg10[%get3A_551, %get3A_552] {strides = array<i32>} : memref<128x128xf32, #tpu.memory_space<vmem>>, vector<16xf32>,
          %mul3A_554 = arith.mulf %get3A_550, %get3A_553 : vector<16xf32>
          %add3A_555 = arith.addf %add3A_547, %mul3A_554 : vector<16xf32>
          %get3A_556 = arith.index_cast %add3A_532 : i32 to index
          %get3A_557 = arith.constant 48 : index
          %get3A_558 = tpu.vector_load %arg9[%get3A_556, %get3A_557] {strides = array<i32>} : memref<128x128xf32, #tpu.memory_space<vmem>>, vector<16xf32>,
          %get3A_559 = arith.index_cast %add3A_532 : i32 to index
          %get3A_560 = arith.constant 48 : index
          %get3A_561 = tpu.vector_load %arg10[%get3A_559, %get3A_560] {strides = array<i32>} : memref<128x128xf32, #tpu.memory_space<vmem>>, vector<16xf32>,
          %mul3A_562 = arith.mulf %get3A_558, %get3A_561 : vector<16xf32>
          %add3A_563 = arith.addf %add3A_555, %mul3A_562 : vector<16xf32>
          %get3A_564 = arith.index_cast %add3A_532 : i32 to index
          %get3A_565 = arith.constant 64 : index
          %get3A_566 = tpu.vector_load %arg9[%get3A_564, %get3A_565] {strides = array<i32>} : memref<128x128xf32, #tpu.memory_space<vmem>>, vector<16xf32>,
          %get3A_567 = arith.index_cast %add3A_532 : i32 to index
          %get3A_568 = arith.constant 64 : index
          %get3A_569 = tpu.vector_load %arg10[%get3A_567, %get3A_568] {strides = array<i32>} : memref<128x128xf32, #tpu.memory_space<vmem>>, vector<16xf32>,
          %mul3A_570 = arith.mulf %get3A_566, %get3A_569 : vector<16xf32>
          %add3A_571 = arith.addf %add3A_563, %mul3A_570 : vector<16xf32>
          %get3A_572 = arith.index_cast %add3A_532 : i32 to index
          %get3A_573 = arith.constant 80 : index
          %get3A_574 = tpu.vector_load %arg9[%get3A_572, %get3A_573] {strides = array<i32>} : memref<128x128xf32, #tpu.memory_space<vmem>>, vector<16xf32>,
          %get3A_575 = arith.index_cast %add3A_532 : i32 to index
          %get3A_576 = arith.constant 80 : index
          %get3A_577 = tpu.vector_load %arg10[%get3A_575, %get3A_576] {strides = array<i32>} : memref<128x128xf32, #tpu.memory_space<vmem>>, vector<16xf32>,
          %mul3A_578 = arith.mulf %get3A_574, %get3A_577 : vector<16xf32>
          %add3A_579 = arith.addf %add3A_571, %mul3A_578 : vector<16xf32>
          %get3A_580 = arith.index_cast %add3A_532 : i32 to index
          %get3A_581 = arith.constant 96 : index
          %get3A_582 = tpu.vector_load %arg9[%get3A_580, %get3A_581] {strides = array<i32>} : memref<128x128xf32, #tpu.memory_space<vmem>>, vector<16xf32>,
          %get3A_583 = arith.index_cast %add3A_532 : i32 to index
          %get3A_584 = arith.constant 96 : index
          %get3A_585 = tpu.vector_load %arg10[%get3A_583, %get3A_584] {strides = array<i32>} : memref<128x128xf32, #tpu.memory_space<vmem>>, vector<16xf32>,
          %mul3A_586 = arith.mulf %get3A_582, %get3A_585 : vector<16xf32>
          %add3A_587 = arith.addf %add3A_579, %mul3A_586 : vector<16xf32>
          %get3A_588 = arith.index_cast %add3A_532 : i32 to index
          %get3A_589 = arith.constant 112 : index
          %get3A_590 = tpu.vector_load %arg9[%get3A_588, %get3A_589] {strides = array<i32>} : memref<128x128xf32, #tpu.memory_space<vmem>>, vector<16xf32>,
          %get3A_591 = arith.index_cast %add3A_532 : i32 to index
          %get3A_592 = arith.constant 112 : index
          %get3A_593 = tpu.vector_load %arg10[%get3A_591, %get3A_592] {strides = array<i32>} : memref<128x128xf32, #tpu.memory_space<vmem>>, vector<16xf32>,
          %mul3A_594 = arith.mulf %get3A_590, %get3A_593 : vector<16xf32>
          %add3A_595 = arith.addf %add3A_587, %mul3A_594 : vector<16xf32>
          %broadcast_in_dim3A_596 = arith.constant 6 : i32
          %broadcast_in_dim3A_597 = vector.broadcast %broadcast_in_dim3A_596 : i32 to vector<16xi32>
          tpu.vector_store_idx %arg11[%iota3A, %broadcast_in_dim3A_597], %add3A_595 : memref<16x16xf32, #tpu.memory_space<vmem>>[vector<16xi32>, vector<16xi32>], vector<16xf32>,
          %add3A_598 = arith.constant 7 : i32
          %add3A_599 = arith.addi %mul3A_130, %add3A_598 : i32
          %get3A_600 = arith.index_cast %add3A_599 : i32 to index
          %get3A_601 = arith.constant 0 : index
          %get3A_602 = tpu.vector_load %arg9[%get3A_600, %get3A_601] {strides = array<i32>} : memref<128x128xf32, #tpu.memory_space<vmem>>, vector<16xf32>,
          %get3A_603 = arith.index_cast %add3A_599 : i32 to index
          %get3A_604 = arith.constant 0 : index
          %get3A_605 = tpu.vector_load %arg10[%get3A_603, %get3A_604] {strides = array<i32>} : memref<128x128xf32, #tpu.memory_space<vmem>>, vector<16xf32>,
          %mul3A_606 = arith.mulf %get3A_602, %get3A_605 : vector<16xf32>
          %get3A_607 = arith.index_cast %add3A_599 : i32 to index
          %get3A_608 = arith.constant 16 : index
          %get3A_609 = tpu.vector_load %arg9[%get3A_607, %get3A_608] {strides = array<i32>} : memref<128x128xf32, #tpu.memory_space<vmem>>, vector<16xf32>,
          %get3A_610 = arith.index_cast %add3A_599 : i32 to index
          %get3A_611 = arith.constant 16 : index
          %get3A_612 = tpu.vector_load %arg10[%get3A_610, %get3A_611] {strides = array<i32>} : memref<128x128xf32, #tpu.memory_space<vmem>>, vector<16xf32>,
          %mul3A_613 = arith.mulf %get3A_609, %get3A_612 : vector<16xf32>
          %add3A_614 = arith.addf %mul3A_606, %mul3A_613 : vector<16xf32>
          %get3A_615 = arith.index_cast %add3A_599 : i32 to index
          %get3A_616 = arith.constant 32 : index
          %get3A_617 = tpu.vector_load %arg9[%get3A_615, %get3A_616] {strides = array<i32>} : memref<128x128xf32, #tpu.memory_space<vmem>>, vector<16xf32>,
          %get3A_618 = arith.index_cast %add3A_599 : i32 to index
          %get3A_619 = arith.constant 32 : index
          %get3A_620 = tpu.vector_load %arg10[%get3A_618, %get3A_619] {strides = array<i32>} : memref<128x128xf32, #tpu.memory_space<vmem>>, vector<16xf32>,
          %mul3A_621 = arith.mulf %get3A_617, %get3A_620 : vector<16xf32>
          %add3A_622 = arith.addf %add3A_614, %mul3A_621 : vector<16xf32>
          %get3A_623 = arith.index_cast %add3A_599 : i32 to index
          %get3A_624 = arith.constant 48 : index
          %get3A_625 = tpu.vector_load %arg9[%get3A_623, %get3A_624] {strides = array<i32>} : memref<128x128xf32, #tpu.memory_space<vmem>>, vector<16xf32>,
          %get3A_626 = arith.index_cast %add3A_599 : i32 to index
          %get3A_627 = arith.constant 48 : index
          %get3A_628 = tpu.vector_load %arg10[%get3A_626, %get3A_627] {strides = array<i32>} : memref<128x128xf32, #tpu.memory_space<vmem>>, vector<16xf32>,
          %mul3A_629 = arith.mulf %get3A_625, %get3A_628 : vector<16xf32>
          %add3A_630 = arith.addf %add3A_622, %mul3A_629 : vector<16xf32>
          %get3A_631 = arith.index_cast %add3A_599 : i32 to index
          %get3A_632 = arith.constant 64 : index
          %get3A_633 = tpu.vector_load %arg9[%get3A_631, %get3A_632] {strides = array<i32>} : memref<128x128xf32, #tpu.memory_space<vmem>>, vector<16xf32>,
          %get3A_634 = arith.index_cast %add3A_599 : i32 to index
          %get3A_635 = arith.constant 64 : index
          %get3A_636 = tpu.vector_load %arg10[%get3A_634, %get3A_635] {strides = array<i32>} : memref<128x128xf32, #tpu.memory_space<vmem>>, vector<16xf32>,
          %mul3A_637 = arith.mulf %get3A_633, %get3A_636 : vector<16xf32>
          %add3A_638 = arith.addf %add3A_630, %mul3A_637 : vector<16xf32>
          %get3A_639 = arith.index_cast %add3A_599 : i32 to index
          %get3A_640 = arith.constant 80 : index
          %get3A_641 = tpu.vector_load %arg9[%get3A_639, %get3A_640] {strides = array<i32>} : memref<128x128xf32, #tpu.memory_space<vmem>>, vector<16xf32>,
          %get3A_642 = arith.index_cast %add3A_599 : i32 to index
          %get3A_643 = arith.constant 80 : index
          %get3A_644 = tpu.vector_load %arg10[%get3A_642, %get3A_643] {strides = array<i32>} : memref<128x128xf32, #tpu.memory_space<vmem>>, vector<16xf32>,
          %mul3A_645 = arith.mulf %get3A_641, %get3A_644 : vector<16xf32>
          %add3A_646 = arith.addf %add3A_638, %mul3A_645 : vector<16xf32>
          %get3A_647 = arith.index_cast %add3A_599 : i32 to index
          %get3A_648 = arith.constant 96 : index
          %get3A_649 = tpu.vector_load %arg9[%get3A_647, %get3A_648] {strides = array<i32>} : memref<128x128xf32, #tpu.memory_space<vmem>>, vector<16xf32>,
          %get3A_650 = arith.index_cast %add3A_599 : i32 to index
          %get3A_651 = arith.constant 96 : index
          %get3A_652 = tpu.vector_load %arg10[%get3A_650, %get3A_651] {strides = array<i32>} : memref<128x128xf32, #tpu.memory_space<vmem>>, vector<16xf32>,
          %mul3A_653 = arith.mulf %get3A_649, %get3A_652 : vector<16xf32>
          %add3A_654 = arith.addf %add3A_646, %mul3A_653 : vector<16xf32>
          %get3A_655 = arith.index_cast %add3A_599 : i32 to index
          %get3A_656 = arith.constant 112 : index
          %get3A_657 = tpu.vector_load %arg9[%get3A_655, %get3A_656] {strides = array<i32>} : memref<128x128xf32, #tpu.memory_space<vmem>>, vector<16xf32>,
          %get3A_658 = arith.index_cast %add3A_599 : i32 to index
          %get3A_659 = arith.constant 112 : index
          %get3A_660 = tpu.vector_load %arg10[%get3A_658, %get3A_659] {strides = array<i32>} : memref<128x128xf32, #tpu.memory_space<vmem>>, vector<16xf32>,
          %mul3A_661 = arith.mulf %get3A_657, %get3A_660 : vector<16xf32>
          %add3A_662 = arith.addf %add3A_654, %mul3A_661 : vector<16xf32>
          %broadcast_in_dim3A_663 = arith.constant 7 : i32
          %broadcast_in_dim3A_664 = vector.broadcast %broadcast_in_dim3A_663 : i32 to vector<16xi32>
          tpu.vector_store_idx %arg11[%iota3A, %broadcast_in_dim3A_664], %add3A_662 : memref<16x16xf32, #tpu.memory_space<vmem>>[vector<16xi32>, vector<16xi32>], vector<16xf32>,
          %add3A_665 = arith.constant 8 : i32
          %add3A_666 = arith.addi %mul3A_130, %add3A_665 : i32
          %get3A_667 = arith.index_cast %add3A_666 : i32 to index
          %get3A_668 = arith.constant 0 : index
          %get3A_669 = tpu.vector_load %arg9[%get3A_667, %get3A_668] {strides = array<i32>} : memref<128x128xf32, #tpu.memory_space<vmem>>, vector<16xf32>,
          %get3A_670 = arith.index_cast %add3A_666 : i32 to index
          %get3A_671 = arith.constant 0 : index
          %get3A_672 = tpu.vector_load %arg10[%get3A_670, %get3A_671] {strides = array<i32>} : memref<128x128xf32, #tpu.memory_space<vmem>>, vector<16xf32>,
          %mul3A_673 = arith.mulf %get3A_669, %get3A_672 : vector<16xf32>
          %get3A_674 = arith.index_cast %add3A_666 : i32 to index
          %get3A_675 = arith.constant 16 : index
          %get3A_676 = tpu.vector_load %arg9[%get3A_674, %get3A_675] {strides = array<i32>} : memref<128x128xf32, #tpu.memory_space<vmem>>, vector<16xf32>,
          %get3A_677 = arith.index_cast %add3A_666 : i32 to index
          %get3A_678 = arith.constant 16 : index
          %get3A_679 = tpu.vector_load %arg10[%get3A_677, %get3A_678] {strides = array<i32>} : memref<128x128xf32, #tpu.memory_space<vmem>>, vector<16xf32>,
          %mul3A_680 = arith.mulf %get3A_676, %get3A_679 : vector<16xf32>
          %add3A_681 = arith.addf %mul3A_673, %mul3A_680 : vector<16xf32>
          %get3A_682 = arith.index_cast %add3A_666 : i32 to index
          %get3A_683 = arith.constant 32 : index
          %get3A_684 = tpu.vector_load %arg9[%get3A_682, %get3A_683] {strides = array<i32>} : memref<128x128xf32, #tpu.memory_space<vmem>>, vector<16xf32>,
          %get3A_685 = arith.index_cast %add3A_666 : i32 to index
          %get3A_686 = arith.constant 32 : index
          %get3A_687 = tpu.vector_load %arg10[%get3A_685, %get3A_686] {strides = array<i32>} : memref<128x128xf32, #tpu.memory_space<vmem>>, vector<16xf32>,
          %mul3A_688 = arith.mulf %get3A_684, %get3A_687 : vector<16xf32>
          %add3A_689 = arith.addf %add3A_681, %mul3A_688 : vector<16xf32>
          %get3A_690 = arith.index_cast %add3A_666 : i32 to index
          %get3A_691 = arith.constant 48 : index
          %get3A_692 = tpu.vector_load %arg9[%get3A_690, %get3A_691] {strides = array<i32>} : memref<128x128xf32, #tpu.memory_space<vmem>>, vector<16xf32>,
          %get3A_693 = arith.index_cast %add3A_666 : i32 to index
          %get3A_694 = arith.constant 48 : index
          %get3A_695 = tpu.vector_load %arg10[%get3A_693, %get3A_694] {strides = array<i32>} : memref<128x128xf32, #tpu.memory_space<vmem>>, vector<16xf32>,
          %mul3A_696 = arith.mulf %get3A_692, %get3A_695 : vector<16xf32>
          %add3A_697 = arith.addf %add3A_689, %mul3A_696 : vector<16xf32>
          %get3A_698 = arith.index_cast %add3A_666 : i32 to index
          %get3A_699 = arith.constant 64 : index
          %get3A_700 = tpu.vector_load %arg9[%get3A_698, %get3A_699] {strides = array<i32>} : memref<128x128xf32, #tpu.memory_space<vmem>>, vector<16xf32>,
          %get3A_701 = arith.index_cast %add3A_666 : i32 to index
          %get3A_702 = arith.constant 64 : index
          %get3A_703 = tpu.vector_load %arg10[%get3A_701, %get3A_702] {strides = array<i32>} : memref<128x128xf32, #tpu.memory_space<vmem>>, vector<16xf32>,
          %mul3A_704 = arith.mulf %get3A_700, %get3A_703 : vector<16xf32>
          %add3A_705 = arith.addf %add3A_697, %mul3A_704 : vector<16xf32>
          %get3A_706 = arith.index_cast %add3A_666 : i32 to index
          %get3A_707 = arith.constant 80 : index
          %get3A_708 = tpu.vector_load %arg9[%get3A_706, %get3A_707] {strides = array<i32>} : memref<128x128xf32, #tpu.memory_space<vmem>>, vector<16xf32>,
          %get3A_709 = arith.index_cast %add3A_666 : i32 to index
          %get3A_710 = arith.constant 80 : index
          %get3A_711 = tpu.vector_load %arg10[%get3A_709, %get3A_710] {strides = array<i32>} : memref<128x128xf32, #tpu.memory_space<vmem>>, vector<16xf32>,
          %mul3A_712 = arith.mulf %get3A_708, %get3A_711 : vector<16xf32>
          %add3A_713 = arith.addf %add3A_705, %mul3A_712 : vector<16xf32>
          %get3A_714 = arith.index_cast %add3A_666 : i32 to index
          %get3A_715 = arith.constant 96 : index
          %get3A_716 = tpu.vector_load %arg9[%get3A_714, %get3A_715] {strides = array<i32>} : memref<128x128xf32, #tpu.memory_space<vmem>>, vector<16xf32>,
          %get3A_717 = arith.index_cast %add3A_666 : i32 to index
          %get3A_718 = arith.constant 96 : index
          %get3A_719 = tpu.vector_load %arg10[%get3A_717, %get3A_718] {strides = array<i32>} : memref<128x128xf32, #tpu.memory_space<vmem>>, vector<16xf32>,
          %mul3A_720 = arith.mulf %get3A_716, %get3A_719 : vector<16xf32>
          %add3A_721 = arith.addf %add3A_713, %mul3A_720 : vector<16xf32>
          %get3A_722 = arith.index_cast %add3A_666 : i32 to index
          %get3A_723 = arith.constant 112 : index
          %get3A_724 = tpu.vector_load %arg9[%get3A_722, %get3A_723] {strides = array<i32>} : memref<128x128xf32, #tpu.memory_space<vmem>>, vector<16xf32>,
          %get3A_725 = arith.index_cast %add3A_666 : i32 to index
          %get3A_726 = arith.constant 112 : index
          %get3A_727 = tpu.vector_load %arg10[%get3A_725, %get3A_726] {strides = array<i32>} : memref<128x128xf32, #tpu.memory_space<vmem>>, vector<16xf32>,
          %mul3A_728 = arith.mulf %get3A_724, %get3A_727 : vector<16xf32>
          %add3A_729 = arith.addf %add3A_721, %mul3A_728 : vector<16xf32>
          %broadcast_in_dim3A_730 = arith.constant 8 : i32
          %broadcast_in_dim3A_731 = vector.broadcast %broadcast_in_dim3A_730 : i32 to vector<16xi32>
          tpu.vector_store_idx %arg11[%iota3A, %broadcast_in_dim3A_731], %add3A_729 : memref<16x16xf32, #tpu.memory_space<vmem>>[vector<16xi32>, vector<16xi32>], vector<16xf32>,
          %add3A_732 = arith.constant 9 : i32
          %add3A_733 = arith.addi %mul3A_130, %add3A_732 : i32
          %get3A_734 = arith.index_cast %add3A_733 : i32 to index
          %get3A_735 = arith.constant 0 : index
          %get3A_736 = tpu.vector_load %arg9[%get3A_734, %get3A_735] {strides = array<i32>} : memref<128x128xf32, #tpu.memory_space<vmem>>, vector<16xf32>,
          %get3A_737 = arith.index_cast %add3A_733 : i32 to index
          %get3A_738 = arith.constant 0 : index
          %get3A_739 = tpu.vector_load %arg10[%get3A_737, %get3A_738] {strides = array<i32>} : memref<128x128xf32, #tpu.memory_space<vmem>>, vector<16xf32>,
          %mul3A_740 = arith.mulf %get3A_736, %get3A_739 : vector<16xf32>
          %get3A_741 = arith.index_cast %add3A_733 : i32 to index
          %get3A_742 = arith.constant 16 : index
          %get3A_743 = tpu.vector_load %arg9[%get3A_741, %get3A_742] {strides = array<i32>} : memref<128x128xf32, #tpu.memory_space<vmem>>, vector<16xf32>,
          %get3A_744 = arith.index_cast %add3A_733 : i32 to index
          %get3A_745 = arith.constant 16 : index
          %get3A_746 = tpu.vector_load %arg10[%get3A_744, %get3A_745] {strides = array<i32>} : memref<128x128xf32, #tpu.memory_space<vmem>>, vector<16xf32>,
          %mul3A_747 = arith.mulf %get3A_743, %get3A_746 : vector<16xf32>
          %add3A_748 = arith.addf %mul3A_740, %mul3A_747 : vector<16xf32>
          %get3A_749 = arith.index_cast %add3A_733 : i32 to index
          %get3A_750 = arith.constant 32 : index
          %get3A_751 = tpu.vector_load %arg9[%get3A_749, %get3A_750] {strides = array<i32>} : memref<128x128xf32, #tpu.memory_space<vmem>>, vector<16xf32>,
          %get3A_752 = arith.index_cast %add3A_733 : i32 to index
          %get3A_753 = arith.constant 32 : index
          %get3A_754 = tpu.vector_load %arg10[%get3A_752, %get3A_753] {strides = array<i32>} : memref<128x128xf32, #tpu.memory_space<vmem>>, vector<16xf32>,
          %mul3A_755 = arith.mulf %get3A_751, %get3A_754 : vector<16xf32>
          %add3A_756 = arith.addf %add3A_748, %mul3A_755 : vector<16xf32>
          %get3A_757 = arith.index_cast %add3A_733 : i32 to index
          %get3A_758 = arith.constant 48 : index
          %get3A_759 = tpu.vector_load %arg9[%get3A_757, %get3A_758] {strides = array<i32>} : memref<128x128xf32, #tpu.memory_space<vmem>>, vector<16xf32>,
          %get3A_760 = arith.index_cast %add3A_733 : i32 to index
          %get3A_761 = arith.constant 48 : index
          %get3A_762 = tpu.vector_load %arg10[%get3A_760, %get3A_761] {strides = array<i32>} : memref<128x128xf32, #tpu.memory_space<vmem>>, vector<16xf32>,
          %mul3A_763 = arith.mulf %get3A_759, %get3A_762 : vector<16xf32>
          %add3A_764 = arith.addf %add3A_756, %mul3A_763 : vector<16xf32>
          %get3A_765 = arith.index_cast %add3A_733 : i32 to index
          %get3A_766 = arith.constant 64 : index
          %get3A_767 = tpu.vector_load %arg9[%get3A_765, %get3A_766] {strides = array<i32>} : memref<128x128xf32, #tpu.memory_space<vmem>>, vector<16xf32>,
          %get3A_768 = arith.index_cast %add3A_733 : i32 to index
          %get3A_769 = arith.constant 64 : index
          %get3A_770 = tpu.vector_load %arg10[%get3A_768, %get3A_769] {strides = array<i32>} : memref<128x128xf32, #tpu.memory_space<vmem>>, vector<16xf32>,
          %mul3A_771 = arith.mulf %get3A_767, %get3A_770 : vector<16xf32>
          %add3A_772 = arith.addf %add3A_764, %mul3A_771 : vector<16xf32>
          %get3A_773 = arith.index_cast %add3A_733 : i32 to index
          %get3A_774 = arith.constant 80 : index
          %get3A_775 = tpu.vector_load %arg9[%get3A_773, %get3A_774] {strides = array<i32>} : memref<128x128xf32, #tpu.memory_space<vmem>>, vector<16xf32>,
          %get3A_776 = arith.index_cast %add3A_733 : i32 to index
          %get3A_777 = arith.constant 80 : index
          %get3A_778 = tpu.vector_load %arg10[%get3A_776, %get3A_777] {strides = array<i32>} : memref<128x128xf32, #tpu.memory_space<vmem>>, vector<16xf32>,
          %mul3A_779 = arith.mulf %get3A_775, %get3A_778 : vector<16xf32>
          %add3A_780 = arith.addf %add3A_772, %mul3A_779 : vector<16xf32>
          %get3A_781 = arith.index_cast %add3A_733 : i32 to index
          %get3A_782 = arith.constant 96 : index
          %get3A_783 = tpu.vector_load %arg9[%get3A_781, %get3A_782] {strides = array<i32>} : memref<128x128xf32, #tpu.memory_space<vmem>>, vector<16xf32>,
          %get3A_784 = arith.index_cast %add3A_733 : i32 to index
          %get3A_785 = arith.constant 96 : index
          %get3A_786 = tpu.vector_load %arg10[%get3A_784, %get3A_785] {strides = array<i32>} : memref<128x128xf32, #tpu.memory_space<vmem>>, vector<16xf32>,
          %mul3A_787 = arith.mulf %get3A_783, %get3A_786 : vector<16xf32>
          %add3A_788 = arith.addf %add3A_780, %mul3A_787 : vector<16xf32>
          %get3A_789 = arith.index_cast %add3A_733 : i32 to index
          %get3A_790 = arith.constant 112 : index
          %get3A_791 = tpu.vector_load %arg9[%get3A_789, %get3A_790] {strides = array<i32>} : memref<128x128xf32, #tpu.memory_space<vmem>>, vector<16xf32>,
          %get3A_792 = arith.index_cast %add3A_733 : i32 to index
          %get3A_793 = arith.constant 112 : index
          %get3A_794 = tpu.vector_load %arg10[%get3A_792, %get3A_793] {strides = array<i32>} : memref<128x128xf32, #tpu.memory_space<vmem>>, vector<16xf32>,
          %mul3A_795 = arith.mulf %get3A_791, %get3A_794 : vector<16xf32>
          %add3A_796 = arith.addf %add3A_788, %mul3A_795 : vector<16xf32>
          %broadcast_in_dim3A_797 = arith.constant 9 : i32
          %broadcast_in_dim3A_798 = vector.broadcast %broadcast_in_dim3A_797 : i32 to vector<16xi32>
          tpu.vector_store_idx %arg11[%iota3A, %broadcast_in_dim3A_798], %add3A_796 : memref<16x16xf32, #tpu.memory_space<vmem>>[vector<16xi32>, vector<16xi32>], vector<16xf32>,
          %add3A_799 = arith.constant 10 : i32
          %add3A_800 = arith.addi %mul3A_130, %add3A_799 : i32
          %get3A_801 = arith.index_cast %add3A_800 : i32 to index
          %get3A_802 = arith.constant 0 : index
          %get3A_803 = tpu.vector_load %arg9[%get3A_801, %get3A_802] {strides = array<i32>} : memref<128x128xf32, #tpu.memory_space<vmem>>, vector<16xf32>,
          %get3A_804 = arith.index_cast %add3A_800 : i32 to index
          %get3A_805 = arith.constant 0 : index
          %get3A_806 = tpu.vector_load %arg10[%get3A_804, %get3A_805] {strides = array<i32>} : memref<128x128xf32, #tpu.memory_space<vmem>>, vector<16xf32>,
          %mul3A_807 = arith.mulf %get3A_803, %get3A_806 : vector<16xf32>
          %get3A_808 = arith.index_cast %add3A_800 : i32 to index
          %get3A_809 = arith.constant 16 : index
          %get3A_810 = tpu.vector_load %arg9[%get3A_808, %get3A_809] {strides = array<i32>} : memref<128x128xf32, #tpu.memory_space<vmem>>, vector<16xf32>,
          %get3A_811 = arith.index_cast %add3A_800 : i32 to index
          %get3A_812 = arith.constant 16 : index
          %get3A_813 = tpu.vector_load %arg10[%get3A_811, %get3A_812] {strides = array<i32>} : memref<128x128xf32, #tpu.memory_space<vmem>>, vector<16xf32>,
          %mul3A_814 = arith.mulf %get3A_810, %get3A_813 : vector<16xf32>
          %add3A_815 = arith.addf %mul3A_807, %mul3A_814 : vector<16xf32>
          %get3A_816 = arith.index_cast %add3A_800 : i32 to index
          %get3A_817 = arith.constant 32 : index
          %get3A_818 = tpu.vector_load %arg9[%get3A_816, %get3A_817] {strides = array<i32>} : memref<128x128xf32, #tpu.memory_space<vmem>>, vector<16xf32>,
          %get3A_819 = arith.index_cast %add3A_800 : i32 to index
          %get3A_820 = arith.constant 32 : index
          %get3A_821 = tpu.vector_load %arg10[%get3A_819, %get3A_820] {strides = array<i32>} : memref<128x128xf32, #tpu.memory_space<vmem>>, vector<16xf32>,
          %mul3A_822 = arith.mulf %get3A_818, %get3A_821 : vector<16xf32>
          %add3A_823 = arith.addf %add3A_815, %mul3A_822 : vector<16xf32>
          %get3A_824 = arith.index_cast %add3A_800 : i32 to index
          %get3A_825 = arith.constant 48 : index
          %get3A_826 = tpu.vector_load %arg9[%get3A_824, %get3A_825] {strides = array<i32>} : memref<128x128xf32, #tpu.memory_space<vmem>>, vector<16xf32>,
          %get3A_827 = arith.index_cast %add3A_800 : i32 to index
          %get3A_828 = arith.constant 48 : index
          %get3A_829 = tpu.vector_load %arg10[%get3A_827, %get3A_828] {strides = array<i32>} : memref<128x128xf32, #tpu.memory_space<vmem>>, vector<16xf32>,
          %mul3A_830 = arith.mulf %get3A_826, %get3A_829 : vector<16xf32>
          %add3A_831 = arith.addf %add3A_823, %mul3A_830 : vector<16xf32>
          %get3A_832 = arith.index_cast %add3A_800 : i32 to index
          %get3A_833 = arith.constant 64 : index
          %get3A_834 = tpu.vector_load %arg9[%get3A_832, %get3A_833] {strides = array<i32>} : memref<128x128xf32, #tpu.memory_space<vmem>>, vector<16xf32>,
          %get3A_835 = arith.index_cast %add3A_800 : i32 to index
          %get3A_836 = arith.constant 64 : index
          %get3A_837 = tpu.vector_load %arg10[%get3A_835, %get3A_836] {strides = array<i32>} : memref<128x128xf32, #tpu.memory_space<vmem>>, vector<16xf32>,
          %mul3A_838 = arith.mulf %get3A_834, %get3A_837 : vector<16xf32>
          %add3A_839 = arith.addf %add3A_831, %mul3A_838 : vector<16xf32>
          %get3A_840 = arith.index_cast %add3A_800 : i32 to index
          %get3A_841 = arith.constant 80 : index
          %get3A_842 = tpu.vector_load %arg9[%get3A_840, %get3A_841] {strides = array<i32>} : memref<128x128xf32, #tpu.memory_space<vmem>>, vector<16xf32>,
          %get3A_843 = arith.index_cast %add3A_800 : i32 to index
          %get3A_844 = arith.constant 80 : index
          %get3A_845 = tpu.vector_load %arg10[%get3A_843, %get3A_844] {strides = array<i32>} : memref<128x128xf32, #tpu.memory_space<vmem>>, vector<16xf32>,
          %mul3A_846 = arith.mulf %get3A_842, %get3A_845 : vector<16xf32>
          %add3A_847 = arith.addf %add3A_839, %mul3A_846 : vector<16xf32>
          %get3A_848 = arith.index_cast %add3A_800 : i32 to index
          %get3A_849 = arith.constant 96 : index
          %get3A_850 = tpu.vector_load %arg9[%get3A_848, %get3A_849] {strides = array<i32>} : memref<128x128xf32, #tpu.memory_space<vmem>>, vector<16xf32>,
          %get3A_851 = arith.index_cast %add3A_800 : i32 to index
          %get3A_852 = arith.constant 96 : index
          %get3A_853 = tpu.vector_load %arg10[%get3A_851, %get3A_852] {strides = array<i32>} : memref<128x128xf32, #tpu.memory_space<vmem>>, vector<16xf32>,
          %mul3A_854 = arith.mulf %get3A_850, %get3A_853 : vector<16xf32>
          %add3A_855 = arith.addf %add3A_847, %mul3A_854 : vector<16xf32>
          %get3A_856 = arith.index_cast %add3A_800 : i32 to index
          %get3A_857 = arith.constant 112 : index
          %get3A_858 = tpu.vector_load %arg9[%get3A_856, %get3A_857] {strides = array<i32>} : memref<128x128xf32, #tpu.memory_space<vmem>>, vector<16xf32>,
          %get3A_859 = arith.index_cast %add3A_800 : i32 to index
          %get3A_860 = arith.constant 112 : index
          %get3A_861 = tpu.vector_load %arg10[%get3A_859, %get3A_860] {strides = array<i32>} : memref<128x128xf32, #tpu.memory_space<vmem>>, vector<16xf32>,
          %mul3A_862 = arith.mulf %get3A_858, %get3A_861 : vector<16xf32>
          %add3A_863 = arith.addf %add3A_855, %mul3A_862 : vector<16xf32>
          %broadcast_in_dim3A_864 = arith.constant 10 : i32
          %broadcast_in_dim3A_865 = vector.broadcast %broadcast_in_dim3A_864 : i32 to vector<16xi32>
          tpu.vector_store_idx %arg11[%iota3A, %broadcast_in_dim3A_865], %add3A_863 : memref<16x16xf32, #tpu.memory_space<vmem>>[vector<16xi32>, vector<16xi32>], vector<16xf32>,
          %add3A_866 = arith.constant 11 : i32
          %add3A_867 = arith.addi %mul3A_130, %add3A_866 : i32
          %get3A_868 = arith.index_cast %add3A_867 : i32 to index
          %get3A_869 = arith.constant 0 : index
          %get3A_870 = tpu.vector_load %arg9[%get3A_868, %get3A_869] {strides = array<i32>} : memref<128x128xf32, #tpu.memory_space<vmem>>, vector<16xf32>,
          %get3A_871 = arith.index_cast %add3A_867 : i32 to index
          %get3A_872 = arith.constant 0 : index
          %get3A_873 = tpu.vector_load %arg10[%get3A_871, %get3A_872] {strides = array<i32>} : memref<128x128xf32, #tpu.memory_space<vmem>>, vector<16xf32>,
          %mul3A_874 = arith.mulf %get3A_870, %get3A_873 : vector<16xf32>
          %get3A_875 = arith.index_cast %add3A_867 : i32 to index
          %get3A_876 = arith.constant 16 : index
          %get3A_877 = tpu.vector_load %arg9[%get3A_875, %get3A_876] {strides = array<i32>} : memref<128x128xf32, #tpu.memory_space<vmem>>, vector<16xf32>,
          %get3A_878 = arith.index_cast %add3A_867 : i32 to index
          %get3A_879 = arith.constant 16 : index
          %get3A_880 = tpu.vector_load %arg10[%get3A_878, %get3A_879] {strides = array<i32>} : memref<128x128xf32, #tpu.memory_space<vmem>>, vector<16xf32>,
          %mul3A_881 = arith.mulf %get3A_877, %get3A_880 : vector<16xf32>
          %add3A_882 = arith.addf %mul3A_874, %mul3A_881 : vector<16xf32>
          %get3A_883 = arith.index_cast %add3A_867 : i32 to index
          %get3A_884 = arith.constant 32 : index
          %get3A_885 = tpu.vector_load %arg9[%get3A_883, %get3A_884] {strides = array<i32>} : memref<128x128xf32, #tpu.memory_space<vmem>>, vector<16xf32>,
          %get3A_886 = arith.index_cast %add3A_867 : i32 to index
          %get3A_887 = arith.constant 32 : index
          %get3A_888 = tpu.vector_load %arg10[%get3A_886, %get3A_887] {strides = array<i32>} : memref<128x128xf32, #tpu.memory_space<vmem>>, vector<16xf32>,
          %mul3A_889 = arith.mulf %get3A_885, %get3A_888 : vector<16xf32>
          %add3A_890 = arith.addf %add3A_882, %mul3A_889 : vector<16xf32>
          %get3A_891 = arith.index_cast %add3A_867 : i32 to index
          %get3A_892 = arith.constant 48 : index
          %get3A_893 = tpu.vector_load %arg9[%get3A_891, %get3A_892] {strides = array<i32>} : memref<128x128xf32, #tpu.memory_space<vmem>>, vector<16xf32>,
          %get3A_894 = arith.index_cast %add3A_867 : i32 to index
          %get3A_895 = arith.constant 48 : index
          %get3A_896 = tpu.vector_load %arg10[%get3A_894, %get3A_895] {strides = array<i32>} : memref<128x128xf32, #tpu.memory_space<vmem>>, vector<16xf32>,
          %mul3A_897 = arith.mulf %get3A_893, %get3A_896 : vector<16xf32>
          %add3A_898 = arith.addf %add3A_890, %mul3A_897 : vector<16xf32>
          %get3A_899 = arith.index_cast %add3A_867 : i32 to index
          %get3A_900 = arith.constant 64 : index
          %get3A_901 = tpu.vector_load %arg9[%get3A_899, %get3A_900] {strides = array<i32>} : memref<128x128xf32, #tpu.memory_space<vmem>>, vector<16xf32>,
          %get3A_902 = arith.index_cast %add3A_867 : i32 to index
          %get3A_903 = arith.constant 64 : index
          %get3A_904 = tpu.vector_load %arg10[%get3A_902, %get3A_903] {strides = array<i32>} : memref<128x128xf32, #tpu.memory_space<vmem>>, vector<16xf32>,
          %mul3A_905 = arith.mulf %get3A_901, %get3A_904 : vector<16xf32>
          %add3A_906 = arith.addf %add3A_898, %mul3A_905 : vector<16xf32>
          %get3A_907 = arith.index_cast %add3A_867 : i32 to index
          %get3A_908 = arith.constant 80 : index
          %get3A_909 = tpu.vector_load %arg9[%get3A_907, %get3A_908] {strides = array<i32>} : memref<128x128xf32, #tpu.memory_space<vmem>>, vector<16xf32>,
          %get3A_910 = arith.index_cast %add3A_867 : i32 to index
          %get3A_911 = arith.constant 80 : index
          %get3A_912 = tpu.vector_load %arg10[%get3A_910, %get3A_911] {strides = array<i32>} : memref<128x128xf32, #tpu.memory_space<vmem>>, vector<16xf32>,
          %mul3A_913 = arith.mulf %get3A_909, %get3A_912 : vector<16xf32>
          %add3A_914 = arith.addf %add3A_906, %mul3A_913 : vector<16xf32>
          %get3A_915 = arith.index_cast %add3A_867 : i32 to index
          %get3A_916 = arith.constant 96 : index
          %get3A_917 = tpu.vector_load %arg9[%get3A_915, %get3A_916] {strides = array<i32>} : memref<128x128xf32, #tpu.memory_space<vmem>>, vector<16xf32>,
          %get3A_918 = arith.index_cast %add3A_867 : i32 to index
          %get3A_919 = arith.constant 96 : index
          %get3A_920 = tpu.vector_load %arg10[%get3A_918, %get3A_919] {strides = array<i32>} : memref<128x128xf32, #tpu.memory_space<vmem>>, vector<16xf32>,
          %mul3A_921 = arith.mulf %get3A_917, %get3A_920 : vector<16xf32>
          %add3A_922 = arith.addf %add3A_914, %mul3A_921 : vector<16xf32>
          %get3A_923 = arith.index_cast %add3A_867 : i32 to index
          %get3A_924 = arith.constant 112 : index
          %get3A_925 = tpu.vector_load %arg9[%get3A_923, %get3A_924] {strides = array<i32>} : memref<128x128xf32, #tpu.memory_space<vmem>>, vector<16xf32>,
          %get3A_926 = arith.index_cast %add3A_867 : i32 to index
          %get3A_927 = arith.constant 112 : index
          %get3A_928 = tpu.vector_load %arg10[%get3A_926, %get3A_927] {strides = array<i32>} : memref<128x128xf32, #tpu.memory_space<vmem>>, vector<16xf32>,
          %mul3A_929 = arith.mulf %get3A_925, %get3A_928 : vector<16xf32>
          %add3A_930 = arith.addf %add3A_922, %mul3A_929 : vector<16xf32>
          %broadcast_in_dim3A_931 = arith.constant 11 : i32
          %broadcast_in_dim3A_932 = vector.broadcast %broadcast_in_dim3A_931 : i32 to vector<16xi32>
          tpu.vector_store_idx %arg11[%iota3A, %broadcast_in_dim3A_932], %add3A_930 : memref<16x16xf32, #tpu.memory_space<vmem>>[vector<16xi32>, vector<16xi32>], vector<16xf32>,
          %add3A_933 = arith.constant 12 : i32
          %add3A_934 = arith.addi %mul3A_130, %add3A_933 : i32
          %get3A_935 = arith.index_cast %add3A_934 : i32 to index
          %get3A_936 = arith.constant 0 : index
          %get3A_937 = tpu.vector_load %arg9[%get3A_935, %get3A_936] {strides = array<i32>} : memref<128x128xf32, #tpu.memory_space<vmem>>, vector<16xf32>,
          %get3A_938 = arith.index_cast %add3A_934 : i32 to index
          %get3A_939 = arith.constant 0 : index
          %get3A_940 = tpu.vector_load %arg10[%get3A_938, %get3A_939] {strides = array<i32>} : memref<128x128xf32, #tpu.memory_space<vmem>>, vector<16xf32>,
          %mul3A_941 = arith.mulf %get3A_937, %get3A_940 : vector<16xf32>
          %get3A_942 = arith.index_cast %add3A_934 : i32 to index
          %get3A_943 = arith.constant 16 : index
          %get3A_944 = tpu.vector_load %arg9[%get3A_942, %get3A_943] {strides = array<i32>} : memref<128x128xf32, #tpu.memory_space<vmem>>, vector<16xf32>,
          %get3A_945 = arith.index_cast %add3A_934 : i32 to index
          %get3A_946 = arith.constant 16 : index
          %get3A_947 = tpu.vector_load %arg10[%get3A_945, %get3A_946] {strides = array<i32>} : memref<128x128xf32, #tpu.memory_space<vmem>>, vector<16xf32>,
          %mul3A_948 = arith.mulf %get3A_944, %get3A_947 : vector<16xf32>
          %add3A_949 = arith.addf %mul3A_941, %mul3A_948 : vector<16xf32>
          %get3A_950 = arith.index_cast %add3A_934 : i32 to index
          %get3A_951 = arith.constant 32 : index
          %get3A_952 = tpu.vector_load %arg9[%get3A_950, %get3A_951] {strides = array<i32>} : memref<128x128xf32, #tpu.memory_space<vmem>>, vector<16xf32>,
          %get3A_953 = arith.index_cast %add3A_934 : i32 to index
          %get3A_954 = arith.constant 32 : index
          %get3A_955 = tpu.vector_load %arg10[%get3A_953, %get3A_954] {strides = array<i32>} : memref<128x128xf32, #tpu.memory_space<vmem>>, vector<16xf32>,
          %mul3A_956 = arith.mulf %get3A_952, %get3A_955 : vector<16xf32>
          %add3A_957 = arith.addf %add3A_949, %mul3A_956 : vector<16xf32>
          %get3A_958 = arith.index_cast %add3A_934 : i32 to index
          %get3A_959 = arith.constant 48 : index
          %get3A_960 = tpu.vector_load %arg9[%get3A_958, %get3A_959] {strides = array<i32>} : memref<128x128xf32, #tpu.memory_space<vmem>>, vector<16xf32>,
          %get3A_961 = arith.index_cast %add3A_934 : i32 to index
          %get3A_962 = arith.constant 48 : index
          %get3A_963 = tpu.vector_load %arg10[%get3A_961, %get3A_962] {strides = array<i32>} : memref<128x128xf32, #tpu.memory_space<vmem>>, vector<16xf32>,
          %mul3A_964 = arith.mulf %get3A_960, %get3A_963 : vector<16xf32>
          %add3A_965 = arith.addf %add3A_957, %mul3A_964 : vector<16xf32>
          %get3A_966 = arith.index_cast %add3A_934 : i32 to index
          %get3A_967 = arith.constant 64 : index
          %get3A_968 = tpu.vector_load %arg9[%get3A_966, %get3A_967] {strides = array<i32>} : memref<128x128xf32, #tpu.memory_space<vmem>>, vector<16xf32>,
          %get3A_969 = arith.index_cast %add3A_934 : i32 to index
          %get3A_970 = arith.constant 64 : index
          %get3A_971 = tpu.vector_load %arg10[%get3A_969, %get3A_970] {strides = array<i32>} : memref<128x128xf32, #tpu.memory_space<vmem>>, vector<16xf32>,
          %mul3A_972 = arith.mulf %get3A_968, %get3A_971 : vector<16xf32>
          %add3A_973 = arith.addf %add3A_965, %mul3A_972 : vector<16xf32>
          %get3A_974 = arith.index_cast %add3A_934 : i32 to index
          %get3A_975 = arith.constant 80 : index
          %get3A_976 = tpu.vector_load %arg9[%get3A_974, %get3A_975] {strides = array<i32>} : memref<128x128xf32, #tpu.memory_space<vmem>>, vector<16xf32>,
          %get3A_977 = arith.index_cast %add3A_934 : i32 to index
          %get3A_978 = arith.constant 80 : index
          %get3A_979 = tpu.vector_load %arg10[%get3A_977, %get3A_978] {strides = array<i32>} : memref<128x128xf32, #tpu.memory_space<vmem>>, vector<16xf32>,
          %mul3A_980 = arith.mulf %get3A_976, %get3A_979 : vector<16xf32>
          %add3A_981 = arith.addf %add3A_973, %mul3A_980 : vector<16xf32>
          %get3A_982 = arith.index_cast %add3A_934 : i32 to index
          %get3A_983 = arith.constant 96 : index
          %get3A_984 = tpu.vector_load %arg9[%get3A_982, %get3A_983] {strides = array<i32>} : memref<128x128xf32, #tpu.memory_space<vmem>>, vector<16xf32>,
          %get3A_985 = arith.index_cast %add3A_934 : i32 to index
          %get3A_986 = arith.constant 96 : index
          %get3A_987 = tpu.vector_load %arg10[%get3A_985, %get3A_986] {strides = array<i32>} : memref<128x128xf32, #tpu.memory_space<vmem>>, vector<16xf32>,
          %mul3A_988 = arith.mulf %get3A_984, %get3A_987 : vector<16xf32>
          %add3A_989 = arith.addf %add3A_981, %mul3A_988 : vector<16xf32>
          %get3A_990 = arith.index_cast %add3A_934 : i32 to index
          %get3A_991 = arith.constant 112 : index
          %get3A_992 = tpu.vector_load %arg9[%get3A_990, %get3A_991] {strides = array<i32>} : memref<128x128xf32, #tpu.memory_space<vmem>>, vector<16xf32>,
          %get3A_993 = arith.index_cast %add3A_934 : i32 to index
          %get3A_994 = arith.constant 112 : index
          %get3A_995 = tpu.vector_load %arg10[%get3A_993, %get3A_994] {strides = array<i32>} : memref<128x128xf32, #tpu.memory_space<vmem>>, vector<16xf32>,
          %mul3A_996 = arith.mulf %get3A_992, %get3A_995 : vector<16xf32>
          %add3A_997 = arith.addf %add3A_989, %mul3A_996 : vector<16xf32>
          %broadcast_in_dim3A_998 = arith.constant 12 : i32
          %broadcast_in_dim3A_999 = vector.broadcast %broadcast_in_dim3A_998 : i32 to vector<16xi32>
          tpu.vector_store_idx %arg11[%iota3A, %broadcast_in_dim3A_999], %add3A_997 : memref<16x16xf32, #tpu.memory_space<vmem>>[vector<16xi32>, vector<16xi32>], vector<16xf32>,
          %add3A_1000 = arith.constant 13 : i32
          %add3A_1001 = arith.addi %mul3A_130, %add3A_1000 : i32
          %get3A_1002 = arith.index_cast %add3A_1001 : i32 to index
          %get3A_1003 = arith.constant 0 : index
          %get3A_1004 = tpu.vector_load %arg9[%get3A_1002, %get3A_1003] {strides = array<i32>} : memref<128x128xf32, #tpu.memory_space<vmem>>, vector<16xf32>,
          %get3A_1005 = arith.index_cast %add3A_1001 : i32 to index
          %get3A_1006 = arith.constant 0 : index
          %get3A_1007 = tpu.vector_load %arg10[%get3A_1005, %get3A_1006] {strides = array<i32>} : memref<128x128xf32, #tpu.memory_space<vmem>>, vector<16xf32>,
          %mul3A_1008 = arith.mulf %get3A_1004, %get3A_1007 : vector<16xf32>
          %get3A_1009 = arith.index_cast %add3A_1001 : i32 to index
          %get3A_1010 = arith.constant 16 : index
          %get3A_1011 = tpu.vector_load %arg9[%get3A_1009, %get3A_1010] {strides = array<i32>} : memref<128x128xf32, #tpu.memory_space<vmem>>, vector<16xf32>,
          %get3A_1012 = arith.index_cast %add3A_1001 : i32 to index
          %get3A_1013 = arith.constant 16 : index
          %get3A_1014 = tpu.vector_load %arg10[%get3A_1012, %get3A_1013] {strides = array<i32>} : memref<128x128xf32, #tpu.memory_space<vmem>>, vector<16xf32>,
          %mul3A_1015 = arith.mulf %get3A_1011, %get3A_1014 : vector<16xf32>
          %add3A_1016 = arith.addf %mul3A_1008, %mul3A_1015 : vector<16xf32>
          %get3A_1017 = arith.index_cast %add3A_1001 : i32 to index
          %get3A_1018 = arith.constant 32 : index
          %get3A_1019 = tpu.vector_load %arg9[%get3A_1017, %get3A_1018] {strides = array<i32>} : memref<128x128xf32, #tpu.memory_space<vmem>>, vector<16xf32>,
          %get3A_1020 = arith.index_cast %add3A_1001 : i32 to index
          %get3A_1021 = arith.constant 32 : index
          %get3A_1022 = tpu.vector_load %arg10[%get3A_1020, %get3A_1021] {strides = array<i32>} : memref<128x128xf32, #tpu.memory_space<vmem>>, vector<16xf32>,
          %mul3A_1023 = arith.mulf %get3A_1019, %get3A_1022 : vector<16xf32>
          %add3A_1024 = arith.addf %add3A_1016, %mul3A_1023 : vector<16xf32>
          %get3A_1025 = arith.index_cast %add3A_1001 : i32 to index
          %get3A_1026 = arith.constant 48 : index
          %get3A_1027 = tpu.vector_load %arg9[%get3A_1025, %get3A_1026] {strides = array<i32>} : memref<128x128xf32, #tpu.memory_space<vmem>>, vector<16xf32>,
          %get3A_1028 = arith.index_cast %add3A_1001 : i32 to index
          %get3A_1029 = arith.constant 48 : index
          %get3A_1030 = tpu.vector_load %arg10[%get3A_1028, %get3A_1029] {strides = array<i32>} : memref<128x128xf32, #tpu.memory_space<vmem>>, vector<16xf32>,
          %mul3A_1031 = arith.mulf %get3A_1027, %get3A_1030 : vector<16xf32>
          %add3A_1032 = arith.addf %add3A_1024, %mul3A_1031 : vector<16xf32>
          %get3A_1033 = arith.index_cast %add3A_1001 : i32 to index
          %get3A_1034 = arith.constant 64 : index
          %get3A_1035 = tpu.vector_load %arg9[%get3A_1033, %get3A_1034] {strides = array<i32>} : memref<128x128xf32, #tpu.memory_space<vmem>>, vector<16xf32>,
          %get3A_1036 = arith.index_cast %add3A_1001 : i32 to index
          %get3A_1037 = arith.constant 64 : index
          %get3A_1038 = tpu.vector_load %arg10[%get3A_1036, %get3A_1037] {strides = array<i32>} : memref<128x128xf32, #tpu.memory_space<vmem>>, vector<16xf32>,
          %mul3A_1039 = arith.mulf %get3A_1035, %get3A_1038 : vector<16xf32>
          %add3A_1040 = arith.addf %add3A_1032, %mul3A_1039 : vector<16xf32>
          %get3A_1041 = arith.index_cast %add3A_1001 : i32 to index
          %get3A_1042 = arith.constant 80 : index
          %get3A_1043 = tpu.vector_load %arg9[%get3A_1041, %get3A_1042] {strides = array<i32>} : memref<128x128xf32, #tpu.memory_space<vmem>>, vector<16xf32>,
          %get3A_1044 = arith.index_cast %add3A_1001 : i32 to index
          %get3A_1045 = arith.constant 80 : index
          %get3A_1046 = tpu.vector_load %arg10[%get3A_1044, %get3A_1045] {strides = array<i32>} : memref<128x128xf32, #tpu.memory_space<vmem>>, vector<16xf32>,
          %mul3A_1047 = arith.mulf %get3A_1043, %get3A_1046 : vector<16xf32>
          %add3A_1048 = arith.addf %add3A_1040, %mul3A_1047 : vector<16xf32>
          %get3A_1049 = arith.index_cast %add3A_1001 : i32 to index
          %get3A_1050 = arith.constant 96 : index
          %get3A_1051 = tpu.vector_load %arg9[%get3A_1049, %get3A_1050] {strides = array<i32>} : memref<128x128xf32, #tpu.memory_space<vmem>>, vector<16xf32>,
          %get3A_1052 = arith.index_cast %add3A_1001 : i32 to index
          %get3A_1053 = arith.constant 96 : index
          %get3A_1054 = tpu.vector_load %arg10[%get3A_1052, %get3A_1053] {strides = array<i32>} : memref<128x128xf32, #tpu.memory_space<vmem>>, vector<16xf32>,
          %mul3A_1055 = arith.mulf %get3A_1051, %get3A_1054 : vector<16xf32>
          %add3A_1056 = arith.addf %add3A_1048, %mul3A_1055 : vector<16xf32>
          %get3A_1057 = arith.index_cast %add3A_1001 : i32 to index
          %get3A_1058 = arith.constant 112 : index
          %get3A_1059 = tpu.vector_load %arg9[%get3A_1057, %get3A_1058] {strides = array<i32>} : memref<128x128xf32, #tpu.memory_space<vmem>>, vector<16xf32>,
          %get3A_1060 = arith.index_cast %add3A_1001 : i32 to index
          %get3A_1061 = arith.constant 112 : index
          %get3A_1062 = tpu.vector_load %arg10[%get3A_1060, %get3A_1061] {strides = array<i32>} : memref<128x128xf32, #tpu.memory_space<vmem>>, vector<16xf32>,
          %mul3A_1063 = arith.mulf %get3A_1059, %get3A_1062 : vector<16xf32>
          %add3A_1064 = arith.addf %add3A_1056, %mul3A_1063 : vector<16xf32>
          %broadcast_in_dim3A_1065 = arith.constant 13 : i32
          %broadcast_in_dim3A_1066 = vector.broadcast %broadcast_in_dim3A_1065 : i32 to vector<16xi32>
          tpu.vector_store_idx %arg11[%iota3A, %broadcast_in_dim3A_1066], %add3A_1064 : memref<16x16xf32, #tpu.memory_space<vmem>>[vector<16xi32>, vector<16xi32>], vector<16xf32>,
          %add3A_1067 = arith.constant 14 : i32
          %add3A_1068 = arith.addi %mul3A_130, %add3A_1067 : i32
          %get3A_1069 = arith.index_cast %add3A_1068 : i32 to index
          %get3A_1070 = arith.constant 0 : index
          %get3A_1071 = tpu.vector_load %arg9[%get3A_1069, %get3A_1070] {strides = array<i32>} : memref<128x128xf32, #tpu.memory_space<vmem>>, vector<16xf32>,
          %get3A_1072 = arith.index_cast %add3A_1068 : i32 to index
          %get3A_1073 = arith.constant 0 : index
          %get3A_1074 = tpu.vector_load %arg10[%get3A_1072, %get3A_1073] {strides = array<i32>} : memref<128x128xf32, #tpu.memory_space<vmem>>, vector<16xf32>,
          %mul3A_1075 = arith.mulf %get3A_1071, %get3A_1074 : vector<16xf32>
          %get3A_1076 = arith.index_cast %add3A_1068 : i32 to index
          %get3A_1077 = arith.constant 16 : index
          %get3A_1078 = tpu.vector_load %arg9[%get3A_1076, %get3A_1077] {strides = array<i32>} : memref<128x128xf32, #tpu.memory_space<vmem>>, vector<16xf32>,
          %get3A_1079 = arith.index_cast %add3A_1068 : i32 to index
          %get3A_1080 = arith.constant 16 : index
          %get3A_1081 = tpu.vector_load %arg10[%get3A_1079, %get3A_1080] {strides = array<i32>} : memref<128x128xf32, #tpu.memory_space<vmem>>, vector<16xf32>,
          %mul3A_1082 = arith.mulf %get3A_1078, %get3A_1081 : vector<16xf32>
          %add3A_1083 = arith.addf %mul3A_1075, %mul3A_1082 : vector<16xf32>
          %get3A_1084 = arith.index_cast %add3A_1068 : i32 to index
          %get3A_1085 = arith.constant 32 : index
          %get3A_1086 = tpu.vector_load %arg9[%get3A_1084, %get3A_1085] {strides = array<i32>} : memref<128x128xf32, #tpu.memory_space<vmem>>, vector<16xf32>,
          %get3A_1087 = arith.index_cast %add3A_1068 : i32 to index
          %get3A_1088 = arith.constant 32 : index
          %get3A_1089 = tpu.vector_load %arg10[%get3A_1087, %get3A_1088] {strides = array<i32>} : memref<128x128xf32, #tpu.memory_space<vmem>>, vector<16xf32>,
          %mul3A_1090 = arith.mulf %get3A_1086, %get3A_1089 : vector<16xf32>
          %add3A_1091 = arith.addf %add3A_1083, %mul3A_1090 : vector<16xf32>
          %get3A_1092 = arith.index_cast %add3A_1068 : i32 to index
          %get3A_1093 = arith.constant 48 : index
          %get3A_1094 = tpu.vector_load %arg9[%get3A_1092, %get3A_1093] {strides = array<i32>} : memref<128x128xf32, #tpu.memory_space<vmem>>, vector<16xf32>,
          %get3A_1095 = arith.index_cast %add3A_1068 : i32 to index
          %get3A_1096 = arith.constant 48 : index
          %get3A_1097 = tpu.vector_load %arg10[%get3A_1095, %get3A_1096] {strides = array<i32>} : memref<128x128xf32, #tpu.memory_space<vmem>>, vector<16xf32>,
          %mul3A_1098 = arith.mulf %get3A_1094, %get3A_1097 : vector<16xf32>
          %add3A_1099 = arith.addf %add3A_1091, %mul3A_1098 : vector<16xf32>
          %get3A_1100 = arith.index_cast %add3A_1068 : i32 to index
          %get3A_1101 = arith.constant 64 : index
          %get3A_1102 = tpu.vector_load %arg9[%get3A_1100, %get3A_1101] {strides = array<i32>} : memref<128x128xf32, #tpu.memory_space<vmem>>, vector<16xf32>,
          %get3A_1103 = arith.index_cast %add3A_1068 : i32 to index
          %get3A_1104 = arith.constant 64 : index
          %get3A_1105 = tpu.vector_load %arg10[%get3A_1103, %get3A_1104] {strides = array<i32>} : memref<128x128xf32, #tpu.memory_space<vmem>>, vector<16xf32>,
          %mul3A_1106 = arith.mulf %get3A_1102, %get3A_1105 : vector<16xf32>
          %add3A_1107 = arith.addf %add3A_1099, %mul3A_1106 : vector<16xf32>
          %get3A_1108 = arith.index_cast %add3A_1068 : i32 to index
          %get3A_1109 = arith.constant 80 : index
          %get3A_1110 = tpu.vector_load %arg9[%get3A_1108, %get3A_1109] {strides = array<i32>} : memref<128x128xf32, #tpu.memory_space<vmem>>, vector<16xf32>,
          %get3A_1111 = arith.index_cast %add3A_1068 : i32 to index
          %get3A_1112 = arith.constant 80 : index
          %get3A_1113 = tpu.vector_load %arg10[%get3A_1111, %get3A_1112] {strides = array<i32>} : memref<128x128xf32, #tpu.memory_space<vmem>>, vector<16xf32>,
          %mul3A_1114 = arith.mulf %get3A_1110, %get3A_1113 : vector<16xf32>
          %add3A_1115 = arith.addf %add3A_1107, %mul3A_1114 : vector<16xf32>
          %get3A_1116 = arith.index_cast %add3A_1068 : i32 to index
          %get3A_1117 = arith.constant 96 : index
          %get3A_1118 = tpu.vector_load %arg9[%get3A_1116, %get3A_1117] {strides = array<i32>} : memref<128x128xf32, #tpu.memory_space<vmem>>, vector<16xf32>,
          %get3A_1119 = arith.index_cast %add3A_1068 : i32 to index
          %get3A_1120 = arith.constant 96 : index
          %get3A_1121 = tpu.vector_load %arg10[%get3A_1119, %get3A_1120] {strides = array<i32>} : memref<128x128xf32, #tpu.memory_space<vmem>>, vector<16xf32>,
          %mul3A_1122 = arith.mulf %get3A_1118, %get3A_1121 : vector<16xf32>
          %add3A_1123 = arith.addf %add3A_1115, %mul3A_1122 : vector<16xf32>
          %get3A_1124 = arith.index_cast %add3A_1068 : i32 to index
          %get3A_1125 = arith.constant 112 : index
          %get3A_1126 = tpu.vector_load %arg9[%get3A_1124, %get3A_1125] {strides = array<i32>} : memref<128x128xf32, #tpu.memory_space<vmem>>, vector<16xf32>,
          %get3A_1127 = arith.index_cast %add3A_1068 : i32 to index
          %get3A_1128 = arith.constant 112 : index
          %get3A_1129 = tpu.vector_load %arg10[%get3A_1127, %get3A_1128] {strides = array<i32>} : memref<128x128xf32, #tpu.memory_space<vmem>>, vector<16xf32>,
          %mul3A_1130 = arith.mulf %get3A_1126, %get3A_1129 : vector<16xf32>
          %add3A_1131 = arith.addf %add3A_1123, %mul3A_1130 : vector<16xf32>
          %broadcast_in_dim3A_1132 = arith.constant 14 : i32
          %broadcast_in_dim3A_1133 = vector.broadcast %broadcast_in_dim3A_1132 : i32 to vector<16xi32>
          tpu.vector_store_idx %arg11[%iota3A, %broadcast_in_dim3A_1133], %add3A_1131 : memref<16x16xf32, #tpu.memory_space<vmem>>[vector<16xi32>, vector<16xi32>], vector<16xf32>,
          %add3A_1134 = arith.constant 15 : i32
          %add3A_1135 = arith.addi %mul3A_130, %add3A_1134 : i32
          %get3A_1136 = arith.index_cast %add3A_1135 : i32 to index
          %get3A_1137 = arith.constant 0 : index
          %get3A_1138 = tpu.vector_load %arg9[%get3A_1136, %get3A_1137] {strides = array<i32>} : memref<128x128xf32, #tpu.memory_space<vmem>>, vector<16xf32>,
          %get3A_1139 = arith.index_cast %add3A_1135 : i32 to index
          %get3A_1140 = arith.constant 0 : index
          %get3A_1141 = tpu.vector_load %arg10[%get3A_1139, %get3A_1140] {strides = array<i32>} : memref<128x128xf32, #tpu.memory_space<vmem>>, vector<16xf32>,
          %mul3A_1142 = arith.mulf %get3A_1138, %get3A_1141 : vector<16xf32>
          %get3A_1143 = arith.index_cast %add3A_1135 : i32 to index
          %get3A_1144 = arith.constant 16 : index
          %get3A_1145 = tpu.vector_load %arg9[%get3A_1143, %get3A_1144] {strides = array<i32>} : memref<128x128xf32, #tpu.memory_space<vmem>>, vector<16xf32>,
          %get3A_1146 = arith.index_cast %add3A_1135 : i32 to index
          %get3A_1147 = arith.constant 16 : index
          %get3A_1148 = tpu.vector_load %arg10[%get3A_1146, %get3A_1147] {strides = array<i32>} : memref<128x128xf32, #tpu.memory_space<vmem>>, vector<16xf32>,
          %mul3A_1149 = arith.mulf %get3A_1145, %get3A_1148 : vector<16xf32>
          %add3A_1150 = arith.addf %mul3A_1142, %mul3A_1149 : vector<16xf32>
          %get3A_1151 = arith.index_cast %add3A_1135 : i32 to index
          %get3A_1152 = arith.constant 32 : index
          %get3A_1153 = tpu.vector_load %arg9[%get3A_1151, %get3A_1152] {strides = array<i32>} : memref<128x128xf32, #tpu.memory_space<vmem>>, vector<16xf32>,
          %get3A_1154 = arith.index_cast %add3A_1135 : i32 to index
          %get3A_1155 = arith.constant 32 : index
          %get3A_1156 = tpu.vector_load %arg10[%get3A_1154, %get3A_1155] {strides = array<i32>} : memref<128x128xf32, #tpu.memory_space<vmem>>, vector<16xf32>,
          %mul3A_1157 = arith.mulf %get3A_1153, %get3A_1156 : vector<16xf32>
          %add3A_1158 = arith.addf %add3A_1150, %mul3A_1157 : vector<16xf32>
          %get3A_1159 = arith.index_cast %add3A_1135 : i32 to index
          %get3A_1160 = arith.constant 48 : index
          %get3A_1161 = tpu.vector_load %arg9[%get3A_1159, %get3A_1160] {strides = array<i32>} : memref<128x128xf32, #tpu.memory_space<vmem>>, vector<16xf32>,
          %get3A_1162 = arith.index_cast %add3A_1135 : i32 to index
          %get3A_1163 = arith.constant 48 : index
          %get3A_1164 = tpu.vector_load %arg10[%get3A_1162, %get3A_1163] {strides = array<i32>} : memref<128x128xf32, #tpu.memory_space<vmem>>, vector<16xf32>,
          %mul3A_1165 = arith.mulf %get3A_1161, %get3A_1164 : vector<16xf32>
          %add3A_1166 = arith.addf %add3A_1158, %mul3A_1165 : vector<16xf32>
          %get3A_1167 = arith.index_cast %add3A_1135 : i32 to index
          %get3A_1168 = arith.constant 64 : index
          %get3A_1169 = tpu.vector_load %arg9[%get3A_1167, %get3A_1168] {strides = array<i32>} : memref<128x128xf32, #tpu.memory_space<vmem>>, vector<16xf32>,
          %get3A_1170 = arith.index_cast %add3A_1135 : i32 to index
          %get3A_1171 = arith.constant 64 : index
          %get3A_1172 = tpu.vector_load %arg10[%get3A_1170, %get3A_1171] {strides = array<i32>} : memref<128x128xf32, #tpu.memory_space<vmem>>, vector<16xf32>,
          %mul3A_1173 = arith.mulf %get3A_1169, %get3A_1172 : vector<16xf32>
          %add3A_1174 = arith.addf %add3A_1166, %mul3A_1173 : vector<16xf32>
          %get3A_1175 = arith.index_cast %add3A_1135 : i32 to index
          %get3A_1176 = arith.constant 80 : index
          %get3A_1177 = tpu.vector_load %arg9[%get3A_1175, %get3A_1176] {strides = array<i32>} : memref<128x128xf32, #tpu.memory_space<vmem>>, vector<16xf32>,
          %get3A_1178 = arith.index_cast %add3A_1135 : i32 to index
          %get3A_1179 = arith.constant 80 : index
          %get3A_1180 = tpu.vector_load %arg10[%get3A_1178, %get3A_1179] {strides = array<i32>} : memref<128x128xf32, #tpu.memory_space<vmem>>, vector<16xf32>,
          %mul3A_1181 = arith.mulf %get3A_1177, %get3A_1180 : vector<16xf32>
          %add3A_1182 = arith.addf %add3A_1174, %mul3A_1181 : vector<16xf32>
          %get3A_1183 = arith.index_cast %add3A_1135 : i32 to index
          %get3A_1184 = arith.constant 96 : index
          %get3A_1185 = tpu.vector_load %arg9[%get3A_1183, %get3A_1184] {strides = array<i32>} : memref<128x128xf32, #tpu.memory_space<vmem>>, vector<16xf32>,
          %get3A_1186 = arith.index_cast %add3A_1135 : i32 to index
          %get3A_1187 = arith.constant 96 : index
          %get3A_1188 = tpu.vector_load %arg10[%get3A_1186, %get3A_1187] {strides = array<i32>} : memref<128x128xf32, #tpu.memory_space<vmem>>, vector<16xf32>,
          %mul3A_1189 = arith.mulf %get3A_1185, %get3A_1188 : vector<16xf32>
          %add3A_1190 = arith.addf %add3A_1182, %mul3A_1189 : vector<16xf32>
          %get3A_1191 = arith.index_cast %add3A_1135 : i32 to index
          %get3A_1192 = arith.constant 112 : index
          %get3A_1193 = tpu.vector_load %arg9[%get3A_1191, %get3A_1192] {strides = array<i32>} : memref<128x128xf32, #tpu.memory_space<vmem>>, vector<16xf32>,
          %get3A_1194 = arith.index_cast %add3A_1135 : i32 to index
          %get3A_1195 = arith.constant 112 : index
          %get3A_1196 = tpu.vector_load %arg10[%get3A_1194, %get3A_1195] {strides = array<i32>} : memref<128x128xf32, #tpu.memory_space<vmem>>, vector<16xf32>,
          %mul3A_1197 = arith.mulf %get3A_1193, %get3A_1196 : vector<16xf32>
          %add3A_1198 = arith.addf %add3A_1190, %mul3A_1197 : vector<16xf32>
          %broadcast_in_dim3A_1199 = arith.constant 15 : i32
          %broadcast_in_dim3A_1200 = vector.broadcast %broadcast_in_dim3A_1199 : i32 to vector<16xi32>
          tpu.vector_store_idx %arg11[%iota3A, %broadcast_in_dim3A_1200], %add3A_1198 : memref<16x16xf32, #tpu.memory_space<vmem>>[vector<16xi32>, vector<16xi32>], vector<16xf32>,
          %get3A_1201 = arith.constant 0 : i32
          %get3A_1202 = arith.index_cast %get3A_1201 : i32 to index
          %get3A_1203 = arith.constant 0 : index
          %get3A_1204 = tpu.vector_load %arg11[%get3A_1202, %get3A_1203] {strides = array<i32>} : memref<16x16xf32, #tpu.memory_space<vmem>>, vector<16xf32>,
          %get3A_1205 = arith.constant 1 : i32
          %get3A_1206 = arith.index_cast %get3A_1205 : i32 to index
          %get3A_1207 = arith.constant 0 : index
          %get3A_1208 = tpu.vector_load %arg11[%get3A_1206, %get3A_1207] {strides = array<i32>} : memref<16x16xf32, #tpu.memory_space<vmem>>, vector<16xf32>,
          %add3A_1209 = arith.addf %get3A_1204, %get3A_1208 : vector<16xf32>
          %get3A_1210 = arith.constant 2 : i32
          %get3A_1211 = arith.index_cast %get3A_1210 : i32 to index
          %get3A_1212 = arith.constant 0 : index
          %get3A_1213 = tpu.vector_load %arg11[%get3A_1211, %get3A_1212] {strides = array<i32>} : memref<16x16xf32, #tpu.memory_space<vmem>>, vector<16xf32>,
          %add3A_1214 = arith.addf %add3A_1209, %get3A_1213 : vector<16xf32>
          %get3A_1215 = arith.constant 3 : i32
          %get3A_1216 = arith.index_cast %get3A_1215 : i32 to index
          %get3A_1217 = arith.constant 0 : index
          %get3A_1218 = tpu.vector_load %arg11[%get3A_1216, %get3A_1217] {strides = array<i32>} : memref<16x16xf32, #tpu.memory_space<vmem>>, vector<16xf32>,
          %add3A_1219 = arith.addf %add3A_1214, %get3A_1218 : vector<16xf32>
          %get3A_1220 = arith.constant 4 : i32
          %get3A_1221 = arith.index_cast %get3A_1220 : i32 to index
          %get3A_1222 = arith.constant 0 : index
          %get3A_1223 = tpu.vector_load %arg11[%get3A_1221, %get3A_1222] {strides = array<i32>} : memref<16x16xf32, #tpu.memory_space<vmem>>, vector<16xf32>,
          %add3A_1224 = arith.addf %add3A_1219, %get3A_1223 : vector<16xf32>
          %get3A_1225 = arith.constant 5 : i32
          %get3A_1226 = arith.index_cast %get3A_1225 : i32 to index
          %get3A_1227 = arith.constant 0 : index
          %get3A_1228 = tpu.vector_load %arg11[%get3A_1226, %get3A_1227] {strides = array<i32>} : memref<16x16xf32, #tpu.memory_space<vmem>>, vector<16xf32>,
          %add3A_1229 = arith.addf %add3A_1224, %get3A_1228 : vector<16xf32>
          %get3A_1230 = arith.constant 6 : i32
          %get3A_1231 = arith.index_cast %get3A_1230 : i32 to index
          %get3A_1232 = arith.constant 0 : index
          %get3A_1233 = tpu.vector_load %arg11[%get3A_1231, %get3A_1232] {strides = array<i32>} : memref<16x16xf32, #tpu.memory_space<vmem>>, vector<16xf32>,
          %add3A_1234 = arith.addf %add3A_1229, %get3A_1233 : vector<16xf32>
          %get3A_1235 = arith.constant 7 : i32
          %get3A_1236 = arith.index_cast %get3A_1235 : i32 to index
          %get3A_1237 = arith.constant 0 : index
          %get3A_1238 = tpu.vector_load %arg11[%get3A_1236, %get3A_1237] {strides = array<i32>} : memref<16x16xf32, #tpu.memory_space<vmem>>, vector<16xf32>,
          %add3A_1239 = arith.addf %add3A_1234, %get3A_1238 : vector<16xf32>
          %get3A_1240 = arith.constant 8 : i32
          %get3A_1241 = arith.index_cast %get3A_1240 : i32 to index
          %get3A_1242 = arith.constant 0 : index
          %get3A_1243 = tpu.vector_load %arg11[%get3A_1241, %get3A_1242] {strides = array<i32>} : memref<16x16xf32, #tpu.memory_space<vmem>>, vector<16xf32>,
          %add3A_1244 = arith.addf %add3A_1239, %get3A_1243 : vector<16xf32>
          %get3A_1245 = arith.constant 9 : i32
          %get3A_1246 = arith.index_cast %get3A_1245 : i32 to index
          %get3A_1247 = arith.constant 0 : index
          %get3A_1248 = tpu.vector_load %arg11[%get3A_1246, %get3A_1247] {strides = array<i32>} : memref<16x16xf32, #tpu.memory_space<vmem>>, vector<16xf32>,
          %add3A_1249 = arith.addf %add3A_1244, %get3A_1248 : vector<16xf32>
          %get3A_1250 = arith.constant 10 : i32
          %get3A_1251 = arith.index_cast %get3A_1250 : i32 to index
          %get3A_1252 = arith.constant 0 : index
          %get3A_1253 = tpu.vector_load %arg11[%get3A_1251, %get3A_1252] {strides = array<i32>} : memref<16x16xf32, #tpu.memory_space<vmem>>, vector<16xf32>,
          %add3A_1254 = arith.addf %add3A_1249, %get3A_1253 : vector<16xf32>
          %get3A_1255 = arith.constant 11 : i32
          %get3A_1256 = arith.index_cast %get3A_1255 : i32 to index
          %get3A_1257 = arith.constant 0 : index
          %get3A_1258 = tpu.vector_load %arg11[%get3A_1256, %get3A_1257] {strides = array<i32>} : memref<16x16xf32, #tpu.memory_space<vmem>>, vector<16xf32>,
          %add3A_1259 = arith.addf %add3A_1254, %get3A_1258 : vector<16xf32>
          %get3A_1260 = arith.constant 12 : i32
          %get3A_1261 = arith.index_cast %get3A_1260 : i32 to index
          %get3A_1262 = arith.constant 0 : index
          %get3A_1263 = tpu.vector_load %arg11[%get3A_1261, %get3A_1262] {strides = array<i32>} : memref<16x16xf32, #tpu.memory_space<vmem>>, vector<16xf32>,
          %add3A_1264 = arith.addf %add3A_1259, %get3A_1263 : vector<16xf32>
          %get3A_1265 = arith.constant 13 : i32
          %get3A_1266 = arith.index_cast %get3A_1265 : i32 to index
          %get3A_1267 = arith.constant 0 : index
          %get3A_1268 = tpu.vector_load %arg11[%get3A_1266, %get3A_1267] {strides = array<i32>} : memref<16x16xf32, #tpu.memory_space<vmem>>, vector<16xf32>,
          %add3A_1269 = arith.addf %add3A_1264, %get3A_1268 : vector<16xf32>
          %get3A_1270 = arith.constant 14 : i32
          %get3A_1271 = arith.index_cast %get3A_1270 : i32 to index
          %get3A_1272 = arith.constant 0 : index
          %get3A_1273 = tpu.vector_load %arg11[%get3A_1271, %get3A_1272] {strides = array<i32>} : memref<16x16xf32, #tpu.memory_space<vmem>>, vector<16xf32>,
          %add3A_1274 = arith.addf %add3A_1269, %get3A_1273 : vector<16xf32>
          %get3A_1275 = arith.constant 15 : i32
          %get3A_1276 = arith.index_cast %get3A_1275 : i32 to index
          %get3A_1277 = arith.constant 0 : index
          %get3A_1278 = tpu.vector_load %arg11[%get3A_1276, %get3A_1277] {strides = array<i32>} : memref<16x16xf32, #tpu.memory_space<vmem>>, vector<16xf32>,
          %add3A_1279 = arith.addf %add3A_1274, %get3A_1278 : vector<16xf32>
          %neg3A = arith.constant 0.000000e+00 : f32
          %neg3A_1280 = vector.broadcast %neg3A : f32 to vector<16xf32>
          %neg3A_1281 = arith.subf %neg3A_1280, %add3A_1279 : vector<16xf32>
          %exp3A = math.exp %neg3A_1281 : vector<16xf32>
          %add3A_1282 = arith.constant 1.000000e+00 : f32
          %add3A_1283 = vector.broadcast %add3A_1282 : f32 to vector<16xf32>
          %add3A_1284 = arith.addf %add3A_1283, %exp3A : vector<16xf32>
          %div3A = arith.constant 1.000000e+00 : f32
          %div3A_1285 = vector.broadcast %div3A : f32 to vector<16xf32>
          %div3A_1286 = arith.divf %div3A_1285, %add3A_1284 : vector<16xf32>
          %swap3A = arith.constant 0 : index
          %swap3A_1287 = tpu.vector_load %arg12[%swap3A] {strides = array<i32>} : memref<16xf32, #tpu.memory_space<vmem>>, vector<16xf32>,
          tpu.vector_store %arg12[%swap3A], %div3A_1286 {strides = array<i32>} : memref<16xf32, #tpu.memory_space<vmem>>, vector<16xf32>,
          %add3A_1288 = arith.constant 0 : i32
          %add3A_1289 = arith.addi %mul3A_130, %add3A_1288 : i32
          %broadcast_in_dim3A_1290 = arith.constant 0 : i32
          %broadcast_in_dim3A_1291 = vector.broadcast %broadcast_in_dim3A_1290 : i32 to vector<16xi32>
          %gather3A = tpu.vector_load_idx %arg12[%broadcast_in_dim3A_1291] : memref<16xf32, #tpu.memory_space<vmem>>[vector<16xi32>], vector<16xf32>,
          %get3A_1292 = arith.index_cast %add3A_1289 : i32 to index
          %get3A_1293 = arith.constant 0 : index
          %get3A_1294 = tpu.vector_load %arg9[%get3A_1292, %get3A_1293] {strides = array<i32>} : memref<128x128xf32, #tpu.memory_space<vmem>>, vector<16xf32>,
          %mul3A_1295 = arith.mulf %get3A_1294, %gather3A : vector<16xf32>
          %swap3A_1296 = arith.index_cast %add3A_1289 : i32 to index
          %swap3A_1297 = arith.constant 0 : index
          %swap3A_1298 = tpu.vector_load %arg9[%swap3A_1296, %swap3A_1297] {strides = array<i32>} : memref<128x128xf32, #tpu.memory_space<vmem>>, vector<16xf32>,
          tpu.vector_store %arg9[%swap3A_1296, %swap3A_1297], %mul3A_1295 {strides = array<i32>} : memref<128x128xf32, #tpu.memory_space<vmem>>, vector<16xf32>,
          %get3A_1299 = arith.index_cast %add3A_1289 : i32 to index
          %get3A_1300 = arith.constant 16 : index
          %get3A_1301 = tpu.vector_load %arg9[%get3A_1299, %get3A_1300] {strides = array<i32>} : memref<128x128xf32, #tpu.memory_space<vmem>>, vector<16xf32>,
          %mul3A_1302 = arith.mulf %get3A_1301, %gather3A : vector<16xf32>
          %swap3A_1303 = arith.index_cast %add3A_1289 : i32 to index
          %swap3A_1304 = arith.constant 16 : index
          %swap3A_1305 = tpu.vector_load %arg9[%swap3A_1303, %swap3A_1304] {strides = array<i32>} : memref<128x128xf32, #tpu.memory_space<vmem>>, vector<16xf32>,
          tpu.vector_store %arg9[%swap3A_1303, %swap3A_1304], %mul3A_1302 {strides = array<i32>} : memref<128x128xf32, #tpu.memory_space<vmem>>, vector<16xf32>,
          %get3A_1306 = arith.index_cast %add3A_1289 : i32 to index
          %get3A_1307 = arith.constant 32 : index
          %get3A_1308 = tpu.vector_load %arg9[%get3A_1306, %get3A_1307] {strides = array<i32>} : memref<128x128xf32, #tpu.memory_space<vmem>>, vector<16xf32>,
          %mul3A_1309 = arith.mulf %get3A_1308, %gather3A : vector<16xf32>
          %swap3A_1310 = arith.index_cast %add3A_1289 : i32 to index
          %swap3A_1311 = arith.constant 32 : index
          %swap3A_1312 = tpu.vector_load %arg9[%swap3A_1310, %swap3A_1311] {strides = array<i32>} : memref<128x128xf32, #tpu.memory_space<vmem>>, vector<16xf32>,
          tpu.vector_store %arg9[%swap3A_1310, %swap3A_1311], %mul3A_1309 {strides = array<i32>} : memref<128x128xf32, #tpu.memory_space<vmem>>, vector<16xf32>,
          %get3A_1313 = arith.index_cast %add3A_1289 : i32 to index
          %get3A_1314 = arith.constant 48 : index
          %get3A_1315 = tpu.vector_load %arg9[%get3A_1313, %get3A_1314] {strides = array<i32>} : memref<128x128xf32, #tpu.memory_space<vmem>>, vector<16xf32>,
          %mul3A_1316 = arith.mulf %get3A_1315, %gather3A : vector<16xf32>
          %swap3A_1317 = arith.index_cast %add3A_1289 : i32 to index
          %swap3A_1318 = arith.constant 48 : index
          %swap3A_1319 = tpu.vector_load %arg9[%swap3A_1317, %swap3A_1318] {strides = array<i32>} : memref<128x128xf32, #tpu.memory_space<vmem>>, vector<16xf32>,
          tpu.vector_store %arg9[%swap3A_1317, %swap3A_1318], %mul3A_1316 {strides = array<i32>} : memref<128x128xf32, #tpu.memory_space<vmem>>, vector<16xf32>,
          %get3A_1320 = arith.index_cast %add3A_1289 : i32 to index
          %get3A_1321 = arith.constant 64 : index
          %get3A_1322 = tpu.vector_load %arg9[%get3A_1320, %get3A_1321] {strides = array<i32>} : memref<128x128xf32, #tpu.memory_space<vmem>>, vector<16xf32>,
          %mul3A_1323 = arith.mulf %get3A_1322, %gather3A : vector<16xf32>
          %swap3A_1324 = arith.index_cast %add3A_1289 : i32 to index
          %swap3A_1325 = arith.constant 64 : index
          %swap3A_1326 = tpu.vector_load %arg9[%swap3A_1324, %swap3A_1325] {strides = array<i32>} : memref<128x128xf32, #tpu.memory_space<vmem>>, vector<16xf32>,
          tpu.vector_store %arg9[%swap3A_1324, %swap3A_1325], %mul3A_1323 {strides = array<i32>} : memref<128x128xf32, #tpu.memory_space<vmem>>, vector<16xf32>,
          %get3A_1327 = arith.index_cast %add3A_1289 : i32 to index
          %get3A_1328 = arith.constant 80 : index
          %get3A_1329 = tpu.vector_load %arg9[%get3A_1327, %get3A_1328] {strides = array<i32>} : memref<128x128xf32, #tpu.memory_space<vmem>>, vector<16xf32>,
          %mul3A_1330 = arith.mulf %get3A_1329, %gather3A : vector<16xf32>
          %swap3A_1331 = arith.index_cast %add3A_1289 : i32 to index
          %swap3A_1332 = arith.constant 80 : index
          %swap3A_1333 = tpu.vector_load %arg9[%swap3A_1331, %swap3A_1332] {strides = array<i32>} : memref<128x128xf32, #tpu.memory_space<vmem>>, vector<16xf32>,
          tpu.vector_store %arg9[%swap3A_1331, %swap3A_1332], %mul3A_1330 {strides = array<i32>} : memref<128x128xf32, #tpu.memory_space<vmem>>, vector<16xf32>,
          %get3A_1334 = arith.index_cast %add3A_1289 : i32 to index
          %get3A_1335 = arith.constant 96 : index
          %get3A_1336 = tpu.vector_load %arg9[%get3A_1334, %get3A_1335] {strides = array<i32>} : memref<128x128xf32, #tpu.memory_space<vmem>>, vector<16xf32>,
          %mul3A_1337 = arith.mulf %get3A_1336, %gather3A : vector<16xf32>
          %swap3A_1338 = arith.index_cast %add3A_1289 : i32 to index
          %swap3A_1339 = arith.constant 96 : index
          %swap3A_1340 = tpu.vector_load %arg9[%swap3A_1338, %swap3A_1339] {strides = array<i32>} : memref<128x128xf32, #tpu.memory_space<vmem>>, vector<16xf32>,
          tpu.vector_store %arg9[%swap3A_1338, %swap3A_1339], %mul3A_1337 {strides = array<i32>} : memref<128x128xf32, #tpu.memory_space<vmem>>, vector<16xf32>,
          %get3A_1341 = arith.index_cast %add3A_1289 : i32 to index
          %get3A_1342 = arith.constant 112 : index
          %get3A_1343 = tpu.vector_load %arg9[%get3A_1341, %get3A_1342] {strides = array<i32>} : memref<128x128xf32, #tpu.memory_space<vmem>>, vector<16xf32>,
          %mul3A_1344 = arith.mulf %get3A_1343, %gather3A : vector<16xf32>
          %swap3A_1345 = arith.index_cast %add3A_1289 : i32 to index
          %swap3A_1346 = arith.constant 112 : index
          %swap3A_1347 = tpu.vector_load %arg9[%swap3A_1345, %swap3A_1346] {strides = array<i32>} : memref<128x128xf32, #tpu.memory_space<vmem>>, vector<16xf32>,
          tpu.vector_store %arg9[%swap3A_1345, %swap3A_1346], %mul3A_1344 {strides = array<i32>} : memref<128x128xf32, #tpu.memory_space<vmem>>, vector<16xf32>,
          %add3A_1348 = arith.constant 1 : i32
          %add3A_1349 = arith.addi %mul3A_130, %add3A_1348 : i32
          %broadcast_in_dim3A_1350 = arith.constant 1 : i32
          %broadcast_in_dim3A_1351 = vector.broadcast %broadcast_in_dim3A_1350 : i32 to vector<16xi32>
          %gather3A_1352 = tpu.vector_load_idx %arg12[%broadcast_in_dim3A_1351] : memref<16xf32, #tpu.memory_space<vmem>>[vector<16xi32>], vector<16xf32>,
          %get3A_1353 = arith.index_cast %add3A_1349 : i32 to index
          %get3A_1354 = arith.constant 0 : index
          %get3A_1355 = tpu.vector_load %arg9[%get3A_1353, %get3A_1354] {strides = array<i32>} : memref<128x128xf32, #tpu.memory_space<vmem>>, vector<16xf32>,
          %mul3A_1356 = arith.mulf %get3A_1355, %gather3A_1352 : vector<16xf32>
          %swap3A_1357 = arith.index_cast %add3A_1349 : i32 to index
          %swap3A_1358 = arith.constant 0 : index
          %swap3A_1359 = tpu.vector_load %arg9[%swap3A_1357, %swap3A_1358] {strides = array<i32>} : memref<128x128xf32, #tpu.memory_space<vmem>>, vector<16xf32>,
          tpu.vector_store %arg9[%swap3A_1357, %swap3A_1358], %mul3A_1356 {strides = array<i32>} : memref<128x128xf32, #tpu.memory_space<vmem>>, vector<16xf32>,
          %get3A_1360 = arith.index_cast %add3A_1349 : i32 to index
          %get3A_1361 = arith.constant 16 : index
          %get3A_1362 = tpu.vector_load %arg9[%get3A_1360, %get3A_1361] {strides = array<i32>} : memref<128x128xf32, #tpu.memory_space<vmem>>, vector<16xf32>,
          %mul3A_1363 = arith.mulf %get3A_1362, %gather3A_1352 : vector<16xf32>
          %swap3A_1364 = arith.index_cast %add3A_1349 : i32 to index
          %swap3A_1365 = arith.constant 16 : index
          %swap3A_1366 = tpu.vector_load %arg9[%swap3A_1364, %swap3A_1365] {strides = array<i32>} : memref<128x128xf32, #tpu.memory_space<vmem>>, vector<16xf32>,
          tpu.vector_store %arg9[%swap3A_1364, %swap3A_1365], %mul3A_1363 {strides = array<i32>} : memref<128x128xf32, #tpu.memory_space<vmem>>, vector<16xf32>,
          %get3A_1367 = arith.index_cast %add3A_1349 : i32 to index
          %get3A_1368 = arith.constant 32 : index
          %get3A_1369 = tpu.vector_load %arg9[%get3A_1367, %get3A_1368] {strides = array<i32>} : memref<128x128xf32, #tpu.memory_space<vmem>>, vector<16xf32>,
          %mul3A_1370 = arith.mulf %get3A_1369, %gather3A_1352 : vector<16xf32>
          %swap3A_1371 = arith.index_cast %add3A_1349 : i32 to index
          %swap3A_1372 = arith.constant 32 : index
          %swap3A_1373 = tpu.vector_load %arg9[%swap3A_1371, %swap3A_1372] {strides = array<i32>} : memref<128x128xf32, #tpu.memory_space<vmem>>, vector<16xf32>,
          tpu.vector_store %arg9[%swap3A_1371, %swap3A_1372], %mul3A_1370 {strides = array<i32>} : memref<128x128xf32, #tpu.memory_space<vmem>>, vector<16xf32>,
          %get3A_1374 = arith.index_cast %add3A_1349 : i32 to index
          %get3A_1375 = arith.constant 48 : index
          %get3A_1376 = tpu.vector_load %arg9[%get3A_1374, %get3A_1375] {strides = array<i32>} : memref<128x128xf32, #tpu.memory_space<vmem>>, vector<16xf32>,
          %mul3A_1377 = arith.mulf %get3A_1376, %gather3A_1352 : vector<16xf32>
          %swap3A_1378 = arith.index_cast %add3A_1349 : i32 to index
          %swap3A_1379 = arith.constant 48 : index
          %swap3A_1380 = tpu.vector_load %arg9[%swap3A_1378, %swap3A_1379] {strides = array<i32>} : memref<128x128xf32, #tpu.memory_space<vmem>>, vector<16xf32>,
          tpu.vector_store %arg9[%swap3A_1378, %swap3A_1379], %mul3A_1377 {strides = array<i32>} : memref<128x128xf32, #tpu.memory_space<vmem>>, vector<16xf32>,
          %get3A_1381 = arith.index_cast %add3A_1349 : i32 to index
          %get3A_1382 = arith.constant 64 : index
          %get3A_1383 = tpu.vector_load %arg9[%get3A_1381, %get3A_1382] {strides = array<i32>} : memref<128x128xf32, #tpu.memory_space<vmem>>, vector<16xf32>,
          %mul3A_1384 = arith.mulf %get3A_1383, %gather3A_1352 : vector<16xf32>
          %swap3A_1385 = arith.index_cast %add3A_1349 : i32 to index
          %swap3A_1386 = arith.constant 64 : index
          %swap3A_1387 = tpu.vector_load %arg9[%swap3A_1385, %swap3A_1386] {strides = array<i32>} : memref<128x128xf32, #tpu.memory_space<vmem>>, vector<16xf32>,
          tpu.vector_store %arg9[%swap3A_1385, %swap3A_1386], %mul3A_1384 {strides = array<i32>} : memref<128x128xf32, #tpu.memory_space<vmem>>, vector<16xf32>,
          %get3A_1388 = arith.index_cast %add3A_1349 : i32 to index
          %get3A_1389 = arith.constant 80 : index
          %get3A_1390 = tpu.vector_load %arg9[%get3A_1388, %get3A_1389] {strides = array<i32>} : memref<128x128xf32, #tpu.memory_space<vmem>>, vector<16xf32>,
          %mul3A_1391 = arith.mulf %get3A_1390, %gather3A_1352 : vector<16xf32>
          %swap3A_1392 = arith.index_cast %add3A_1349 : i32 to index
          %swap3A_1393 = arith.constant 80 : index
          %swap3A_1394 = tpu.vector_load %arg9[%swap3A_1392, %swap3A_1393] {strides = array<i32>} : memref<128x128xf32, #tpu.memory_space<vmem>>, vector<16xf32>,
          tpu.vector_store %arg9[%swap3A_1392, %swap3A_1393], %mul3A_1391 {strides = array<i32>} : memref<128x128xf32, #tpu.memory_space<vmem>>, vector<16xf32>,
          %get3A_1395 = arith.index_cast %add3A_1349 : i32 to index
          %get3A_1396 = arith.constant 96 : index
          %get3A_1397 = tpu.vector_load %arg9[%get3A_1395, %get3A_1396] {strides = array<i32>} : memref<128x128xf32, #tpu.memory_space<vmem>>, vector<16xf32>,
          %mul3A_1398 = arith.mulf %get3A_1397, %gather3A_1352 : vector<16xf32>
          %swap3A_1399 = arith.index_cast %add3A_1349 : i32 to index
          %swap3A_1400 = arith.constant 96 : index
          %swap3A_1401 = tpu.vector_load %arg9[%swap3A_1399, %swap3A_1400] {strides = array<i32>} : memref<128x128xf32, #tpu.memory_space<vmem>>, vector<16xf32>,
          tpu.vector_store %arg9[%swap3A_1399, %swap3A_1400], %mul3A_1398 {strides = array<i32>} : memref<128x128xf32, #tpu.memory_space<vmem>>, vector<16xf32>,
          %get3A_1402 = arith.index_cast %add3A_1349 : i32 to index
          %get3A_1403 = arith.constant 112 : index
          %get3A_1404 = tpu.vector_load %arg9[%get3A_1402, %get3A_1403] {strides = array<i32>} : memref<128x128xf32, #tpu.memory_space<vmem>>, vector<16xf32>,
          %mul3A_1405 = arith.mulf %get3A_1404, %gather3A_1352 : vector<16xf32>
          %swap3A_1406 = arith.index_cast %add3A_1349 : i32 to index
          %swap3A_1407 = arith.constant 112 : index
          %swap3A_1408 = tpu.vector_load %arg9[%swap3A_1406, %swap3A_1407] {strides = array<i32>} : memref<128x128xf32, #tpu.memory_space<vmem>>, vector<16xf32>,
          tpu.vector_store %arg9[%swap3A_1406, %swap3A_1407], %mul3A_1405 {strides = array<i32>} : memref<128x128xf32, #tpu.memory_space<vmem>>, vector<16xf32>,
          %add3A_1409 = arith.constant 2 : i32
          %add3A_1410 = arith.addi %mul3A_130, %add3A_1409 : i32
          %broadcast_in_dim3A_1411 = arith.constant 2 : i32
          %broadcast_in_dim3A_1412 = vector.broadcast %broadcast_in_dim3A_1411 : i32 to vector<16xi32>
          %gather3A_1413 = tpu.vector_load_idx %arg12[%broadcast_in_dim3A_1412] : memref<16xf32, #tpu.memory_space<vmem>>[vector<16xi32>], vector<16xf32>,
          %get3A_1414 = arith.index_cast %add3A_1410 : i32 to index
          %get3A_1415 = arith.constant 0 : index
          %get3A_1416 = tpu.vector_load %arg9[%get3A_1414, %get3A_1415] {strides = array<i32>} : memref<128x128xf32, #tpu.memory_space<vmem>>, vector<16xf32>,
          %mul3A_1417 = arith.mulf %get3A_1416, %gather3A_1413 : vector<16xf32>
          %swap3A_1418 = arith.index_cast %add3A_1410 : i32 to index
          %swap3A_1419 = arith.constant 0 : index
          %swap3A_1420 = tpu.vector_load %arg9[%swap3A_1418, %swap3A_1419] {strides = array<i32>} : memref<128x128xf32, #tpu.memory_space<vmem>>, vector<16xf32>,
          tpu.vector_store %arg9[%swap3A_1418, %swap3A_1419], %mul3A_1417 {strides = array<i32>} : memref<128x128xf32, #tpu.memory_space<vmem>>, vector<16xf32>,
          %get3A_1421 = arith.index_cast %add3A_1410 : i32 to index
          %get3A_1422 = arith.constant 16 : index
          %get3A_1423 = tpu.vector_load %arg9[%get3A_1421, %get3A_1422] {strides = array<i32>} : memref<128x128xf32, #tpu.memory_space<vmem>>, vector<16xf32>,
          %mul3A_1424 = arith.mulf %get3A_1423, %gather3A_1413 : vector<16xf32>
          %swap3A_1425 = arith.index_cast %add3A_1410 : i32 to index
          %swap3A_1426 = arith.constant 16 : index
          %swap3A_1427 = tpu.vector_load %arg9[%swap3A_1425, %swap3A_1426] {strides = array<i32>} : memref<128x128xf32, #tpu.memory_space<vmem>>, vector<16xf32>,
          tpu.vector_store %arg9[%swap3A_1425, %swap3A_1426], %mul3A_1424 {strides = array<i32>} : memref<128x128xf32, #tpu.memory_space<vmem>>, vector<16xf32>,
          %get3A_1428 = arith.index_cast %add3A_1410 : i32 to index
          %get3A_1429 = arith.constant 32 : index
          %get3A_1430 = tpu.vector_load %arg9[%get3A_1428, %get3A_1429] {strides = array<i32>} : memref<128x128xf32, #tpu.memory_space<vmem>>, vector<16xf32>,
          %mul3A_1431 = arith.mulf %get3A_1430, %gather3A_1413 : vector<16xf32>
          %swap3A_1432 = arith.index_cast %add3A_1410 : i32 to index
          %swap3A_1433 = arith.constant 32 : index
          %swap3A_1434 = tpu.vector_load %arg9[%swap3A_1432, %swap3A_1433] {strides = array<i32>} : memref<128x128xf32, #tpu.memory_space<vmem>>, vector<16xf32>,
          tpu.vector_store %arg9[%swap3A_1432, %swap3A_1433], %mul3A_1431 {strides = array<i32>} : memref<128x128xf32, #tpu.memory_space<vmem>>, vector<16xf32>,
          %get3A_1435 = arith.index_cast %add3A_1410 : i32 to index
          %get3A_1436 = arith.constant 48 : index
          %get3A_1437 = tpu.vector_load %arg9[%get3A_1435, %get3A_1436] {strides = array<i32>} : memref<128x128xf32, #tpu.memory_space<vmem>>, vector<16xf32>,
          %mul3A_1438 = arith.mulf %get3A_1437, %gather3A_1413 : vector<16xf32>
          %swap3A_1439 = arith.index_cast %add3A_1410 : i32 to index
          %swap3A_1440 = arith.constant 48 : index
          %swap3A_1441 = tpu.vector_load %arg9[%swap3A_1439, %swap3A_1440] {strides = array<i32>} : memref<128x128xf32, #tpu.memory_space<vmem>>, vector<16xf32>,
          tpu.vector_store %arg9[%swap3A_1439, %swap3A_1440], %mul3A_1438 {strides = array<i32>} : memref<128x128xf32, #tpu.memory_space<vmem>>, vector<16xf32>,
          %get3A_1442 = arith.index_cast %add3A_1410 : i32 to index
          %get3A_1443 = arith.constant 64 : index
          %get3A_1444 = tpu.vector_load %arg9[%get3A_1442, %get3A_1443] {strides = array<i32>} : memref<128x128xf32, #tpu.memory_space<vmem>>, vector<16xf32>,
          %mul3A_1445 = arith.mulf %get3A_1444, %gather3A_1413 : vector<16xf32>
          %swap3A_1446 = arith.index_cast %add3A_1410 : i32 to index
          %swap3A_1447 = arith.constant 64 : index
          %swap3A_1448 = tpu.vector_load %arg9[%swap3A_1446, %swap3A_1447] {strides = array<i32>} : memref<128x128xf32, #tpu.memory_space<vmem>>, vector<16xf32>,
          tpu.vector_store %arg9[%swap3A_1446, %swap3A_1447], %mul3A_1445 {strides = array<i32>} : memref<128x128xf32, #tpu.memory_space<vmem>>, vector<16xf32>,
          %get3A_1449 = arith.index_cast %add3A_1410 : i32 to index
          %get3A_1450 = arith.constant 80 : index
          %get3A_1451 = tpu.vector_load %arg9[%get3A_1449, %get3A_1450] {strides = array<i32>} : memref<128x128xf32, #tpu.memory_space<vmem>>, vector<16xf32>,
          %mul3A_1452 = arith.mulf %get3A_1451, %gather3A_1413 : vector<16xf32>
          %swap3A_1453 = arith.index_cast %add3A_1410 : i32 to index
          %swap3A_1454 = arith.constant 80 : index
          %swap3A_1455 = tpu.vector_load %arg9[%swap3A_1453, %swap3A_1454] {strides = array<i32>} : memref<128x128xf32, #tpu.memory_space<vmem>>, vector<16xf32>,
          tpu.vector_store %arg9[%swap3A_1453, %swap3A_1454], %mul3A_1452 {strides = array<i32>} : memref<128x128xf32, #tpu.memory_space<vmem>>, vector<16xf32>,
          %get3A_1456 = arith.index_cast %add3A_1410 : i32 to index
          %get3A_1457 = arith.constant 96 : index
          %get3A_1458 = tpu.vector_load %arg9[%get3A_1456, %get3A_1457] {strides = array<i32>} : memref<128x128xf32, #tpu.memory_space<vmem>>, vector<16xf32>,
          %mul3A_1459 = arith.mulf %get3A_1458, %gather3A_1413 : vector<16xf32>
          %swap3A_1460 = arith.index_cast %add3A_1410 : i32 to index
          %swap3A_1461 = arith.constant 96 : index
          %swap3A_1462 = tpu.vector_load %arg9[%swap3A_1460, %swap3A_1461] {strides = array<i32>} : memref<128x128xf32, #tpu.memory_space<vmem>>, vector<16xf32>,
          tpu.vector_store %arg9[%swap3A_1460, %swap3A_1461], %mul3A_1459 {strides = array<i32>} : memref<128x128xf32, #tpu.memory_space<vmem>>, vector<16xf32>,
          %get3A_1463 = arith.index_cast %add3A_1410 : i32 to index
          %get3A_1464 = arith.constant 112 : index
          %get3A_1465 = tpu.vector_load %arg9[%get3A_1463, %get3A_1464] {strides = array<i32>} : memref<128x128xf32, #tpu.memory_space<vmem>>, vector<16xf32>,
          %mul3A_1466 = arith.mulf %get3A_1465, %gather3A_1413 : vector<16xf32>
          %swap3A_1467 = arith.index_cast %add3A_1410 : i32 to index
          %swap3A_1468 = arith.constant 112 : index
          %swap3A_1469 = tpu.vector_load %arg9[%swap3A_1467, %swap3A_1468] {strides = array<i32>} : memref<128x128xf32, #tpu.memory_space<vmem>>, vector<16xf32>,
          tpu.vector_store %arg9[%swap3A_1467, %swap3A_1468], %mul3A_1466 {strides = array<i32>} : memref<128x128xf32, #tpu.memory_space<vmem>>, vector<16xf32>,
          %add3A_1470 = arith.constant 3 : i32
          %add3A_1471 = arith.addi %mul3A_130, %add3A_1470 : i32
          %broadcast_in_dim3A_1472 = arith.constant 3 : i32
          %broadcast_in_dim3A_1473 = vector.broadcast %broadcast_in_dim3A_1472 : i32 to vector<16xi32>
          %gather3A_1474 = tpu.vector_load_idx %arg12[%broadcast_in_dim3A_1473] : memref<16xf32, #tpu.memory_space<vmem>>[vector<16xi32>], vector<16xf32>,
          %get3A_1475 = arith.index_cast %add3A_1471 : i32 to index
          %get3A_1476 = arith.constant 0 : index
          %get3A_1477 = tpu.vector_load %arg9[%get3A_1475, %get3A_1476] {strides = array<i32>} : memref<128x128xf32, #tpu.memory_space<vmem>>, vector<16xf32>,
          %mul3A_1478 = arith.mulf %get3A_1477, %gather3A_1474 : vector<16xf32>
          %swap3A_1479 = arith.index_cast %add3A_1471 : i32 to index
          %swap3A_1480 = arith.constant 0 : index
          %swap3A_1481 = tpu.vector_load %arg9[%swap3A_1479, %swap3A_1480] {strides = array<i32>} : memref<128x128xf32, #tpu.memory_space<vmem>>, vector<16xf32>,
          tpu.vector_store %arg9[%swap3A_1479, %swap3A_1480], %mul3A_1478 {strides = array<i32>} : memref<128x128xf32, #tpu.memory_space<vmem>>, vector<16xf32>,
          %get3A_1482 = arith.index_cast %add3A_1471 : i32 to index
          %get3A_1483 = arith.constant 16 : index
          %get3A_1484 = tpu.vector_load %arg9[%get3A_1482, %get3A_1483] {strides = array<i32>} : memref<128x128xf32, #tpu.memory_space<vmem>>, vector<16xf32>,
          %mul3A_1485 = arith.mulf %get3A_1484, %gather3A_1474 : vector<16xf32>
          %swap3A_1486 = arith.index_cast %add3A_1471 : i32 to index
          %swap3A_1487 = arith.constant 16 : index
          %swap3A_1488 = tpu.vector_load %arg9[%swap3A_1486, %swap3A_1487] {strides = array<i32>} : memref<128x128xf32, #tpu.memory_space<vmem>>, vector<16xf32>,
          tpu.vector_store %arg9[%swap3A_1486, %swap3A_1487], %mul3A_1485 {strides = array<i32>} : memref<128x128xf32, #tpu.memory_space<vmem>>, vector<16xf32>,
          %get3A_1489 = arith.index_cast %add3A_1471 : i32 to index
          %get3A_1490 = arith.constant 32 : index
          %get3A_1491 = tpu.vector_load %arg9[%get3A_1489, %get3A_1490] {strides = array<i32>} : memref<128x128xf32, #tpu.memory_space<vmem>>, vector<16xf32>,
          %mul3A_1492 = arith.mulf %get3A_1491, %gather3A_1474 : vector<16xf32>
          %swap3A_1493 = arith.index_cast %add3A_1471 : i32 to index
          %swap3A_1494 = arith.constant 32 : index
          %swap3A_1495 = tpu.vector_load %arg9[%swap3A_1493, %swap3A_1494] {strides = array<i32>} : memref<128x128xf32, #tpu.memory_space<vmem>>, vector<16xf32>,
          tpu.vector_store %arg9[%swap3A_1493, %swap3A_1494], %mul3A_1492 {strides = array<i32>} : memref<128x128xf32, #tpu.memory_space<vmem>>, vector<16xf32>,
          %get3A_1496 = arith.index_cast %add3A_1471 : i32 to index
          %get3A_1497 = arith.constant 48 : index
          %get3A_1498 = tpu.vector_load %arg9[%get3A_1496, %get3A_1497] {strides = array<i32>} : memref<128x128xf32, #tpu.memory_space<vmem>>, vector<16xf32>,
          %mul3A_1499 = arith.mulf %get3A_1498, %gather3A_1474 : vector<16xf32>
          %swap3A_1500 = arith.index_cast %add3A_1471 : i32 to index
          %swap3A_1501 = arith.constant 48 : index
          %swap3A_1502 = tpu.vector_load %arg9[%swap3A_1500, %swap3A_1501] {strides = array<i32>} : memref<128x128xf32, #tpu.memory_space<vmem>>, vector<16xf32>,
          tpu.vector_store %arg9[%swap3A_1500, %swap3A_1501], %mul3A_1499 {strides = array<i32>} : memref<128x128xf32, #tpu.memory_space<vmem>>, vector<16xf32>,
          %get3A_1503 = arith.index_cast %add3A_1471 : i32 to index
          %get3A_1504 = arith.constant 64 : index
          %get3A_1505 = tpu.vector_load %arg9[%get3A_1503, %get3A_1504] {strides = array<i32>} : memref<128x128xf32, #tpu.memory_space<vmem>>, vector<16xf32>,
          %mul3A_1506 = arith.mulf %get3A_1505, %gather3A_1474 : vector<16xf32>
          %swap3A_1507 = arith.index_cast %add3A_1471 : i32 to index
          %swap3A_1508 = arith.constant 64 : index
          %swap3A_1509 = tpu.vector_load %arg9[%swap3A_1507, %swap3A_1508] {strides = array<i32>} : memref<128x128xf32, #tpu.memory_space<vmem>>, vector<16xf32>,
          tpu.vector_store %arg9[%swap3A_1507, %swap3A_1508], %mul3A_1506 {strides = array<i32>} : memref<128x128xf32, #tpu.memory_space<vmem>>, vector<16xf32>,
          %get3A_1510 = arith.index_cast %add3A_1471 : i32 to index
          %get3A_1511 = arith.constant 80 : index
          %get3A_1512 = tpu.vector_load %arg9[%get3A_1510, %get3A_1511] {strides = array<i32>} : memref<128x128xf32, #tpu.memory_space<vmem>>, vector<16xf32>,
          %mul3A_1513 = arith.mulf %get3A_1512, %gather3A_1474 : vector<16xf32>
          %swap3A_1514 = arith.index_cast %add3A_1471 : i32 to index
          %swap3A_1515 = arith.constant 80 : index
          %swap3A_1516 = tpu.vector_load %arg9[%swap3A_1514, %swap3A_1515] {strides = array<i32>} : memref<128x128xf32, #tpu.memory_space<vmem>>, vector<16xf32>,
          tpu.vector_store %arg9[%swap3A_1514, %swap3A_1515], %mul3A_1513 {strides = array<i32>} : memref<128x128xf32, #tpu.memory_space<vmem>>, vector<16xf32>,
          %get3A_1517 = arith.index_cast %add3A_1471 : i32 to index
          %get3A_1518 = arith.constant 96 : index
          %get3A_1519 = tpu.vector_load %arg9[%get3A_1517, %get3A_1518] {strides = array<i32>} : memref<128x128xf32, #tpu.memory_space<vmem>>, vector<16xf32>,
          %mul3A_1520 = arith.mulf %get3A_1519, %gather3A_1474 : vector<16xf32>
          %swap3A_1521 = arith.index_cast %add3A_1471 : i32 to index
          %swap3A_1522 = arith.constant 96 : index
          %swap3A_1523 = tpu.vector_load %arg9[%swap3A_1521, %swap3A_1522] {strides = array<i32>} : memref<128x128xf32, #tpu.memory_space<vmem>>, vector<16xf32>,
          tpu.vector_store %arg9[%swap3A_1521, %swap3A_1522], %mul3A_1520 {strides = array<i32>} : memref<128x128xf32, #tpu.memory_space<vmem>>, vector<16xf32>,
          %get3A_1524 = arith.index_cast %add3A_1471 : i32 to index
          %get3A_1525 = arith.constant 112 : index
          %get3A_1526 = tpu.vector_load %arg9[%get3A_1524, %get3A_1525] {strides = array<i32>} : memref<128x128xf32, #tpu.memory_space<vmem>>, vector<16xf32>,
          %mul3A_1527 = arith.mulf %get3A_1526, %gather3A_1474 : vector<16xf32>
          %swap3A_1528 = arith.index_cast %add3A_1471 : i32 to index
          %swap3A_1529 = arith.constant 112 : index
          %swap3A_1530 = tpu.vector_load %arg9[%swap3A_1528, %swap3A_1529] {strides = array<i32>} : memref<128x128xf32, #tpu.memory_space<vmem>>, vector<16xf32>,
          tpu.vector_store %arg9[%swap3A_1528, %swap3A_1529], %mul3A_1527 {strides = array<i32>} : memref<128x128xf32, #tpu.memory_space<vmem>>, vector<16xf32>,
          %add3A_1531 = arith.constant 4 : i32
          %add3A_1532 = arith.addi %mul3A_130, %add3A_1531 : i32
          %broadcast_in_dim3A_1533 = arith.constant 4 : i32
          %broadcast_in_dim3A_1534 = vector.broadcast %broadcast_in_dim3A_1533 : i32 to vector<16xi32>
          %gather3A_1535 = tpu.vector_load_idx %arg12[%broadcast_in_dim3A_1534] : memref<16xf32, #tpu.memory_space<vmem>>[vector<16xi32>], vector<16xf32>,
          %get3A_1536 = arith.index_cast %add3A_1532 : i32 to index
          %get3A_1537 = arith.constant 0 : index
          %get3A_1538 = tpu.vector_load %arg9[%get3A_1536, %get3A_1537] {strides = array<i32>} : memref<128x128xf32, #tpu.memory_space<vmem>>, vector<16xf32>,
          %mul3A_1539 = arith.mulf %get3A_1538, %gather3A_1535 : vector<16xf32>
          %swap3A_1540 = arith.index_cast %add3A_1532 : i32 to index
          %swap3A_1541 = arith.constant 0 : index
          %swap3A_1542 = tpu.vector_load %arg9[%swap3A_1540, %swap3A_1541] {strides = array<i32>} : memref<128x128xf32, #tpu.memory_space<vmem>>, vector<16xf32>,
          tpu.vector_store %arg9[%swap3A_1540, %swap3A_1541], %mul3A_1539 {strides = array<i32>} : memref<128x128xf32, #tpu.memory_space<vmem>>, vector<16xf32>,
          %get3A_1543 = arith.index_cast %add3A_1532 : i32 to index
          %get3A_1544 = arith.constant 16 : index
          %get3A_1545 = tpu.vector_load %arg9[%get3A_1543, %get3A_1544] {strides = array<i32>} : memref<128x128xf32, #tpu.memory_space<vmem>>, vector<16xf32>,
          %mul3A_1546 = arith.mulf %get3A_1545, %gather3A_1535 : vector<16xf32>
          %swap3A_1547 = arith.index_cast %add3A_1532 : i32 to index
          %swap3A_1548 = arith.constant 16 : index
          %swap3A_1549 = tpu.vector_load %arg9[%swap3A_1547, %swap3A_1548] {strides = array<i32>} : memref<128x128xf32, #tpu.memory_space<vmem>>, vector<16xf32>,
          tpu.vector_store %arg9[%swap3A_1547, %swap3A_1548], %mul3A_1546 {strides = array<i32>} : memref<128x128xf32, #tpu.memory_space<vmem>>, vector<16xf32>,
          %get3A_1550 = arith.index_cast %add3A_1532 : i32 to index
          %get3A_1551 = arith.constant 32 : index
          %get3A_1552 = tpu.vector_load %arg9[%get3A_1550, %get3A_1551] {strides = array<i32>} : memref<128x128xf32, #tpu.memory_space<vmem>>, vector<16xf32>,
          %mul3A_1553 = arith.mulf %get3A_1552, %gather3A_1535 : vector<16xf32>
          %swap3A_1554 = arith.index_cast %add3A_1532 : i32 to index
          %swap3A_1555 = arith.constant 32 : index
          %swap3A_1556 = tpu.vector_load %arg9[%swap3A_1554, %swap3A_1555] {strides = array<i32>} : memref<128x128xf32, #tpu.memory_space<vmem>>, vector<16xf32>,
          tpu.vector_store %arg9[%swap3A_1554, %swap3A_1555], %mul3A_1553 {strides = array<i32>} : memref<128x128xf32, #tpu.memory_space<vmem>>, vector<16xf32>,
          %get3A_1557 = arith.index_cast %add3A_1532 : i32 to index
          %get3A_1558 = arith.constant 48 : index
          %get3A_1559 = tpu.vector_load %arg9[%get3A_1557, %get3A_1558] {strides = array<i32>} : memref<128x128xf32, #tpu.memory_space<vmem>>, vector<16xf32>,
          %mul3A_1560 = arith.mulf %get3A_1559, %gather3A_1535 : vector<16xf32>
          %swap3A_1561 = arith.index_cast %add3A_1532 : i32 to index
          %swap3A_1562 = arith.constant 48 : index
          %swap3A_1563 = tpu.vector_load %arg9[%swap3A_1561, %swap3A_1562] {strides = array<i32>} : memref<128x128xf32, #tpu.memory_space<vmem>>, vector<16xf32>,
          tpu.vector_store %arg9[%swap3A_1561, %swap3A_1562], %mul3A_1560 {strides = array<i32>} : memref<128x128xf32, #tpu.memory_space<vmem>>, vector<16xf32>,
          %get3A_1564 = arith.index_cast %add3A_1532 : i32 to index
          %get3A_1565 = arith.constant 64 : index
          %get3A_1566 = tpu.vector_load %arg9[%get3A_1564, %get3A_1565] {strides = array<i32>} : memref<128x128xf32, #tpu.memory_space<vmem>>, vector<16xf32>,
          %mul3A_1567 = arith.mulf %get3A_1566, %gather3A_1535 : vector<16xf32>
          %swap3A_1568 = arith.index_cast %add3A_1532 : i32 to index
          %swap3A_1569 = arith.constant 64 : index
          %swap3A_1570 = tpu.vector_load %arg9[%swap3A_1568, %swap3A_1569] {strides = array<i32>} : memref<128x128xf32, #tpu.memory_space<vmem>>, vector<16xf32>,
          tpu.vector_store %arg9[%swap3A_1568, %swap3A_1569], %mul3A_1567 {strides = array<i32>} : memref<128x128xf32, #tpu.memory_space<vmem>>, vector<16xf32>,
          %get3A_1571 = arith.index_cast %add3A_1532 : i32 to index
          %get3A_1572 = arith.constant 80 : index
          %get3A_1573 = tpu.vector_load %arg9[%get3A_1571, %get3A_1572] {strides = array<i32>} : memref<128x128xf32, #tpu.memory_space<vmem>>, vector<16xf32>,
          %mul3A_1574 = arith.mulf %get3A_1573, %gather3A_1535 : vector<16xf32>
          %swap3A_1575 = arith.index_cast %add3A_1532 : i32 to index
          %swap3A_1576 = arith.constant 80 : index
          %swap3A_1577 = tpu.vector_load %arg9[%swap3A_1575, %swap3A_1576] {strides = array<i32>} : memref<128x128xf32, #tpu.memory_space<vmem>>, vector<16xf32>,
          tpu.vector_store %arg9[%swap3A_1575, %swap3A_1576], %mul3A_1574 {strides = array<i32>} : memref<128x128xf32, #tpu.memory_space<vmem>>, vector<16xf32>,
          %get3A_1578 = arith.index_cast %add3A_1532 : i32 to index
          %get3A_1579 = arith.constant 96 : index
          %get3A_1580 = tpu.vector_load %arg9[%get3A_1578, %get3A_1579] {strides = array<i32>} : memref<128x128xf32, #tpu.memory_space<vmem>>, vector<16xf32>,
          %mul3A_1581 = arith.mulf %get3A_1580, %gather3A_1535 : vector<16xf32>
          %swap3A_1582 = arith.index_cast %add3A_1532 : i32 to index
          %swap3A_1583 = arith.constant 96 : index
          %swap3A_1584 = tpu.vector_load %arg9[%swap3A_1582, %swap3A_1583] {strides = array<i32>} : memref<128x128xf32, #tpu.memory_space<vmem>>, vector<16xf32>,
          tpu.vector_store %arg9[%swap3A_1582, %swap3A_1583], %mul3A_1581 {strides = array<i32>} : memref<128x128xf32, #tpu.memory_space<vmem>>, vector<16xf32>,
          %get3A_1585 = arith.index_cast %add3A_1532 : i32 to index
          %get3A_1586 = arith.constant 112 : index
          %get3A_1587 = tpu.vector_load %arg9[%get3A_1585, %get3A_1586] {strides = array<i32>} : memref<128x128xf32, #tpu.memory_space<vmem>>, vector<16xf32>,
          %mul3A_1588 = arith.mulf %get3A_1587, %gather3A_1535 : vector<16xf32>
          %swap3A_1589 = arith.index_cast %add3A_1532 : i32 to index
          %swap3A_1590 = arith.constant 112 : index
          %swap3A_1591 = tpu.vector_load %arg9[%swap3A_1589, %swap3A_1590] {strides = array<i32>} : memref<128x128xf32, #tpu.memory_space<vmem>>, vector<16xf32>,
          tpu.vector_store %arg9[%swap3A_1589, %swap3A_1590], %mul3A_1588 {strides = array<i32>} : memref<128x128xf32, #tpu.memory_space<vmem>>, vector<16xf32>,
          %add3A_1592 = arith.constant 5 : i32
          %add3A_1593 = arith.addi %mul3A_130, %add3A_1592 : i32
          %broadcast_in_dim3A_1594 = arith.constant 5 : i32
          %broadcast_in_dim3A_1595 = vector.broadcast %broadcast_in_dim3A_1594 : i32 to vector<16xi32>
          %gather3A_1596 = tpu.vector_load_idx %arg12[%broadcast_in_dim3A_1595] : memref<16xf32, #tpu.memory_space<vmem>>[vector<16xi32>], vector<16xf32>,
          %get3A_1597 = arith.index_cast %add3A_1593 : i32 to index
          %get3A_1598 = arith.constant 0 : index
          %get3A_1599 = tpu.vector_load %arg9[%get3A_1597, %get3A_1598] {strides = array<i32>} : memref<128x128xf32, #tpu.memory_space<vmem>>, vector<16xf32>,
          %mul3A_1600 = arith.mulf %get3A_1599, %gather3A_1596 : vector<16xf32>
          %swap3A_1601 = arith.index_cast %add3A_1593 : i32 to index
          %swap3A_1602 = arith.constant 0 : index
          %swap3A_1603 = tpu.vector_load %arg9[%swap3A_1601, %swap3A_1602] {strides = array<i32>} : memref<128x128xf32, #tpu.memory_space<vmem>>, vector<16xf32>,
          tpu.vector_store %arg9[%swap3A_1601, %swap3A_1602], %mul3A_1600 {strides = array<i32>} : memref<128x128xf32, #tpu.memory_space<vmem>>, vector<16xf32>,
          %get3A_1604 = arith.index_cast %add3A_1593 : i32 to index
          %get3A_1605 = arith.constant 16 : index
          %get3A_1606 = tpu.vector_load %arg9[%get3A_1604, %get3A_1605] {strides = array<i32>} : memref<128x128xf32, #tpu.memory_space<vmem>>, vector<16xf32>,
          %mul3A_1607 = arith.mulf %get3A_1606, %gather3A_1596 : vector<16xf32>
          %swap3A_1608 = arith.index_cast %add3A_1593 : i32 to index
          %swap3A_1609 = arith.constant 16 : index
          %swap3A_1610 = tpu.vector_load %arg9[%swap3A_1608, %swap3A_1609] {strides = array<i32>} : memref<128x128xf32, #tpu.memory_space<vmem>>, vector<16xf32>,
          tpu.vector_store %arg9[%swap3A_1608, %swap3A_1609], %mul3A_1607 {strides = array<i32>} : memref<128x128xf32, #tpu.memory_space<vmem>>, vector<16xf32>,
          %get3A_1611 = arith.index_cast %add3A_1593 : i32 to index
          %get3A_1612 = arith.constant 32 : index
          %get3A_1613 = tpu.vector_load %arg9[%get3A_1611, %get3A_1612] {strides = array<i32>} : memref<128x128xf32, #tpu.memory_space<vmem>>, vector<16xf32>,
          %mul3A_1614 = arith.mulf %get3A_1613, %gather3A_1596 : vector<16xf32>
          %swap3A_1615 = arith.index_cast %add3A_1593 : i32 to index
          %swap3A_1616 = arith.constant 32 : index
          %swap3A_1617 = tpu.vector_load %arg9[%swap3A_1615, %swap3A_1616] {strides = array<i32>} : memref<128x128xf32, #tpu.memory_space<vmem>>, vector<16xf32>,
          tpu.vector_store %arg9[%swap3A_1615, %swap3A_1616], %mul3A_1614 {strides = array<i32>} : memref<128x128xf32, #tpu.memory_space<vmem>>, vector<16xf32>,
          %get3A_1618 = arith.index_cast %add3A_1593 : i32 to index
          %get3A_1619 = arith.constant 48 : index
          %get3A_1620 = tpu.vector_load %arg9[%get3A_1618, %get3A_1619] {strides = array<i32>} : memref<128x128xf32, #tpu.memory_space<vmem>>, vector<16xf32>,
          %mul3A_1621 = arith.mulf %get3A_1620, %gather3A_1596 : vector<16xf32>
          %swap3A_1622 = arith.index_cast %add3A_1593 : i32 to index
          %swap3A_1623 = arith.constant 48 : index
          %swap3A_1624 = tpu.vector_load %arg9[%swap3A_1622, %swap3A_1623] {strides = array<i32>} : memref<128x128xf32, #tpu.memory_space<vmem>>, vector<16xf32>,
          tpu.vector_store %arg9[%swap3A_1622, %swap3A_1623], %mul3A_1621 {strides = array<i32>} : memref<128x128xf32, #tpu.memory_space<vmem>>, vector<16xf32>,
          %get3A_1625 = arith.index_cast %add3A_1593 : i32 to index
          %get3A_1626 = arith.constant 64 : index
          %get3A_1627 = tpu.vector_load %arg9[%get3A_1625, %get3A_1626] {strides = array<i32>} : memref<128x128xf32, #tpu.memory_space<vmem>>, vector<16xf32>,
          %mul3A_1628 = arith.mulf %get3A_1627, %gather3A_1596 : vector<16xf32>
          %swap3A_1629 = arith.index_cast %add3A_1593 : i32 to index
          %swap3A_1630 = arith.constant 64 : index
          %swap3A_1631 = tpu.vector_load %arg9[%swap3A_1629, %swap3A_1630] {strides = array<i32>} : memref<128x128xf32, #tpu.memory_space<vmem>>, vector<16xf32>,
          tpu.vector_store %arg9[%swap3A_1629, %swap3A_1630], %mul3A_1628 {strides = array<i32>} : memref<128x128xf32, #tpu.memory_space<vmem>>, vector<16xf32>,
          %get3A_1632 = arith.index_cast %add3A_1593 : i32 to index
          %get3A_1633 = arith.constant 80 : index
          %get3A_1634 = tpu.vector_load %arg9[%get3A_1632, %get3A_1633] {strides = array<i32>} : memref<128x128xf32, #tpu.memory_space<vmem>>, vector<16xf32>,
          %mul3A_1635 = arith.mulf %get3A_1634, %gather3A_1596 : vector<16xf32>
          %swap3A_1636 = arith.index_cast %add3A_1593 : i32 to index
          %swap3A_1637 = arith.constant 80 : index
          %swap3A_1638 = tpu.vector_load %arg9[%swap3A_1636, %swap3A_1637] {strides = array<i32>} : memref<128x128xf32, #tpu.memory_space<vmem>>, vector<16xf32>,
          tpu.vector_store %arg9[%swap3A_1636, %swap3A_1637], %mul3A_1635 {strides = array<i32>} : memref<128x128xf32, #tpu.memory_space<vmem>>, vector<16xf32>,
          %get3A_1639 = arith.index_cast %add3A_1593 : i32 to index
          %get3A_1640 = arith.constant 96 : index
          %get3A_1641 = tpu.vector_load %arg9[%get3A_1639, %get3A_1640] {strides = array<i32>} : memref<128x128xf32, #tpu.memory_space<vmem>>, vector<16xf32>,
          %mul3A_1642 = arith.mulf %get3A_1641, %gather3A_1596 : vector<16xf32>
          %swap3A_1643 = arith.index_cast %add3A_1593 : i32 to index
          %swap3A_1644 = arith.constant 96 : index
          %swap3A_1645 = tpu.vector_load %arg9[%swap3A_1643, %swap3A_1644] {strides = array<i32>} : memref<128x128xf32, #tpu.memory_space<vmem>>, vector<16xf32>,
          tpu.vector_store %arg9[%swap3A_1643, %swap3A_1644], %mul3A_1642 {strides = array<i32>} : memref<128x128xf32, #tpu.memory_space<vmem>>, vector<16xf32>,
          %get3A_1646 = arith.index_cast %add3A_1593 : i32 to index
          %get3A_1647 = arith.constant 112 : index
          %get3A_1648 = tpu.vector_load %arg9[%get3A_1646, %get3A_1647] {strides = array<i32>} : memref<128x128xf32, #tpu.memory_space<vmem>>, vector<16xf32>,
          %mul3A_1649 = arith.mulf %get3A_1648, %gather3A_1596 : vector<16xf32>
          %swap3A_1650 = arith.index_cast %add3A_1593 : i32 to index
          %swap3A_1651 = arith.constant 112 : index
          %swap3A_1652 = tpu.vector_load %arg9[%swap3A_1650, %swap3A_1651] {strides = array<i32>} : memref<128x128xf32, #tpu.memory_space<vmem>>, vector<16xf32>,
          tpu.vector_store %arg9[%swap3A_1650, %swap3A_1651], %mul3A_1649 {strides = array<i32>} : memref<128x128xf32, #tpu.memory_space<vmem>>, vector<16xf32>,
          %add3A_1653 = arith.constant 6 : i32
          %add3A_1654 = arith.addi %mul3A_130, %add3A_1653 : i32
          %broadcast_in_dim3A_1655 = arith.constant 6 : i32
          %broadcast_in_dim3A_1656 = vector.broadcast %broadcast_in_dim3A_1655 : i32 to vector<16xi32>
          %gather3A_1657 = tpu.vector_load_idx %arg12[%broadcast_in_dim3A_1656] : memref<16xf32, #tpu.memory_space<vmem>>[vector<16xi32>], vector<16xf32>,
          %get3A_1658 = arith.index_cast %add3A_1654 : i32 to index
          %get3A_1659 = arith.constant 0 : index
          %get3A_1660 = tpu.vector_load %arg9[%get3A_1658, %get3A_1659] {strides = array<i32>} : memref<128x128xf32, #tpu.memory_space<vmem>>, vector<16xf32>,
          %mul3A_1661 = arith.mulf %get3A_1660, %gather3A_1657 : vector<16xf32>
          %swap3A_1662 = arith.index_cast %add3A_1654 : i32 to index
          %swap3A_1663 = arith.constant 0 : index
          %swap3A_1664 = tpu.vector_load %arg9[%swap3A_1662, %swap3A_1663] {strides = array<i32>} : memref<128x128xf32, #tpu.memory_space<vmem>>, vector<16xf32>,
          tpu.vector_store %arg9[%swap3A_1662, %swap3A_1663], %mul3A_1661 {strides = array<i32>} : memref<128x128xf32, #tpu.memory_space<vmem>>, vector<16xf32>,
          %get3A_1665 = arith.index_cast %add3A_1654 : i32 to index
          %get3A_1666 = arith.constant 16 : index
          %get3A_1667 = tpu.vector_load %arg9[%get3A_1665, %get3A_1666] {strides = array<i32>} : memref<128x128xf32, #tpu.memory_space<vmem>>, vector<16xf32>,
          %mul3A_1668 = arith.mulf %get3A_1667, %gather3A_1657 : vector<16xf32>
          %swap3A_1669 = arith.index_cast %add3A_1654 : i32 to index
          %swap3A_1670 = arith.constant 16 : index
          %swap3A_1671 = tpu.vector_load %arg9[%swap3A_1669, %swap3A_1670] {strides = array<i32>} : memref<128x128xf32, #tpu.memory_space<vmem>>, vector<16xf32>,
          tpu.vector_store %arg9[%swap3A_1669, %swap3A_1670], %mul3A_1668 {strides = array<i32>} : memref<128x128xf32, #tpu.memory_space<vmem>>, vector<16xf32>,
          %get3A_1672 = arith.index_cast %add3A_1654 : i32 to index
          %get3A_1673 = arith.constant 32 : index
          %get3A_1674 = tpu.vector_load %arg9[%get3A_1672, %get3A_1673] {strides = array<i32>} : memref<128x128xf32, #tpu.memory_space<vmem>>, vector<16xf32>,
          %mul3A_1675 = arith.mulf %get3A_1674, %gather3A_1657 : vector<16xf32>
          %swap3A_1676 = arith.index_cast %add3A_1654 : i32 to index
          %swap3A_1677 = arith.constant 32 : index
          %swap3A_1678 = tpu.vector_load %arg9[%swap3A_1676, %swap3A_1677] {strides = array<i32>} : memref<128x128xf32, #tpu.memory_space<vmem>>, vector<16xf32>,
          tpu.vector_store %arg9[%swap3A_1676, %swap3A_1677], %mul3A_1675 {strides = array<i32>} : memref<128x128xf32, #tpu.memory_space<vmem>>, vector<16xf32>,
          %get3A_1679 = arith.index_cast %add3A_1654 : i32 to index
          %get3A_1680 = arith.constant 48 : index
          %get3A_1681 = tpu.vector_load %arg9[%get3A_1679, %get3A_1680] {strides = array<i32>} : memref<128x128xf32, #tpu.memory_space<vmem>>, vector<16xf32>,
          %mul3A_1682 = arith.mulf %get3A_1681, %gather3A_1657 : vector<16xf32>
          %swap3A_1683 = arith.index_cast %add3A_1654 : i32 to index
          %swap3A_1684 = arith.constant 48 : index
          %swap3A_1685 = tpu.vector_load %arg9[%swap3A_1683, %swap3A_1684] {strides = array<i32>} : memref<128x128xf32, #tpu.memory_space<vmem>>, vector<16xf32>,
          tpu.vector_store %arg9[%swap3A_1683, %swap3A_1684], %mul3A_1682 {strides = array<i32>} : memref<128x128xf32, #tpu.memory_space<vmem>>, vector<16xf32>,
          %get3A_1686 = arith.index_cast %add3A_1654 : i32 to index
          %get3A_1687 = arith.constant 64 : index
          %get3A_1688 = tpu.vector_load %arg9[%get3A_1686, %get3A_1687] {strides = array<i32>} : memref<128x128xf32, #tpu.memory_space<vmem>>, vector<16xf32>,
          %mul3A_1689 = arith.mulf %get3A_1688, %gather3A_1657 : vector<16xf32>
          %swap3A_1690 = arith.index_cast %add3A_1654 : i32 to index
          %swap3A_1691 = arith.constant 64 : index
          %swap3A_1692 = tpu.vector_load %arg9[%swap3A_1690, %swap3A_1691] {strides = array<i32>} : memref<128x128xf32, #tpu.memory_space<vmem>>, vector<16xf32>,
          tpu.vector_store %arg9[%swap3A_1690, %swap3A_1691], %mul3A_1689 {strides = array<i32>} : memref<128x128xf32, #tpu.memory_space<vmem>>, vector<16xf32>,
          %get3A_1693 = arith.index_cast %add3A_1654 : i32 to index
          %get3A_1694 = arith.constant 80 : index
          %get3A_1695 = tpu.vector_load %arg9[%get3A_1693, %get3A_1694] {strides = array<i32>} : memref<128x128xf32, #tpu.memory_space<vmem>>, vector<16xf32>,
          %mul3A_1696 = arith.mulf %get3A_1695, %gather3A_1657 : vector<16xf32>
          %swap3A_1697 = arith.index_cast %add3A_1654 : i32 to index
          %swap3A_1698 = arith.constant 80 : index
          %swap3A_1699 = tpu.vector_load %arg9[%swap3A_1697, %swap3A_1698] {strides = array<i32>} : memref<128x128xf32, #tpu.memory_space<vmem>>, vector<16xf32>,
          tpu.vector_store %arg9[%swap3A_1697, %swap3A_1698], %mul3A_1696 {strides = array<i32>} : memref<128x128xf32, #tpu.memory_space<vmem>>, vector<16xf32>,
          %get3A_1700 = arith.index_cast %add3A_1654 : i32 to index
          %get3A_1701 = arith.constant 96 : index
          %get3A_1702 = tpu.vector_load %arg9[%get3A_1700, %get3A_1701] {strides = array<i32>} : memref<128x128xf32, #tpu.memory_space<vmem>>, vector<16xf32>,
          %mul3A_1703 = arith.mulf %get3A_1702, %gather3A_1657 : vector<16xf32>
          %swap3A_1704 = arith.index_cast %add3A_1654 : i32 to index
          %swap3A_1705 = arith.constant 96 : index
          %swap3A_1706 = tpu.vector_load %arg9[%swap3A_1704, %swap3A_1705] {strides = array<i32>} : memref<128x128xf32, #tpu.memory_space<vmem>>, vector<16xf32>,
          tpu.vector_store %arg9[%swap3A_1704, %swap3A_1705], %mul3A_1703 {strides = array<i32>} : memref<128x128xf32, #tpu.memory_space<vmem>>, vector<16xf32>,
          %get3A_1707 = arith.index_cast %add3A_1654 : i32 to index
          %get3A_1708 = arith.constant 112 : index
          %get3A_1709 = tpu.vector_load %arg9[%get3A_1707, %get3A_1708] {strides = array<i32>} : memref<128x128xf32, #tpu.memory_space<vmem>>, vector<16xf32>,
          %mul3A_1710 = arith.mulf %get3A_1709, %gather3A_1657 : vector<16xf32>
          %swap3A_1711 = arith.index_cast %add3A_1654 : i32 to index
          %swap3A_1712 = arith.constant 112 : index
          %swap3A_1713 = tpu.vector_load %arg9[%swap3A_1711, %swap3A_1712] {strides = array<i32>} : memref<128x128xf32, #tpu.memory_space<vmem>>, vector<16xf32>,
          tpu.vector_store %arg9[%swap3A_1711, %swap3A_1712], %mul3A_1710 {strides = array<i32>} : memref<128x128xf32, #tpu.memory_space<vmem>>, vector<16xf32>,
          %add3A_1714 = arith.constant 7 : i32
          %add3A_1715 = arith.addi %mul3A_130, %add3A_1714 : i32
          %broadcast_in_dim3A_1716 = arith.constant 7 : i32
          %broadcast_in_dim3A_1717 = vector.broadcast %broadcast_in_dim3A_1716 : i32 to vector<16xi32>
          %gather3A_1718 = tpu.vector_load_idx %arg12[%broadcast_in_dim3A_1717] : memref<16xf32, #tpu.memory_space<vmem>>[vector<16xi32>], vector<16xf32>,
          %get3A_1719 = arith.index_cast %add3A_1715 : i32 to index
          %get3A_1720 = arith.constant 0 : index
          %get3A_1721 = tpu.vector_load %arg9[%get3A_1719, %get3A_1720] {strides = array<i32>} : memref<128x128xf32, #tpu.memory_space<vmem>>, vector<16xf32>,
          %mul3A_1722 = arith.mulf %get3A_1721, %gather3A_1718 : vector<16xf32>
          %swap3A_1723 = arith.index_cast %add3A_1715 : i32 to index
          %swap3A_1724 = arith.constant 0 : index
          %swap3A_1725 = tpu.vector_load %arg9[%swap3A_1723, %swap3A_1724] {strides = array<i32>} : memref<128x128xf32, #tpu.memory_space<vmem>>, vector<16xf32>,
          tpu.vector_store %arg9[%swap3A_1723, %swap3A_1724], %mul3A_1722 {strides = array<i32>} : memref<128x128xf32, #tpu.memory_space<vmem>>, vector<16xf32>,
          %get3A_1726 = arith.index_cast %add3A_1715 : i32 to index
          %get3A_1727 = arith.constant 16 : index
          %get3A_1728 = tpu.vector_load %arg9[%get3A_1726, %get3A_1727] {strides = array<i32>} : memref<128x128xf32, #tpu.memory_space<vmem>>, vector<16xf32>,
          %mul3A_1729 = arith.mulf %get3A_1728, %gather3A_1718 : vector<16xf32>
          %swap3A_1730 = arith.index_cast %add3A_1715 : i32 to index
          %swap3A_1731 = arith.constant 16 : index
          %swap3A_1732 = tpu.vector_load %arg9[%swap3A_1730, %swap3A_1731] {strides = array<i32>} : memref<128x128xf32, #tpu.memory_space<vmem>>, vector<16xf32>,
          tpu.vector_store %arg9[%swap3A_1730, %swap3A_1731], %mul3A_1729 {strides = array<i32>} : memref<128x128xf32, #tpu.memory_space<vmem>>, vector<16xf32>,
          %get3A_1733 = arith.index_cast %add3A_1715 : i32 to index
          %get3A_1734 = arith.constant 32 : index
          %get3A_1735 = tpu.vector_load %arg9[%get3A_1733, %get3A_1734] {strides = array<i32>} : memref<128x128xf32, #tpu.memory_space<vmem>>, vector<16xf32>,
          %mul3A_1736 = arith.mulf %get3A_1735, %gather3A_1718 : vector<16xf32>
          %swap3A_1737 = arith.index_cast %add3A_1715 : i32 to index
          %swap3A_1738 = arith.constant 32 : index
          %swap3A_1739 = tpu.vector_load %arg9[%swap3A_1737, %swap3A_1738] {strides = array<i32>} : memref<128x128xf32, #tpu.memory_space<vmem>>, vector<16xf32>,
          tpu.vector_store %arg9[%swap3A_1737, %swap3A_1738], %mul3A_1736 {strides = array<i32>} : memref<128x128xf32, #tpu.memory_space<vmem>>, vector<16xf32>,
          %get3A_1740 = arith.index_cast %add3A_1715 : i32 to index
          %get3A_1741 = arith.constant 48 : index
          %get3A_1742 = tpu.vector_load %arg9[%get3A_1740, %get3A_1741] {strides = array<i32>} : memref<128x128xf32, #tpu.memory_space<vmem>>, vector<16xf32>,
          %mul3A_1743 = arith.mulf %get3A_1742, %gather3A_1718 : vector<16xf32>
          %swap3A_1744 = arith.index_cast %add3A_1715 : i32 to index
          %swap3A_1745 = arith.constant 48 : index
          %swap3A_1746 = tpu.vector_load %arg9[%swap3A_1744, %swap3A_1745] {strides = array<i32>} : memref<128x128xf32, #tpu.memory_space<vmem>>, vector<16xf32>,
          tpu.vector_store %arg9[%swap3A_1744, %swap3A_1745], %mul3A_1743 {strides = array<i32>} : memref<128x128xf32, #tpu.memory_space<vmem>>, vector<16xf32>,
          %get3A_1747 = arith.index_cast %add3A_1715 : i32 to index
          %get3A_1748 = arith.constant 64 : index
          %get3A_1749 = tpu.vector_load %arg9[%get3A_1747, %get3A_1748] {strides = array<i32>} : memref<128x128xf32, #tpu.memory_space<vmem>>, vector<16xf32>,
          %mul3A_1750 = arith.mulf %get3A_1749, %gather3A_1718 : vector<16xf32>
          %swap3A_1751 = arith.index_cast %add3A_1715 : i32 to index
          %swap3A_1752 = arith.constant 64 : index
          %swap3A_1753 = tpu.vector_load %arg9[%swap3A_1751, %swap3A_1752] {strides = array<i32>} : memref<128x128xf32, #tpu.memory_space<vmem>>, vector<16xf32>,
          tpu.vector_store %arg9[%swap3A_1751, %swap3A_1752], %mul3A_1750 {strides = array<i32>} : memref<128x128xf32, #tpu.memory_space<vmem>>, vector<16xf32>,
          %get3A_1754 = arith.index_cast %add3A_1715 : i32 to index
          %get3A_1755 = arith.constant 80 : index
          %get3A_1756 = tpu.vector_load %arg9[%get3A_1754, %get3A_1755] {strides = array<i32>} : memref<128x128xf32, #tpu.memory_space<vmem>>, vector<16xf32>,
          %mul3A_1757 = arith.mulf %get3A_1756, %gather3A_1718 : vector<16xf32>
          %swap3A_1758 = arith.index_cast %add3A_1715 : i32 to index
          %swap3A_1759 = arith.constant 80 : index
          %swap3A_1760 = tpu.vector_load %arg9[%swap3A_1758, %swap3A_1759] {strides = array<i32>} : memref<128x128xf32, #tpu.memory_space<vmem>>, vector<16xf32>,
          tpu.vector_store %arg9[%swap3A_1758, %swap3A_1759], %mul3A_1757 {strides = array<i32>} : memref<128x128xf32, #tpu.memory_space<vmem>>, vector<16xf32>,
          %get3A_1761 = arith.index_cast %add3A_1715 : i32 to index
          %get3A_1762 = arith.constant 96 : index
          %get3A_1763 = tpu.vector_load %arg9[%get3A_1761, %get3A_1762] {strides = array<i32>} : memref<128x128xf32, #tpu.memory_space<vmem>>, vector<16xf32>,
          %mul3A_1764 = arith.mulf %get3A_1763, %gather3A_1718 : vector<16xf32>
          %swap3A_1765 = arith.index_cast %add3A_1715 : i32 to index
          %swap3A_1766 = arith.constant 96 : index
          %swap3A_1767 = tpu.vector_load %arg9[%swap3A_1765, %swap3A_1766] {strides = array<i32>} : memref<128x128xf32, #tpu.memory_space<vmem>>, vector<16xf32>,
          tpu.vector_store %arg9[%swap3A_1765, %swap3A_1766], %mul3A_1764 {strides = array<i32>} : memref<128x128xf32, #tpu.memory_space<vmem>>, vector<16xf32>,
          %get3A_1768 = arith.index_cast %add3A_1715 : i32 to index
          %get3A_1769 = arith.constant 112 : index
          %get3A_1770 = tpu.vector_load %arg9[%get3A_1768, %get3A_1769] {strides = array<i32>} : memref<128x128xf32, #tpu.memory_space<vmem>>, vector<16xf32>,
          %mul3A_1771 = arith.mulf %get3A_1770, %gather3A_1718 : vector<16xf32>
          %swap3A_1772 = arith.index_cast %add3A_1715 : i32 to index
          %swap3A_1773 = arith.constant 112 : index
          %swap3A_1774 = tpu.vector_load %arg9[%swap3A_1772, %swap3A_1773] {strides = array<i32>} : memref<128x128xf32, #tpu.memory_space<vmem>>, vector<16xf32>,
          tpu.vector_store %arg9[%swap3A_1772, %swap3A_1773], %mul3A_1771 {strides = array<i32>} : memref<128x128xf32, #tpu.memory_space<vmem>>, vector<16xf32>,
          %add3A_1775 = arith.constant 8 : i32
          %add3A_1776 = arith.addi %mul3A_130, %add3A_1775 : i32
          %broadcast_in_dim3A_1777 = arith.constant 8 : i32
          %broadcast_in_dim3A_1778 = vector.broadcast %broadcast_in_dim3A_1777 : i32 to vector<16xi32>
          %gather3A_1779 = tpu.vector_load_idx %arg12[%broadcast_in_dim3A_1778] : memref<16xf32, #tpu.memory_space<vmem>>[vector<16xi32>], vector<16xf32>,
          %get3A_1780 = arith.index_cast %add3A_1776 : i32 to index
          %get3A_1781 = arith.constant 0 : index
          %get3A_1782 = tpu.vector_load %arg9[%get3A_1780, %get3A_1781] {strides = array<i32>} : memref<128x128xf32, #tpu.memory_space<vmem>>, vector<16xf32>,
          %mul3A_1783 = arith.mulf %get3A_1782, %gather3A_1779 : vector<16xf32>
          %swap3A_1784 = arith.index_cast %add3A_1776 : i32 to index
          %swap3A_1785 = arith.constant 0 : index
          %swap3A_1786 = tpu.vector_load %arg9[%swap3A_1784, %swap3A_1785] {strides = array<i32>} : memref<128x128xf32, #tpu.memory_space<vmem>>, vector<16xf32>,
          tpu.vector_store %arg9[%swap3A_1784, %swap3A_1785], %mul3A_1783 {strides = array<i32>} : memref<128x128xf32, #tpu.memory_space<vmem>>, vector<16xf32>,
          %get3A_1787 = arith.index_cast %add3A_1776 : i32 to index
          %get3A_1788 = arith.constant 16 : index
          %get3A_1789 = tpu.vector_load %arg9[%get3A_1787, %get3A_1788] {strides = array<i32>} : memref<128x128xf32, #tpu.memory_space<vmem>>, vector<16xf32>,
          %mul3A_1790 = arith.mulf %get3A_1789, %gather3A_1779 : vector<16xf32>
          %swap3A_1791 = arith.index_cast %add3A_1776 : i32 to index
          %swap3A_1792 = arith.constant 16 : index
          %swap3A_1793 = tpu.vector_load %arg9[%swap3A_1791, %swap3A_1792] {strides = array<i32>} : memref<128x128xf32, #tpu.memory_space<vmem>>, vector<16xf32>,
          tpu.vector_store %arg9[%swap3A_1791, %swap3A_1792], %mul3A_1790 {strides = array<i32>} : memref<128x128xf32, #tpu.memory_space<vmem>>, vector<16xf32>,
          %get3A_1794 = arith.index_cast %add3A_1776 : i32 to index
          %get3A_1795 = arith.constant 32 : index
          %get3A_1796 = tpu.vector_load %arg9[%get3A_1794, %get3A_1795] {strides = array<i32>} : memref<128x128xf32, #tpu.memory_space<vmem>>, vector<16xf32>,
          %mul3A_1797 = arith.mulf %get3A_1796, %gather3A_1779 : vector<16xf32>
          %swap3A_1798 = arith.index_cast %add3A_1776 : i32 to index
          %swap3A_1799 = arith.constant 32 : index
          %swap3A_1800 = tpu.vector_load %arg9[%swap3A_1798, %swap3A_1799] {strides = array<i32>} : memref<128x128xf32, #tpu.memory_space<vmem>>, vector<16xf32>,
          tpu.vector_store %arg9[%swap3A_1798, %swap3A_1799], %mul3A_1797 {strides = array<i32>} : memref<128x128xf32, #tpu.memory_space<vmem>>, vector<16xf32>,
          %get3A_1801 = arith.index_cast %add3A_1776 : i32 to index
          %get3A_1802 = arith.constant 48 : index
          %get3A_1803 = tpu.vector_load %arg9[%get3A_1801, %get3A_1802] {strides = array<i32>} : memref<128x128xf32, #tpu.memory_space<vmem>>, vector<16xf32>,
          %mul3A_1804 = arith.mulf %get3A_1803, %gather3A_1779 : vector<16xf32>
          %swap3A_1805 = arith.index_cast %add3A_1776 : i32 to index
          %swap3A_1806 = arith.constant 48 : index
          %swap3A_1807 = tpu.vector_load %arg9[%swap3A_1805, %swap3A_1806] {strides = array<i32>} : memref<128x128xf32, #tpu.memory_space<vmem>>, vector<16xf32>,
          tpu.vector_store %arg9[%swap3A_1805, %swap3A_1806], %mul3A_1804 {strides = array<i32>} : memref<128x128xf32, #tpu.memory_space<vmem>>, vector<16xf32>,
          %get3A_1808 = arith.index_cast %add3A_1776 : i32 to index
          %get3A_1809 = arith.constant 64 : index
          %get3A_1810 = tpu.vector_load %arg9[%get3A_1808, %get3A_1809] {strides = array<i32>} : memref<128x128xf32, #tpu.memory_space<vmem>>, vector<16xf32>,
          %mul3A_1811 = arith.mulf %get3A_1810, %gather3A_1779 : vector<16xf32>
          %swap3A_1812 = arith.index_cast %add3A_1776 : i32 to index
          %swap3A_1813 = arith.constant 64 : index
          %swap3A_1814 = tpu.vector_load %arg9[%swap3A_1812, %swap3A_1813] {strides = array<i32>} : memref<128x128xf32, #tpu.memory_space<vmem>>, vector<16xf32>,
          tpu.vector_store %arg9[%swap3A_1812, %swap3A_1813], %mul3A_1811 {strides = array<i32>} : memref<128x128xf32, #tpu.memory_space<vmem>>, vector<16xf32>,
          %get3A_1815 = arith.index_cast %add3A_1776 : i32 to index
          %get3A_1816 = arith.constant 80 : index
          %get3A_1817 = tpu.vector_load %arg9[%get3A_1815, %get3A_1816] {strides = array<i32>} : memref<128x128xf32, #tpu.memory_space<vmem>>, vector<16xf32>,
          %mul3A_1818 = arith.mulf %get3A_1817, %gather3A_1779 : vector<16xf32>
          %swap3A_1819 = arith.index_cast %add3A_1776 : i32 to index
          %swap3A_1820 = arith.constant 80 : index
          %swap3A_1821 = tpu.vector_load %arg9[%swap3A_1819, %swap3A_1820] {strides = array<i32>} : memref<128x128xf32, #tpu.memory_space<vmem>>, vector<16xf32>,
          tpu.vector_store %arg9[%swap3A_1819, %swap3A_1820], %mul3A_1818 {strides = array<i32>} : memref<128x128xf32, #tpu.memory_space<vmem>>, vector<16xf32>,
          %get3A_1822 = arith.index_cast %add3A_1776 : i32 to index
          %get3A_1823 = arith.constant 96 : index
          %get3A_1824 = tpu.vector_load %arg9[%get3A_1822, %get3A_1823] {strides = array<i32>} : memref<128x128xf32, #tpu.memory_space<vmem>>, vector<16xf32>,
          %mul3A_1825 = arith.mulf %get3A_1824, %gather3A_1779 : vector<16xf32>
          %swap3A_1826 = arith.index_cast %add3A_1776 : i32 to index
          %swap3A_1827 = arith.constant 96 : index
          %swap3A_1828 = tpu.vector_load %arg9[%swap3A_1826, %swap3A_1827] {strides = array<i32>} : memref<128x128xf32, #tpu.memory_space<vmem>>, vector<16xf32>,
          tpu.vector_store %arg9[%swap3A_1826, %swap3A_1827], %mul3A_1825 {strides = array<i32>} : memref<128x128xf32, #tpu.memory_space<vmem>>, vector<16xf32>,
          %get3A_1829 = arith.index_cast %add3A_1776 : i32 to index
          %get3A_1830 = arith.constant 112 : index
          %get3A_1831 = tpu.vector_load %arg9[%get3A_1829, %get3A_1830] {strides = array<i32>} : memref<128x128xf32, #tpu.memory_space<vmem>>, vector<16xf32>,
          %mul3A_1832 = arith.mulf %get3A_1831, %gather3A_1779 : vector<16xf32>
          %swap3A_1833 = arith.index_cast %add3A_1776 : i32 to index
          %swap3A_1834 = arith.constant 112 : index
          %swap3A_1835 = tpu.vector_load %arg9[%swap3A_1833, %swap3A_1834] {strides = array<i32>} : memref<128x128xf32, #tpu.memory_space<vmem>>, vector<16xf32>,
          tpu.vector_store %arg9[%swap3A_1833, %swap3A_1834], %mul3A_1832 {strides = array<i32>} : memref<128x128xf32, #tpu.memory_space<vmem>>, vector<16xf32>,
          %add3A_1836 = arith.constant 9 : i32
          %add3A_1837 = arith.addi %mul3A_130, %add3A_1836 : i32
          %broadcast_in_dim3A_1838 = arith.constant 9 : i32
          %broadcast_in_dim3A_1839 = vector.broadcast %broadcast_in_dim3A_1838 : i32 to vector<16xi32>
          %gather3A_1840 = tpu.vector_load_idx %arg12[%broadcast_in_dim3A_1839] : memref<16xf32, #tpu.memory_space<vmem>>[vector<16xi32>], vector<16xf32>,
          %get3A_1841 = arith.index_cast %add3A_1837 : i32 to index
          %get3A_1842 = arith.constant 0 : index
          %get3A_1843 = tpu.vector_load %arg9[%get3A_1841, %get3A_1842] {strides = array<i32>} : memref<128x128xf32, #tpu.memory_space<vmem>>, vector<16xf32>,
          %mul3A_1844 = arith.mulf %get3A_1843, %gather3A_1840 : vector<16xf32>
          %swap3A_1845 = arith.index_cast %add3A_1837 : i32 to index
          %swap3A_1846 = arith.constant 0 : index
          %swap3A_1847 = tpu.vector_load %arg9[%swap3A_1845, %swap3A_1846] {strides = array<i32>} : memref<128x128xf32, #tpu.memory_space<vmem>>, vector<16xf32>,
          tpu.vector_store %arg9[%swap3A_1845, %swap3A_1846], %mul3A_1844 {strides = array<i32>} : memref<128x128xf32, #tpu.memory_space<vmem>>, vector<16xf32>,
          %get3A_1848 = arith.index_cast %add3A_1837 : i32 to index
          %get3A_1849 = arith.constant 16 : index
          %get3A_1850 = tpu.vector_load %arg9[%get3A_1848, %get3A_1849] {strides = array<i32>} : memref<128x128xf32, #tpu.memory_space<vmem>>, vector<16xf32>,
          %mul3A_1851 = arith.mulf %get3A_1850, %gather3A_1840 : vector<16xf32>
          %swap3A_1852 = arith.index_cast %add3A_1837 : i32 to index
          %swap3A_1853 = arith.constant 16 : index
          %swap3A_1854 = tpu.vector_load %arg9[%swap3A_1852, %swap3A_1853] {strides = array<i32>} : memref<128x128xf32, #tpu.memory_space<vmem>>, vector<16xf32>,
          tpu.vector_store %arg9[%swap3A_1852, %swap3A_1853], %mul3A_1851 {strides = array<i32>} : memref<128x128xf32, #tpu.memory_space<vmem>>, vector<16xf32>,
          %get3A_1855 = arith.index_cast %add3A_1837 : i32 to index
          %get3A_1856 = arith.constant 32 : index
          %get3A_1857 = tpu.vector_load %arg9[%get3A_1855, %get3A_1856] {strides = array<i32>} : memref<128x128xf32, #tpu.memory_space<vmem>>, vector<16xf32>,
          %mul3A_1858 = arith.mulf %get3A_1857, %gather3A_1840 : vector<16xf32>
          %swap3A_1859 = arith.index_cast %add3A_1837 : i32 to index
          %swap3A_1860 = arith.constant 32 : index
          %swap3A_1861 = tpu.vector_load %arg9[%swap3A_1859, %swap3A_1860] {strides = array<i32>} : memref<128x128xf32, #tpu.memory_space<vmem>>, vector<16xf32>,
          tpu.vector_store %arg9[%swap3A_1859, %swap3A_1860], %mul3A_1858 {strides = array<i32>} : memref<128x128xf32, #tpu.memory_space<vmem>>, vector<16xf32>,
          %get3A_1862 = arith.index_cast %add3A_1837 : i32 to index
          %get3A_1863 = arith.constant 48 : index
          %get3A_1864 = tpu.vector_load %arg9[%get3A_1862, %get3A_1863] {strides = array<i32>} : memref<128x128xf32, #tpu.memory_space<vmem>>, vector<16xf32>,
          %mul3A_1865 = arith.mulf %get3A_1864, %gather3A_1840 : vector<16xf32>
          %swap3A_1866 = arith.index_cast %add3A_1837 : i32 to index
          %swap3A_1867 = arith.constant 48 : index
          %swap3A_1868 = tpu.vector_load %arg9[%swap3A_1866, %swap3A_1867] {strides = array<i32>} : memref<128x128xf32, #tpu.memory_space<vmem>>, vector<16xf32>,
          tpu.vector_store %arg9[%swap3A_1866, %swap3A_1867], %mul3A_1865 {strides = array<i32>} : memref<128x128xf32, #tpu.memory_space<vmem>>, vector<16xf32>,
          %get3A_1869 = arith.index_cast %add3A_1837 : i32 to index
          %get3A_1870 = arith.constant 64 : index
          %get3A_1871 = tpu.vector_load %arg9[%get3A_1869, %get3A_1870] {strides = array<i32>} : memref<128x128xf32, #tpu.memory_space<vmem>>, vector<16xf32>,
          %mul3A_1872 = arith.mulf %get3A_1871, %gather3A_1840 : vector<16xf32>
          %swap3A_1873 = arith.index_cast %add3A_1837 : i32 to index
          %swap3A_1874 = arith.constant 64 : index
          %swap3A_1875 = tpu.vector_load %arg9[%swap3A_1873, %swap3A_1874] {strides = array<i32>} : memref<128x128xf32, #tpu.memory_space<vmem>>, vector<16xf32>,
          tpu.vector_store %arg9[%swap3A_1873, %swap3A_1874], %mul3A_1872 {strides = array<i32>} : memref<128x128xf32, #tpu.memory_space<vmem>>, vector<16xf32>,
          %get3A_1876 = arith.index_cast %add3A_1837 : i32 to index
          %get3A_1877 = arith.constant 80 : index
          %get3A_1878 = tpu.vector_load %arg9[%get3A_1876, %get3A_1877] {strides = array<i32>} : memref<128x128xf32, #tpu.memory_space<vmem>>, vector<16xf32>,
          %mul3A_1879 = arith.mulf %get3A_1878, %gather3A_1840 : vector<16xf32>
          %swap3A_1880 = arith.index_cast %add3A_1837 : i32 to index
          %swap3A_1881 = arith.constant 80 : index
          %swap3A_1882 = tpu.vector_load %arg9[%swap3A_1880, %swap3A_1881] {strides = array<i32>} : memref<128x128xf32, #tpu.memory_space<vmem>>, vector<16xf32>,
          tpu.vector_store %arg9[%swap3A_1880, %swap3A_1881], %mul3A_1879 {strides = array<i32>} : memref<128x128xf32, #tpu.memory_space<vmem>>, vector<16xf32>,
          %get3A_1883 = arith.index_cast %add3A_1837 : i32 to index
          %get3A_1884 = arith.constant 96 : index
          %get3A_1885 = tpu.vector_load %arg9[%get3A_1883, %get3A_1884] {strides = array<i32>} : memref<128x128xf32, #tpu.memory_space<vmem>>, vector<16xf32>,
          %mul3A_1886 = arith.mulf %get3A_1885, %gather3A_1840 : vector<16xf32>
          %swap3A_1887 = arith.index_cast %add3A_1837 : i32 to index
          %swap3A_1888 = arith.constant 96 : index
          %swap3A_1889 = tpu.vector_load %arg9[%swap3A_1887, %swap3A_1888] {strides = array<i32>} : memref<128x128xf32, #tpu.memory_space<vmem>>, vector<16xf32>,
          tpu.vector_store %arg9[%swap3A_1887, %swap3A_1888], %mul3A_1886 {strides = array<i32>} : memref<128x128xf32, #tpu.memory_space<vmem>>, vector<16xf32>,
          %get3A_1890 = arith.index_cast %add3A_1837 : i32 to index
          %get3A_1891 = arith.constant 112 : index
          %get3A_1892 = tpu.vector_load %arg9[%get3A_1890, %get3A_1891] {strides = array<i32>} : memref<128x128xf32, #tpu.memory_space<vmem>>, vector<16xf32>,
          %mul3A_1893 = arith.mulf %get3A_1892, %gather3A_1840 : vector<16xf32>
          %swap3A_1894 = arith.index_cast %add3A_1837 : i32 to index
          %swap3A_1895 = arith.constant 112 : index
          %swap3A_1896 = tpu.vector_load %arg9[%swap3A_1894, %swap3A_1895] {strides = array<i32>} : memref<128x128xf32, #tpu.memory_space<vmem>>, vector<16xf32>,
          tpu.vector_store %arg9[%swap3A_1894, %swap3A_1895], %mul3A_1893 {strides = array<i32>} : memref<128x128xf32, #tpu.memory_space<vmem>>, vector<16xf32>,
          %add3A_1897 = arith.constant 10 : i32
          %add3A_1898 = arith.addi %mul3A_130, %add3A_1897 : i32
          %broadcast_in_dim3A_1899 = arith.constant 10 : i32
          %broadcast_in_dim3A_1900 = vector.broadcast %broadcast_in_dim3A_1899 : i32 to vector<16xi32>
          %gather3A_1901 = tpu.vector_load_idx %arg12[%broadcast_in_dim3A_1900] : memref<16xf32, #tpu.memory_space<vmem>>[vector<16xi32>], vector<16xf32>,
          %get3A_1902 = arith.index_cast %add3A_1898 : i32 to index
          %get3A_1903 = arith.constant 0 : index
          %get3A_1904 = tpu.vector_load %arg9[%get3A_1902, %get3A_1903] {strides = array<i32>} : memref<128x128xf32, #tpu.memory_space<vmem>>, vector<16xf32>,
          %mul3A_1905 = arith.mulf %get3A_1904, %gather3A_1901 : vector<16xf32>
          %swap3A_1906 = arith.index_cast %add3A_1898 : i32 to index
          %swap3A_1907 = arith.constant 0 : index
          %swap3A_1908 = tpu.vector_load %arg9[%swap3A_1906, %swap3A_1907] {strides = array<i32>} : memref<128x128xf32, #tpu.memory_space<vmem>>, vector<16xf32>,
          tpu.vector_store %arg9[%swap3A_1906, %swap3A_1907], %mul3A_1905 {strides = array<i32>} : memref<128x128xf32, #tpu.memory_space<vmem>>, vector<16xf32>,
          %get3A_1909 = arith.index_cast %add3A_1898 : i32 to index
          %get3A_1910 = arith.constant 16 : index
          %get3A_1911 = tpu.vector_load %arg9[%get3A_1909, %get3A_1910] {strides = array<i32>} : memref<128x128xf32, #tpu.memory_space<vmem>>, vector<16xf32>,
          %mul3A_1912 = arith.mulf %get3A_1911, %gather3A_1901 : vector<16xf32>
          %swap3A_1913 = arith.index_cast %add3A_1898 : i32 to index
          %swap3A_1914 = arith.constant 16 : index
          %swap3A_1915 = tpu.vector_load %arg9[%swap3A_1913, %swap3A_1914] {strides = array<i32>} : memref<128x128xf32, #tpu.memory_space<vmem>>, vector<16xf32>,
          tpu.vector_store %arg9[%swap3A_1913, %swap3A_1914], %mul3A_1912 {strides = array<i32>} : memref<128x128xf32, #tpu.memory_space<vmem>>, vector<16xf32>,
          %get3A_1916 = arith.index_cast %add3A_1898 : i32 to index
          %get3A_1917 = arith.constant 32 : index
          %get3A_1918 = tpu.vector_load %arg9[%get3A_1916, %get3A_1917] {strides = array<i32>} : memref<128x128xf32, #tpu.memory_space<vmem>>, vector<16xf32>,
          %mul3A_1919 = arith.mulf %get3A_1918, %gather3A_1901 : vector<16xf32>
          %swap3A_1920 = arith.index_cast %add3A_1898 : i32 to index
          %swap3A_1921 = arith.constant 32 : index
          %swap3A_1922 = tpu.vector_load %arg9[%swap3A_1920, %swap3A_1921] {strides = array<i32>} : memref<128x128xf32, #tpu.memory_space<vmem>>, vector<16xf32>,
          tpu.vector_store %arg9[%swap3A_1920, %swap3A_1921], %mul3A_1919 {strides = array<i32>} : memref<128x128xf32, #tpu.memory_space<vmem>>, vector<16xf32>,
          %get3A_1923 = arith.index_cast %add3A_1898 : i32 to index
          %get3A_1924 = arith.constant 48 : index
          %get3A_1925 = tpu.vector_load %arg9[%get3A_1923, %get3A_1924] {strides = array<i32>} : memref<128x128xf32, #tpu.memory_space<vmem>>, vector<16xf32>,
          %mul3A_1926 = arith.mulf %get3A_1925, %gather3A_1901 : vector<16xf32>
          %swap3A_1927 = arith.index_cast %add3A_1898 : i32 to index
          %swap3A_1928 = arith.constant 48 : index
          %swap3A_1929 = tpu.vector_load %arg9[%swap3A_1927, %swap3A_1928] {strides = array<i32>} : memref<128x128xf32, #tpu.memory_space<vmem>>, vector<16xf32>,
          tpu.vector_store %arg9[%swap3A_1927, %swap3A_1928], %mul3A_1926 {strides = array<i32>} : memref<128x128xf32, #tpu.memory_space<vmem>>, vector<16xf32>,
          %get3A_1930 = arith.index_cast %add3A_1898 : i32 to index
          %get3A_1931 = arith.constant 64 : index
          %get3A_1932 = tpu.vector_load %arg9[%get3A_1930, %get3A_1931] {strides = array<i32>} : memref<128x128xf32, #tpu.memory_space<vmem>>, vector<16xf32>,
          %mul3A_1933 = arith.mulf %get3A_1932, %gather3A_1901 : vector<16xf32>
          %swap3A_1934 = arith.index_cast %add3A_1898 : i32 to index
          %swap3A_1935 = arith.constant 64 : index
          %swap3A_1936 = tpu.vector_load %arg9[%swap3A_1934, %swap3A_1935] {strides = array<i32>} : memref<128x128xf32, #tpu.memory_space<vmem>>, vector<16xf32>,
          tpu.vector_store %arg9[%swap3A_1934, %swap3A_1935], %mul3A_1933 {strides = array<i32>} : memref<128x128xf32, #tpu.memory_space<vmem>>, vector<16xf32>,
          %get3A_1937 = arith.index_cast %add3A_1898 : i32 to index
          %get3A_1938 = arith.constant 80 : index
          %get3A_1939 = tpu.vector_load %arg9[%get3A_1937, %get3A_1938] {strides = array<i32>} : memref<128x128xf32, #tpu.memory_space<vmem>>, vector<16xf32>,
          %mul3A_1940 = arith.mulf %get3A_1939, %gather3A_1901 : vector<16xf32>
          %swap3A_1941 = arith.index_cast %add3A_1898 : i32 to index
          %swap3A_1942 = arith.constant 80 : index
          %swap3A_1943 = tpu.vector_load %arg9[%swap3A_1941, %swap3A_1942] {strides = array<i32>} : memref<128x128xf32, #tpu.memory_space<vmem>>, vector<16xf32>,
          tpu.vector_store %arg9[%swap3A_1941, %swap3A_1942], %mul3A_1940 {strides = array<i32>} : memref<128x128xf32, #tpu.memory_space<vmem>>, vector<16xf32>,
          %get3A_1944 = arith.index_cast %add3A_1898 : i32 to index
          %get3A_1945 = arith.constant 96 : index
          %get3A_1946 = tpu.vector_load %arg9[%get3A_1944, %get3A_1945] {strides = array<i32>} : memref<128x128xf32, #tpu.memory_space<vmem>>, vector<16xf32>,
          %mul3A_1947 = arith.mulf %get3A_1946, %gather3A_1901 : vector<16xf32>
          %swap3A_1948 = arith.index_cast %add3A_1898 : i32 to index
          %swap3A_1949 = arith.constant 96 : index
          %swap3A_1950 = tpu.vector_load %arg9[%swap3A_1948, %swap3A_1949] {strides = array<i32>} : memref<128x128xf32, #tpu.memory_space<vmem>>, vector<16xf32>,
          tpu.vector_store %arg9[%swap3A_1948, %swap3A_1949], %mul3A_1947 {strides = array<i32>} : memref<128x128xf32, #tpu.memory_space<vmem>>, vector<16xf32>,
          %get3A_1951 = arith.index_cast %add3A_1898 : i32 to index
          %get3A_1952 = arith.constant 112 : index
          %get3A_1953 = tpu.vector_load %arg9[%get3A_1951, %get3A_1952] {strides = array<i32>} : memref<128x128xf32, #tpu.memory_space<vmem>>, vector<16xf32>,
          %mul3A_1954 = arith.mulf %get3A_1953, %gather3A_1901 : vector<16xf32>
          %swap3A_1955 = arith.index_cast %add3A_1898 : i32 to index
          %swap3A_1956 = arith.constant 112 : index
          %swap3A_1957 = tpu.vector_load %arg9[%swap3A_1955, %swap3A_1956] {strides = array<i32>} : memref<128x128xf32, #tpu.memory_space<vmem>>, vector<16xf32>,
          tpu.vector_store %arg9[%swap3A_1955, %swap3A_1956], %mul3A_1954 {strides = array<i32>} : memref<128x128xf32, #tpu.memory_space<vmem>>, vector<16xf32>,
          %add3A_1958 = arith.constant 11 : i32
          %add3A_1959 = arith.addi %mul3A_130, %add3A_1958 : i32
          %broadcast_in_dim3A_1960 = arith.constant 11 : i32
          %broadcast_in_dim3A_1961 = vector.broadcast %broadcast_in_dim3A_1960 : i32 to vector<16xi32>
          %gather3A_1962 = tpu.vector_load_idx %arg12[%broadcast_in_dim3A_1961] : memref<16xf32, #tpu.memory_space<vmem>>[vector<16xi32>], vector<16xf32>,
          %get3A_1963 = arith.index_cast %add3A_1959 : i32 to index
          %get3A_1964 = arith.constant 0 : index
          %get3A_1965 = tpu.vector_load %arg9[%get3A_1963, %get3A_1964] {strides = array<i32>} : memref<128x128xf32, #tpu.memory_space<vmem>>, vector<16xf32>,
          %mul3A_1966 = arith.mulf %get3A_1965, %gather3A_1962 : vector<16xf32>
          %swap3A_1967 = arith.index_cast %add3A_1959 : i32 to index
          %swap3A_1968 = arith.constant 0 : index
          %swap3A_1969 = tpu.vector_load %arg9[%swap3A_1967, %swap3A_1968] {strides = array<i32>} : memref<128x128xf32, #tpu.memory_space<vmem>>, vector<16xf32>,
          tpu.vector_store %arg9[%swap3A_1967, %swap3A_1968], %mul3A_1966 {strides = array<i32>} : memref<128x128xf32, #tpu.memory_space<vmem>>, vector<16xf32>,
          %get3A_1970 = arith.index_cast %add3A_1959 : i32 to index
          %get3A_1971 = arith.constant 16 : index
          %get3A_1972 = tpu.vector_load %arg9[%get3A_1970, %get3A_1971] {strides = array<i32>} : memref<128x128xf32, #tpu.memory_space<vmem>>, vector<16xf32>,
          %mul3A_1973 = arith.mulf %get3A_1972, %gather3A_1962 : vector<16xf32>
          %swap3A_1974 = arith.index_cast %add3A_1959 : i32 to index
          %swap3A_1975 = arith.constant 16 : index
          %swap3A_1976 = tpu.vector_load %arg9[%swap3A_1974, %swap3A_1975] {strides = array<i32>} : memref<128x128xf32, #tpu.memory_space<vmem>>, vector<16xf32>,
          tpu.vector_store %arg9[%swap3A_1974, %swap3A_1975], %mul3A_1973 {strides = array<i32>} : memref<128x128xf32, #tpu.memory_space<vmem>>, vector<16xf32>,
          %get3A_1977 = arith.index_cast %add3A_1959 : i32 to index
          %get3A_1978 = arith.constant 32 : index
          %get3A_1979 = tpu.vector_load %arg9[%get3A_1977, %get3A_1978] {strides = array<i32>} : memref<128x128xf32, #tpu.memory_space<vmem>>, vector<16xf32>,
          %mul3A_1980 = arith.mulf %get3A_1979, %gather3A_1962 : vector<16xf32>
          %swap3A_1981 = arith.index_cast %add3A_1959 : i32 to index
          %swap3A_1982 = arith.constant 32 : index
          %swap3A_1983 = tpu.vector_load %arg9[%swap3A_1981, %swap3A_1982] {strides = array<i32>} : memref<128x128xf32, #tpu.memory_space<vmem>>, vector<16xf32>,
          tpu.vector_store %arg9[%swap3A_1981, %swap3A_1982], %mul3A_1980 {strides = array<i32>} : memref<128x128xf32, #tpu.memory_space<vmem>>, vector<16xf32>,
          %get3A_1984 = arith.index_cast %add3A_1959 : i32 to index
          %get3A_1985 = arith.constant 48 : index
          %get3A_1986 = tpu.vector_load %arg9[%get3A_1984, %get3A_1985] {strides = array<i32>} : memref<128x128xf32, #tpu.memory_space<vmem>>, vector<16xf32>,
          %mul3A_1987 = arith.mulf %get3A_1986, %gather3A_1962 : vector<16xf32>
          %swap3A_1988 = arith.index_cast %add3A_1959 : i32 to index
          %swap3A_1989 = arith.constant 48 : index
          %swap3A_1990 = tpu.vector_load %arg9[%swap3A_1988, %swap3A_1989] {strides = array<i32>} : memref<128x128xf32, #tpu.memory_space<vmem>>, vector<16xf32>,
          tpu.vector_store %arg9[%swap3A_1988, %swap3A_1989], %mul3A_1987 {strides = array<i32>} : memref<128x128xf32, #tpu.memory_space<vmem>>, vector<16xf32>,
          %get3A_1991 = arith.index_cast %add3A_1959 : i32 to index
          %get3A_1992 = arith.constant 64 : index
          %get3A_1993 = tpu.vector_load %arg9[%get3A_1991, %get3A_1992] {strides = array<i32>} : memref<128x128xf32, #tpu.memory_space<vmem>>, vector<16xf32>,
          %mul3A_1994 = arith.mulf %get3A_1993, %gather3A_1962 : vector<16xf32>
          %swap3A_1995 = arith.index_cast %add3A_1959 : i32 to index
          %swap3A_1996 = arith.constant 64 : index
          %swap3A_1997 = tpu.vector_load %arg9[%swap3A_1995, %swap3A_1996] {strides = array<i32>} : memref<128x128xf32, #tpu.memory_space<vmem>>, vector<16xf32>,
          tpu.vector_store %arg9[%swap3A_1995, %swap3A_1996], %mul3A_1994 {strides = array<i32>} : memref<128x128xf32, #tpu.memory_space<vmem>>, vector<16xf32>,
          %get3A_1998 = arith.index_cast %add3A_1959 : i32 to index
          %get3A_1999 = arith.constant 80 : index
          %get3A_2000 = tpu.vector_load %arg9[%get3A_1998, %get3A_1999] {strides = array<i32>} : memref<128x128xf32, #tpu.memory_space<vmem>>, vector<16xf32>,
          %mul3A_2001 = arith.mulf %get3A_2000, %gather3A_1962 : vector<16xf32>
          %swap3A_2002 = arith.index_cast %add3A_1959 : i32 to index
          %swap3A_2003 = arith.constant 80 : index
          %swap3A_2004 = tpu.vector_load %arg9[%swap3A_2002, %swap3A_2003] {strides = array<i32>} : memref<128x128xf32, #tpu.memory_space<vmem>>, vector<16xf32>,
          tpu.vector_store %arg9[%swap3A_2002, %swap3A_2003], %mul3A_2001 {strides = array<i32>} : memref<128x128xf32, #tpu.memory_space<vmem>>, vector<16xf32>,
          %get3A_2005 = arith.index_cast %add3A_1959 : i32 to index
          %get3A_2006 = arith.constant 96 : index
          %get3A_2007 = tpu.vector_load %arg9[%get3A_2005, %get3A_2006] {strides = array<i32>} : memref<128x128xf32, #tpu.memory_space<vmem>>, vector<16xf32>,
          %mul3A_2008 = arith.mulf %get3A_2007, %gather3A_1962 : vector<16xf32>
          %swap3A_2009 = arith.index_cast %add3A_1959 : i32 to index
          %swap3A_2010 = arith.constant 96 : index
          %swap3A_2011 = tpu.vector_load %arg9[%swap3A_2009, %swap3A_2010] {strides = array<i32>} : memref<128x128xf32, #tpu.memory_space<vmem>>, vector<16xf32>,
          tpu.vector_store %arg9[%swap3A_2009, %swap3A_2010], %mul3A_2008 {strides = array<i32>} : memref<128x128xf32, #tpu.memory_space<vmem>>, vector<16xf32>,
          %get3A_2012 = arith.index_cast %add3A_1959 : i32 to index
          %get3A_2013 = arith.constant 112 : index
          %get3A_2014 = tpu.vector_load %arg9[%get3A_2012, %get3A_2013] {strides = array<i32>} : memref<128x128xf32, #tpu.memory_space<vmem>>, vector<16xf32>,
          %mul3A_2015 = arith.mulf %get3A_2014, %gather3A_1962 : vector<16xf32>
          %swap3A_2016 = arith.index_cast %add3A_1959 : i32 to index
          %swap3A_2017 = arith.constant 112 : index
          %swap3A_2018 = tpu.vector_load %arg9[%swap3A_2016, %swap3A_2017] {strides = array<i32>} : memref<128x128xf32, #tpu.memory_space<vmem>>, vector<16xf32>,
          tpu.vector_store %arg9[%swap3A_2016, %swap3A_2017], %mul3A_2015 {strides = array<i32>} : memref<128x128xf32, #tpu.memory_space<vmem>>, vector<16xf32>,
          %add3A_2019 = arith.constant 12 : i32
          %add3A_2020 = arith.addi %mul3A_130, %add3A_2019 : i32
          %broadcast_in_dim3A_2021 = arith.constant 12 : i32
          %broadcast_in_dim3A_2022 = vector.broadcast %broadcast_in_dim3A_2021 : i32 to vector<16xi32>
          %gather3A_2023 = tpu.vector_load_idx %arg12[%broadcast_in_dim3A_2022] : memref<16xf32, #tpu.memory_space<vmem>>[vector<16xi32>], vector<16xf32>,
          %get3A_2024 = arith.index_cast %add3A_2020 : i32 to index
          %get3A_2025 = arith.constant 0 : index
          %get3A_2026 = tpu.vector_load %arg9[%get3A_2024, %get3A_2025] {strides = array<i32>} : memref<128x128xf32, #tpu.memory_space<vmem>>, vector<16xf32>,
          %mul3A_2027 = arith.mulf %get3A_2026, %gather3A_2023 : vector<16xf32>
          %swap3A_2028 = arith.index_cast %add3A_2020 : i32 to index
          %swap3A_2029 = arith.constant 0 : index
          %swap3A_2030 = tpu.vector_load %arg9[%swap3A_2028, %swap3A_2029] {strides = array<i32>} : memref<128x128xf32, #tpu.memory_space<vmem>>, vector<16xf32>,
          tpu.vector_store %arg9[%swap3A_2028, %swap3A_2029], %mul3A_2027 {strides = array<i32>} : memref<128x128xf32, #tpu.memory_space<vmem>>, vector<16xf32>,
          %get3A_2031 = arith.index_cast %add3A_2020 : i32 to index
          %get3A_2032 = arith.constant 16 : index
          %get3A_2033 = tpu.vector_load %arg9[%get3A_2031, %get3A_2032] {strides = array<i32>} : memref<128x128xf32, #tpu.memory_space<vmem>>, vector<16xf32>,
          %mul3A_2034 = arith.mulf %get3A_2033, %gather3A_2023 : vector<16xf32>
          %swap3A_2035 = arith.index_cast %add3A_2020 : i32 to index
          %swap3A_2036 = arith.constant 16 : index
          %swap3A_2037 = tpu.vector_load %arg9[%swap3A_2035, %swap3A_2036] {strides = array<i32>} : memref<128x128xf32, #tpu.memory_space<vmem>>, vector<16xf32>,
          tpu.vector_store %arg9[%swap3A_2035, %swap3A_2036], %mul3A_2034 {strides = array<i32>} : memref<128x128xf32, #tpu.memory_space<vmem>>, vector<16xf32>,
          %get3A_2038 = arith.index_cast %add3A_2020 : i32 to index
          %get3A_2039 = arith.constant 32 : index
          %get3A_2040 = tpu.vector_load %arg9[%get3A_2038, %get3A_2039] {strides = array<i32>} : memref<128x128xf32, #tpu.memory_space<vmem>>, vector<16xf32>,
          %mul3A_2041 = arith.mulf %get3A_2040, %gather3A_2023 : vector<16xf32>
          %swap3A_2042 = arith.index_cast %add3A_2020 : i32 to index
          %swap3A_2043 = arith.constant 32 : index
          %swap3A_2044 = tpu.vector_load %arg9[%swap3A_2042, %swap3A_2043] {strides = array<i32>} : memref<128x128xf32, #tpu.memory_space<vmem>>, vector<16xf32>,
          tpu.vector_store %arg9[%swap3A_2042, %swap3A_2043], %mul3A_2041 {strides = array<i32>} : memref<128x128xf32, #tpu.memory_space<vmem>>, vector<16xf32>,
          %get3A_2045 = arith.index_cast %add3A_2020 : i32 to index
          %get3A_2046 = arith.constant 48 : index
          %get3A_2047 = tpu.vector_load %arg9[%get3A_2045, %get3A_2046] {strides = array<i32>} : memref<128x128xf32, #tpu.memory_space<vmem>>, vector<16xf32>,
          %mul3A_2048 = arith.mulf %get3A_2047, %gather3A_2023 : vector<16xf32>
          %swap3A_2049 = arith.index_cast %add3A_2020 : i32 to index
          %swap3A_2050 = arith.constant 48 : index
          %swap3A_2051 = tpu.vector_load %arg9[%swap3A_2049, %swap3A_2050] {strides = array<i32>} : memref<128x128xf32, #tpu.memory_space<vmem>>, vector<16xf32>,
          tpu.vector_store %arg9[%swap3A_2049, %swap3A_2050], %mul3A_2048 {strides = array<i32>} : memref<128x128xf32, #tpu.memory_space<vmem>>, vector<16xf32>,
          %get3A_2052 = arith.index_cast %add3A_2020 : i32 to index
          %get3A_2053 = arith.constant 64 : index
          %get3A_2054 = tpu.vector_load %arg9[%get3A_2052, %get3A_2053] {strides = array<i32>} : memref<128x128xf32, #tpu.memory_space<vmem>>, vector<16xf32>,
          %mul3A_2055 = arith.mulf %get3A_2054, %gather3A_2023 : vector<16xf32>
          %swap3A_2056 = arith.index_cast %add3A_2020 : i32 to index
          %swap3A_2057 = arith.constant 64 : index
          %swap3A_2058 = tpu.vector_load %arg9[%swap3A_2056, %swap3A_2057] {strides = array<i32>} : memref<128x128xf32, #tpu.memory_space<vmem>>, vector<16xf32>,
          tpu.vector_store %arg9[%swap3A_2056, %swap3A_2057], %mul3A_2055 {strides = array<i32>} : memref<128x128xf32, #tpu.memory_space<vmem>>, vector<16xf32>,
          %get3A_2059 = arith.index_cast %add3A_2020 : i32 to index
          %get3A_2060 = arith.constant 80 : index
          %get3A_2061 = tpu.vector_load %arg9[%get3A_2059, %get3A_2060] {strides = array<i32>} : memref<128x128xf32, #tpu.memory_space<vmem>>, vector<16xf32>,
          %mul3A_2062 = arith.mulf %get3A_2061, %gather3A_2023 : vector<16xf32>
          %swap3A_2063 = arith.index_cast %add3A_2020 : i32 to index
          %swap3A_2064 = arith.constant 80 : index
          %swap3A_2065 = tpu.vector_load %arg9[%swap3A_2063, %swap3A_2064] {strides = array<i32>} : memref<128x128xf32, #tpu.memory_space<vmem>>, vector<16xf32>,
          tpu.vector_store %arg9[%swap3A_2063, %swap3A_2064], %mul3A_2062 {strides = array<i32>} : memref<128x128xf32, #tpu.memory_space<vmem>>, vector<16xf32>,
          %get3A_2066 = arith.index_cast %add3A_2020 : i32 to index
          %get3A_2067 = arith.constant 96 : index
          %get3A_2068 = tpu.vector_load %arg9[%get3A_2066, %get3A_2067] {strides = array<i32>} : memref<128x128xf32, #tpu.memory_space<vmem>>, vector<16xf32>,
          %mul3A_2069 = arith.mulf %get3A_2068, %gather3A_2023 : vector<16xf32>
          %swap3A_2070 = arith.index_cast %add3A_2020 : i32 to index
          %swap3A_2071 = arith.constant 96 : index
          %swap3A_2072 = tpu.vector_load %arg9[%swap3A_2070, %swap3A_2071] {strides = array<i32>} : memref<128x128xf32, #tpu.memory_space<vmem>>, vector<16xf32>,
          tpu.vector_store %arg9[%swap3A_2070, %swap3A_2071], %mul3A_2069 {strides = array<i32>} : memref<128x128xf32, #tpu.memory_space<vmem>>, vector<16xf32>,
          %get3A_2073 = arith.index_cast %add3A_2020 : i32 to index
          %get3A_2074 = arith.constant 112 : index
          %get3A_2075 = tpu.vector_load %arg9[%get3A_2073, %get3A_2074] {strides = array<i32>} : memref<128x128xf32, #tpu.memory_space<vmem>>, vector<16xf32>,
          %mul3A_2076 = arith.mulf %get3A_2075, %gather3A_2023 : vector<16xf32>
          %swap3A_2077 = arith.index_cast %add3A_2020 : i32 to index
          %swap3A_2078 = arith.constant 112 : index
          %swap3A_2079 = tpu.vector_load %arg9[%swap3A_2077, %swap3A_2078] {strides = array<i32>} : memref<128x128xf32, #tpu.memory_space<vmem>>, vector<16xf32>,
          tpu.vector_store %arg9[%swap3A_2077, %swap3A_2078], %mul3A_2076 {strides = array<i32>} : memref<128x128xf32, #tpu.memory_space<vmem>>, vector<16xf32>,
          %add3A_2080 = arith.constant 13 : i32
          %add3A_2081 = arith.addi %mul3A_130, %add3A_2080 : i32
          %broadcast_in_dim3A_2082 = arith.constant 13 : i32
          %broadcast_in_dim3A_2083 = vector.broadcast %broadcast_in_dim3A_2082 : i32 to vector<16xi32>
          %gather3A_2084 = tpu.vector_load_idx %arg12[%broadcast_in_dim3A_2083] : memref<16xf32, #tpu.memory_space<vmem>>[vector<16xi32>], vector<16xf32>,
          %get3A_2085 = arith.index_cast %add3A_2081 : i32 to index
          %get3A_2086 = arith.constant 0 : index
          %get3A_2087 = tpu.vector_load %arg9[%get3A_2085, %get3A_2086] {strides = array<i32>} : memref<128x128xf32, #tpu.memory_space<vmem>>, vector<16xf32>,
          %mul3A_2088 = arith.mulf %get3A_2087, %gather3A_2084 : vector<16xf32>
          %swap3A_2089 = arith.index_cast %add3A_2081 : i32 to index
          %swap3A_2090 = arith.constant 0 : index
          %swap3A_2091 = tpu.vector_load %arg9[%swap3A_2089, %swap3A_2090] {strides = array<i32>} : memref<128x128xf32, #tpu.memory_space<vmem>>, vector<16xf32>,
          tpu.vector_store %arg9[%swap3A_2089, %swap3A_2090], %mul3A_2088 {strides = array<i32>} : memref<128x128xf32, #tpu.memory_space<vmem>>, vector<16xf32>,
          %get3A_2092 = arith.index_cast %add3A_2081 : i32 to index
          %get3A_2093 = arith.constant 16 : index
          %get3A_2094 = tpu.vector_load %arg9[%get3A_2092, %get3A_2093] {strides = array<i32>} : memref<128x128xf32, #tpu.memory_space<vmem>>, vector<16xf32>,
          %mul3A_2095 = arith.mulf %get3A_2094, %gather3A_2084 : vector<16xf32>
          %swap3A_2096 = arith.index_cast %add3A_2081 : i32 to index
          %swap3A_2097 = arith.constant 16 : index
          %swap3A_2098 = tpu.vector_load %arg9[%swap3A_2096, %swap3A_2097] {strides = array<i32>} : memref<128x128xf32, #tpu.memory_space<vmem>>, vector<16xf32>,
          tpu.vector_store %arg9[%swap3A_2096, %swap3A_2097], %mul3A_2095 {strides = array<i32>} : memref<128x128xf32, #tpu.memory_space<vmem>>, vector<16xf32>,
          %get3A_2099 = arith.index_cast %add3A_2081 : i32 to index
          %get3A_2100 = arith.constant 32 : index
          %get3A_2101 = tpu.vector_load %arg9[%get3A_2099, %get3A_2100] {strides = array<i32>} : memref<128x128xf32, #tpu.memory_space<vmem>>, vector<16xf32>,
          %mul3A_2102 = arith.mulf %get3A_2101, %gather3A_2084 : vector<16xf32>
          %swap3A_2103 = arith.index_cast %add3A_2081 : i32 to index
          %swap3A_2104 = arith.constant 32 : index
          %swap3A_2105 = tpu.vector_load %arg9[%swap3A_2103, %swap3A_2104] {strides = array<i32>} : memref<128x128xf32, #tpu.memory_space<vmem>>, vector<16xf32>,
          tpu.vector_store %arg9[%swap3A_2103, %swap3A_2104], %mul3A_2102 {strides = array<i32>} : memref<128x128xf32, #tpu.memory_space<vmem>>, vector<16xf32>,
          %get3A_2106 = arith.index_cast %add3A_2081 : i32 to index
          %get3A_2107 = arith.constant 48 : index
          %get3A_2108 = tpu.vector_load %arg9[%get3A_2106, %get3A_2107] {strides = array<i32>} : memref<128x128xf32, #tpu.memory_space<vmem>>, vector<16xf32>,
          %mul3A_2109 = arith.mulf %get3A_2108, %gather3A_2084 : vector<16xf32>
          %swap3A_2110 = arith.index_cast %add3A_2081 : i32 to index
          %swap3A_2111 = arith.constant 48 : index
          %swap3A_2112 = tpu.vector_load %arg9[%swap3A_2110, %swap3A_2111] {strides = array<i32>} : memref<128x128xf32, #tpu.memory_space<vmem>>, vector<16xf32>,
          tpu.vector_store %arg9[%swap3A_2110, %swap3A_2111], %mul3A_2109 {strides = array<i32>} : memref<128x128xf32, #tpu.memory_space<vmem>>, vector<16xf32>,
          %get3A_2113 = arith.index_cast %add3A_2081 : i32 to index
          %get3A_2114 = arith.constant 64 : index
          %get3A_2115 = tpu.vector_load %arg9[%get3A_2113, %get3A_2114] {strides = array<i32>} : memref<128x128xf32, #tpu.memory_space<vmem>>, vector<16xf32>,
          %mul3A_2116 = arith.mulf %get3A_2115, %gather3A_2084 : vector<16xf32>
          %swap3A_2117 = arith.index_cast %add3A_2081 : i32 to index
          %swap3A_2118 = arith.constant 64 : index
          %swap3A_2119 = tpu.vector_load %arg9[%swap3A_2117, %swap3A_2118] {strides = array<i32>} : memref<128x128xf32, #tpu.memory_space<vmem>>, vector<16xf32>,
          tpu.vector_store %arg9[%swap3A_2117, %swap3A_2118], %mul3A_2116 {strides = array<i32>} : memref<128x128xf32, #tpu.memory_space<vmem>>, vector<16xf32>,
          %get3A_2120 = arith.index_cast %add3A_2081 : i32 to index
          %get3A_2121 = arith.constant 80 : index
          %get3A_2122 = tpu.vector_load %arg9[%get3A_2120, %get3A_2121] {strides = array<i32>} : memref<128x128xf32, #tpu.memory_space<vmem>>, vector<16xf32>,
          %mul3A_2123 = arith.mulf %get3A_2122, %gather3A_2084 : vector<16xf32>
          %swap3A_2124 = arith.index_cast %add3A_2081 : i32 to index
          %swap3A_2125 = arith.constant 80 : index
          %swap3A_2126 = tpu.vector_load %arg9[%swap3A_2124, %swap3A_2125] {strides = array<i32>} : memref<128x128xf32, #tpu.memory_space<vmem>>, vector<16xf32>,
          tpu.vector_store %arg9[%swap3A_2124, %swap3A_2125], %mul3A_2123 {strides = array<i32>} : memref<128x128xf32, #tpu.memory_space<vmem>>, vector<16xf32>,
          %get3A_2127 = arith.index_cast %add3A_2081 : i32 to index
          %get3A_2128 = arith.constant 96 : index
          %get3A_2129 = tpu.vector_load %arg9[%get3A_2127, %get3A_2128] {strides = array<i32>} : memref<128x128xf32, #tpu.memory_space<vmem>>, vector<16xf32>,
          %mul3A_2130 = arith.mulf %get3A_2129, %gather3A_2084 : vector<16xf32>
          %swap3A_2131 = arith.index_cast %add3A_2081 : i32 to index
          %swap3A_2132 = arith.constant 96 : index
          %swap3A_2133 = tpu.vector_load %arg9[%swap3A_2131, %swap3A_2132] {strides = array<i32>} : memref<128x128xf32, #tpu.memory_space<vmem>>, vector<16xf32>,
          tpu.vector_store %arg9[%swap3A_2131, %swap3A_2132], %mul3A_2130 {strides = array<i32>} : memref<128x128xf32, #tpu.memory_space<vmem>>, vector<16xf32>,
          %get3A_2134 = arith.index_cast %add3A_2081 : i32 to index
          %get3A_2135 = arith.constant 112 : index
          %get3A_2136 = tpu.vector_load %arg9[%get3A_2134, %get3A_2135] {strides = array<i32>} : memref<128x128xf32, #tpu.memory_space<vmem>>, vector<16xf32>,
          %mul3A_2137 = arith.mulf %get3A_2136, %gather3A_2084 : vector<16xf32>
          %swap3A_2138 = arith.index_cast %add3A_2081 : i32 to index
          %swap3A_2139 = arith.constant 112 : index
          %swap3A_2140 = tpu.vector_load %arg9[%swap3A_2138, %swap3A_2139] {strides = array<i32>} : memref<128x128xf32, #tpu.memory_space<vmem>>, vector<16xf32>,
          tpu.vector_store %arg9[%swap3A_2138, %swap3A_2139], %mul3A_2137 {strides = array<i32>} : memref<128x128xf32, #tpu.memory_space<vmem>>, vector<16xf32>,
          %add3A_2141 = arith.constant 14 : i32
          %add3A_2142 = arith.addi %mul3A_130, %add3A_2141 : i32
          %broadcast_in_dim3A_2143 = arith.constant 14 : i32
          %broadcast_in_dim3A_2144 = vector.broadcast %broadcast_in_dim3A_2143 : i32 to vector<16xi32>
          %gather3A_2145 = tpu.vector_load_idx %arg12[%broadcast_in_dim3A_2144] : memref<16xf32, #tpu.memory_space<vmem>>[vector<16xi32>], vector<16xf32>,
          %get3A_2146 = arith.index_cast %add3A_2142 : i32 to index
          %get3A_2147 = arith.constant 0 : index
          %get3A_2148 = tpu.vector_load %arg9[%get3A_2146, %get3A_2147] {strides = array<i32>} : memref<128x128xf32, #tpu.memory_space<vmem>>, vector<16xf32>,
          %mul3A_2149 = arith.mulf %get3A_2148, %gather3A_2145 : vector<16xf32>
          %swap3A_2150 = arith.index_cast %add3A_2142 : i32 to index
          %swap3A_2151 = arith.constant 0 : index
          %swap3A_2152 = tpu.vector_load %arg9[%swap3A_2150, %swap3A_2151] {strides = array<i32>} : memref<128x128xf32, #tpu.memory_space<vmem>>, vector<16xf32>,
          tpu.vector_store %arg9[%swap3A_2150, %swap3A_2151], %mul3A_2149 {strides = array<i32>} : memref<128x128xf32, #tpu.memory_space<vmem>>, vector<16xf32>,
          %get3A_2153 = arith.index_cast %add3A_2142 : i32 to index
          %get3A_2154 = arith.constant 16 : index
          %get3A_2155 = tpu.vector_load %arg9[%get3A_2153, %get3A_2154] {strides = array<i32>} : memref<128x128xf32, #tpu.memory_space<vmem>>, vector<16xf32>,
          %mul3A_2156 = arith.mulf %get3A_2155, %gather3A_2145 : vector<16xf32>
          %swap3A_2157 = arith.index_cast %add3A_2142 : i32 to index
          %swap3A_2158 = arith.constant 16 : index
          %swap3A_2159 = tpu.vector_load %arg9[%swap3A_2157, %swap3A_2158] {strides = array<i32>} : memref<128x128xf32, #tpu.memory_space<vmem>>, vector<16xf32>,
          tpu.vector_store %arg9[%swap3A_2157, %swap3A_2158], %mul3A_2156 {strides = array<i32>} : memref<128x128xf32, #tpu.memory_space<vmem>>, vector<16xf32>,
          %get3A_2160 = arith.index_cast %add3A_2142 : i32 to index
          %get3A_2161 = arith.constant 32 : index
          %get3A_2162 = tpu.vector_load %arg9[%get3A_2160, %get3A_2161] {strides = array<i32>} : memref<128x128xf32, #tpu.memory_space<vmem>>, vector<16xf32>,
          %mul3A_2163 = arith.mulf %get3A_2162, %gather3A_2145 : vector<16xf32>
          %swap3A_2164 = arith.index_cast %add3A_2142 : i32 to index
          %swap3A_2165 = arith.constant 32 : index
          %swap3A_2166 = tpu.vector_load %arg9[%swap3A_2164, %swap3A_2165] {strides = array<i32>} : memref<128x128xf32, #tpu.memory_space<vmem>>, vector<16xf32>,
          tpu.vector_store %arg9[%swap3A_2164, %swap3A_2165], %mul3A_2163 {strides = array<i32>} : memref<128x128xf32, #tpu.memory_space<vmem>>, vector<16xf32>,
          %get3A_2167 = arith.index_cast %add3A_2142 : i32 to index
          %get3A_2168 = arith.constant 48 : index
          %get3A_2169 = tpu.vector_load %arg9[%get3A_2167, %get3A_2168] {strides = array<i32>} : memref<128x128xf32, #tpu.memory_space<vmem>>, vector<16xf32>,
          %mul3A_2170 = arith.mulf %get3A_2169, %gather3A_2145 : vector<16xf32>
          %swap3A_2171 = arith.index_cast %add3A_2142 : i32 to index
          %swap3A_2172 = arith.constant 48 : index
          %swap3A_2173 = tpu.vector_load %arg9[%swap3A_2171, %swap3A_2172] {strides = array<i32>} : memref<128x128xf32, #tpu.memory_space<vmem>>, vector<16xf32>,
          tpu.vector_store %arg9[%swap3A_2171, %swap3A_2172], %mul3A_2170 {strides = array<i32>} : memref<128x128xf32, #tpu.memory_space<vmem>>, vector<16xf32>,
          %get3A_2174 = arith.index_cast %add3A_2142 : i32 to index
          %get3A_2175 = arith.constant 64 : index
          %get3A_2176 = tpu.vector_load %arg9[%get3A_2174, %get3A_2175] {strides = array<i32>} : memref<128x128xf32, #tpu.memory_space<vmem>>, vector<16xf32>,
          %mul3A_2177 = arith.mulf %get3A_2176, %gather3A_2145 : vector<16xf32>
          %swap3A_2178 = arith.index_cast %add3A_2142 : i32 to index
          %swap3A_2179 = arith.constant 64 : index
          %swap3A_2180 = tpu.vector_load %arg9[%swap3A_2178, %swap3A_2179] {strides = array<i32>} : memref<128x128xf32, #tpu.memory_space<vmem>>, vector<16xf32>,
          tpu.vector_store %arg9[%swap3A_2178, %swap3A_2179], %mul3A_2177 {strides = array<i32>} : memref<128x128xf32, #tpu.memory_space<vmem>>, vector<16xf32>,
          %get3A_2181 = arith.index_cast %add3A_2142 : i32 to index
          %get3A_2182 = arith.constant 80 : index
          %get3A_2183 = tpu.vector_load %arg9[%get3A_2181, %get3A_2182] {strides = array<i32>} : memref<128x128xf32, #tpu.memory_space<vmem>>, vector<16xf32>,
          %mul3A_2184 = arith.mulf %get3A_2183, %gather3A_2145 : vector<16xf32>
          %swap3A_2185 = arith.index_cast %add3A_2142 : i32 to index
          %swap3A_2186 = arith.constant 80 : index
          %swap3A_2187 = tpu.vector_load %arg9[%swap3A_2185, %swap3A_2186] {strides = array<i32>} : memref<128x128xf32, #tpu.memory_space<vmem>>, vector<16xf32>,
          tpu.vector_store %arg9[%swap3A_2185, %swap3A_2186], %mul3A_2184 {strides = array<i32>} : memref<128x128xf32, #tpu.memory_space<vmem>>, vector<16xf32>,
          %get3A_2188 = arith.index_cast %add3A_2142 : i32 to index
          %get3A_2189 = arith.constant 96 : index
          %get3A_2190 = tpu.vector_load %arg9[%get3A_2188, %get3A_2189] {strides = array<i32>} : memref<128x128xf32, #tpu.memory_space<vmem>>, vector<16xf32>,
          %mul3A_2191 = arith.mulf %get3A_2190, %gather3A_2145 : vector<16xf32>
          %swap3A_2192 = arith.index_cast %add3A_2142 : i32 to index
          %swap3A_2193 = arith.constant 96 : index
          %swap3A_2194 = tpu.vector_load %arg9[%swap3A_2192, %swap3A_2193] {strides = array<i32>} : memref<128x128xf32, #tpu.memory_space<vmem>>, vector<16xf32>,
          tpu.vector_store %arg9[%swap3A_2192, %swap3A_2193], %mul3A_2191 {strides = array<i32>} : memref<128x128xf32, #tpu.memory_space<vmem>>, vector<16xf32>,
          %get3A_2195 = arith.index_cast %add3A_2142 : i32 to index
          %get3A_2196 = arith.constant 112 : index
          %get3A_2197 = tpu.vector_load %arg9[%get3A_2195, %get3A_2196] {strides = array<i32>} : memref<128x128xf32, #tpu.memory_space<vmem>>, vector<16xf32>,
          %mul3A_2198 = arith.mulf %get3A_2197, %gather3A_2145 : vector<16xf32>
          %swap3A_2199 = arith.index_cast %add3A_2142 : i32 to index
          %swap3A_2200 = arith.constant 112 : index
          %swap3A_2201 = tpu.vector_load %arg9[%swap3A_2199, %swap3A_2200] {strides = array<i32>} : memref<128x128xf32, #tpu.memory_space<vmem>>, vector<16xf32>,
          tpu.vector_store %arg9[%swap3A_2199, %swap3A_2200], %mul3A_2198 {strides = array<i32>} : memref<128x128xf32, #tpu.memory_space<vmem>>, vector<16xf32>,
          %add3A_2202 = arith.constant 15 : i32
          %add3A_2203 = arith.addi %mul3A_130, %add3A_2202 : i32
          %broadcast_in_dim3A_2204 = arith.constant 15 : i32
          %broadcast_in_dim3A_2205 = vector.broadcast %broadcast_in_dim3A_2204 : i32 to vector<16xi32>
          %gather3A_2206 = tpu.vector_load_idx %arg12[%broadcast_in_dim3A_2205] : memref<16xf32, #tpu.memory_space<vmem>>[vector<16xi32>], vector<16xf32>,
          %get3A_2207 = arith.index_cast %add3A_2203 : i32 to index
          %get3A_2208 = arith.constant 0 : index
          %get3A_2209 = tpu.vector_load %arg9[%get3A_2207, %get3A_2208] {strides = array<i32>} : memref<128x128xf32, #tpu.memory_space<vmem>>, vector<16xf32>,
          %mul3A_2210 = arith.mulf %get3A_2209, %gather3A_2206 : vector<16xf32>
          %swap3A_2211 = arith.index_cast %add3A_2203 : i32 to index
          %swap3A_2212 = arith.constant 0 : index
          %swap3A_2213 = tpu.vector_load %arg9[%swap3A_2211, %swap3A_2212] {strides = array<i32>} : memref<128x128xf32, #tpu.memory_space<vmem>>, vector<16xf32>,
          tpu.vector_store %arg9[%swap3A_2211, %swap3A_2212], %mul3A_2210 {strides = array<i32>} : memref<128x128xf32, #tpu.memory_space<vmem>>, vector<16xf32>,
          %get3A_2214 = arith.index_cast %add3A_2203 : i32 to index
          %get3A_2215 = arith.constant 16 : index
          %get3A_2216 = tpu.vector_load %arg9[%get3A_2214, %get3A_2215] {strides = array<i32>} : memref<128x128xf32, #tpu.memory_space<vmem>>, vector<16xf32>,
          %mul3A_2217 = arith.mulf %get3A_2216, %gather3A_2206 : vector<16xf32>
          %swap3A_2218 = arith.index_cast %add3A_2203 : i32 to index
          %swap3A_2219 = arith.constant 16 : index
          %swap3A_2220 = tpu.vector_load %arg9[%swap3A_2218, %swap3A_2219] {strides = array<i32>} : memref<128x128xf32, #tpu.memory_space<vmem>>, vector<16xf32>,
          tpu.vector_store %arg9[%swap3A_2218, %swap3A_2219], %mul3A_2217 {strides = array<i32>} : memref<128x128xf32, #tpu.memory_space<vmem>>, vector<16xf32>,
          %get3A_2221 = arith.index_cast %add3A_2203 : i32 to index
          %get3A_2222 = arith.constant 32 : index
          %get3A_2223 = tpu.vector_load %arg9[%get3A_2221, %get3A_2222] {strides = array<i32>} : memref<128x128xf32, #tpu.memory_space<vmem>>, vector<16xf32>,
          %mul3A_2224 = arith.mulf %get3A_2223, %gather3A_2206 : vector<16xf32>
          %swap3A_2225 = arith.index_cast %add3A_2203 : i32 to index
          %swap3A_2226 = arith.constant 32 : index
          %swap3A_2227 = tpu.vector_load %arg9[%swap3A_2225, %swap3A_2226] {strides = array<i32>} : memref<128x128xf32, #tpu.memory_space<vmem>>, vector<16xf32>,
          tpu.vector_store %arg9[%swap3A_2225, %swap3A_2226], %mul3A_2224 {strides = array<i32>} : memref<128x128xf32, #tpu.memory_space<vmem>>, vector<16xf32>,
          %get3A_2228 = arith.index_cast %add3A_2203 : i32 to index
          %get3A_2229 = arith.constant 48 : index
          %get3A_2230 = tpu.vector_load %arg9[%get3A_2228, %get3A_2229] {strides = array<i32>} : memref<128x128xf32, #tpu.memory_space<vmem>>, vector<16xf32>,
          %mul3A_2231 = arith.mulf %get3A_2230, %gather3A_2206 : vector<16xf32>
          %swap3A_2232 = arith.index_cast %add3A_2203 : i32 to index
          %swap3A_2233 = arith.constant 48 : index
          %swap3A_2234 = tpu.vector_load %arg9[%swap3A_2232, %swap3A_2233] {strides = array<i32>} : memref<128x128xf32, #tpu.memory_space<vmem>>, vector<16xf32>,
          tpu.vector_store %arg9[%swap3A_2232, %swap3A_2233], %mul3A_2231 {strides = array<i32>} : memref<128x128xf32, #tpu.memory_space<vmem>>, vector<16xf32>,
          %get3A_2235 = arith.index_cast %add3A_2203 : i32 to index
          %get3A_2236 = arith.constant 64 : index
          %get3A_2237 = tpu.vector_load %arg9[%get3A_2235, %get3A_2236] {strides = array<i32>} : memref<128x128xf32, #tpu.memory_space<vmem>>, vector<16xf32>,
          %mul3A_2238 = arith.mulf %get3A_2237, %gather3A_2206 : vector<16xf32>
          %swap3A_2239 = arith.index_cast %add3A_2203 : i32 to index
          %swap3A_2240 = arith.constant 64 : index
          %swap3A_2241 = tpu.vector_load %arg9[%swap3A_2239, %swap3A_2240] {strides = array<i32>} : memref<128x128xf32, #tpu.memory_space<vmem>>, vector<16xf32>,
          tpu.vector_store %arg9[%swap3A_2239, %swap3A_2240], %mul3A_2238 {strides = array<i32>} : memref<128x128xf32, #tpu.memory_space<vmem>>, vector<16xf32>,
          %get3A_2242 = arith.index_cast %add3A_2203 : i32 to index
          %get3A_2243 = arith.constant 80 : index
          %get3A_2244 = tpu.vector_load %arg9[%get3A_2242, %get3A_2243] {strides = array<i32>} : memref<128x128xf32, #tpu.memory_space<vmem>>, vector<16xf32>,
          %mul3A_2245 = arith.mulf %get3A_2244, %gather3A_2206 : vector<16xf32>
          %swap3A_2246 = arith.index_cast %add3A_2203 : i32 to index
          %swap3A_2247 = arith.constant 80 : index
          %swap3A_2248 = tpu.vector_load %arg9[%swap3A_2246, %swap3A_2247] {strides = array<i32>} : memref<128x128xf32, #tpu.memory_space<vmem>>, vector<16xf32>,
          tpu.vector_store %arg9[%swap3A_2246, %swap3A_2247], %mul3A_2245 {strides = array<i32>} : memref<128x128xf32, #tpu.memory_space<vmem>>, vector<16xf32>,
          %get3A_2249 = arith.index_cast %add3A_2203 : i32 to index
          %get3A_2250 = arith.constant 96 : index
          %get3A_2251 = tpu.vector_load %arg9[%get3A_2249, %get3A_2250] {strides = array<i32>} : memref<128x128xf32, #tpu.memory_space<vmem>>, vector<16xf32>,
          %mul3A_2252 = arith.mulf %get3A_2251, %gather3A_2206 : vector<16xf32>
          %swap3A_2253 = arith.index_cast %add3A_2203 : i32 to index
          %swap3A_2254 = arith.constant 96 : index
          %swap3A_2255 = tpu.vector_load %arg9[%swap3A_2253, %swap3A_2254] {strides = array<i32>} : memref<128x128xf32, #tpu.memory_space<vmem>>, vector<16xf32>,
          tpu.vector_store %arg9[%swap3A_2253, %swap3A_2254], %mul3A_2252 {strides = array<i32>} : memref<128x128xf32, #tpu.memory_space<vmem>>, vector<16xf32>,
          %get3A_2256 = arith.index_cast %add3A_2203 : i32 to index
          %get3A_2257 = arith.constant 112 : index
          %get3A_2258 = tpu.vector_load %arg9[%get3A_2256, %get3A_2257] {strides = array<i32>} : memref<128x128xf32, #tpu.memory_space<vmem>>, vector<16xf32>,
          %mul3A_2259 = arith.mulf %get3A_2258, %gather3A_2206 : vector<16xf32>
          %swap3A_2260 = arith.index_cast %add3A_2203 : i32 to index
          %swap3A_2261 = arith.constant 112 : index
          %swap3A_2262 = tpu.vector_load %arg9[%swap3A_2260, %swap3A_2261] {strides = array<i32>} : memref<128x128xf32, #tpu.memory_space<vmem>>, vector<16xf32>,
          tpu.vector_store %arg9[%swap3A_2260, %swap3A_2261], %mul3A_2259 {strides = array<i32>} : memref<128x128xf32, #tpu.memory_space<vmem>>, vector<16xf32>,
          %scan3A_2263 = arith.constant 0 : i32
          scf.yield %scan3A_2263 : i32
        }
        %scan3A_125 = arith.constant 8 : i32
        "tpu.region"() ({
          %run_scoped3A = tpu.sem_alloc : memref<!tpu.dma_semaphore, #tpu.memory_space<semaphore_mem>>
          %dma_start3A_127 = arith.constant 0 : i32
          %dma_start3A_128 = tpu.memref_slice %arg8[%scan3A_95, %dma_start3A_127] : memref<8x128xi32, #tpu.memory_space<vmem>> -> memref<1x128xi32, #tpu.memory_space<vmem>>
          %dma_start3A_129 = tpu.memref_squeeze %dma_start3A_128 : memref<1x128xi32, #tpu.memory_space<vmem>> -> memref<128xi32, #tpu.memory_space<vmem>>
          %dma_start3A_130 = arith.constant 0 : i32
          %dma_start3A_131 = arith.constant 0 : i32
          %dma_start3A_132 = tpu.memref_slice %arg13[%dma_start3A_130, %dma_start3A_131] : memref<10112x128xf32, #tpu.memory_space<vmem_shared>> -> memref<10112x128xf32, #tpu.memory_space<vmem_shared>>
          tpu.enqueue_indirect_dma source(%arg9 : memref<128x128xf32, #tpu.memory_space<vmem>>) target(%dma_start3A_132 : memref<10112x128xf32, #tpu.memory_space<vmem_shared>>) offsets(%dma_start3A_129 : memref<128xi32, #tpu.memory_space<vmem>>) semaphore(%run_scoped3A : memref<!tpu.dma_semaphore, #tpu.memory_space<semaphore_mem>>) {add = true}
          %dma_wait3A_133 = arith.constant 0 : i32
          %dma_wait3A_134 = tpu.memref_slice %arg8[%scan3A_95, %dma_wait3A_133] : memref<8x128xi32, #tpu.memory_space<vmem>> -> memref<1x128xi32, #tpu.memory_space<vmem>>
          %dma_wait3A_135 = tpu.memref_squeeze %dma_wait3A_134 : memref<1x128xi32, #tpu.memory_space<vmem>> -> memref<128xi32, #tpu.memory_space<vmem>>
          %dma_wait3A_136 = arith.constant 0 : i32
          %dma_wait3A_137 = arith.constant 0 : i32
          %dma_wait3A_138 = tpu.memref_slice %arg13[%dma_wait3A_136, %dma_wait3A_137] : memref<10112x128xf32, #tpu.memory_space<vmem_shared>> -> memref<10112x128xf32, #tpu.memory_space<vmem_shared>>
          tpu.wait_indirect_dma semaphore(%run_scoped3A : memref<!tpu.dma_semaphore, #tpu.memory_space<semaphore_mem>>) src(%arg9 : memref<128x128xf32, #tpu.memory_space<vmem>>) dst(%dma_wait3A_138 : memref<10112x128xf32, #tpu.memory_space<vmem_shared>>)
          tpu.yield
        }) : () -> ()
        %scan3A_126 = arith.constant 0 : i32
        scf.yield %scan3A_126 : i32
      }
      %scan3A_93 = arith.constant 8 : i32
      %scan3A_94 = arith.constant 0 : i32
      scf.yield %scan3A_94 : i32
    }
    %scan3A_33 = arith.constant 10 : i32
    %barrier3A_34 = arith.constant 0 : index
    tpu.barrier barrier_id(%barrier3A_34)
    %mul3A_35 = arith.constant 632 : i32
    %mul3A_36 = arith.muli %arg1, %mul3A_35 : i32
    %add3A_37 = arith.constant 0 : i32
    %add3A_38 = arith.addi %mul3A_36, %add3A_37 : i32
    %mul3A_39 = arith.constant 632 : i32
    %mul3A_40 = arith.muli %arg1, %mul3A_39 : i32
    %add3A_41 = arith.constant 0 : i32
    %add3A_42 = arith.addi %mul3A_40, %add3A_41 : i32
    "tpu.region"() ({
      %run_scoped3A = tpu.sem_alloc : memref<!tpu.dma_semaphore, #tpu.memory_space<semaphore_mem>>
      %dma_start3A = arith.constant 0 : i32
      %dma_start3A_75 = tpu.memref_slice %arg6[%arg0, %add3A_42, %dma_start3A] : memref<2x10112x128xf32, #tpu.memory_space<hbm>> -> memref<1x128x128xf32, #tpu.memory_space<hbm>>
      %dma_start3A_76 = tpu.memref_squeeze %dma_start3A_75 : memref<1x128x128xf32, #tpu.memory_space<hbm>> -> memref<128x128xf32, #tpu.memory_space<hbm>>
      %dma_start3A_77 = arith.constant 0 : i32
      %dma_start3A_78 = tpu.memref_slice %arg13[%add3A_38, %dma_start3A_77] : memref<10112x128xf32, #tpu.memory_space<vmem_shared>> -> memref<128x128xf32, #tpu.memory_space<vmem_shared>>
      tpu.enqueue_dma source(%dma_start3A_78 : memref<128x128xf32, #tpu.memory_space<vmem_shared>>) target(%dma_start3A_76 : memref<128x128xf32, #tpu.memory_space<hbm>>) target_semaphore(%run_scoped3A : memref<!tpu.dma_semaphore, #tpu.memory_space<semaphore_mem>>)
      %dma_wait3A = arith.constant 0 : i32
      %dma_wait3A_79 = tpu.memref_slice %arg6[%arg0, %add3A_42, %dma_wait3A] : memref<2x10112x128xf32, #tpu.memory_space<hbm>> -> memref<1x128x128xf32, #tpu.memory_space<hbm>>
      %dma_wait3A_80 = tpu.memref_squeeze %dma_wait3A_79 : memref<1x128x128xf32, #tpu.memory_space<hbm>> -> memref<128x128xf32, #tpu.memory_space<hbm>>
      %dma_wait3A_81 = arith.constant 0 : i32
      %dma_wait3A_82 = tpu.memref_slice %arg13[%add3A_38, %dma_wait3A_81] : memref<10112x128xf32, #tpu.memory_space<vmem_shared>> -> memref<128x128xf32, #tpu.memory_space<vmem_shared>>
      tpu.wait_dma2 semaphore(%run_scoped3A : memref<!tpu.dma_semaphore, #tpu.memory_space<semaphore_mem>>) src(%dma_wait3A_82 : memref<128x128xf32, #tpu.memory_space<vmem_shared>>) dst(%dma_wait3A_80 : memref<128x128xf32, #tpu.memory_space<hbm>>)
      tpu.yield
    }) : () -> ()
    %mul3A_43 = arith.constant 632 : i32
    %mul3A_44 = arith.muli %arg1, %mul3A_43 : i32
    %add3A_45 = arith.constant 128 : i32
    %add3A_46 = arith.addi %mul3A_44, %add3A_45 : i32
    %mul3A_47 = arith.constant 632 : i32
    %mul3A_48 = arith.muli %arg1, %mul3A_47 : i32
    %add3A_49 = arith.constant 128 : i32
    %add3A_50 = arith.addi %mul3A_48, %add3A_49 : i32
    "tpu.region"() ({
      %run_scoped3A = tpu.sem_alloc : memref<!tpu.dma_semaphore, #tpu.memory_space<semaphore_mem>>
      %dma_start3A = arith.constant 0 : i32
      %dma_start3A_75 = tpu.memref_slice %arg6[%arg0, %add3A_50, %dma_start3A] : memref<2x10112x128xf32, #tpu.memory_space<hbm>> -> memref<1x128x128xf32, #tpu.memory_space<hbm>>
      %dma_start3A_76 = tpu.memref_squeeze %dma_start3A_75 : memref<1x128x128xf32, #tpu.memory_space<hbm>> -> memref<128x128xf32, #tpu.memory_space<hbm>>
      %dma_start3A_77 = arith.constant 0 : i32
      %dma_start3A_78 = tpu.memref_slice %arg13[%add3A_46, %dma_start3A_77] : memref<10112x128xf32, #tpu.memory_space<vmem_shared>> -> memref<128x128xf32, #tpu.memory_space<vmem_shared>>
      tpu.enqueue_dma source(%dma_start3A_78 : memref<128x128xf32, #tpu.memory_space<vmem_shared>>) target(%dma_start3A_76 : memref<128x128xf32, #tpu.memory_space<hbm>>) target_semaphore(%run_scoped3A : memref<!tpu.dma_semaphore, #tpu.memory_space<semaphore_mem>>)
      %dma_wait3A = arith.constant 0 : i32
      %dma_wait3A_79 = tpu.memref_slice %arg6[%arg0, %add3A_50, %dma_wait3A] : memref<2x10112x128xf32, #tpu.memory_space<hbm>> -> memref<1x128x128xf32, #tpu.memory_space<hbm>>
      %dma_wait3A_80 = tpu.memref_squeeze %dma_wait3A_79 : memref<1x128x128xf32, #tpu.memory_space<hbm>> -> memref<128x128xf32, #tpu.memory_space<hbm>>
      %dma_wait3A_81 = arith.constant 0 : i32
      %dma_wait3A_82 = tpu.memref_slice %arg13[%add3A_46, %dma_wait3A_81] : memref<10112x128xf32, #tpu.memory_space<vmem_shared>> -> memref<128x128xf32, #tpu.memory_space<vmem_shared>>
      tpu.wait_dma2 semaphore(%run_scoped3A : memref<!tpu.dma_semaphore, #tpu.memory_space<semaphore_mem>>) src(%dma_wait3A_82 : memref<128x128xf32, #tpu.memory_space<vmem_shared>>) dst(%dma_wait3A_80 : memref<128x128xf32, #tpu.memory_space<hbm>>)
      tpu.yield
    }) : () -> ()
    %mul3A_51 = arith.constant 632 : i32
    %mul3A_52 = arith.muli %arg1, %mul3A_51 : i32
    %add3A_53 = arith.constant 256 : i32
    %add3A_54 = arith.addi %mul3A_52, %add3A_53 : i32
    %mul3A_55 = arith.constant 632 : i32
    %mul3A_56 = arith.muli %arg1, %mul3A_55 : i32
    %add3A_57 = arith.constant 256 : i32
    %add3A_58 = arith.addi %mul3A_56, %add3A_57 : i32
    "tpu.region"() ({
      %run_scoped3A = tpu.sem_alloc : memref<!tpu.dma_semaphore, #tpu.memory_space<semaphore_mem>>
      %dma_start3A = arith.constant 0 : i32
      %dma_start3A_75 = tpu.memref_slice %arg6[%arg0, %add3A_58, %dma_start3A] : memref<2x10112x128xf32, #tpu.memory_space<hbm>> -> memref<1x128x128xf32, #tpu.memory_space<hbm>>
      %dma_start3A_76 = tpu.memref_squeeze %dma_start3A_75 : memref<1x128x128xf32, #tpu.memory_space<hbm>> -> memref<128x128xf32, #tpu.memory_space<hbm>>
      %dma_start3A_77 = arith.constant 0 : i32
      %dma_start3A_78 = tpu.memref_slice %arg13[%add3A_54, %dma_start3A_77] : memref<10112x128xf32, #tpu.memory_space<vmem_shared>> -> memref<128x128xf32, #tpu.memory_space<vmem_shared>>
      tpu.enqueue_dma source(%dma_start3A_78 : memref<128x128xf32, #tpu.memory_space<vmem_shared>>) target(%dma_start3A_76 : memref<128x128xf32, #tpu.memory_space<hbm>>) target_semaphore(%run_scoped3A : memref<!tpu.dma_semaphore, #tpu.memory_space<semaphore_mem>>)
      %dma_wait3A = arith.constant 0 : i32
      %dma_wait3A_79 = tpu.memref_slice %arg6[%arg0, %add3A_58, %dma_wait3A] : memref<2x10112x128xf32, #tpu.memory_space<hbm>> -> memref<1x128x128xf32, #tpu.memory_space<hbm>>
      %dma_wait3A_80 = tpu.memref_squeeze %dma_wait3A_79 : memref<1x128x128xf32, #tpu.memory_space<hbm>> -> memref<128x128xf32, #tpu.memory_space<hbm>>
      %dma_wait3A_81 = arith.constant 0 : i32
      %dma_wait3A_82 = tpu.memref_slice %arg13[%add3A_54, %dma_wait3A_81] : memref<10112x128xf32, #tpu.memory_space<vmem_shared>> -> memref<128x128xf32, #tpu.memory_space<vmem_shared>>
      tpu.wait_dma2 semaphore(%run_scoped3A : memref<!tpu.dma_semaphore, #tpu.memory_space<semaphore_mem>>) src(%dma_wait3A_82 : memref<128x128xf32, #tpu.memory_space<vmem_shared>>) dst(%dma_wait3A_80 : memref<128x128xf32, #tpu.memory_space<hbm>>)
      tpu.yield
    }) : () -> ()
    %mul3A_59 = arith.constant 632 : i32
    %mul3A_60 = arith.muli %arg1, %mul3A_59 : i32
    %add3A_61 = arith.constant 384 : i32
    %add3A_62 = arith.addi %mul3A_60, %add3A_61 : i32
    %mul3A_63 = arith.constant 632 : i32
    %mul3A_64 = arith.muli %arg1, %mul3A_63 : i32
    %add3A_65 = arith.constant 384 : i32
    %add3A_66 = arith.addi %mul3A_64, %add3A_65 : i32
    "tpu.region"() ({
      %run_scoped3A = tpu.sem_alloc : memref<!tpu.dma_semaphore, #tpu.memory_space<semaphore_mem>>
      %dma_start3A = arith.constant 0 : i32
      %dma_start3A_75 = tpu.memref_slice %arg6[%arg0, %add3A_66, %dma_start3A] : memref<2x10112x128xf32, #tpu.memory_space<hbm>> -> memref<1x128x128xf32, #tpu.memory_space<hbm>>
      %dma_start3A_76 = tpu.memref_squeeze %dma_start3A_75 : memref<1x128x128xf32, #tpu.memory_space<hbm>> -> memref<128x128xf32, #tpu.memory_space<hbm>>
      %dma_start3A_77 = arith.constant 0 : i32
      %dma_start3A_78 = tpu.memref_slice %arg13[%add3A_62, %dma_start3A_77] : memref<10112x128xf32, #tpu.memory_space<vmem_shared>> -> memref<128x128xf32, #tpu.memory_space<vmem_shared>>
      tpu.enqueue_dma source(%dma_start3A_78 : memref<128x128xf32, #tpu.memory_space<vmem_shared>>) target(%dma_start3A_76 : memref<128x128xf32, #tpu.memory_space<hbm>>) target_semaphore(%run_scoped3A : memref<!tpu.dma_semaphore, #tpu.memory_space<semaphore_mem>>)
      %dma_wait3A = arith.constant 0 : i32
      %dma_wait3A_79 = tpu.memref_slice %arg6[%arg0, %add3A_66, %dma_wait3A] : memref<2x10112x128xf32, #tpu.memory_space<hbm>> -> memref<1x128x128xf32, #tpu.memory_space<hbm>>
      %dma_wait3A_80 = tpu.memref_squeeze %dma_wait3A_79 : memref<1x128x128xf32, #tpu.memory_space<hbm>> -> memref<128x128xf32, #tpu.memory_space<hbm>>
      %dma_wait3A_81 = arith.constant 0 : i32
      %dma_wait3A_82 = tpu.memref_slice %arg13[%add3A_62, %dma_wait3A_81] : memref<10112x128xf32, #tpu.memory_space<vmem_shared>> -> memref<128x128xf32, #tpu.memory_space<vmem_shared>>
      tpu.wait_dma2 semaphore(%run_scoped3A : memref<!tpu.dma_semaphore, #tpu.memory_space<semaphore_mem>>) src(%dma_wait3A_82 : memref<128x128xf32, #tpu.memory_space<vmem_shared>>) dst(%dma_wait3A_80 : memref<128x128xf32, #tpu.memory_space<hbm>>)
      tpu.yield
    }) : () -> ()
    %mul3A_67 = arith.constant 632 : i32
    %mul3A_68 = arith.muli %arg1, %mul3A_67 : i32
    %add3A_69 = arith.constant 512 : i32
    %add3A_70 = arith.addi %mul3A_68, %add3A_69 : i32
    %mul3A_71 = arith.constant 632 : i32
    %mul3A_72 = arith.muli %arg1, %mul3A_71 : i32
    %add3A_73 = arith.constant 512 : i32
    %add3A_74 = arith.addi %mul3A_72, %add3A_73 : i32
    "tpu.region"() ({
      %run_scoped3A = tpu.sem_alloc : memref<!tpu.dma_semaphore, #tpu.memory_space<semaphore_mem>>
      %dma_start3A = arith.constant 0 : i32
      %dma_start3A_75 = tpu.memref_slice %arg6[%arg0, %add3A_74, %dma_start3A] : memref<2x10112x128xf32, #tpu.memory_space<hbm>> -> memref<1x120x128xf32, #tpu.memory_space<hbm>>
      %dma_start3A_76 = tpu.memref_squeeze %dma_start3A_75 : memref<1x120x128xf32, #tpu.memory_space<hbm>> -> memref<120x128xf32, #tpu.memory_space<hbm>>
      %dma_start3A_77 = arith.constant 0 : i32
      %dma_start3A_78 = tpu.memref_slice %arg13[%add3A_70, %dma_start3A_77] : memref<10112x128xf32, #tpu.memory_space<vmem_shared>> -> memref<120x128xf32, #tpu.memory_space<vmem_shared>>
      tpu.enqueue_dma source(%dma_start3A_78 : memref<120x128xf32, #tpu.memory_space<vmem_shared>>) target(%dma_start3A_76 : memref<120x128xf32, #tpu.memory_space<hbm>>) target_semaphore(%run_scoped3A : memref<!tpu.dma_semaphore, #tpu.memory_space<semaphore_mem>>)
      %dma_wait3A = arith.constant 0 : i32
      %dma_wait3A_79 = tpu.memref_slice %arg6[%arg0, %add3A_74, %dma_wait3A] : memref<2x10112x128xf32, #tpu.memory_space<hbm>> -> memref<1x120x128xf32, #tpu.memory_space<hbm>>
      %dma_wait3A_80 = tpu.memref_squeeze %dma_wait3A_79 : memref<1x120x128xf32, #tpu.memory_space<hbm>> -> memref<120x128xf32, #tpu.memory_space<hbm>>
      %dma_wait3A_81 = arith.constant 0 : i32
      %dma_wait3A_82 = tpu.memref_slice %arg13[%add3A_70, %dma_wait3A_81] : memref<10112x128xf32, #tpu.memory_space<vmem_shared>> -> memref<120x128xf32, #tpu.memory_space<vmem_shared>>
      tpu.wait_dma2 semaphore(%run_scoped3A : memref<!tpu.dma_semaphore, #tpu.memory_space<semaphore_mem>>) src(%dma_wait3A_82 : memref<120x128xf32, #tpu.memory_space<vmem_shared>>) dst(%dma_wait3A_80 : memref<120x128xf32, #tpu.memory_space<hbm>>)
      tpu.yield
    }) : () -> ()
    return
  }
}

#map = affine_map<(d0, d1) -> (0, 0)>
#map1 = affine_map<(d0, d1) -> (0, 0, 0)>
module attributes {stable_mosaic.version = 14 : i64} {
  func.func @_segsum_kernel(%arg0: i32, %arg1: i32, %arg2: memref<10001x128xf32, #tpu.memory_space<hbm>>, %arg3: memref<2560x128xi32, #tpu.memory_space<hbm>>, %arg4: memref<2560x128xi32, #tpu.memory_space<hbm>>, %arg5: memref<2x10112x128xf32, #tpu.memory_space<hbm>>, %arg6: memref<16x128xi32, #tpu.memory_space<vmem>>, %arg7: memref<16x128xi32, #tpu.memory_space<vmem>>, %arg8: memref<256x128xf32, #tpu.memory_space<vmem>>, %arg9: memref<10112x128xf32, #tpu.memory_space<vmem_shared>>, %arg10: memref<2x!tpu.dma_semaphore, #tpu.memory_space<semaphore_mem>>, %arg11: memref<2x!tpu.dma_semaphore, #tpu.memory_space<semaphore_mem>>) attributes {dimension_semantics = [#tpu.dimension_semantics<core_parallel>, #tpu.dimension_semantics<subcore_parallel>], iteration_bounds = array<i64: 2, 16>, scalar_prefetch = 0 : i64, scratch_operands = 6 : i64, tpu.core_type = #tpu.core_type<sc_vector_subcore>, window_params = [{transform_indices = #map}, {transform_indices = #map}, {transform_indices = #map}, {transform_indices = #map1}]} {
    %mul3A = arith.constant 16 : i32
    %mul3A_0 = arith.muli %arg0, %mul3A : i32
    %add3A = arith.addi %mul3A_0, %arg1 : i32
    %scan3A = arith.constant 0 : i32
    %scan3A_1 = arith.constant 0 : i32
    %scan3A_2 = arith.constant 256 : i32
    %scan3A_3 = arith.addi %scan3A_1, %scan3A_2 : i32
    %scan3A_4 = arith.constant 1 : i32
    %scan3A_5 = scf.for %scan3A_89 = %scan3A_1 to %scan3A_3 step %scan3A_4 iter_args(%scan3A_90 = %scan3A) -> (i32)  : i32 {
      %broadcast_in_dim3A = arith.constant 0.000000e+00 : f32
      %broadcast_in_dim3A_91 = vector.broadcast %broadcast_in_dim3A : f32 to vector<16xf32>
      %swap3A = arith.index_cast %scan3A_89 : i32 to index
      %swap3A_92 = arith.constant 0 : index
      %swap3A_93 = tpu.vector_load %arg8[%swap3A, %swap3A_92] {strides = array<i32>} : memref<256x128xf32, #tpu.memory_space<vmem>>, vector<16xf32>,
      tpu.vector_store %arg8[%swap3A, %swap3A_92], %broadcast_in_dim3A_91 {strides = array<i32>} : memref<256x128xf32, #tpu.memory_space<vmem>>, vector<16xf32>,
      %broadcast_in_dim3A_94 = arith.constant 0.000000e+00 : f32
      %broadcast_in_dim3A_95 = vector.broadcast %broadcast_in_dim3A_94 : f32 to vector<16xf32>
      %swap3A_96 = arith.index_cast %scan3A_89 : i32 to index
      %swap3A_97 = arith.constant 16 : index
      %swap3A_98 = tpu.vector_load %arg8[%swap3A_96, %swap3A_97] {strides = array<i32>} : memref<256x128xf32, #tpu.memory_space<vmem>>, vector<16xf32>,
      tpu.vector_store %arg8[%swap3A_96, %swap3A_97], %broadcast_in_dim3A_95 {strides = array<i32>} : memref<256x128xf32, #tpu.memory_space<vmem>>, vector<16xf32>,
      %broadcast_in_dim3A_99 = arith.constant 0.000000e+00 : f32
      %broadcast_in_dim3A_100 = vector.broadcast %broadcast_in_dim3A_99 : f32 to vector<16xf32>
      %swap3A_101 = arith.index_cast %scan3A_89 : i32 to index
      %swap3A_102 = arith.constant 32 : index
      %swap3A_103 = tpu.vector_load %arg8[%swap3A_101, %swap3A_102] {strides = array<i32>} : memref<256x128xf32, #tpu.memory_space<vmem>>, vector<16xf32>,
      tpu.vector_store %arg8[%swap3A_101, %swap3A_102], %broadcast_in_dim3A_100 {strides = array<i32>} : memref<256x128xf32, #tpu.memory_space<vmem>>, vector<16xf32>,
      %broadcast_in_dim3A_104 = arith.constant 0.000000e+00 : f32
      %broadcast_in_dim3A_105 = vector.broadcast %broadcast_in_dim3A_104 : f32 to vector<16xf32>
      %swap3A_106 = arith.index_cast %scan3A_89 : i32 to index
      %swap3A_107 = arith.constant 48 : index
      %swap3A_108 = tpu.vector_load %arg8[%swap3A_106, %swap3A_107] {strides = array<i32>} : memref<256x128xf32, #tpu.memory_space<vmem>>, vector<16xf32>,
      tpu.vector_store %arg8[%swap3A_106, %swap3A_107], %broadcast_in_dim3A_105 {strides = array<i32>} : memref<256x128xf32, #tpu.memory_space<vmem>>, vector<16xf32>,
      %broadcast_in_dim3A_109 = arith.constant 0.000000e+00 : f32
      %broadcast_in_dim3A_110 = vector.broadcast %broadcast_in_dim3A_109 : f32 to vector<16xf32>
      %swap3A_111 = arith.index_cast %scan3A_89 : i32 to index
      %swap3A_112 = arith.constant 64 : index
      %swap3A_113 = tpu.vector_load %arg8[%swap3A_111, %swap3A_112] {strides = array<i32>} : memref<256x128xf32, #tpu.memory_space<vmem>>, vector<16xf32>,
      tpu.vector_store %arg8[%swap3A_111, %swap3A_112], %broadcast_in_dim3A_110 {strides = array<i32>} : memref<256x128xf32, #tpu.memory_space<vmem>>, vector<16xf32>,
      %broadcast_in_dim3A_114 = arith.constant 0.000000e+00 : f32
      %broadcast_in_dim3A_115 = vector.broadcast %broadcast_in_dim3A_114 : f32 to vector<16xf32>
      %swap3A_116 = arith.index_cast %scan3A_89 : i32 to index
      %swap3A_117 = arith.constant 80 : index
      %swap3A_118 = tpu.vector_load %arg8[%swap3A_116, %swap3A_117] {strides = array<i32>} : memref<256x128xf32, #tpu.memory_space<vmem>>, vector<16xf32>,
      tpu.vector_store %arg8[%swap3A_116, %swap3A_117], %broadcast_in_dim3A_115 {strides = array<i32>} : memref<256x128xf32, #tpu.memory_space<vmem>>, vector<16xf32>,
      %broadcast_in_dim3A_119 = arith.constant 0.000000e+00 : f32
      %broadcast_in_dim3A_120 = vector.broadcast %broadcast_in_dim3A_119 : f32 to vector<16xf32>
      %swap3A_121 = arith.index_cast %scan3A_89 : i32 to index
      %swap3A_122 = arith.constant 96 : index
      %swap3A_123 = tpu.vector_load %arg8[%swap3A_121, %swap3A_122] {strides = array<i32>} : memref<256x128xf32, #tpu.memory_space<vmem>>, vector<16xf32>,
      tpu.vector_store %arg8[%swap3A_121, %swap3A_122], %broadcast_in_dim3A_120 {strides = array<i32>} : memref<256x128xf32, #tpu.memory_space<vmem>>, vector<16xf32>,
      %broadcast_in_dim3A_124 = arith.constant 0.000000e+00 : f32
      %broadcast_in_dim3A_125 = vector.broadcast %broadcast_in_dim3A_124 : f32 to vector<16xf32>
      %swap3A_126 = arith.index_cast %scan3A_89 : i32 to index
      %swap3A_127 = arith.constant 112 : index
      %swap3A_128 = tpu.vector_load %arg8[%swap3A_126, %swap3A_127] {strides = array<i32>} : memref<256x128xf32, #tpu.memory_space<vmem>>, vector<16xf32>,
      tpu.vector_store %arg8[%swap3A_126, %swap3A_127], %broadcast_in_dim3A_125 {strides = array<i32>} : memref<256x128xf32, #tpu.memory_space<vmem>>, vector<16xf32>,
      %scan3A_129 = arith.constant 0 : i32
      scf.yield %scan3A_129 : i32
    }
    %scan3A_6 = arith.constant 256 : i32
    %mul3A_7 = arith.constant 632 : i32
    %mul3A_8 = arith.muli %arg1, %mul3A_7 : i32
    %add3A_9 = arith.constant 0 : i32
    %add3A_10 = arith.addi %mul3A_8, %add3A_9 : i32
    "tpu.region"() ({
      %run_scoped3A = tpu.sem_alloc : memref<!tpu.dma_semaphore, #tpu.memory_space<semaphore_mem>>
      %dma_start3A_89 = arith.constant 0 : i32
      %dma_start3A_90 = arith.constant 0 : i32
      %dma_start3A_91 = tpu.memref_slice %arg8[%dma_start3A_89, %dma_start3A_90] : memref<256x128xf32, #tpu.memory_space<vmem>> -> memref<128x128xf32, #tpu.memory_space<vmem>>
      %dma_start3A_92 = arith.constant 0 : i32
      %dma_start3A_93 = tpu.memref_slice %arg9[%add3A_10, %dma_start3A_92] : memref<10112x128xf32, #tpu.memory_space<vmem_shared>> -> memref<128x128xf32, #tpu.memory_space<vmem_shared>>
      %dma_start3A_94 = arith.constant 0 : i32
      %dma_start3A_95 = tpu.memref_slice %arg9[%add3A_10, %dma_start3A_94] : memref<10112x128xf32, #tpu.memory_space<vmem_shared>> -> memref<128x128xf32, #tpu.memory_space<vmem_shared>>
      %dma_start3A_96 = arith.constant 0 : i32
      %dma_start3A_97 = arith.constant 0 : i32
      %dma_start3A_98 = tpu.memref_slice %arg8[%dma_start3A_96, %dma_start3A_97] : memref<256x128xf32, #tpu.memory_space<vmem>> -> memref<128x128xf32, #tpu.memory_space<vmem>>
      tpu.enqueue_dma source(%dma_start3A_98 : memref<128x128xf32, #tpu.memory_space<vmem>>) target(%dma_start3A_95 : memref<128x128xf32, #tpu.memory_space<vmem_shared>>) target_semaphore(%run_scoped3A : memref<!tpu.dma_semaphore, #tpu.memory_space<semaphore_mem>>)
      %dma_wait3A = arith.constant 0 : i32
      %dma_wait3A_99 = arith.constant 0 : i32
      %dma_wait3A_100 = tpu.memref_slice %arg8[%dma_wait3A, %dma_wait3A_99] : memref<256x128xf32, #tpu.memory_space<vmem>> -> memref<128x128xf32, #tpu.memory_space<vmem>>
      %dma_wait3A_101 = arith.constant 0 : i32
      %dma_wait3A_102 = tpu.memref_slice %arg9[%add3A_10, %dma_wait3A_101] : memref<10112x128xf32, #tpu.memory_space<vmem_shared>> -> memref<128x128xf32, #tpu.memory_space<vmem_shared>>
      %dma_wait3A_103 = arith.constant 0 : i32
      %dma_wait3A_104 = tpu.memref_slice %arg9[%add3A_10, %dma_wait3A_103] : memref<10112x128xf32, #tpu.memory_space<vmem_shared>> -> memref<128x128xf32, #tpu.memory_space<vmem_shared>>
      %dma_wait3A_105 = arith.constant 0 : i32
      %dma_wait3A_106 = arith.constant 0 : i32
      %dma_wait3A_107 = tpu.memref_slice %arg8[%dma_wait3A_105, %dma_wait3A_106] : memref<256x128xf32, #tpu.memory_space<vmem>> -> memref<128x128xf32, #tpu.memory_space<vmem>>
      tpu.wait_dma2 semaphore(%run_scoped3A : memref<!tpu.dma_semaphore, #tpu.memory_space<semaphore_mem>>) src(%dma_wait3A_107 : memref<128x128xf32, #tpu.memory_space<vmem>>) dst(%dma_wait3A_104 : memref<128x128xf32, #tpu.memory_space<vmem_shared>>)
      tpu.yield
    }) : () -> ()
    %mul3A_11 = arith.constant 632 : i32
    %mul3A_12 = arith.muli %arg1, %mul3A_11 : i32
    %add3A_13 = arith.constant 128 : i32
    %add3A_14 = arith.addi %mul3A_12, %add3A_13 : i32
    "tpu.region"() ({
      %run_scoped3A = tpu.sem_alloc : memref<!tpu.dma_semaphore, #tpu.memory_space<semaphore_mem>>
      %dma_start3A_89 = arith.constant 0 : i32
      %dma_start3A_90 = arith.constant 0 : i32
      %dma_start3A_91 = tpu.memref_slice %arg8[%dma_start3A_89, %dma_start3A_90] : memref<256x128xf32, #tpu.memory_space<vmem>> -> memref<128x128xf32, #tpu.memory_space<vmem>>
      %dma_start3A_92 = arith.constant 0 : i32
      %dma_start3A_93 = tpu.memref_slice %arg9[%add3A_14, %dma_start3A_92] : memref<10112x128xf32, #tpu.memory_space<vmem_shared>> -> memref<128x128xf32, #tpu.memory_space<vmem_shared>>
      %dma_start3A_94 = arith.constant 0 : i32
      %dma_start3A_95 = tpu.memref_slice %arg9[%add3A_14, %dma_start3A_94] : memref<10112x128xf32, #tpu.memory_space<vmem_shared>> -> memref<128x128xf32, #tpu.memory_space<vmem_shared>>
      %dma_start3A_96 = arith.constant 0 : i32
      %dma_start3A_97 = arith.constant 0 : i32
      %dma_start3A_98 = tpu.memref_slice %arg8[%dma_start3A_96, %dma_start3A_97] : memref<256x128xf32, #tpu.memory_space<vmem>> -> memref<128x128xf32, #tpu.memory_space<vmem>>
      tpu.enqueue_dma source(%dma_start3A_98 : memref<128x128xf32, #tpu.memory_space<vmem>>) target(%dma_start3A_95 : memref<128x128xf32, #tpu.memory_space<vmem_shared>>) target_semaphore(%run_scoped3A : memref<!tpu.dma_semaphore, #tpu.memory_space<semaphore_mem>>)
      %dma_wait3A = arith.constant 0 : i32
      %dma_wait3A_99 = arith.constant 0 : i32
      %dma_wait3A_100 = tpu.memref_slice %arg8[%dma_wait3A, %dma_wait3A_99] : memref<256x128xf32, #tpu.memory_space<vmem>> -> memref<128x128xf32, #tpu.memory_space<vmem>>
      %dma_wait3A_101 = arith.constant 0 : i32
      %dma_wait3A_102 = tpu.memref_slice %arg9[%add3A_14, %dma_wait3A_101] : memref<10112x128xf32, #tpu.memory_space<vmem_shared>> -> memref<128x128xf32, #tpu.memory_space<vmem_shared>>
      %dma_wait3A_103 = arith.constant 0 : i32
      %dma_wait3A_104 = tpu.memref_slice %arg9[%add3A_14, %dma_wait3A_103] : memref<10112x128xf32, #tpu.memory_space<vmem_shared>> -> memref<128x128xf32, #tpu.memory_space<vmem_shared>>
      %dma_wait3A_105 = arith.constant 0 : i32
      %dma_wait3A_106 = arith.constant 0 : i32
      %dma_wait3A_107 = tpu.memref_slice %arg8[%dma_wait3A_105, %dma_wait3A_106] : memref<256x128xf32, #tpu.memory_space<vmem>> -> memref<128x128xf32, #tpu.memory_space<vmem>>
      tpu.wait_dma2 semaphore(%run_scoped3A : memref<!tpu.dma_semaphore, #tpu.memory_space<semaphore_mem>>) src(%dma_wait3A_107 : memref<128x128xf32, #tpu.memory_space<vmem>>) dst(%dma_wait3A_104 : memref<128x128xf32, #tpu.memory_space<vmem_shared>>)
      tpu.yield
    }) : () -> ()
    %mul3A_15 = arith.constant 632 : i32
    %mul3A_16 = arith.muli %arg1, %mul3A_15 : i32
    %add3A_17 = arith.constant 256 : i32
    %add3A_18 = arith.addi %mul3A_16, %add3A_17 : i32
    "tpu.region"() ({
      %run_scoped3A = tpu.sem_alloc : memref<!tpu.dma_semaphore, #tpu.memory_space<semaphore_mem>>
      %dma_start3A_89 = arith.constant 0 : i32
      %dma_start3A_90 = arith.constant 0 : i32
      %dma_start3A_91 = tpu.memref_slice %arg8[%dma_start3A_89, %dma_start3A_90] : memref<256x128xf32, #tpu.memory_space<vmem>> -> memref<128x128xf32, #tpu.memory_space<vmem>>
      %dma_start3A_92 = arith.constant 0 : i32
      %dma_start3A_93 = tpu.memref_slice %arg9[%add3A_18, %dma_start3A_92] : memref<10112x128xf32, #tpu.memory_space<vmem_shared>> -> memref<128x128xf32, #tpu.memory_space<vmem_shared>>
      %dma_start3A_94 = arith.constant 0 : i32
      %dma_start3A_95 = tpu.memref_slice %arg9[%add3A_18, %dma_start3A_94] : memref<10112x128xf32, #tpu.memory_space<vmem_shared>> -> memref<128x128xf32, #tpu.memory_space<vmem_shared>>
      %dma_start3A_96 = arith.constant 0 : i32
      %dma_start3A_97 = arith.constant 0 : i32
      %dma_start3A_98 = tpu.memref_slice %arg8[%dma_start3A_96, %dma_start3A_97] : memref<256x128xf32, #tpu.memory_space<vmem>> -> memref<128x128xf32, #tpu.memory_space<vmem>>
      tpu.enqueue_dma source(%dma_start3A_98 : memref<128x128xf32, #tpu.memory_space<vmem>>) target(%dma_start3A_95 : memref<128x128xf32, #tpu.memory_space<vmem_shared>>) target_semaphore(%run_scoped3A : memref<!tpu.dma_semaphore, #tpu.memory_space<semaphore_mem>>)
      %dma_wait3A = arith.constant 0 : i32
      %dma_wait3A_99 = arith.constant 0 : i32
      %dma_wait3A_100 = tpu.memref_slice %arg8[%dma_wait3A, %dma_wait3A_99] : memref<256x128xf32, #tpu.memory_space<vmem>> -> memref<128x128xf32, #tpu.memory_space<vmem>>
      %dma_wait3A_101 = arith.constant 0 : i32
      %dma_wait3A_102 = tpu.memref_slice %arg9[%add3A_18, %dma_wait3A_101] : memref<10112x128xf32, #tpu.memory_space<vmem_shared>> -> memref<128x128xf32, #tpu.memory_space<vmem_shared>>
      %dma_wait3A_103 = arith.constant 0 : i32
      %dma_wait3A_104 = tpu.memref_slice %arg9[%add3A_18, %dma_wait3A_103] : memref<10112x128xf32, #tpu.memory_space<vmem_shared>> -> memref<128x128xf32, #tpu.memory_space<vmem_shared>>
      %dma_wait3A_105 = arith.constant 0 : i32
      %dma_wait3A_106 = arith.constant 0 : i32
      %dma_wait3A_107 = tpu.memref_slice %arg8[%dma_wait3A_105, %dma_wait3A_106] : memref<256x128xf32, #tpu.memory_space<vmem>> -> memref<128x128xf32, #tpu.memory_space<vmem>>
      tpu.wait_dma2 semaphore(%run_scoped3A : memref<!tpu.dma_semaphore, #tpu.memory_space<semaphore_mem>>) src(%dma_wait3A_107 : memref<128x128xf32, #tpu.memory_space<vmem>>) dst(%dma_wait3A_104 : memref<128x128xf32, #tpu.memory_space<vmem_shared>>)
      tpu.yield
    }) : () -> ()
    %mul3A_19 = arith.constant 632 : i32
    %mul3A_20 = arith.muli %arg1, %mul3A_19 : i32
    %add3A_21 = arith.constant 384 : i32
    %add3A_22 = arith.addi %mul3A_20, %add3A_21 : i32
    "tpu.region"() ({
      %run_scoped3A = tpu.sem_alloc : memref<!tpu.dma_semaphore, #tpu.memory_space<semaphore_mem>>
      %dma_start3A_89 = arith.constant 0 : i32
      %dma_start3A_90 = arith.constant 0 : i32
      %dma_start3A_91 = tpu.memref_slice %arg8[%dma_start3A_89, %dma_start3A_90] : memref<256x128xf32, #tpu.memory_space<vmem>> -> memref<128x128xf32, #tpu.memory_space<vmem>>
      %dma_start3A_92 = arith.constant 0 : i32
      %dma_start3A_93 = tpu.memref_slice %arg9[%add3A_22, %dma_start3A_92] : memref<10112x128xf32, #tpu.memory_space<vmem_shared>> -> memref<128x128xf32, #tpu.memory_space<vmem_shared>>
      %dma_start3A_94 = arith.constant 0 : i32
      %dma_start3A_95 = tpu.memref_slice %arg9[%add3A_22, %dma_start3A_94] : memref<10112x128xf32, #tpu.memory_space<vmem_shared>> -> memref<128x128xf32, #tpu.memory_space<vmem_shared>>
      %dma_start3A_96 = arith.constant 0 : i32
      %dma_start3A_97 = arith.constant 0 : i32
      %dma_start3A_98 = tpu.memref_slice %arg8[%dma_start3A_96, %dma_start3A_97] : memref<256x128xf32, #tpu.memory_space<vmem>> -> memref<128x128xf32, #tpu.memory_space<vmem>>
      tpu.enqueue_dma source(%dma_start3A_98 : memref<128x128xf32, #tpu.memory_space<vmem>>) target(%dma_start3A_95 : memref<128x128xf32, #tpu.memory_space<vmem_shared>>) target_semaphore(%run_scoped3A : memref<!tpu.dma_semaphore, #tpu.memory_space<semaphore_mem>>)
      %dma_wait3A = arith.constant 0 : i32
      %dma_wait3A_99 = arith.constant 0 : i32
      %dma_wait3A_100 = tpu.memref_slice %arg8[%dma_wait3A, %dma_wait3A_99] : memref<256x128xf32, #tpu.memory_space<vmem>> -> memref<128x128xf32, #tpu.memory_space<vmem>>
      %dma_wait3A_101 = arith.constant 0 : i32
      %dma_wait3A_102 = tpu.memref_slice %arg9[%add3A_22, %dma_wait3A_101] : memref<10112x128xf32, #tpu.memory_space<vmem_shared>> -> memref<128x128xf32, #tpu.memory_space<vmem_shared>>
      %dma_wait3A_103 = arith.constant 0 : i32
      %dma_wait3A_104 = tpu.memref_slice %arg9[%add3A_22, %dma_wait3A_103] : memref<10112x128xf32, #tpu.memory_space<vmem_shared>> -> memref<128x128xf32, #tpu.memory_space<vmem_shared>>
      %dma_wait3A_105 = arith.constant 0 : i32
      %dma_wait3A_106 = arith.constant 0 : i32
      %dma_wait3A_107 = tpu.memref_slice %arg8[%dma_wait3A_105, %dma_wait3A_106] : memref<256x128xf32, #tpu.memory_space<vmem>> -> memref<128x128xf32, #tpu.memory_space<vmem>>
      tpu.wait_dma2 semaphore(%run_scoped3A : memref<!tpu.dma_semaphore, #tpu.memory_space<semaphore_mem>>) src(%dma_wait3A_107 : memref<128x128xf32, #tpu.memory_space<vmem>>) dst(%dma_wait3A_104 : memref<128x128xf32, #tpu.memory_space<vmem_shared>>)
      tpu.yield
    }) : () -> ()
    %mul3A_23 = arith.constant 632 : i32
    %mul3A_24 = arith.muli %arg1, %mul3A_23 : i32
    %add3A_25 = arith.constant 512 : i32
    %add3A_26 = arith.addi %mul3A_24, %add3A_25 : i32
    "tpu.region"() ({
      %run_scoped3A = tpu.sem_alloc : memref<!tpu.dma_semaphore, #tpu.memory_space<semaphore_mem>>
      %dma_start3A_89 = arith.constant 0 : i32
      %dma_start3A_90 = arith.constant 0 : i32
      %dma_start3A_91 = tpu.memref_slice %arg8[%dma_start3A_89, %dma_start3A_90] : memref<256x128xf32, #tpu.memory_space<vmem>> -> memref<120x128xf32, #tpu.memory_space<vmem>>
      %dma_start3A_92 = arith.constant 0 : i32
      %dma_start3A_93 = tpu.memref_slice %arg9[%add3A_26, %dma_start3A_92] : memref<10112x128xf32, #tpu.memory_space<vmem_shared>> -> memref<120x128xf32, #tpu.memory_space<vmem_shared>>
      %dma_start3A_94 = arith.constant 0 : i32
      %dma_start3A_95 = tpu.memref_slice %arg9[%add3A_26, %dma_start3A_94] : memref<10112x128xf32, #tpu.memory_space<vmem_shared>> -> memref<120x128xf32, #tpu.memory_space<vmem_shared>>
      %dma_start3A_96 = arith.constant 0 : i32
      %dma_start3A_97 = arith.constant 0 : i32
      %dma_start3A_98 = tpu.memref_slice %arg8[%dma_start3A_96, %dma_start3A_97] : memref<256x128xf32, #tpu.memory_space<vmem>> -> memref<120x128xf32, #tpu.memory_space<vmem>>
      tpu.enqueue_dma source(%dma_start3A_98 : memref<120x128xf32, #tpu.memory_space<vmem>>) target(%dma_start3A_95 : memref<120x128xf32, #tpu.memory_space<vmem_shared>>) target_semaphore(%run_scoped3A : memref<!tpu.dma_semaphore, #tpu.memory_space<semaphore_mem>>)
      %dma_wait3A = arith.constant 0 : i32
      %dma_wait3A_99 = arith.constant 0 : i32
      %dma_wait3A_100 = tpu.memref_slice %arg8[%dma_wait3A, %dma_wait3A_99] : memref<256x128xf32, #tpu.memory_space<vmem>> -> memref<120x128xf32, #tpu.memory_space<vmem>>
      %dma_wait3A_101 = arith.constant 0 : i32
      %dma_wait3A_102 = tpu.memref_slice %arg9[%add3A_26, %dma_wait3A_101] : memref<10112x128xf32, #tpu.memory_space<vmem_shared>> -> memref<120x128xf32, #tpu.memory_space<vmem_shared>>
      %dma_wait3A_103 = arith.constant 0 : i32
      %dma_wait3A_104 = tpu.memref_slice %arg9[%add3A_26, %dma_wait3A_103] : memref<10112x128xf32, #tpu.memory_space<vmem_shared>> -> memref<120x128xf32, #tpu.memory_space<vmem_shared>>
      %dma_wait3A_105 = arith.constant 0 : i32
      %dma_wait3A_106 = arith.constant 0 : i32
      %dma_wait3A_107 = tpu.memref_slice %arg8[%dma_wait3A_105, %dma_wait3A_106] : memref<256x128xf32, #tpu.memory_space<vmem>> -> memref<120x128xf32, #tpu.memory_space<vmem>>
      tpu.wait_dma2 semaphore(%run_scoped3A : memref<!tpu.dma_semaphore, #tpu.memory_space<semaphore_mem>>) src(%dma_wait3A_107 : memref<120x128xf32, #tpu.memory_space<vmem>>) dst(%dma_wait3A_104 : memref<120x128xf32, #tpu.memory_space<vmem_shared>>)
      tpu.yield
    }) : () -> ()
    %mul3A_27 = arith.constant 80 : i32
    %mul3A_28 = arith.muli %add3A, %mul3A_27 : i32
    "tpu.region"() ({
      %run_scoped3A = tpu.sem_alloc : memref<!tpu.dma_semaphore, #tpu.memory_space<semaphore_mem>>
      %dma_start3A_89 = arith.constant 0 : i32
      %dma_start3A_90 = arith.constant 0 : i32
      %dma_start3A_91 = tpu.memref_slice %arg6[%dma_start3A_89, %dma_start3A_90] : memref<16x128xi32, #tpu.memory_space<vmem>> -> memref<8x128xi32, #tpu.memory_space<vmem>>
      %dma_start3A_92 = arith.constant 0 : i32
      %dma_start3A_93 = tpu.memref_slice %arg3[%mul3A_28, %dma_start3A_92] : memref<2560x128xi32, #tpu.memory_space<hbm>> -> memref<8x128xi32, #tpu.memory_space<hbm>>
      %dma_start3A_94 = arith.constant 0 : i32
      %dma_start3A_95 = arith.constant 0 : i32
      %dma_start3A_96 = tpu.memref_slice %arg6[%dma_start3A_94, %dma_start3A_95] : memref<16x128xi32, #tpu.memory_space<vmem>> -> memref<8x128xi32, #tpu.memory_space<vmem>>
      %dma_start3A_97 = arith.constant 0 : i32
      %dma_start3A_98 = tpu.memref_slice %arg3[%mul3A_28, %dma_start3A_97] : memref<2560x128xi32, #tpu.memory_space<hbm>> -> memref<8x128xi32, #tpu.memory_space<hbm>>
      tpu.enqueue_dma source(%dma_start3A_98 : memref<8x128xi32, #tpu.memory_space<hbm>>) target(%dma_start3A_96 : memref<8x128xi32, #tpu.memory_space<vmem>>) target_semaphore(%run_scoped3A : memref<!tpu.dma_semaphore, #tpu.memory_space<semaphore_mem>>)
      %dma_wait3A = arith.constant 0 : i32
      %dma_wait3A_99 = arith.constant 0 : i32
      %dma_wait3A_100 = tpu.memref_slice %arg6[%dma_wait3A, %dma_wait3A_99] : memref<16x128xi32, #tpu.memory_space<vmem>> -> memref<8x128xi32, #tpu.memory_space<vmem>>
      %dma_wait3A_101 = arith.constant 0 : i32
      %dma_wait3A_102 = tpu.memref_slice %arg3[%mul3A_28, %dma_wait3A_101] : memref<2560x128xi32, #tpu.memory_space<hbm>> -> memref<8x128xi32, #tpu.memory_space<hbm>>
      %dma_wait3A_103 = arith.constant 0 : i32
      %dma_wait3A_104 = arith.constant 0 : i32
      %dma_wait3A_105 = tpu.memref_slice %arg6[%dma_wait3A_103, %dma_wait3A_104] : memref<16x128xi32, #tpu.memory_space<vmem>> -> memref<8x128xi32, #tpu.memory_space<vmem>>
      %dma_wait3A_106 = arith.constant 0 : i32
      %dma_wait3A_107 = tpu.memref_slice %arg3[%mul3A_28, %dma_wait3A_106] : memref<2560x128xi32, #tpu.memory_space<hbm>> -> memref<8x128xi32, #tpu.memory_space<hbm>>
      tpu.wait_dma2 semaphore(%run_scoped3A : memref<!tpu.dma_semaphore, #tpu.memory_space<semaphore_mem>>) src(%dma_wait3A_107 : memref<8x128xi32, #tpu.memory_space<hbm>>) dst(%dma_wait3A_105 : memref<8x128xi32, #tpu.memory_space<vmem>>)
      tpu.yield
    }) : () -> ()
    "tpu.region"() ({
      %run_scoped3A = tpu.sem_alloc : memref<!tpu.dma_semaphore, #tpu.memory_space<semaphore_mem>>
      %dma_start3A_89 = arith.constant 0 : i32
      %dma_start3A_90 = arith.constant 0 : i32
      %dma_start3A_91 = tpu.memref_slice %arg7[%dma_start3A_89, %dma_start3A_90] : memref<16x128xi32, #tpu.memory_space<vmem>> -> memref<8x128xi32, #tpu.memory_space<vmem>>
      %dma_start3A_92 = arith.constant 0 : i32
      %dma_start3A_93 = tpu.memref_slice %arg4[%mul3A_28, %dma_start3A_92] : memref<2560x128xi32, #tpu.memory_space<hbm>> -> memref<8x128xi32, #tpu.memory_space<hbm>>
      %dma_start3A_94 = arith.constant 0 : i32
      %dma_start3A_95 = arith.constant 0 : i32
      %dma_start3A_96 = tpu.memref_slice %arg7[%dma_start3A_94, %dma_start3A_95] : memref<16x128xi32, #tpu.memory_space<vmem>> -> memref<8x128xi32, #tpu.memory_space<vmem>>
      %dma_start3A_97 = arith.constant 0 : i32
      %dma_start3A_98 = tpu.memref_slice %arg4[%mul3A_28, %dma_start3A_97] : memref<2560x128xi32, #tpu.memory_space<hbm>> -> memref<8x128xi32, #tpu.memory_space<hbm>>
      tpu.enqueue_dma source(%dma_start3A_98 : memref<8x128xi32, #tpu.memory_space<hbm>>) target(%dma_start3A_96 : memref<8x128xi32, #tpu.memory_space<vmem>>) target_semaphore(%run_scoped3A : memref<!tpu.dma_semaphore, #tpu.memory_space<semaphore_mem>>)
      %dma_wait3A = arith.constant 0 : i32
      %dma_wait3A_99 = arith.constant 0 : i32
      %dma_wait3A_100 = tpu.memref_slice %arg7[%dma_wait3A, %dma_wait3A_99] : memref<16x128xi32, #tpu.memory_space<vmem>> -> memref<8x128xi32, #tpu.memory_space<vmem>>
      %dma_wait3A_101 = arith.constant 0 : i32
      %dma_wait3A_102 = tpu.memref_slice %arg4[%mul3A_28, %dma_wait3A_101] : memref<2560x128xi32, #tpu.memory_space<hbm>> -> memref<8x128xi32, #tpu.memory_space<hbm>>
      %dma_wait3A_103 = arith.constant 0 : i32
      %dma_wait3A_104 = arith.constant 0 : i32
      %dma_wait3A_105 = tpu.memref_slice %arg7[%dma_wait3A_103, %dma_wait3A_104] : memref<16x128xi32, #tpu.memory_space<vmem>> -> memref<8x128xi32, #tpu.memory_space<vmem>>
      %dma_wait3A_106 = arith.constant 0 : i32
      %dma_wait3A_107 = tpu.memref_slice %arg4[%mul3A_28, %dma_wait3A_106] : memref<2560x128xi32, #tpu.memory_space<hbm>> -> memref<8x128xi32, #tpu.memory_space<hbm>>
      tpu.wait_dma2 semaphore(%run_scoped3A : memref<!tpu.dma_semaphore, #tpu.memory_space<semaphore_mem>>) src(%dma_wait3A_107 : memref<8x128xi32, #tpu.memory_space<hbm>>) dst(%dma_wait3A_105 : memref<8x128xi32, #tpu.memory_space<vmem>>)
      tpu.yield
    }) : () -> ()
    %barrier3A = arith.constant 0 : index
    tpu.barrier barrier_id(%barrier3A)
    %dma_start3A = arith.constant 0 : i32
    %dma_start3A_29 = arith.constant 0 : i32
    %dma_start3A_30 = arith.constant 0 : i32
    %dma_start3A_31 = arith.constant 0 : i32
    %dma_start3A_32 = tpu.memref_slice %arg8[%dma_start3A_30, %dma_start3A_31] : memref<256x128xf32, #tpu.memory_space<vmem>> -> memref<128x128xf32, #tpu.memory_space<vmem>>
    %dma_start3A_33 = arith.constant 0 : i32
    %dma_start3A_34 = tpu.memref_slice %arg6[%dma_start3A, %dma_start3A_33] : memref<16x128xi32, #tpu.memory_space<vmem>> -> memref<1x128xi32, #tpu.memory_space<vmem>>
    %dma_start3A_35 = tpu.memref_squeeze %dma_start3A_34 : memref<1x128xi32, #tpu.memory_space<vmem>> -> memref<128xi32, #tpu.memory_space<vmem>>
    %dma_start3A_36 = arith.constant 0 : i32
    %dma_start3A_37 = arith.constant 0 : i32
    %dma_start3A_38 = tpu.memref_slice %arg2[%dma_start3A_36, %dma_start3A_37] : memref<10001x128xf32, #tpu.memory_space<hbm>> -> memref<10001x128xf32, #tpu.memory_space<hbm>>
    %dma_start3A_39 = tpu.memref_slice %arg10[%dma_start3A_29] : memref<2x!tpu.dma_semaphore, #tpu.memory_space<semaphore_mem>> -> memref<1x!tpu.dma_semaphore, #tpu.memory_space<semaphore_mem>>
    %dma_start3A_40 = tpu.memref_squeeze %dma_start3A_39 : memref<1x!tpu.dma_semaphore, #tpu.memory_space<semaphore_mem>> -> memref<!tpu.dma_semaphore, #tpu.memory_space<semaphore_mem>>
    tpu.enqueue_indirect_dma source(%dma_start3A_38 : memref<10001x128xf32, #tpu.memory_space<hbm>>) target(%dma_start3A_32 : memref<128x128xf32, #tpu.memory_space<vmem>>) offsets(%dma_start3A_35 : memref<128xi32, #tpu.memory_space<vmem>>) semaphore(%dma_start3A_40 : memref<!tpu.dma_semaphore, #tpu.memory_space<semaphore_mem>>)
    %scan3A_41 = arith.constant 0 : i32
    %scan3A_42 = arith.constant 0 : i32
    %scan3A_43 = arith.constant 80 : i32
    %scan3A_44 = arith.addi %scan3A_42, %scan3A_43 : i32
    %scan3A_45 = arith.constant 1 : i32
    %scan3A_46 = scf.for %scan3A_89 = %scan3A_42 to %scan3A_44 step %scan3A_45 iter_args(%scan3A_90 = %scan3A_41) -> (i32)  : i32 {
      %rem3A = arith.constant 2 : i32
      %rem3A_91 = arith.remsi %scan3A_89, %rem3A : i32
      %div3A = arith.constant 8 : i32
      %div3A_92 = arith.divsi %scan3A_89, %div3A : i32
      %rem3A_93 = arith.constant 8 : i32
      %rem3A_94 = arith.remsi %scan3A_89, %rem3A_93 : i32
      %rem3A_95 = arith.constant 2 : i32
      %rem3A_96 = arith.remsi %div3A_92, %rem3A_95 : i32
      %mul3A_97 = arith.constant 128 : i32
      %mul3A_98 = arith.muli %rem3A_91, %mul3A_97 : i32
      %dma_wait3A = arith.constant 0 : i32
      %dma_wait3A_99 = arith.constant 0 : i32
      %dma_wait3A_100 = tpu.memref_slice %arg8[%mul3A_98, %dma_wait3A_99] : memref<256x128xf32, #tpu.memory_space<vmem>> -> memref<128x128xf32, #tpu.memory_space<vmem>>
      %dma_wait3A_101 = arith.constant 0 : i32
      %dma_wait3A_102 = tpu.memref_slice %arg6[%dma_wait3A, %dma_wait3A_101] : memref<16x128xi32, #tpu.memory_space<vmem>> -> memref<1x128xi32, #tpu.memory_space<vmem>>
      %dma_wait3A_103 = tpu.memref_squeeze %dma_wait3A_102 : memref<1x128xi32, #tpu.memory_space<vmem>> -> memref<128xi32, #tpu.memory_space<vmem>>
      %dma_wait3A_104 = arith.constant 0 : i32
      %dma_wait3A_105 = arith.constant 0 : i32
      %dma_wait3A_106 = tpu.memref_slice %arg2[%dma_wait3A_104, %dma_wait3A_105] : memref<10001x128xf32, #tpu.memory_space<hbm>> -> memref<10001x128xf32, #tpu.memory_space<hbm>>
      %dma_wait3A_107 = tpu.memref_slice %arg10[%rem3A_91] : memref<2x!tpu.dma_semaphore, #tpu.memory_space<semaphore_mem>> -> memref<1x!tpu.dma_semaphore, #tpu.memory_space<semaphore_mem>>
      %dma_wait3A_108 = tpu.memref_squeeze %dma_wait3A_107 : memref<1x!tpu.dma_semaphore, #tpu.memory_space<semaphore_mem>> -> memref<!tpu.dma_semaphore, #tpu.memory_space<semaphore_mem>>
      tpu.wait_indirect_dma semaphore(%dma_wait3A_108 : memref<!tpu.dma_semaphore, #tpu.memory_space<semaphore_mem>>) src(%dma_wait3A_106 : memref<10001x128xf32, #tpu.memory_space<hbm>>) dst(%dma_wait3A_100 : memref<128x128xf32, #tpu.memory_space<vmem>>)
      %add3A_109 = arith.constant 1 : i32
      %add3A_110 = arith.addi %scan3A_89, %add3A_109 : i32
      %lt3A = arith.constant 80 : i32
      %lt3A_111 = arith.cmpi slt, %add3A_110, %lt3A : i32
      %convert_element_type3A = arith.extui %lt3A_111 : i1 to i32
      %cond3A = arith.constant 0 : i32
      %cond3A_112 = arith.cmpi ne, %convert_element_type3A, %cond3A : i32
      scf.if %cond3A_112 {
        %add3A_127 = arith.constant 1 : i32
        %add3A_128 = arith.addi %scan3A_89, %add3A_127 : i32
        %rem3A_129 = arith.constant 2 : i32
        %rem3A_130 = arith.remsi %add3A_128, %rem3A_129 : i32
        %rem3A_131 = arith.constant 8 : i32
        %rem3A_132 = arith.remsi %add3A_128, %rem3A_131 : i32
        %div3A_133 = arith.constant 8 : i32
        %div3A_134 = arith.divsi %add3A_128, %div3A_133 : i32
        %rem3A_135 = arith.constant 2 : i32
        %rem3A_136 = arith.remsi %div3A_134, %rem3A_135 : i32
        %eq3A_137 = arith.constant 0 : i32
        %eq3A_138 = arith.cmpi eq, %rem3A_132, %eq3A_137 : i32
        %convert_element_type3A_139 = arith.extui %eq3A_138 : i1 to i32
        %cond3A_140 = arith.constant 0 : i32
        %cond3A_141 = arith.cmpi ne, %convert_element_type3A_139, %cond3A_140 : i32
        scf.if %cond3A_141 {
          %dma_wait3A_157 = arith.constant 0 : i32
          %dma_wait3A_158 = arith.constant 0 : i32
          %dma_wait3A_159 = arith.constant 0 : i32
          %dma_wait3A_160 = tpu.memref_slice %arg6[%dma_wait3A_158, %dma_wait3A_159] : memref<16x128xi32, #tpu.memory_space<vmem>> -> memref<8x128xi32, #tpu.memory_space<vmem>>
          %dma_wait3A_161 = arith.constant 0 : i32
          %dma_wait3A_162 = tpu.memref_slice %arg3[%mul3A_28, %dma_wait3A_161] : memref<2560x128xi32, #tpu.memory_space<hbm>> -> memref<8x128xi32, #tpu.memory_space<hbm>>
          %dma_wait3A_163 = tpu.memref_slice %arg11[%dma_wait3A_157] : memref<2x!tpu.dma_semaphore, #tpu.memory_space<semaphore_mem>> -> memref<1x!tpu.dma_semaphore, #tpu.memory_space<semaphore_mem>>
          %dma_wait3A_164 = tpu.memref_squeeze %dma_wait3A_163 : memref<1x!tpu.dma_semaphore, #tpu.memory_space<semaphore_mem>> -> memref<!tpu.dma_semaphore, #tpu.memory_space<semaphore_mem>>
          %dma_wait3A_165 = arith.constant 0 : i32
          %dma_wait3A_166 = arith.constant 0 : i32
          %dma_wait3A_167 = tpu.memref_slice %arg6[%dma_wait3A_165, %dma_wait3A_166] : memref<16x128xi32, #tpu.memory_space<vmem>> -> memref<8x128xi32, #tpu.memory_space<vmem>>
          %dma_wait3A_168 = arith.constant 0 : i32
          %dma_wait3A_169 = tpu.memref_slice %arg3[%mul3A_28, %dma_wait3A_168] : memref<2560x128xi32, #tpu.memory_space<hbm>> -> memref<8x128xi32, #tpu.memory_space<hbm>>
          tpu.wait_dma2 semaphore(%dma_wait3A_164 : memref<!tpu.dma_semaphore, #tpu.memory_space<semaphore_mem>>) src(%dma_wait3A_169 : memref<8x128xi32, #tpu.memory_space<hbm>>) dst(%dma_wait3A_167 : memref<8x128xi32, #tpu.memory_space<vmem>>)
          %dma_wait3A_170 = arith.constant 1 : i32
          %dma_wait3A_171 = arith.constant 0 : i32
          %dma_wait3A_172 = arith.constant 0 : i32
          %dma_wait3A_173 = tpu.memref_slice %arg7[%dma_wait3A_171, %dma_wait3A_172] : memref<16x128xi32, #tpu.memory_space<vmem>> -> memref<8x128xi32, #tpu.memory_space<vmem>>
          %dma_wait3A_174 = arith.constant 0 : i32
          %dma_wait3A_175 = tpu.memref_slice %arg4[%mul3A_28, %dma_wait3A_174] : memref<2560x128xi32, #tpu.memory_space<hbm>> -> memref<8x128xi32, #tpu.memory_space<hbm>>
          %dma_wait3A_176 = tpu.memref_slice %arg11[%dma_wait3A_170] : memref<2x!tpu.dma_semaphore, #tpu.memory_space<semaphore_mem>> -> memref<1x!tpu.dma_semaphore, #tpu.memory_space<semaphore_mem>>
          %dma_wait3A_177 = tpu.memref_squeeze %dma_wait3A_176 : memref<1x!tpu.dma_semaphore, #tpu.memory_space<semaphore_mem>> -> memref<!tpu.dma_semaphore, #tpu.memory_space<semaphore_mem>>
          %dma_wait3A_178 = arith.constant 0 : i32
          %dma_wait3A_179 = arith.constant 0 : i32
          %dma_wait3A_180 = tpu.memref_slice %arg7[%dma_wait3A_178, %dma_wait3A_179] : memref<16x128xi32, #tpu.memory_space<vmem>> -> memref<8x128xi32, #tpu.memory_space<vmem>>
          %dma_wait3A_181 = arith.constant 0 : i32
          %dma_wait3A_182 = tpu.memref_slice %arg4[%mul3A_28, %dma_wait3A_181] : memref<2560x128xi32, #tpu.memory_space<hbm>> -> memref<8x128xi32, #tpu.memory_space<hbm>>
          tpu.wait_dma2 semaphore(%dma_wait3A_177 : memref<!tpu.dma_semaphore, #tpu.memory_space<semaphore_mem>>) src(%dma_wait3A_182 : memref<8x128xi32, #tpu.memory_space<hbm>>) dst(%dma_wait3A_180 : memref<8x128xi32, #tpu.memory_space<vmem>>)
        } else {
        }
        %mul3A_142 = arith.constant 8 : i32
        %mul3A_143 = arith.muli %rem3A_136, %mul3A_142 : i32
        %add3A_144 = arith.addi %mul3A_143, %rem3A_132 : i32
        %mul3A_145 = arith.constant 128 : i32
        %mul3A_146 = arith.muli %rem3A_130, %mul3A_145 : i32
        %dma_start3A_147 = arith.constant 0 : i32
        %dma_start3A_148 = tpu.memref_slice %arg8[%mul3A_146, %dma_start3A_147] : memref<256x128xf32, #tpu.memory_space<vmem>> -> memref<128x128xf32, #tpu.memory_space<vmem>>
        %dma_start3A_149 = arith.constant 0 : i32
        %dma_start3A_150 = tpu.memref_slice %arg6[%add3A_144, %dma_start3A_149] : memref<16x128xi32, #tpu.memory_space<vmem>> -> memref<1x128xi32, #tpu.memory_space<vmem>>
        %dma_start3A_151 = tpu.memref_squeeze %dma_start3A_150 : memref<1x128xi32, #tpu.memory_space<vmem>> -> memref<128xi32, #tpu.memory_space<vmem>>
        %dma_start3A_152 = arith.constant 0 : i32
        %dma_start3A_153 = arith.constant 0 : i32
        %dma_start3A_154 = tpu.memref_slice %arg2[%dma_start3A_152, %dma_start3A_153] : memref<10001x128xf32, #tpu.memory_space<hbm>> -> memref<10001x128xf32, #tpu.memory_space<hbm>>
        %dma_start3A_155 = tpu.memref_slice %arg10[%rem3A_130] : memref<2x!tpu.dma_semaphore, #tpu.memory_space<semaphore_mem>> -> memref<1x!tpu.dma_semaphore, #tpu.memory_space<semaphore_mem>>
        %dma_start3A_156 = tpu.memref_squeeze %dma_start3A_155 : memref<1x!tpu.dma_semaphore, #tpu.memory_space<semaphore_mem>> -> memref<!tpu.dma_semaphore, #tpu.memory_space<semaphore_mem>>
        tpu.enqueue_indirect_dma source(%dma_start3A_154 : memref<10001x128xf32, #tpu.memory_space<hbm>>) target(%dma_start3A_148 : memref<128x128xf32, #tpu.memory_space<vmem>>) offsets(%dma_start3A_151 : memref<128xi32, #tpu.memory_space<vmem>>) semaphore(%dma_start3A_156 : memref<!tpu.dma_semaphore, #tpu.memory_space<semaphore_mem>>)
      } else {
      }
      %mul3A_113 = arith.constant 128 : i32
      %mul3A_114 = arith.muli %rem3A_91, %mul3A_113 : i32
      %mul3A_115 = arith.constant 8 : i32
      %mul3A_116 = arith.muli %rem3A_96, %mul3A_115 : i32
      %add3A_117 = arith.addi %mul3A_116, %rem3A_94 : i32
      "tpu.region"() ({
        %run_scoped3A = tpu.sem_alloc : memref<!tpu.dma_semaphore, #tpu.memory_space<semaphore_mem>>
        %dma_start3A_127 = arith.constant 0 : i32
        %dma_start3A_128 = tpu.memref_slice %arg8[%mul3A_114, %dma_start3A_127] : memref<256x128xf32, #tpu.memory_space<vmem>> -> memref<128x128xf32, #tpu.memory_space<vmem>>
        %dma_start3A_129 = arith.constant 0 : i32
        %dma_start3A_130 = tpu.memref_slice %arg7[%add3A_117, %dma_start3A_129] : memref<16x128xi32, #tpu.memory_space<vmem>> -> memref<1x128xi32, #tpu.memory_space<vmem>>
        %dma_start3A_131 = tpu.memref_squeeze %dma_start3A_130 : memref<1x128xi32, #tpu.memory_space<vmem>> -> memref<128xi32, #tpu.memory_space<vmem>>
        %dma_start3A_132 = arith.constant 0 : i32
        %dma_start3A_133 = arith.constant 0 : i32
        %dma_start3A_134 = tpu.memref_slice %arg9[%dma_start3A_132, %dma_start3A_133] : memref<10112x128xf32, #tpu.memory_space<vmem_shared>> -> memref<10112x128xf32, #tpu.memory_space<vmem_shared>>
        tpu.enqueue_indirect_dma source(%dma_start3A_128 : memref<128x128xf32, #tpu.memory_space<vmem>>) target(%dma_start3A_134 : memref<10112x128xf32, #tpu.memory_space<vmem_shared>>) offsets(%dma_start3A_131 : memref<128xi32, #tpu.memory_space<vmem>>) semaphore(%run_scoped3A : memref<!tpu.dma_semaphore, #tpu.memory_space<semaphore_mem>>) {add = true}
        %dma_wait3A_135 = arith.constant 0 : i32
        %dma_wait3A_136 = tpu.memref_slice %arg8[%mul3A_114, %dma_wait3A_135] : memref<256x128xf32, #tpu.memory_space<vmem>> -> memref<128x128xf32, #tpu.memory_space<vmem>>
        %dma_wait3A_137 = arith.constant 0 : i32
        %dma_wait3A_138 = tpu.memref_slice %arg7[%add3A_117, %dma_wait3A_137] : memref<16x128xi32, #tpu.memory_space<vmem>> -> memref<1x128xi32, #tpu.memory_space<vmem>>
        %dma_wait3A_139 = tpu.memref_squeeze %dma_wait3A_138 : memref<1x128xi32, #tpu.memory_space<vmem>> -> memref<128xi32, #tpu.memory_space<vmem>>
        %dma_wait3A_140 = arith.constant 0 : i32
        %dma_wait3A_141 = arith.constant 0 : i32
        %dma_wait3A_142 = tpu.memref_slice %arg9[%dma_wait3A_140, %dma_wait3A_141] : memref<10112x128xf32, #tpu.memory_space<vmem_shared>> -> memref<10112x128xf32, #tpu.memory_space<vmem_shared>>
        tpu.wait_indirect_dma semaphore(%run_scoped3A : memref<!tpu.dma_semaphore, #tpu.memory_space<semaphore_mem>>) src(%dma_wait3A_136 : memref<128x128xf32, #tpu.memory_space<vmem>>) dst(%dma_wait3A_142 : memref<10112x128xf32, #tpu.memory_space<vmem_shared>>)
        tpu.yield
      }) : () -> ()
      %eq3A = arith.constant 0 : i32
      %eq3A_118 = arith.cmpi eq, %rem3A_94, %eq3A : i32
      %add3A_119 = arith.constant 8 : i32
      %add3A_120 = arith.addi %scan3A_89, %add3A_119 : i32
      %lt3A_121 = arith.constant 80 : i32
      %lt3A_122 = arith.cmpi slt, %add3A_120, %lt3A_121 : i32
      %and3A = arith.andi %eq3A_118, %lt3A_122 : i1
      %convert_element_type3A_123 = arith.extui %and3A : i1 to i32
      %cond3A_124 = arith.constant 0 : i32
      %cond3A_125 = arith.cmpi ne, %convert_element_type3A_123, %cond3A_124 : i32
      scf.if %cond3A_125 {
        %sub3A = arith.constant 1 : i32
        %sub3A_127 = arith.subi %sub3A, %rem3A_96 : i32
        %add3A_128 = arith.constant 1 : i32
        %add3A_129 = arith.addi %div3A_92, %add3A_128 : i32
        %mul3A_130 = arith.constant 8 : i32
        %mul3A_131 = arith.muli %add3A_129, %mul3A_130 : i32
        %add3A_132 = arith.addi %mul3A_28, %mul3A_131 : i32
        %mul3A_133 = arith.constant 8 : i32
        %mul3A_134 = arith.muli %sub3A_127, %mul3A_133 : i32
        %dma_start3A_135 = arith.constant 0 : i32
        %dma_start3A_136 = arith.constant 0 : i32
        %dma_start3A_137 = tpu.memref_slice %arg6[%mul3A_134, %dma_start3A_136] : memref<16x128xi32, #tpu.memory_space<vmem>> -> memref<8x128xi32, #tpu.memory_space<vmem>>
        %dma_start3A_138 = arith.constant 0 : i32
        %dma_start3A_139 = tpu.memref_slice %arg3[%add3A_132, %dma_start3A_138] : memref<2560x128xi32, #tpu.memory_space<hbm>> -> memref<8x128xi32, #tpu.memory_space<hbm>>
        %dma_start3A_140 = tpu.memref_slice %arg11[%dma_start3A_135] : memref<2x!tpu.dma_semaphore, #tpu.memory_space<semaphore_mem>> -> memref<1x!tpu.dma_semaphore, #tpu.memory_space<semaphore_mem>>
        %dma_start3A_141 = tpu.memref_squeeze %dma_start3A_140 : memref<1x!tpu.dma_semaphore, #tpu.memory_space<semaphore_mem>> -> memref<!tpu.dma_semaphore, #tpu.memory_space<semaphore_mem>>
        %dma_start3A_142 = arith.constant 0 : i32
        %dma_start3A_143 = tpu.memref_slice %arg6[%mul3A_134, %dma_start3A_142] : memref<16x128xi32, #tpu.memory_space<vmem>> -> memref<8x128xi32, #tpu.memory_space<vmem>>
        %dma_start3A_144 = arith.constant 0 : i32
        %dma_start3A_145 = tpu.memref_slice %arg3[%add3A_132, %dma_start3A_144] : memref<2560x128xi32, #tpu.memory_space<hbm>> -> memref<8x128xi32, #tpu.memory_space<hbm>>
        tpu.enqueue_dma source(%dma_start3A_145 : memref<8x128xi32, #tpu.memory_space<hbm>>) target(%dma_start3A_143 : memref<8x128xi32, #tpu.memory_space<vmem>>) target_semaphore(%dma_start3A_141 : memref<!tpu.dma_semaphore, #tpu.memory_space<semaphore_mem>>)
        %add3A_146 = arith.constant 1 : i32
        %add3A_147 = arith.addi %div3A_92, %add3A_146 : i32
        %mul3A_148 = arith.constant 8 : i32
        %mul3A_149 = arith.muli %add3A_147, %mul3A_148 : i32
        %add3A_150 = arith.addi %mul3A_28, %mul3A_149 : i32
        %mul3A_151 = arith.constant 8 : i32
        %mul3A_152 = arith.muli %sub3A_127, %mul3A_151 : i32
        %dma_start3A_153 = arith.constant 1 : i32
        %dma_start3A_154 = arith.constant 0 : i32
        %dma_start3A_155 = tpu.memref_slice %arg7[%mul3A_152, %dma_start3A_154] : memref<16x128xi32, #tpu.memory_space<vmem>> -> memref<8x128xi32, #tpu.memory_space<vmem>>
        %dma_start3A_156 = arith.constant 0 : i32
        %dma_start3A_157 = tpu.memref_slice %arg4[%add3A_150, %dma_start3A_156] : memref<2560x128xi32, #tpu.memory_space<hbm>> -> memref<8x128xi32, #tpu.memory_space<hbm>>
        %dma_start3A_158 = tpu.memref_slice %arg11[%dma_start3A_153] : memref<2x!tpu.dma_semaphore, #tpu.memory_space<semaphore_mem>> -> memref<1x!tpu.dma_semaphore, #tpu.memory_space<semaphore_mem>>
        %dma_start3A_159 = tpu.memref_squeeze %dma_start3A_158 : memref<1x!tpu.dma_semaphore, #tpu.memory_space<semaphore_mem>> -> memref<!tpu.dma_semaphore, #tpu.memory_space<semaphore_mem>>
        %dma_start3A_160 = arith.constant 0 : i32
        %dma_start3A_161 = tpu.memref_slice %arg7[%mul3A_152, %dma_start3A_160] : memref<16x128xi32, #tpu.memory_space<vmem>> -> memref<8x128xi32, #tpu.memory_space<vmem>>
        %dma_start3A_162 = arith.constant 0 : i32
        %dma_start3A_163 = tpu.memref_slice %arg4[%add3A_150, %dma_start3A_162] : memref<2560x128xi32, #tpu.memory_space<hbm>> -> memref<8x128xi32, #tpu.memory_space<hbm>>
        tpu.enqueue_dma source(%dma_start3A_163 : memref<8x128xi32, #tpu.memory_space<hbm>>) target(%dma_start3A_161 : memref<8x128xi32, #tpu.memory_space<vmem>>) target_semaphore(%dma_start3A_159 : memref<!tpu.dma_semaphore, #tpu.memory_space<semaphore_mem>>)
      } else {
      }
      %scan3A_126 = arith.constant 0 : i32
      scf.yield %scan3A_126 : i32
    }
    %scan3A_47 = arith.constant 80 : i32
    %barrier3A_48 = arith.constant 0 : index
    tpu.barrier barrier_id(%barrier3A_48)
    %mul3A_49 = arith.constant 632 : i32
    %mul3A_50 = arith.muli %arg1, %mul3A_49 : i32
    %add3A_51 = arith.constant 0 : i32
    %add3A_52 = arith.addi %mul3A_50, %add3A_51 : i32
    %mul3A_53 = arith.constant 632 : i32
    %mul3A_54 = arith.muli %arg1, %mul3A_53 : i32
    %add3A_55 = arith.constant 0 : i32
    %add3A_56 = arith.addi %mul3A_54, %add3A_55 : i32
    "tpu.region"() ({
      %run_scoped3A = tpu.sem_alloc : memref<!tpu.dma_semaphore, #tpu.memory_space<semaphore_mem>>
      %dma_start3A_89 = arith.constant 0 : i32
      %dma_start3A_90 = tpu.memref_slice %arg5[%arg0, %add3A_56, %dma_start3A_89] : memref<2x10112x128xf32, #tpu.memory_space<hbm>> -> memref<1x128x128xf32, #tpu.memory_space<hbm>>
      %dma_start3A_91 = tpu.memref_squeeze %dma_start3A_90 : memref<1x128x128xf32, #tpu.memory_space<hbm>> -> memref<128x128xf32, #tpu.memory_space<hbm>>
      %dma_start3A_92 = arith.constant 0 : i32
      %dma_start3A_93 = tpu.memref_slice %arg9[%add3A_52, %dma_start3A_92] : memref<10112x128xf32, #tpu.memory_space<vmem_shared>> -> memref<128x128xf32, #tpu.memory_space<vmem_shared>>
      tpu.enqueue_dma source(%dma_start3A_93 : memref<128x128xf32, #tpu.memory_space<vmem_shared>>) target(%dma_start3A_91 : memref<128x128xf32, #tpu.memory_space<hbm>>) target_semaphore(%run_scoped3A : memref<!tpu.dma_semaphore, #tpu.memory_space<semaphore_mem>>)
      %dma_wait3A = arith.constant 0 : i32
      %dma_wait3A_94 = tpu.memref_slice %arg5[%arg0, %add3A_56, %dma_wait3A] : memref<2x10112x128xf32, #tpu.memory_space<hbm>> -> memref<1x128x128xf32, #tpu.memory_space<hbm>>
      %dma_wait3A_95 = tpu.memref_squeeze %dma_wait3A_94 : memref<1x128x128xf32, #tpu.memory_space<hbm>> -> memref<128x128xf32, #tpu.memory_space<hbm>>
      %dma_wait3A_96 = arith.constant 0 : i32
      %dma_wait3A_97 = tpu.memref_slice %arg9[%add3A_52, %dma_wait3A_96] : memref<10112x128xf32, #tpu.memory_space<vmem_shared>> -> memref<128x128xf32, #tpu.memory_space<vmem_shared>>
      tpu.wait_dma2 semaphore(%run_scoped3A : memref<!tpu.dma_semaphore, #tpu.memory_space<semaphore_mem>>) src(%dma_wait3A_97 : memref<128x128xf32, #tpu.memory_space<vmem_shared>>) dst(%dma_wait3A_95 : memref<128x128xf32, #tpu.memory_space<hbm>>)
      tpu.yield
    }) : () -> ()
    %mul3A_57 = arith.constant 632 : i32
    %mul3A_58 = arith.muli %arg1, %mul3A_57 : i32
    %add3A_59 = arith.constant 128 : i32
    %add3A_60 = arith.addi %mul3A_58, %add3A_59 : i32
    %mul3A_61 = arith.constant 632 : i32
    %mul3A_62 = arith.muli %arg1, %mul3A_61 : i32
    %add3A_63 = arith.constant 128 : i32
    %add3A_64 = arith.addi %mul3A_62, %add3A_63 : i32
    "tpu.region"() ({
      %run_scoped3A = tpu.sem_alloc : memref<!tpu.dma_semaphore, #tpu.memory_space<semaphore_mem>>
      %dma_start3A_89 = arith.constant 0 : i32
      %dma_start3A_90 = tpu.memref_slice %arg5[%arg0, %add3A_64, %dma_start3A_89] : memref<2x10112x128xf32, #tpu.memory_space<hbm>> -> memref<1x128x128xf32, #tpu.memory_space<hbm>>
      %dma_start3A_91 = tpu.memref_squeeze %dma_start3A_90 : memref<1x128x128xf32, #tpu.memory_space<hbm>> -> memref<128x128xf32, #tpu.memory_space<hbm>>
      %dma_start3A_92 = arith.constant 0 : i32
      %dma_start3A_93 = tpu.memref_slice %arg9[%add3A_60, %dma_start3A_92] : memref<10112x128xf32, #tpu.memory_space<vmem_shared>> -> memref<128x128xf32, #tpu.memory_space<vmem_shared>>
      tpu.enqueue_dma source(%dma_start3A_93 : memref<128x128xf32, #tpu.memory_space<vmem_shared>>) target(%dma_start3A_91 : memref<128x128xf32, #tpu.memory_space<hbm>>) target_semaphore(%run_scoped3A : memref<!tpu.dma_semaphore, #tpu.memory_space<semaphore_mem>>)
      %dma_wait3A = arith.constant 0 : i32
      %dma_wait3A_94 = tpu.memref_slice %arg5[%arg0, %add3A_64, %dma_wait3A] : memref<2x10112x128xf32, #tpu.memory_space<hbm>> -> memref<1x128x128xf32, #tpu.memory_space<hbm>>
      %dma_wait3A_95 = tpu.memref_squeeze %dma_wait3A_94 : memref<1x128x128xf32, #tpu.memory_space<hbm>> -> memref<128x128xf32, #tpu.memory_space<hbm>>
      %dma_wait3A_96 = arith.constant 0 : i32
      %dma_wait3A_97 = tpu.memref_slice %arg9[%add3A_60, %dma_wait3A_96] : memref<10112x128xf32, #tpu.memory_space<vmem_shared>> -> memref<128x128xf32, #tpu.memory_space<vmem_shared>>
      tpu.wait_dma2 semaphore(%run_scoped3A : memref<!tpu.dma_semaphore, #tpu.memory_space<semaphore_mem>>) src(%dma_wait3A_97 : memref<128x128xf32, #tpu.memory_space<vmem_shared>>) dst(%dma_wait3A_95 : memref<128x128xf32, #tpu.memory_space<hbm>>)
      tpu.yield
    }) : () -> ()
    %mul3A_65 = arith.constant 632 : i32
    %mul3A_66 = arith.muli %arg1, %mul3A_65 : i32
    %add3A_67 = arith.constant 256 : i32
    %add3A_68 = arith.addi %mul3A_66, %add3A_67 : i32
    %mul3A_69 = arith.constant 632 : i32
    %mul3A_70 = arith.muli %arg1, %mul3A_69 : i32
    %add3A_71 = arith.constant 256 : i32
    %add3A_72 = arith.addi %mul3A_70, %add3A_71 : i32
    "tpu.region"() ({
      %run_scoped3A = tpu.sem_alloc : memref<!tpu.dma_semaphore, #tpu.memory_space<semaphore_mem>>
      %dma_start3A_89 = arith.constant 0 : i32
      %dma_start3A_90 = tpu.memref_slice %arg5[%arg0, %add3A_72, %dma_start3A_89] : memref<2x10112x128xf32, #tpu.memory_space<hbm>> -> memref<1x128x128xf32, #tpu.memory_space<hbm>>
      %dma_start3A_91 = tpu.memref_squeeze %dma_start3A_90 : memref<1x128x128xf32, #tpu.memory_space<hbm>> -> memref<128x128xf32, #tpu.memory_space<hbm>>
      %dma_start3A_92 = arith.constant 0 : i32
      %dma_start3A_93 = tpu.memref_slice %arg9[%add3A_68, %dma_start3A_92] : memref<10112x128xf32, #tpu.memory_space<vmem_shared>> -> memref<128x128xf32, #tpu.memory_space<vmem_shared>>
      tpu.enqueue_dma source(%dma_start3A_93 : memref<128x128xf32, #tpu.memory_space<vmem_shared>>) target(%dma_start3A_91 : memref<128x128xf32, #tpu.memory_space<hbm>>) target_semaphore(%run_scoped3A : memref<!tpu.dma_semaphore, #tpu.memory_space<semaphore_mem>>)
      %dma_wait3A = arith.constant 0 : i32
      %dma_wait3A_94 = tpu.memref_slice %arg5[%arg0, %add3A_72, %dma_wait3A] : memref<2x10112x128xf32, #tpu.memory_space<hbm>> -> memref<1x128x128xf32, #tpu.memory_space<hbm>>
      %dma_wait3A_95 = tpu.memref_squeeze %dma_wait3A_94 : memref<1x128x128xf32, #tpu.memory_space<hbm>> -> memref<128x128xf32, #tpu.memory_space<hbm>>
      %dma_wait3A_96 = arith.constant 0 : i32
      %dma_wait3A_97 = tpu.memref_slice %arg9[%add3A_68, %dma_wait3A_96] : memref<10112x128xf32, #tpu.memory_space<vmem_shared>> -> memref<128x128xf32, #tpu.memory_space<vmem_shared>>
      tpu.wait_dma2 semaphore(%run_scoped3A : memref<!tpu.dma_semaphore, #tpu.memory_space<semaphore_mem>>) src(%dma_wait3A_97 : memref<128x128xf32, #tpu.memory_space<vmem_shared>>) dst(%dma_wait3A_95 : memref<128x128xf32, #tpu.memory_space<hbm>>)
      tpu.yield
    }) : () -> ()
    %mul3A_73 = arith.constant 632 : i32
    %mul3A_74 = arith.muli %arg1, %mul3A_73 : i32
    %add3A_75 = arith.constant 384 : i32
    %add3A_76 = arith.addi %mul3A_74, %add3A_75 : i32
    %mul3A_77 = arith.constant 632 : i32
    %mul3A_78 = arith.muli %arg1, %mul3A_77 : i32
    %add3A_79 = arith.constant 384 : i32
    %add3A_80 = arith.addi %mul3A_78, %add3A_79 : i32
    "tpu.region"() ({
      %run_scoped3A = tpu.sem_alloc : memref<!tpu.dma_semaphore, #tpu.memory_space<semaphore_mem>>
      %dma_start3A_89 = arith.constant 0 : i32
      %dma_start3A_90 = tpu.memref_slice %arg5[%arg0, %add3A_80, %dma_start3A_89] : memref<2x10112x128xf32, #tpu.memory_space<hbm>> -> memref<1x128x128xf32, #tpu.memory_space<hbm>>
      %dma_start3A_91 = tpu.memref_squeeze %dma_start3A_90 : memref<1x128x128xf32, #tpu.memory_space<hbm>> -> memref<128x128xf32, #tpu.memory_space<hbm>>
      %dma_start3A_92 = arith.constant 0 : i32
      %dma_start3A_93 = tpu.memref_slice %arg9[%add3A_76, %dma_start3A_92] : memref<10112x128xf32, #tpu.memory_space<vmem_shared>> -> memref<128x128xf32, #tpu.memory_space<vmem_shared>>
      tpu.enqueue_dma source(%dma_start3A_93 : memref<128x128xf32, #tpu.memory_space<vmem_shared>>) target(%dma_start3A_91 : memref<128x128xf32, #tpu.memory_space<hbm>>) target_semaphore(%run_scoped3A : memref<!tpu.dma_semaphore, #tpu.memory_space<semaphore_mem>>)
      %dma_wait3A = arith.constant 0 : i32
      %dma_wait3A_94 = tpu.memref_slice %arg5[%arg0, %add3A_80, %dma_wait3A] : memref<2x10112x128xf32, #tpu.memory_space<hbm>> -> memref<1x128x128xf32, #tpu.memory_space<hbm>>
      %dma_wait3A_95 = tpu.memref_squeeze %dma_wait3A_94 : memref<1x128x128xf32, #tpu.memory_space<hbm>> -> memref<128x128xf32, #tpu.memory_space<hbm>>
      %dma_wait3A_96 = arith.constant 0 : i32
      %dma_wait3A_97 = tpu.memref_slice %arg9[%add3A_76, %dma_wait3A_96] : memref<10112x128xf32, #tpu.memory_space<vmem_shared>> -> memref<128x128xf32, #tpu.memory_space<vmem_shared>>
      tpu.wait_dma2 semaphore(%run_scoped3A : memref<!tpu.dma_semaphore, #tpu.memory_space<semaphore_mem>>) src(%dma_wait3A_97 : memref<128x128xf32, #tpu.memory_space<vmem_shared>>) dst(%dma_wait3A_95 : memref<128x128xf32, #tpu.memory_space<hbm>>)
      tpu.yield
    }) : () -> ()
    %mul3A_81 = arith.constant 632 : i32
    %mul3A_82 = arith.muli %arg1, %mul3A_81 : i32
    %add3A_83 = arith.constant 512 : i32
    %add3A_84 = arith.addi %mul3A_82, %add3A_83 : i32
    %mul3A_85 = arith.constant 632 : i32
    %mul3A_86 = arith.muli %arg1, %mul3A_85 : i32
    %add3A_87 = arith.constant 512 : i32
    %add3A_88 = arith.addi %mul3A_86, %add3A_87 : i32
    "tpu.region"() ({
      %run_scoped3A = tpu.sem_alloc : memref<!tpu.dma_semaphore, #tpu.memory_space<semaphore_mem>>
      %dma_start3A_89 = arith.constant 0 : i32
      %dma_start3A_90 = tpu.memref_slice %arg5[%arg0, %add3A_88, %dma_start3A_89] : memref<2x10112x128xf32, #tpu.memory_space<hbm>> -> memref<1x120x128xf32, #tpu.memory_space<hbm>>
      %dma_start3A_91 = tpu.memref_squeeze %dma_start3A_90 : memref<1x120x128xf32, #tpu.memory_space<hbm>> -> memref<120x128xf32, #tpu.memory_space<hbm>>
      %dma_start3A_92 = arith.constant 0 : i32
      %dma_start3A_93 = tpu.memref_slice %arg9[%add3A_84, %dma_start3A_92] : memref<10112x128xf32, #tpu.memory_space<vmem_shared>> -> memref<120x128xf32, #tpu.memory_space<vmem_shared>>
      tpu.enqueue_dma source(%dma_start3A_93 : memref<120x128xf32, #tpu.memory_space<vmem_shared>>) target(%dma_start3A_91 : memref<120x128xf32, #tpu.memory_space<hbm>>) target_semaphore(%run_scoped3A : memref<!tpu.dma_semaphore, #tpu.memory_space<semaphore_mem>>)
      %dma_wait3A = arith.constant 0 : i32
      %dma_wait3A_94 = tpu.memref_slice %arg5[%arg0, %add3A_88, %dma_wait3A] : memref<2x10112x128xf32, #tpu.memory_space<hbm>> -> memref<1x120x128xf32, #tpu.memory_space<hbm>>
      %dma_wait3A_95 = tpu.memref_squeeze %dma_wait3A_94 : memref<1x120x128xf32, #tpu.memory_space<hbm>> -> memref<120x128xf32, #tpu.memory_space<hbm>>
      %dma_wait3A_96 = arith.constant 0 : i32
      %dma_wait3A_97 = tpu.memref_slice %arg9[%add3A_84, %dma_wait3A_96] : memref<10112x128xf32, #tpu.memory_space<vmem_shared>> -> memref<120x128xf32, #tpu.memory_space<vmem_shared>>
      tpu.wait_dma2 semaphore(%run_scoped3A : memref<!tpu.dma_semaphore, #tpu.memory_space<semaphore_mem>>) src(%dma_wait3A_97 : memref<120x128xf32, #tpu.memory_space<vmem_shared>>) dst(%dma_wait3A_95 : memref<120x128xf32, #tpu.memory_space<hbm>>)
      tpu.yield
    }) : () -> ()
    return
  }
}

#map = affine_map<(d0, d1) -> (0, 0)>
#map1 = affine_map<(d0, d1) -> (0, 0, 0)>
module attributes {stable_mosaic.version = 14 : i64} {
  func.func @_segsum_kernel(%arg0: i32, %arg1: i32, %arg2: memref<10001x128xf32, #tpu.memory_space<hbm>>, %arg3: memref<2560x128xi32, #tpu.memory_space<hbm>>, %arg4: memref<2560x128xi32, #tpu.memory_space<hbm>>, %arg5: memref<2x10112x128xf32, #tpu.memory_space<hbm>>, %arg6: memref<16x128xi32, #tpu.memory_space<vmem>>, %arg7: memref<16x128xi32, #tpu.memory_space<vmem>>, %arg8: memref<256x128xf32, #tpu.memory_space<vmem>>, %arg9: memref<10112x128xf32, #tpu.memory_space<vmem_shared>>, %arg10: memref<2x!tpu.dma_semaphore, #tpu.memory_space<semaphore_mem>>, %arg11: memref<2x!tpu.dma_semaphore, #tpu.memory_space<semaphore_mem>>) attributes {dimension_semantics = [#tpu.dimension_semantics<core_parallel>, #tpu.dimension_semantics<subcore_parallel>], iteration_bounds = array<i64: 2, 16>, scalar_prefetch = 0 : i64, scratch_operands = 6 : i64, tpu.core_type = #tpu.core_type<sc_vector_subcore>, window_params = [{transform_indices = #map}, {transform_indices = #map}, {transform_indices = #map}, {transform_indices = #map1}]} {
    %mul3A = arith.constant 16 : i32
    %mul3A_0 = arith.muli %arg0, %mul3A : i32
    %add3A = arith.addi %mul3A_0, %arg1 : i32
    %scan3A = arith.constant 0 : i32
    %scan3A_1 = arith.constant 0 : i32
    %scan3A_2 = arith.constant 256 : i32
    %scan3A_3 = arith.addi %scan3A_1, %scan3A_2 : i32
    %scan3A_4 = arith.constant 1 : i32
    %scan3A_5 = scf.for %scan3A_89 = %scan3A_1 to %scan3A_3 step %scan3A_4 iter_args(%scan3A_90 = %scan3A) -> (i32)  : i32 {
      %broadcast_in_dim3A = arith.constant 0.000000e+00 : f32
      %broadcast_in_dim3A_91 = vector.broadcast %broadcast_in_dim3A : f32 to vector<16xf32>
      %swap3A = arith.index_cast %scan3A_89 : i32 to index
      %swap3A_92 = arith.constant 0 : index
      %swap3A_93 = tpu.vector_load %arg8[%swap3A, %swap3A_92] {strides = array<i32>} : memref<256x128xf32, #tpu.memory_space<vmem>>, vector<16xf32>,
      tpu.vector_store %arg8[%swap3A, %swap3A_92], %broadcast_in_dim3A_91 {strides = array<i32>} : memref<256x128xf32, #tpu.memory_space<vmem>>, vector<16xf32>,
      %broadcast_in_dim3A_94 = arith.constant 0.000000e+00 : f32
      %broadcast_in_dim3A_95 = vector.broadcast %broadcast_in_dim3A_94 : f32 to vector<16xf32>
      %swap3A_96 = arith.index_cast %scan3A_89 : i32 to index
      %swap3A_97 = arith.constant 16 : index
      %swap3A_98 = tpu.vector_load %arg8[%swap3A_96, %swap3A_97] {strides = array<i32>} : memref<256x128xf32, #tpu.memory_space<vmem>>, vector<16xf32>,
      tpu.vector_store %arg8[%swap3A_96, %swap3A_97], %broadcast_in_dim3A_95 {strides = array<i32>} : memref<256x128xf32, #tpu.memory_space<vmem>>, vector<16xf32>,
      %broadcast_in_dim3A_99 = arith.constant 0.000000e+00 : f32
      %broadcast_in_dim3A_100 = vector.broadcast %broadcast_in_dim3A_99 : f32 to vector<16xf32>
      %swap3A_101 = arith.index_cast %scan3A_89 : i32 to index
      %swap3A_102 = arith.constant 32 : index
      %swap3A_103 = tpu.vector_load %arg8[%swap3A_101, %swap3A_102] {strides = array<i32>} : memref<256x128xf32, #tpu.memory_space<vmem>>, vector<16xf32>,
      tpu.vector_store %arg8[%swap3A_101, %swap3A_102], %broadcast_in_dim3A_100 {strides = array<i32>} : memref<256x128xf32, #tpu.memory_space<vmem>>, vector<16xf32>,
      %broadcast_in_dim3A_104 = arith.constant 0.000000e+00 : f32
      %broadcast_in_dim3A_105 = vector.broadcast %broadcast_in_dim3A_104 : f32 to vector<16xf32>
      %swap3A_106 = arith.index_cast %scan3A_89 : i32 to index
      %swap3A_107 = arith.constant 48 : index
      %swap3A_108 = tpu.vector_load %arg8[%swap3A_106, %swap3A_107] {strides = array<i32>} : memref<256x128xf32, #tpu.memory_space<vmem>>, vector<16xf32>,
      tpu.vector_store %arg8[%swap3A_106, %swap3A_107], %broadcast_in_dim3A_105 {strides = array<i32>} : memref<256x128xf32, #tpu.memory_space<vmem>>, vector<16xf32>,
      %broadcast_in_dim3A_109 = arith.constant 0.000000e+00 : f32
      %broadcast_in_dim3A_110 = vector.broadcast %broadcast_in_dim3A_109 : f32 to vector<16xf32>
      %swap3A_111 = arith.index_cast %scan3A_89 : i32 to index
      %swap3A_112 = arith.constant 64 : index
      %swap3A_113 = tpu.vector_load %arg8[%swap3A_111, %swap3A_112] {strides = array<i32>} : memref<256x128xf32, #tpu.memory_space<vmem>>, vector<16xf32>,
      tpu.vector_store %arg8[%swap3A_111, %swap3A_112], %broadcast_in_dim3A_110 {strides = array<i32>} : memref<256x128xf32, #tpu.memory_space<vmem>>, vector<16xf32>,
      %broadcast_in_dim3A_114 = arith.constant 0.000000e+00 : f32
      %broadcast_in_dim3A_115 = vector.broadcast %broadcast_in_dim3A_114 : f32 to vector<16xf32>
      %swap3A_116 = arith.index_cast %scan3A_89 : i32 to index
      %swap3A_117 = arith.constant 80 : index
      %swap3A_118 = tpu.vector_load %arg8[%swap3A_116, %swap3A_117] {strides = array<i32>} : memref<256x128xf32, #tpu.memory_space<vmem>>, vector<16xf32>,
      tpu.vector_store %arg8[%swap3A_116, %swap3A_117], %broadcast_in_dim3A_115 {strides = array<i32>} : memref<256x128xf32, #tpu.memory_space<vmem>>, vector<16xf32>,
      %broadcast_in_dim3A_119 = arith.constant 0.000000e+00 : f32
      %broadcast_in_dim3A_120 = vector.broadcast %broadcast_in_dim3A_119 : f32 to vector<16xf32>
      %swap3A_121 = arith.index_cast %scan3A_89 : i32 to index
      %swap3A_122 = arith.constant 96 : index
      %swap3A_123 = tpu.vector_load %arg8[%swap3A_121, %swap3A_122] {strides = array<i32>} : memref<256x128xf32, #tpu.memory_space<vmem>>, vector<16xf32>,
      tpu.vector_store %arg8[%swap3A_121, %swap3A_122], %broadcast_in_dim3A_120 {strides = array<i32>} : memref<256x128xf32, #tpu.memory_space<vmem>>, vector<16xf32>,
      %broadcast_in_dim3A_124 = arith.constant 0.000000e+00 : f32
      %broadcast_in_dim3A_125 = vector.broadcast %broadcast_in_dim3A_124 : f32 to vector<16xf32>
      %swap3A_126 = arith.index_cast %scan3A_89 : i32 to index
      %swap3A_127 = arith.constant 112 : index
      %swap3A_128 = tpu.vector_load %arg8[%swap3A_126, %swap3A_127] {strides = array<i32>} : memref<256x128xf32, #tpu.memory_space<vmem>>, vector<16xf32>,
      tpu.vector_store %arg8[%swap3A_126, %swap3A_127], %broadcast_in_dim3A_125 {strides = array<i32>} : memref<256x128xf32, #tpu.memory_space<vmem>>, vector<16xf32>,
      %scan3A_129 = arith.constant 0 : i32
      scf.yield %scan3A_129 : i32
    }
    %scan3A_6 = arith.constant 256 : i32
    %mul3A_7 = arith.constant 632 : i32
    %mul3A_8 = arith.muli %arg1, %mul3A_7 : i32
    %add3A_9 = arith.constant 0 : i32
    %add3A_10 = arith.addi %mul3A_8, %add3A_9 : i32
    "tpu.region"() ({
      %run_scoped3A = tpu.sem_alloc : memref<!tpu.dma_semaphore, #tpu.memory_space<semaphore_mem>>
      %dma_start3A_89 = arith.constant 0 : i32
      %dma_start3A_90 = arith.constant 0 : i32
      %dma_start3A_91 = tpu.memref_slice %arg8[%dma_start3A_89, %dma_start3A_90] : memref<256x128xf32, #tpu.memory_space<vmem>> -> memref<128x128xf32, #tpu.memory_space<vmem>>
      %dma_start3A_92 = arith.constant 0 : i32
      %dma_start3A_93 = tpu.memref_slice %arg9[%add3A_10, %dma_start3A_92] : memref<10112x128xf32, #tpu.memory_space<vmem_shared>> -> memref<128x128xf32, #tpu.memory_space<vmem_shared>>
      %dma_start3A_94 = arith.constant 0 : i32
      %dma_start3A_95 = tpu.memref_slice %arg9[%add3A_10, %dma_start3A_94] : memref<10112x128xf32, #tpu.memory_space<vmem_shared>> -> memref<128x128xf32, #tpu.memory_space<vmem_shared>>
      %dma_start3A_96 = arith.constant 0 : i32
      %dma_start3A_97 = arith.constant 0 : i32
      %dma_start3A_98 = tpu.memref_slice %arg8[%dma_start3A_96, %dma_start3A_97] : memref<256x128xf32, #tpu.memory_space<vmem>> -> memref<128x128xf32, #tpu.memory_space<vmem>>
      tpu.enqueue_dma source(%dma_start3A_98 : memref<128x128xf32, #tpu.memory_space<vmem>>) target(%dma_start3A_95 : memref<128x128xf32, #tpu.memory_space<vmem_shared>>) target_semaphore(%run_scoped3A : memref<!tpu.dma_semaphore, #tpu.memory_space<semaphore_mem>>)
      %dma_wait3A = arith.constant 0 : i32
      %dma_wait3A_99 = arith.constant 0 : i32
      %dma_wait3A_100 = tpu.memref_slice %arg8[%dma_wait3A, %dma_wait3A_99] : memref<256x128xf32, #tpu.memory_space<vmem>> -> memref<128x128xf32, #tpu.memory_space<vmem>>
      %dma_wait3A_101 = arith.constant 0 : i32
      %dma_wait3A_102 = tpu.memref_slice %arg9[%add3A_10, %dma_wait3A_101] : memref<10112x128xf32, #tpu.memory_space<vmem_shared>> -> memref<128x128xf32, #tpu.memory_space<vmem_shared>>
      %dma_wait3A_103 = arith.constant 0 : i32
      %dma_wait3A_104 = tpu.memref_slice %arg9[%add3A_10, %dma_wait3A_103] : memref<10112x128xf32, #tpu.memory_space<vmem_shared>> -> memref<128x128xf32, #tpu.memory_space<vmem_shared>>
      %dma_wait3A_105 = arith.constant 0 : i32
      %dma_wait3A_106 = arith.constant 0 : i32
      %dma_wait3A_107 = tpu.memref_slice %arg8[%dma_wait3A_105, %dma_wait3A_106] : memref<256x128xf32, #tpu.memory_space<vmem>> -> memref<128x128xf32, #tpu.memory_space<vmem>>
      tpu.wait_dma2 semaphore(%run_scoped3A : memref<!tpu.dma_semaphore, #tpu.memory_space<semaphore_mem>>) src(%dma_wait3A_107 : memref<128x128xf32, #tpu.memory_space<vmem>>) dst(%dma_wait3A_104 : memref<128x128xf32, #tpu.memory_space<vmem_shared>>)
      tpu.yield
    }) : () -> ()
    %mul3A_11 = arith.constant 632 : i32
    %mul3A_12 = arith.muli %arg1, %mul3A_11 : i32
    %add3A_13 = arith.constant 128 : i32
    %add3A_14 = arith.addi %mul3A_12, %add3A_13 : i32
    "tpu.region"() ({
      %run_scoped3A = tpu.sem_alloc : memref<!tpu.dma_semaphore, #tpu.memory_space<semaphore_mem>>
      %dma_start3A_89 = arith.constant 0 : i32
      %dma_start3A_90 = arith.constant 0 : i32
      %dma_start3A_91 = tpu.memref_slice %arg8[%dma_start3A_89, %dma_start3A_90] : memref<256x128xf32, #tpu.memory_space<vmem>> -> memref<128x128xf32, #tpu.memory_space<vmem>>
      %dma_start3A_92 = arith.constant 0 : i32
      %dma_start3A_93 = tpu.memref_slice %arg9[%add3A_14, %dma_start3A_92] : memref<10112x128xf32, #tpu.memory_space<vmem_shared>> -> memref<128x128xf32, #tpu.memory_space<vmem_shared>>
      %dma_start3A_94 = arith.constant 0 : i32
      %dma_start3A_95 = tpu.memref_slice %arg9[%add3A_14, %dma_start3A_94] : memref<10112x128xf32, #tpu.memory_space<vmem_shared>> -> memref<128x128xf32, #tpu.memory_space<vmem_shared>>
      %dma_start3A_96 = arith.constant 0 : i32
      %dma_start3A_97 = arith.constant 0 : i32
      %dma_start3A_98 = tpu.memref_slice %arg8[%dma_start3A_96, %dma_start3A_97] : memref<256x128xf32, #tpu.memory_space<vmem>> -> memref<128x128xf32, #tpu.memory_space<vmem>>
      tpu.enqueue_dma source(%dma_start3A_98 : memref<128x128xf32, #tpu.memory_space<vmem>>) target(%dma_start3A_95 : memref<128x128xf32, #tpu.memory_space<vmem_shared>>) target_semaphore(%run_scoped3A : memref<!tpu.dma_semaphore, #tpu.memory_space<semaphore_mem>>)
      %dma_wait3A = arith.constant 0 : i32
      %dma_wait3A_99 = arith.constant 0 : i32
      %dma_wait3A_100 = tpu.memref_slice %arg8[%dma_wait3A, %dma_wait3A_99] : memref<256x128xf32, #tpu.memory_space<vmem>> -> memref<128x128xf32, #tpu.memory_space<vmem>>
      %dma_wait3A_101 = arith.constant 0 : i32
      %dma_wait3A_102 = tpu.memref_slice %arg9[%add3A_14, %dma_wait3A_101] : memref<10112x128xf32, #tpu.memory_space<vmem_shared>> -> memref<128x128xf32, #tpu.memory_space<vmem_shared>>
      %dma_wait3A_103 = arith.constant 0 : i32
      %dma_wait3A_104 = tpu.memref_slice %arg9[%add3A_14, %dma_wait3A_103] : memref<10112x128xf32, #tpu.memory_space<vmem_shared>> -> memref<128x128xf32, #tpu.memory_space<vmem_shared>>
      %dma_wait3A_105 = arith.constant 0 : i32
      %dma_wait3A_106 = arith.constant 0 : i32
      %dma_wait3A_107 = tpu.memref_slice %arg8[%dma_wait3A_105, %dma_wait3A_106] : memref<256x128xf32, #tpu.memory_space<vmem>> -> memref<128x128xf32, #tpu.memory_space<vmem>>
      tpu.wait_dma2 semaphore(%run_scoped3A : memref<!tpu.dma_semaphore, #tpu.memory_space<semaphore_mem>>) src(%dma_wait3A_107 : memref<128x128xf32, #tpu.memory_space<vmem>>) dst(%dma_wait3A_104 : memref<128x128xf32, #tpu.memory_space<vmem_shared>>)
      tpu.yield
    }) : () -> ()
    %mul3A_15 = arith.constant 632 : i32
    %mul3A_16 = arith.muli %arg1, %mul3A_15 : i32
    %add3A_17 = arith.constant 256 : i32
    %add3A_18 = arith.addi %mul3A_16, %add3A_17 : i32
    "tpu.region"() ({
      %run_scoped3A = tpu.sem_alloc : memref<!tpu.dma_semaphore, #tpu.memory_space<semaphore_mem>>
      %dma_start3A_89 = arith.constant 0 : i32
      %dma_start3A_90 = arith.constant 0 : i32
      %dma_start3A_91 = tpu.memref_slice %arg8[%dma_start3A_89, %dma_start3A_90] : memref<256x128xf32, #tpu.memory_space<vmem>> -> memref<128x128xf32, #tpu.memory_space<vmem>>
      %dma_start3A_92 = arith.constant 0 : i32
      %dma_start3A_93 = tpu.memref_slice %arg9[%add3A_18, %dma_start3A_92] : memref<10112x128xf32, #tpu.memory_space<vmem_shared>> -> memref<128x128xf32, #tpu.memory_space<vmem_shared>>
      %dma_start3A_94 = arith.constant 0 : i32
      %dma_start3A_95 = tpu.memref_slice %arg9[%add3A_18, %dma_start3A_94] : memref<10112x128xf32, #tpu.memory_space<vmem_shared>> -> memref<128x128xf32, #tpu.memory_space<vmem_shared>>
      %dma_start3A_96 = arith.constant 0 : i32
      %dma_start3A_97 = arith.constant 0 : i32
      %dma_start3A_98 = tpu.memref_slice %arg8[%dma_start3A_96, %dma_start3A_97] : memref<256x128xf32, #tpu.memory_space<vmem>> -> memref<128x128xf32, #tpu.memory_space<vmem>>
      tpu.enqueue_dma source(%dma_start3A_98 : memref<128x128xf32, #tpu.memory_space<vmem>>) target(%dma_start3A_95 : memref<128x128xf32, #tpu.memory_space<vmem_shared>>) target_semaphore(%run_scoped3A : memref<!tpu.dma_semaphore, #tpu.memory_space<semaphore_mem>>)
      %dma_wait3A = arith.constant 0 : i32
      %dma_wait3A_99 = arith.constant 0 : i32
      %dma_wait3A_100 = tpu.memref_slice %arg8[%dma_wait3A, %dma_wait3A_99] : memref<256x128xf32, #tpu.memory_space<vmem>> -> memref<128x128xf32, #tpu.memory_space<vmem>>
      %dma_wait3A_101 = arith.constant 0 : i32
      %dma_wait3A_102 = tpu.memref_slice %arg9[%add3A_18, %dma_wait3A_101] : memref<10112x128xf32, #tpu.memory_space<vmem_shared>> -> memref<128x128xf32, #tpu.memory_space<vmem_shared>>
      %dma_wait3A_103 = arith.constant 0 : i32
      %dma_wait3A_104 = tpu.memref_slice %arg9[%add3A_18, %dma_wait3A_103] : memref<10112x128xf32, #tpu.memory_space<vmem_shared>> -> memref<128x128xf32, #tpu.memory_space<vmem_shared>>
      %dma_wait3A_105 = arith.constant 0 : i32
      %dma_wait3A_106 = arith.constant 0 : i32
      %dma_wait3A_107 = tpu.memref_slice %arg8[%dma_wait3A_105, %dma_wait3A_106] : memref<256x128xf32, #tpu.memory_space<vmem>> -> memref<128x128xf32, #tpu.memory_space<vmem>>
      tpu.wait_dma2 semaphore(%run_scoped3A : memref<!tpu.dma_semaphore, #tpu.memory_space<semaphore_mem>>) src(%dma_wait3A_107 : memref<128x128xf32, #tpu.memory_space<vmem>>) dst(%dma_wait3A_104 : memref<128x128xf32, #tpu.memory_space<vmem_shared>>)
      tpu.yield
    }) : () -> ()
    %mul3A_19 = arith.constant 632 : i32
    %mul3A_20 = arith.muli %arg1, %mul3A_19 : i32
    %add3A_21 = arith.constant 384 : i32
    %add3A_22 = arith.addi %mul3A_20, %add3A_21 : i32
    "tpu.region"() ({
      %run_scoped3A = tpu.sem_alloc : memref<!tpu.dma_semaphore, #tpu.memory_space<semaphore_mem>>
      %dma_start3A_89 = arith.constant 0 : i32
      %dma_start3A_90 = arith.constant 0 : i32
      %dma_start3A_91 = tpu.memref_slice %arg8[%dma_start3A_89, %dma_start3A_90] : memref<256x128xf32, #tpu.memory_space<vmem>> -> memref<128x128xf32, #tpu.memory_space<vmem>>
      %dma_start3A_92 = arith.constant 0 : i32
      %dma_start3A_93 = tpu.memref_slice %arg9[%add3A_22, %dma_start3A_92] : memref<10112x128xf32, #tpu.memory_space<vmem_shared>> -> memref<128x128xf32, #tpu.memory_space<vmem_shared>>
      %dma_start3A_94 = arith.constant 0 : i32
      %dma_start3A_95 = tpu.memref_slice %arg9[%add3A_22, %dma_start3A_94] : memref<10112x128xf32, #tpu.memory_space<vmem_shared>> -> memref<128x128xf32, #tpu.memory_space<vmem_shared>>
      %dma_start3A_96 = arith.constant 0 : i32
      %dma_start3A_97 = arith.constant 0 : i32
      %dma_start3A_98 = tpu.memref_slice %arg8[%dma_start3A_96, %dma_start3A_97] : memref<256x128xf32, #tpu.memory_space<vmem>> -> memref<128x128xf32, #tpu.memory_space<vmem>>
      tpu.enqueue_dma source(%dma_start3A_98 : memref<128x128xf32, #tpu.memory_space<vmem>>) target(%dma_start3A_95 : memref<128x128xf32, #tpu.memory_space<vmem_shared>>) target_semaphore(%run_scoped3A : memref<!tpu.dma_semaphore, #tpu.memory_space<semaphore_mem>>)
      %dma_wait3A = arith.constant 0 : i32
      %dma_wait3A_99 = arith.constant 0 : i32
      %dma_wait3A_100 = tpu.memref_slice %arg8[%dma_wait3A, %dma_wait3A_99] : memref<256x128xf32, #tpu.memory_space<vmem>> -> memref<128x128xf32, #tpu.memory_space<vmem>>
      %dma_wait3A_101 = arith.constant 0 : i32
      %dma_wait3A_102 = tpu.memref_slice %arg9[%add3A_22, %dma_wait3A_101] : memref<10112x128xf32, #tpu.memory_space<vmem_shared>> -> memref<128x128xf32, #tpu.memory_space<vmem_shared>>
      %dma_wait3A_103 = arith.constant 0 : i32
      %dma_wait3A_104 = tpu.memref_slice %arg9[%add3A_22, %dma_wait3A_103] : memref<10112x128xf32, #tpu.memory_space<vmem_shared>> -> memref<128x128xf32, #tpu.memory_space<vmem_shared>>
      %dma_wait3A_105 = arith.constant 0 : i32
      %dma_wait3A_106 = arith.constant 0 : i32
      %dma_wait3A_107 = tpu.memref_slice %arg8[%dma_wait3A_105, %dma_wait3A_106] : memref<256x128xf32, #tpu.memory_space<vmem>> -> memref<128x128xf32, #tpu.memory_space<vmem>>
      tpu.wait_dma2 semaphore(%run_scoped3A : memref<!tpu.dma_semaphore, #tpu.memory_space<semaphore_mem>>) src(%dma_wait3A_107 : memref<128x128xf32, #tpu.memory_space<vmem>>) dst(%dma_wait3A_104 : memref<128x128xf32, #tpu.memory_space<vmem_shared>>)
      tpu.yield
    }) : () -> ()
    %mul3A_23 = arith.constant 632 : i32
    %mul3A_24 = arith.muli %arg1, %mul3A_23 : i32
    %add3A_25 = arith.constant 512 : i32
    %add3A_26 = arith.addi %mul3A_24, %add3A_25 : i32
    "tpu.region"() ({
      %run_scoped3A = tpu.sem_alloc : memref<!tpu.dma_semaphore, #tpu.memory_space<semaphore_mem>>
      %dma_start3A_89 = arith.constant 0 : i32
      %dma_start3A_90 = arith.constant 0 : i32
      %dma_start3A_91 = tpu.memref_slice %arg8[%dma_start3A_89, %dma_start3A_90] : memref<256x128xf32, #tpu.memory_space<vmem>> -> memref<120x128xf32, #tpu.memory_space<vmem>>
      %dma_start3A_92 = arith.constant 0 : i32
      %dma_start3A_93 = tpu.memref_slice %arg9[%add3A_26, %dma_start3A_92] : memref<10112x128xf32, #tpu.memory_space<vmem_shared>> -> memref<120x128xf32, #tpu.memory_space<vmem_shared>>
      %dma_start3A_94 = arith.constant 0 : i32
      %dma_start3A_95 = tpu.memref_slice %arg9[%add3A_26, %dma_start3A_94] : memref<10112x128xf32, #tpu.memory_space<vmem_shared>> -> memref<120x128xf32, #tpu.memory_space<vmem_shared>>
      %dma_start3A_96 = arith.constant 0 : i32
      %dma_start3A_97 = arith.constant 0 : i32
      %dma_start3A_98 = tpu.memref_slice %arg8[%dma_start3A_96, %dma_start3A_97] : memref<256x128xf32, #tpu.memory_space<vmem>> -> memref<120x128xf32, #tpu.memory_space<vmem>>
      tpu.enqueue_dma source(%dma_start3A_98 : memref<120x128xf32, #tpu.memory_space<vmem>>) target(%dma_start3A_95 : memref<120x128xf32, #tpu.memory_space<vmem_shared>>) target_semaphore(%run_scoped3A : memref<!tpu.dma_semaphore, #tpu.memory_space<semaphore_mem>>)
      %dma_wait3A = arith.constant 0 : i32
      %dma_wait3A_99 = arith.constant 0 : i32
      %dma_wait3A_100 = tpu.memref_slice %arg8[%dma_wait3A, %dma_wait3A_99] : memref<256x128xf32, #tpu.memory_space<vmem>> -> memref<120x128xf32, #tpu.memory_space<vmem>>
      %dma_wait3A_101 = arith.constant 0 : i32
      %dma_wait3A_102 = tpu.memref_slice %arg9[%add3A_26, %dma_wait3A_101] : memref<10112x128xf32, #tpu.memory_space<vmem_shared>> -> memref<120x128xf32, #tpu.memory_space<vmem_shared>>
      %dma_wait3A_103 = arith.constant 0 : i32
      %dma_wait3A_104 = tpu.memref_slice %arg9[%add3A_26, %dma_wait3A_103] : memref<10112x128xf32, #tpu.memory_space<vmem_shared>> -> memref<120x128xf32, #tpu.memory_space<vmem_shared>>
      %dma_wait3A_105 = arith.constant 0 : i32
      %dma_wait3A_106 = arith.constant 0 : i32
      %dma_wait3A_107 = tpu.memref_slice %arg8[%dma_wait3A_105, %dma_wait3A_106] : memref<256x128xf32, #tpu.memory_space<vmem>> -> memref<120x128xf32, #tpu.memory_space<vmem>>
      tpu.wait_dma2 semaphore(%run_scoped3A : memref<!tpu.dma_semaphore, #tpu.memory_space<semaphore_mem>>) src(%dma_wait3A_107 : memref<120x128xf32, #tpu.memory_space<vmem>>) dst(%dma_wait3A_104 : memref<120x128xf32, #tpu.memory_space<vmem_shared>>)
      tpu.yield
    }) : () -> ()
    %mul3A_27 = arith.constant 80 : i32
    %mul3A_28 = arith.muli %add3A, %mul3A_27 : i32
    "tpu.region"() ({
      %run_scoped3A = tpu.sem_alloc : memref<!tpu.dma_semaphore, #tpu.memory_space<semaphore_mem>>
      %dma_start3A_89 = arith.constant 0 : i32
      %dma_start3A_90 = arith.constant 0 : i32
      %dma_start3A_91 = tpu.memref_slice %arg6[%dma_start3A_89, %dma_start3A_90] : memref<16x128xi32, #tpu.memory_space<vmem>> -> memref<8x128xi32, #tpu.memory_space<vmem>>
      %dma_start3A_92 = arith.constant 0 : i32
      %dma_start3A_93 = tpu.memref_slice %arg3[%mul3A_28, %dma_start3A_92] : memref<2560x128xi32, #tpu.memory_space<hbm>> -> memref<8x128xi32, #tpu.memory_space<hbm>>
      %dma_start3A_94 = arith.constant 0 : i32
      %dma_start3A_95 = arith.constant 0 : i32
      %dma_start3A_96 = tpu.memref_slice %arg6[%dma_start3A_94, %dma_start3A_95] : memref<16x128xi32, #tpu.memory_space<vmem>> -> memref<8x128xi32, #tpu.memory_space<vmem>>
      %dma_start3A_97 = arith.constant 0 : i32
      %dma_start3A_98 = tpu.memref_slice %arg3[%mul3A_28, %dma_start3A_97] : memref<2560x128xi32, #tpu.memory_space<hbm>> -> memref<8x128xi32, #tpu.memory_space<hbm>>
      tpu.enqueue_dma source(%dma_start3A_98 : memref<8x128xi32, #tpu.memory_space<hbm>>) target(%dma_start3A_96 : memref<8x128xi32, #tpu.memory_space<vmem>>) target_semaphore(%run_scoped3A : memref<!tpu.dma_semaphore, #tpu.memory_space<semaphore_mem>>)
      %dma_wait3A = arith.constant 0 : i32
      %dma_wait3A_99 = arith.constant 0 : i32
      %dma_wait3A_100 = tpu.memref_slice %arg6[%dma_wait3A, %dma_wait3A_99] : memref<16x128xi32, #tpu.memory_space<vmem>> -> memref<8x128xi32, #tpu.memory_space<vmem>>
      %dma_wait3A_101 = arith.constant 0 : i32
      %dma_wait3A_102 = tpu.memref_slice %arg3[%mul3A_28, %dma_wait3A_101] : memref<2560x128xi32, #tpu.memory_space<hbm>> -> memref<8x128xi32, #tpu.memory_space<hbm>>
      %dma_wait3A_103 = arith.constant 0 : i32
      %dma_wait3A_104 = arith.constant 0 : i32
      %dma_wait3A_105 = tpu.memref_slice %arg6[%dma_wait3A_103, %dma_wait3A_104] : memref<16x128xi32, #tpu.memory_space<vmem>> -> memref<8x128xi32, #tpu.memory_space<vmem>>
      %dma_wait3A_106 = arith.constant 0 : i32
      %dma_wait3A_107 = tpu.memref_slice %arg3[%mul3A_28, %dma_wait3A_106] : memref<2560x128xi32, #tpu.memory_space<hbm>> -> memref<8x128xi32, #tpu.memory_space<hbm>>
      tpu.wait_dma2 semaphore(%run_scoped3A : memref<!tpu.dma_semaphore, #tpu.memory_space<semaphore_mem>>) src(%dma_wait3A_107 : memref<8x128xi32, #tpu.memory_space<hbm>>) dst(%dma_wait3A_105 : memref<8x128xi32, #tpu.memory_space<vmem>>)
      tpu.yield
    }) : () -> ()
    "tpu.region"() ({
      %run_scoped3A = tpu.sem_alloc : memref<!tpu.dma_semaphore, #tpu.memory_space<semaphore_mem>>
      %dma_start3A_89 = arith.constant 0 : i32
      %dma_start3A_90 = arith.constant 0 : i32
      %dma_start3A_91 = tpu.memref_slice %arg7[%dma_start3A_89, %dma_start3A_90] : memref<16x128xi32, #tpu.memory_space<vmem>> -> memref<8x128xi32, #tpu.memory_space<vmem>>
      %dma_start3A_92 = arith.constant 0 : i32
      %dma_start3A_93 = tpu.memref_slice %arg4[%mul3A_28, %dma_start3A_92] : memref<2560x128xi32, #tpu.memory_space<hbm>> -> memref<8x128xi32, #tpu.memory_space<hbm>>
      %dma_start3A_94 = arith.constant 0 : i32
      %dma_start3A_95 = arith.constant 0 : i32
      %dma_start3A_96 = tpu.memref_slice %arg7[%dma_start3A_94, %dma_start3A_95] : memref<16x128xi32, #tpu.memory_space<vmem>> -> memref<8x128xi32, #tpu.memory_space<vmem>>
      %dma_start3A_97 = arith.constant 0 : i32
      %dma_start3A_98 = tpu.memref_slice %arg4[%mul3A_28, %dma_start3A_97] : memref<2560x128xi32, #tpu.memory_space<hbm>> -> memref<8x128xi32, #tpu.memory_space<hbm>>
      tpu.enqueue_dma source(%dma_start3A_98 : memref<8x128xi32, #tpu.memory_space<hbm>>) target(%dma_start3A_96 : memref<8x128xi32, #tpu.memory_space<vmem>>) target_semaphore(%run_scoped3A : memref<!tpu.dma_semaphore, #tpu.memory_space<semaphore_mem>>)
      %dma_wait3A = arith.constant 0 : i32
      %dma_wait3A_99 = arith.constant 0 : i32
      %dma_wait3A_100 = tpu.memref_slice %arg7[%dma_wait3A, %dma_wait3A_99] : memref<16x128xi32, #tpu.memory_space<vmem>> -> memref<8x128xi32, #tpu.memory_space<vmem>>
      %dma_wait3A_101 = arith.constant 0 : i32
      %dma_wait3A_102 = tpu.memref_slice %arg4[%mul3A_28, %dma_wait3A_101] : memref<2560x128xi32, #tpu.memory_space<hbm>> -> memref<8x128xi32, #tpu.memory_space<hbm>>
      %dma_wait3A_103 = arith.constant 0 : i32
      %dma_wait3A_104 = arith.constant 0 : i32
      %dma_wait3A_105 = tpu.memref_slice %arg7[%dma_wait3A_103, %dma_wait3A_104] : memref<16x128xi32, #tpu.memory_space<vmem>> -> memref<8x128xi32, #tpu.memory_space<vmem>>
      %dma_wait3A_106 = arith.constant 0 : i32
      %dma_wait3A_107 = tpu.memref_slice %arg4[%mul3A_28, %dma_wait3A_106] : memref<2560x128xi32, #tpu.memory_space<hbm>> -> memref<8x128xi32, #tpu.memory_space<hbm>>
      tpu.wait_dma2 semaphore(%run_scoped3A : memref<!tpu.dma_semaphore, #tpu.memory_space<semaphore_mem>>) src(%dma_wait3A_107 : memref<8x128xi32, #tpu.memory_space<hbm>>) dst(%dma_wait3A_105 : memref<8x128xi32, #tpu.memory_space<vmem>>)
      tpu.yield
    }) : () -> ()
    %barrier3A = arith.constant 0 : index
    tpu.barrier barrier_id(%barrier3A)
    %dma_start3A = arith.constant 0 : i32
    %dma_start3A_29 = arith.constant 0 : i32
    %dma_start3A_30 = arith.constant 0 : i32
    %dma_start3A_31 = arith.constant 0 : i32
    %dma_start3A_32 = tpu.memref_slice %arg8[%dma_start3A_30, %dma_start3A_31] : memref<256x128xf32, #tpu.memory_space<vmem>> -> memref<128x128xf32, #tpu.memory_space<vmem>>
    %dma_start3A_33 = arith.constant 0 : i32
    %dma_start3A_34 = tpu.memref_slice %arg6[%dma_start3A, %dma_start3A_33] : memref<16x128xi32, #tpu.memory_space<vmem>> -> memref<1x128xi32, #tpu.memory_space<vmem>>
    %dma_start3A_35 = tpu.memref_squeeze %dma_start3A_34 : memref<1x128xi32, #tpu.memory_space<vmem>> -> memref<128xi32, #tpu.memory_space<vmem>>
    %dma_start3A_36 = arith.constant 0 : i32
    %dma_start3A_37 = arith.constant 0 : i32
    %dma_start3A_38 = tpu.memref_slice %arg2[%dma_start3A_36, %dma_start3A_37] : memref<10001x128xf32, #tpu.memory_space<hbm>> -> memref<10001x128xf32, #tpu.memory_space<hbm>>
    %dma_start3A_39 = tpu.memref_slice %arg10[%dma_start3A_29] : memref<2x!tpu.dma_semaphore, #tpu.memory_space<semaphore_mem>> -> memref<1x!tpu.dma_semaphore, #tpu.memory_space<semaphore_mem>>
    %dma_start3A_40 = tpu.memref_squeeze %dma_start3A_39 : memref<1x!tpu.dma_semaphore, #tpu.memory_space<semaphore_mem>> -> memref<!tpu.dma_semaphore, #tpu.memory_space<semaphore_mem>>
    tpu.enqueue_indirect_dma source(%dma_start3A_38 : memref<10001x128xf32, #tpu.memory_space<hbm>>) target(%dma_start3A_32 : memref<128x128xf32, #tpu.memory_space<vmem>>) offsets(%dma_start3A_35 : memref<128xi32, #tpu.memory_space<vmem>>) semaphore(%dma_start3A_40 : memref<!tpu.dma_semaphore, #tpu.memory_space<semaphore_mem>>)
    %scan3A_41 = arith.constant 0 : i32
    %scan3A_42 = arith.constant 0 : i32
    %scan3A_43 = arith.constant 80 : i32
    %scan3A_44 = arith.addi %scan3A_42, %scan3A_43 : i32
    %scan3A_45 = arith.constant 1 : i32
    %scan3A_46 = scf.for %scan3A_89 = %scan3A_42 to %scan3A_44 step %scan3A_45 iter_args(%scan3A_90 = %scan3A_41) -> (i32)  : i32 {
      %rem3A = arith.constant 2 : i32
      %rem3A_91 = arith.remsi %scan3A_89, %rem3A : i32
      %div3A = arith.constant 8 : i32
      %div3A_92 = arith.divsi %scan3A_89, %div3A : i32
      %rem3A_93 = arith.constant 8 : i32
      %rem3A_94 = arith.remsi %scan3A_89, %rem3A_93 : i32
      %rem3A_95 = arith.constant 2 : i32
      %rem3A_96 = arith.remsi %div3A_92, %rem3A_95 : i32
      %mul3A_97 = arith.constant 128 : i32
      %mul3A_98 = arith.muli %rem3A_91, %mul3A_97 : i32
      %dma_wait3A = arith.constant 0 : i32
      %dma_wait3A_99 = arith.constant 0 : i32
      %dma_wait3A_100 = tpu.memref_slice %arg8[%mul3A_98, %dma_wait3A_99] : memref<256x128xf32, #tpu.memory_space<vmem>> -> memref<128x128xf32, #tpu.memory_space<vmem>>
      %dma_wait3A_101 = arith.constant 0 : i32
      %dma_wait3A_102 = tpu.memref_slice %arg6[%dma_wait3A, %dma_wait3A_101] : memref<16x128xi32, #tpu.memory_space<vmem>> -> memref<1x128xi32, #tpu.memory_space<vmem>>
      %dma_wait3A_103 = tpu.memref_squeeze %dma_wait3A_102 : memref<1x128xi32, #tpu.memory_space<vmem>> -> memref<128xi32, #tpu.memory_space<vmem>>
      %dma_wait3A_104 = arith.constant 0 : i32
      %dma_wait3A_105 = arith.constant 0 : i32
      %dma_wait3A_106 = tpu.memref_slice %arg2[%dma_wait3A_104, %dma_wait3A_105] : memref<10001x128xf32, #tpu.memory_space<hbm>> -> memref<10001x128xf32, #tpu.memory_space<hbm>>
      %dma_wait3A_107 = tpu.memref_slice %arg10[%rem3A_91] : memref<2x!tpu.dma_semaphore, #tpu.memory_space<semaphore_mem>> -> memref<1x!tpu.dma_semaphore, #tpu.memory_space<semaphore_mem>>
      %dma_wait3A_108 = tpu.memref_squeeze %dma_wait3A_107 : memref<1x!tpu.dma_semaphore, #tpu.memory_space<semaphore_mem>> -> memref<!tpu.dma_semaphore, #tpu.memory_space<semaphore_mem>>
      tpu.wait_indirect_dma semaphore(%dma_wait3A_108 : memref<!tpu.dma_semaphore, #tpu.memory_space<semaphore_mem>>) src(%dma_wait3A_106 : memref<10001x128xf32, #tpu.memory_space<hbm>>) dst(%dma_wait3A_100 : memref<128x128xf32, #tpu.memory_space<vmem>>)
      %add3A_109 = arith.constant 1 : i32
      %add3A_110 = arith.addi %scan3A_89, %add3A_109 : i32
      %lt3A = arith.constant 80 : i32
      %lt3A_111 = arith.cmpi slt, %add3A_110, %lt3A : i32
      %convert_element_type3A = arith.extui %lt3A_111 : i1 to i32
      %cond3A = arith.constant 0 : i32
      %cond3A_112 = arith.cmpi ne, %convert_element_type3A, %cond3A : i32
      scf.if %cond3A_112 {
        %add3A_127 = arith.constant 1 : i32
        %add3A_128 = arith.addi %scan3A_89, %add3A_127 : i32
        %rem3A_129 = arith.constant 2 : i32
        %rem3A_130 = arith.remsi %add3A_128, %rem3A_129 : i32
        %rem3A_131 = arith.constant 8 : i32
        %rem3A_132 = arith.remsi %add3A_128, %rem3A_131 : i32
        %div3A_133 = arith.constant 8 : i32
        %div3A_134 = arith.divsi %add3A_128, %div3A_133 : i32
        %rem3A_135 = arith.constant 2 : i32
        %rem3A_136 = arith.remsi %div3A_134, %rem3A_135 : i32
        %eq3A_137 = arith.constant 0 : i32
        %eq3A_138 = arith.cmpi eq, %rem3A_132, %eq3A_137 : i32
        %convert_element_type3A_139 = arith.extui %eq3A_138 : i1 to i32
        %cond3A_140 = arith.constant 0 : i32
        %cond3A_141 = arith.cmpi ne, %convert_element_type3A_139, %cond3A_140 : i32
        scf.if %cond3A_141 {
          %dma_wait3A_157 = arith.constant 0 : i32
          %dma_wait3A_158 = arith.constant 0 : i32
          %dma_wait3A_159 = arith.constant 0 : i32
          %dma_wait3A_160 = tpu.memref_slice %arg6[%dma_wait3A_158, %dma_wait3A_159] : memref<16x128xi32, #tpu.memory_space<vmem>> -> memref<8x128xi32, #tpu.memory_space<vmem>>
          %dma_wait3A_161 = arith.constant 0 : i32
          %dma_wait3A_162 = tpu.memref_slice %arg3[%mul3A_28, %dma_wait3A_161] : memref<2560x128xi32, #tpu.memory_space<hbm>> -> memref<8x128xi32, #tpu.memory_space<hbm>>
          %dma_wait3A_163 = tpu.memref_slice %arg11[%dma_wait3A_157] : memref<2x!tpu.dma_semaphore, #tpu.memory_space<semaphore_mem>> -> memref<1x!tpu.dma_semaphore, #tpu.memory_space<semaphore_mem>>
          %dma_wait3A_164 = tpu.memref_squeeze %dma_wait3A_163 : memref<1x!tpu.dma_semaphore, #tpu.memory_space<semaphore_mem>> -> memref<!tpu.dma_semaphore, #tpu.memory_space<semaphore_mem>>
          %dma_wait3A_165 = arith.constant 0 : i32
          %dma_wait3A_166 = arith.constant 0 : i32
          %dma_wait3A_167 = tpu.memref_slice %arg6[%dma_wait3A_165, %dma_wait3A_166] : memref<16x128xi32, #tpu.memory_space<vmem>> -> memref<8x128xi32, #tpu.memory_space<vmem>>
          %dma_wait3A_168 = arith.constant 0 : i32
          %dma_wait3A_169 = tpu.memref_slice %arg3[%mul3A_28, %dma_wait3A_168] : memref<2560x128xi32, #tpu.memory_space<hbm>> -> memref<8x128xi32, #tpu.memory_space<hbm>>
          tpu.wait_dma2 semaphore(%dma_wait3A_164 : memref<!tpu.dma_semaphore, #tpu.memory_space<semaphore_mem>>) src(%dma_wait3A_169 : memref<8x128xi32, #tpu.memory_space<hbm>>) dst(%dma_wait3A_167 : memref<8x128xi32, #tpu.memory_space<vmem>>)
          %dma_wait3A_170 = arith.constant 1 : i32
          %dma_wait3A_171 = arith.constant 0 : i32
          %dma_wait3A_172 = arith.constant 0 : i32
          %dma_wait3A_173 = tpu.memref_slice %arg7[%dma_wait3A_171, %dma_wait3A_172] : memref<16x128xi32, #tpu.memory_space<vmem>> -> memref<8x128xi32, #tpu.memory_space<vmem>>
          %dma_wait3A_174 = arith.constant 0 : i32
          %dma_wait3A_175 = tpu.memref_slice %arg4[%mul3A_28, %dma_wait3A_174] : memref<2560x128xi32, #tpu.memory_space<hbm>> -> memref<8x128xi32, #tpu.memory_space<hbm>>
          %dma_wait3A_176 = tpu.memref_slice %arg11[%dma_wait3A_170] : memref<2x!tpu.dma_semaphore, #tpu.memory_space<semaphore_mem>> -> memref<1x!tpu.dma_semaphore, #tpu.memory_space<semaphore_mem>>
          %dma_wait3A_177 = tpu.memref_squeeze %dma_wait3A_176 : memref<1x!tpu.dma_semaphore, #tpu.memory_space<semaphore_mem>> -> memref<!tpu.dma_semaphore, #tpu.memory_space<semaphore_mem>>
          %dma_wait3A_178 = arith.constant 0 : i32
          %dma_wait3A_179 = arith.constant 0 : i32
          %dma_wait3A_180 = tpu.memref_slice %arg7[%dma_wait3A_178, %dma_wait3A_179] : memref<16x128xi32, #tpu.memory_space<vmem>> -> memref<8x128xi32, #tpu.memory_space<vmem>>
          %dma_wait3A_181 = arith.constant 0 : i32
          %dma_wait3A_182 = tpu.memref_slice %arg4[%mul3A_28, %dma_wait3A_181] : memref<2560x128xi32, #tpu.memory_space<hbm>> -> memref<8x128xi32, #tpu.memory_space<hbm>>
          tpu.wait_dma2 semaphore(%dma_wait3A_177 : memref<!tpu.dma_semaphore, #tpu.memory_space<semaphore_mem>>) src(%dma_wait3A_182 : memref<8x128xi32, #tpu.memory_space<hbm>>) dst(%dma_wait3A_180 : memref<8x128xi32, #tpu.memory_space<vmem>>)
        } else {
        }
        %mul3A_142 = arith.constant 8 : i32
        %mul3A_143 = arith.muli %rem3A_136, %mul3A_142 : i32
        %add3A_144 = arith.addi %mul3A_143, %rem3A_132 : i32
        %mul3A_145 = arith.constant 128 : i32
        %mul3A_146 = arith.muli %rem3A_130, %mul3A_145 : i32
        %dma_start3A_147 = arith.constant 0 : i32
        %dma_start3A_148 = tpu.memref_slice %arg8[%mul3A_146, %dma_start3A_147] : memref<256x128xf32, #tpu.memory_space<vmem>> -> memref<128x128xf32, #tpu.memory_space<vmem>>
        %dma_start3A_149 = arith.constant 0 : i32
        %dma_start3A_150 = tpu.memref_slice %arg6[%add3A_144, %dma_start3A_149] : memref<16x128xi32, #tpu.memory_space<vmem>> -> memref<1x128xi32, #tpu.memory_space<vmem>>
        %dma_start3A_151 = tpu.memref_squeeze %dma_start3A_150 : memref<1x128xi32, #tpu.memory_space<vmem>> -> memref<128xi32, #tpu.memory_space<vmem>>
        %dma_start3A_152 = arith.constant 0 : i32
        %dma_start3A_153 = arith.constant 0 : i32
        %dma_start3A_154 = tpu.memref_slice %arg2[%dma_start3A_152, %dma_start3A_153] : memref<10001x128xf32, #tpu.memory_space<hbm>> -> memref<10001x128xf32, #tpu.memory_space<hbm>>
        %dma_start3A_155 = tpu.memref_slice %arg10[%rem3A_130] : memref<2x!tpu.dma_semaphore, #tpu.memory_space<semaphore_mem>> -> memref<1x!tpu.dma_semaphore, #tpu.memory_space<semaphore_mem>>
        %dma_start3A_156 = tpu.memref_squeeze %dma_start3A_155 : memref<1x!tpu.dma_semaphore, #tpu.memory_space<semaphore_mem>> -> memref<!tpu.dma_semaphore, #tpu.memory_space<semaphore_mem>>
        tpu.enqueue_indirect_dma source(%dma_start3A_154 : memref<10001x128xf32, #tpu.memory_space<hbm>>) target(%dma_start3A_148 : memref<128x128xf32, #tpu.memory_space<vmem>>) offsets(%dma_start3A_151 : memref<128xi32, #tpu.memory_space<vmem>>) semaphore(%dma_start3A_156 : memref<!tpu.dma_semaphore, #tpu.memory_space<semaphore_mem>>)
      } else {
      }
      %mul3A_113 = arith.constant 128 : i32
      %mul3A_114 = arith.muli %rem3A_91, %mul3A_113 : i32
      %mul3A_115 = arith.constant 8 : i32
      %mul3A_116 = arith.muli %rem3A_96, %mul3A_115 : i32
      %add3A_117 = arith.addi %mul3A_116, %rem3A_94 : i32
      "tpu.region"() ({
        %run_scoped3A = tpu.sem_alloc : memref<!tpu.dma_semaphore, #tpu.memory_space<semaphore_mem>>
        %dma_start3A_127 = arith.constant 0 : i32
        %dma_start3A_128 = tpu.memref_slice %arg8[%mul3A_114, %dma_start3A_127] : memref<256x128xf32, #tpu.memory_space<vmem>> -> memref<128x128xf32, #tpu.memory_space<vmem>>
        %dma_start3A_129 = arith.constant 0 : i32
        %dma_start3A_130 = tpu.memref_slice %arg7[%add3A_117, %dma_start3A_129] : memref<16x128xi32, #tpu.memory_space<vmem>> -> memref<1x128xi32, #tpu.memory_space<vmem>>
        %dma_start3A_131 = tpu.memref_squeeze %dma_start3A_130 : memref<1x128xi32, #tpu.memory_space<vmem>> -> memref<128xi32, #tpu.memory_space<vmem>>
        %dma_start3A_132 = arith.constant 0 : i32
        %dma_start3A_133 = arith.constant 0 : i32
        %dma_start3A_134 = tpu.memref_slice %arg9[%dma_start3A_132, %dma_start3A_133] : memref<10112x128xf32, #tpu.memory_space<vmem_shared>> -> memref<10112x128xf32, #tpu.memory_space<vmem_shared>>
        tpu.enqueue_indirect_dma source(%dma_start3A_128 : memref<128x128xf32, #tpu.memory_space<vmem>>) target(%dma_start3A_134 : memref<10112x128xf32, #tpu.memory_space<vmem_shared>>) offsets(%dma_start3A_131 : memref<128xi32, #tpu.memory_space<vmem>>) semaphore(%run_scoped3A : memref<!tpu.dma_semaphore, #tpu.memory_space<semaphore_mem>>) {add = true}
        %dma_wait3A_135 = arith.constant 0 : i32
        %dma_wait3A_136 = tpu.memref_slice %arg8[%mul3A_114, %dma_wait3A_135] : memref<256x128xf32, #tpu.memory_space<vmem>> -> memref<128x128xf32, #tpu.memory_space<vmem>>
        %dma_wait3A_137 = arith.constant 0 : i32
        %dma_wait3A_138 = tpu.memref_slice %arg7[%add3A_117, %dma_wait3A_137] : memref<16x128xi32, #tpu.memory_space<vmem>> -> memref<1x128xi32, #tpu.memory_space<vmem>>
        %dma_wait3A_139 = tpu.memref_squeeze %dma_wait3A_138 : memref<1x128xi32, #tpu.memory_space<vmem>> -> memref<128xi32, #tpu.memory_space<vmem>>
        %dma_wait3A_140 = arith.constant 0 : i32
        %dma_wait3A_141 = arith.constant 0 : i32
        %dma_wait3A_142 = tpu.memref_slice %arg9[%dma_wait3A_140, %dma_wait3A_141] : memref<10112x128xf32, #tpu.memory_space<vmem_shared>> -> memref<10112x128xf32, #tpu.memory_space<vmem_shared>>
        tpu.wait_indirect_dma semaphore(%run_scoped3A : memref<!tpu.dma_semaphore, #tpu.memory_space<semaphore_mem>>) src(%dma_wait3A_136 : memref<128x128xf32, #tpu.memory_space<vmem>>) dst(%dma_wait3A_142 : memref<10112x128xf32, #tpu.memory_space<vmem_shared>>)
        tpu.yield
      }) : () -> ()
      %eq3A = arith.constant 0 : i32
      %eq3A_118 = arith.cmpi eq, %rem3A_94, %eq3A : i32
      %add3A_119 = arith.constant 8 : i32
      %add3A_120 = arith.addi %scan3A_89, %add3A_119 : i32
      %lt3A_121 = arith.constant 80 : i32
      %lt3A_122 = arith.cmpi slt, %add3A_120, %lt3A_121 : i32
      %and3A = arith.andi %eq3A_118, %lt3A_122 : i1
      %convert_element_type3A_123 = arith.extui %and3A : i1 to i32
      %cond3A_124 = arith.constant 0 : i32
      %cond3A_125 = arith.cmpi ne, %convert_element_type3A_123, %cond3A_124 : i32
      scf.if %cond3A_125 {
        %sub3A = arith.constant 1 : i32
        %sub3A_127 = arith.subi %sub3A, %rem3A_96 : i32
        %add3A_128 = arith.constant 1 : i32
        %add3A_129 = arith.addi %div3A_92, %add3A_128 : i32
        %mul3A_130 = arith.constant 8 : i32
        %mul3A_131 = arith.muli %add3A_129, %mul3A_130 : i32
        %add3A_132 = arith.addi %mul3A_28, %mul3A_131 : i32
        %mul3A_133 = arith.constant 8 : i32
        %mul3A_134 = arith.muli %sub3A_127, %mul3A_133 : i32
        %dma_start3A_135 = arith.constant 0 : i32
        %dma_start3A_136 = arith.constant 0 : i32
        %dma_start3A_137 = tpu.memref_slice %arg6[%mul3A_134, %dma_start3A_136] : memref<16x128xi32, #tpu.memory_space<vmem>> -> memref<8x128xi32, #tpu.memory_space<vmem>>
        %dma_start3A_138 = arith.constant 0 : i32
        %dma_start3A_139 = tpu.memref_slice %arg3[%add3A_132, %dma_start3A_138] : memref<2560x128xi32, #tpu.memory_space<hbm>> -> memref<8x128xi32, #tpu.memory_space<hbm>>
        %dma_start3A_140 = tpu.memref_slice %arg11[%dma_start3A_135] : memref<2x!tpu.dma_semaphore, #tpu.memory_space<semaphore_mem>> -> memref<1x!tpu.dma_semaphore, #tpu.memory_space<semaphore_mem>>
        %dma_start3A_141 = tpu.memref_squeeze %dma_start3A_140 : memref<1x!tpu.dma_semaphore, #tpu.memory_space<semaphore_mem>> -> memref<!tpu.dma_semaphore, #tpu.memory_space<semaphore_mem>>
        %dma_start3A_142 = arith.constant 0 : i32
        %dma_start3A_143 = tpu.memref_slice %arg6[%mul3A_134, %dma_start3A_142] : memref<16x128xi32, #tpu.memory_space<vmem>> -> memref<8x128xi32, #tpu.memory_space<vmem>>
        %dma_start3A_144 = arith.constant 0 : i32
        %dma_start3A_145 = tpu.memref_slice %arg3[%add3A_132, %dma_start3A_144] : memref<2560x128xi32, #tpu.memory_space<hbm>> -> memref<8x128xi32, #tpu.memory_space<hbm>>
        tpu.enqueue_dma source(%dma_start3A_145 : memref<8x128xi32, #tpu.memory_space<hbm>>) target(%dma_start3A_143 : memref<8x128xi32, #tpu.memory_space<vmem>>) target_semaphore(%dma_start3A_141 : memref<!tpu.dma_semaphore, #tpu.memory_space<semaphore_mem>>)
        %add3A_146 = arith.constant 1 : i32
        %add3A_147 = arith.addi %div3A_92, %add3A_146 : i32
        %mul3A_148 = arith.constant 8 : i32
        %mul3A_149 = arith.muli %add3A_147, %mul3A_148 : i32
        %add3A_150 = arith.addi %mul3A_28, %mul3A_149 : i32
        %mul3A_151 = arith.constant 8 : i32
        %mul3A_152 = arith.muli %sub3A_127, %mul3A_151 : i32
        %dma_start3A_153 = arith.constant 1 : i32
        %dma_start3A_154 = arith.constant 0 : i32
        %dma_start3A_155 = tpu.memref_slice %arg7[%mul3A_152, %dma_start3A_154] : memref<16x128xi32, #tpu.memory_space<vmem>> -> memref<8x128xi32, #tpu.memory_space<vmem>>
        %dma_start3A_156 = arith.constant 0 : i32
        %dma_start3A_157 = tpu.memref_slice %arg4[%add3A_150, %dma_start3A_156] : memref<2560x128xi32, #tpu.memory_space<hbm>> -> memref<8x128xi32, #tpu.memory_space<hbm>>
        %dma_start3A_158 = tpu.memref_slice %arg11[%dma_start3A_153] : memref<2x!tpu.dma_semaphore, #tpu.memory_space<semaphore_mem>> -> memref<1x!tpu.dma_semaphore, #tpu.memory_space<semaphore_mem>>
        %dma_start3A_159 = tpu.memref_squeeze %dma_start3A_158 : memref<1x!tpu.dma_semaphore, #tpu.memory_space<semaphore_mem>> -> memref<!tpu.dma_semaphore, #tpu.memory_space<semaphore_mem>>
        %dma_start3A_160 = arith.constant 0 : i32
        %dma_start3A_161 = tpu.memref_slice %arg7[%mul3A_152, %dma_start3A_160] : memref<16x128xi32, #tpu.memory_space<vmem>> -> memref<8x128xi32, #tpu.memory_space<vmem>>
        %dma_start3A_162 = arith.constant 0 : i32
        %dma_start3A_163 = tpu.memref_slice %arg4[%add3A_150, %dma_start3A_162] : memref<2560x128xi32, #tpu.memory_space<hbm>> -> memref<8x128xi32, #tpu.memory_space<hbm>>
        tpu.enqueue_dma source(%dma_start3A_163 : memref<8x128xi32, #tpu.memory_space<hbm>>) target(%dma_start3A_161 : memref<8x128xi32, #tpu.memory_space<vmem>>) target_semaphore(%dma_start3A_159 : memref<!tpu.dma_semaphore, #tpu.memory_space<semaphore_mem>>)
      } else {
      }
      %scan3A_126 = arith.constant 0 : i32
      scf.yield %scan3A_126 : i32
    }
    %scan3A_47 = arith.constant 80 : i32
    %barrier3A_48 = arith.constant 0 : index
    tpu.barrier barrier_id(%barrier3A_48)
    %mul3A_49 = arith.constant 632 : i32
    %mul3A_50 = arith.muli %arg1, %mul3A_49 : i32
    %add3A_51 = arith.constant 0 : i32
    %add3A_52 = arith.addi %mul3A_50, %add3A_51 : i32
    %mul3A_53 = arith.constant 632 : i32
    %mul3A_54 = arith.muli %arg1, %mul3A_53 : i32
    %add3A_55 = arith.constant 0 : i32
    %add3A_56 = arith.addi %mul3A_54, %add3A_55 : i32
    "tpu.region"() ({
      %run_scoped3A = tpu.sem_alloc : memref<!tpu.dma_semaphore, #tpu.memory_space<semaphore_mem>>
      %dma_start3A_89 = arith.constant 0 : i32
      %dma_start3A_90 = tpu.memref_slice %arg5[%arg0, %add3A_56, %dma_start3A_89] : memref<2x10112x128xf32, #tpu.memory_space<hbm>> -> memref<1x128x128xf32, #tpu.memory_space<hbm>>
      %dma_start3A_91 = tpu.memref_squeeze %dma_start3A_90 : memref<1x128x128xf32, #tpu.memory_space<hbm>> -> memref<128x128xf32, #tpu.memory_space<hbm>>
      %dma_start3A_92 = arith.constant 0 : i32
      %dma_start3A_93 = tpu.memref_slice %arg9[%add3A_52, %dma_start3A_92] : memref<10112x128xf32, #tpu.memory_space<vmem_shared>> -> memref<128x128xf32, #tpu.memory_space<vmem_shared>>
      tpu.enqueue_dma source(%dma_start3A_93 : memref<128x128xf32, #tpu.memory_space<vmem_shared>>) target(%dma_start3A_91 : memref<128x128xf32, #tpu.memory_space<hbm>>) target_semaphore(%run_scoped3A : memref<!tpu.dma_semaphore, #tpu.memory_space<semaphore_mem>>)
      %dma_wait3A = arith.constant 0 : i32
      %dma_wait3A_94 = tpu.memref_slice %arg5[%arg0, %add3A_56, %dma_wait3A] : memref<2x10112x128xf32, #tpu.memory_space<hbm>> -> memref<1x128x128xf32, #tpu.memory_space<hbm>>
      %dma_wait3A_95 = tpu.memref_squeeze %dma_wait3A_94 : memref<1x128x128xf32, #tpu.memory_space<hbm>> -> memref<128x128xf32, #tpu.memory_space<hbm>>
      %dma_wait3A_96 = arith.constant 0 : i32
      %dma_wait3A_97 = tpu.memref_slice %arg9[%add3A_52, %dma_wait3A_96] : memref<10112x128xf32, #tpu.memory_space<vmem_shared>> -> memref<128x128xf32, #tpu.memory_space<vmem_shared>>
      tpu.wait_dma2 semaphore(%run_scoped3A : memref<!tpu.dma_semaphore, #tpu.memory_space<semaphore_mem>>) src(%dma_wait3A_97 : memref<128x128xf32, #tpu.memory_space<vmem_shared>>) dst(%dma_wait3A_95 : memref<128x128xf32, #tpu.memory_space<hbm>>)
      tpu.yield
    }) : () -> ()
    %mul3A_57 = arith.constant 632 : i32
    %mul3A_58 = arith.muli %arg1, %mul3A_57 : i32
    %add3A_59 = arith.constant 128 : i32
    %add3A_60 = arith.addi %mul3A_58, %add3A_59 : i32
    %mul3A_61 = arith.constant 632 : i32
    %mul3A_62 = arith.muli %arg1, %mul3A_61 : i32
    %add3A_63 = arith.constant 128 : i32
    %add3A_64 = arith.addi %mul3A_62, %add3A_63 : i32
    "tpu.region"() ({
      %run_scoped3A = tpu.sem_alloc : memref<!tpu.dma_semaphore, #tpu.memory_space<semaphore_mem>>
      %dma_start3A_89 = arith.constant 0 : i32
      %dma_start3A_90 = tpu.memref_slice %arg5[%arg0, %add3A_64, %dma_start3A_89] : memref<2x10112x128xf32, #tpu.memory_space<hbm>> -> memref<1x128x128xf32, #tpu.memory_space<hbm>>
      %dma_start3A_91 = tpu.memref_squeeze %dma_start3A_90 : memref<1x128x128xf32, #tpu.memory_space<hbm>> -> memref<128x128xf32, #tpu.memory_space<hbm>>
      %dma_start3A_92 = arith.constant 0 : i32
      %dma_start3A_93 = tpu.memref_slice %arg9[%add3A_60, %dma_start3A_92] : memref<10112x128xf32, #tpu.memory_space<vmem_shared>> -> memref<128x128xf32, #tpu.memory_space<vmem_shared>>
      tpu.enqueue_dma source(%dma_start3A_93 : memref<128x128xf32, #tpu.memory_space<vmem_shared>>) target(%dma_start3A_91 : memref<128x128xf32, #tpu.memory_space<hbm>>) target_semaphore(%run_scoped3A : memref<!tpu.dma_semaphore, #tpu.memory_space<semaphore_mem>>)
      %dma_wait3A = arith.constant 0 : i32
      %dma_wait3A_94 = tpu.memref_slice %arg5[%arg0, %add3A_64, %dma_wait3A] : memref<2x10112x128xf32, #tpu.memory_space<hbm>> -> memref<1x128x128xf32, #tpu.memory_space<hbm>>
      %dma_wait3A_95 = tpu.memref_squeeze %dma_wait3A_94 : memref<1x128x128xf32, #tpu.memory_space<hbm>> -> memref<128x128xf32, #tpu.memory_space<hbm>>
      %dma_wait3A_96 = arith.constant 0 : i32
      %dma_wait3A_97 = tpu.memref_slice %arg9[%add3A_60, %dma_wait3A_96] : memref<10112x128xf32, #tpu.memory_space<vmem_shared>> -> memref<128x128xf32, #tpu.memory_space<vmem_shared>>
      tpu.wait_dma2 semaphore(%run_scoped3A : memref<!tpu.dma_semaphore, #tpu.memory_space<semaphore_mem>>) src(%dma_wait3A_97 : memref<128x128xf32, #tpu.memory_space<vmem_shared>>) dst(%dma_wait3A_95 : memref<128x128xf32, #tpu.memory_space<hbm>>)
      tpu.yield
    }) : () -> ()
    %mul3A_65 = arith.constant 632 : i32
    %mul3A_66 = arith.muli %arg1, %mul3A_65 : i32
    %add3A_67 = arith.constant 256 : i32
    %add3A_68 = arith.addi %mul3A_66, %add3A_67 : i32
    %mul3A_69 = arith.constant 632 : i32
    %mul3A_70 = arith.muli %arg1, %mul3A_69 : i32
    %add3A_71 = arith.constant 256 : i32
    %add3A_72 = arith.addi %mul3A_70, %add3A_71 : i32
    "tpu.region"() ({
      %run_scoped3A = tpu.sem_alloc : memref<!tpu.dma_semaphore, #tpu.memory_space<semaphore_mem>>
      %dma_start3A_89 = arith.constant 0 : i32
      %dma_start3A_90 = tpu.memref_slice %arg5[%arg0, %add3A_72, %dma_start3A_89] : memref<2x10112x128xf32, #tpu.memory_space<hbm>> -> memref<1x128x128xf32, #tpu.memory_space<hbm>>
      %dma_start3A_91 = tpu.memref_squeeze %dma_start3A_90 : memref<1x128x128xf32, #tpu.memory_space<hbm>> -> memref<128x128xf32, #tpu.memory_space<hbm>>
      %dma_start3A_92 = arith.constant 0 : i32
      %dma_start3A_93 = tpu.memref_slice %arg9[%add3A_68, %dma_start3A_92] : memref<10112x128xf32, #tpu.memory_space<vmem_shared>> -> memref<128x128xf32, #tpu.memory_space<vmem_shared>>
      tpu.enqueue_dma source(%dma_start3A_93 : memref<128x128xf32, #tpu.memory_space<vmem_shared>>) target(%dma_start3A_91 : memref<128x128xf32, #tpu.memory_space<hbm>>) target_semaphore(%run_scoped3A : memref<!tpu.dma_semaphore, #tpu.memory_space<semaphore_mem>>)
      %dma_wait3A = arith.constant 0 : i32
      %dma_wait3A_94 = tpu.memref_slice %arg5[%arg0, %add3A_72, %dma_wait3A] : memref<2x10112x128xf32, #tpu.memory_space<hbm>> -> memref<1x128x128xf32, #tpu.memory_space<hbm>>
      %dma_wait3A_95 = tpu.memref_squeeze %dma_wait3A_94 : memref<1x128x128xf32, #tpu.memory_space<hbm>> -> memref<128x128xf32, #tpu.memory_space<hbm>>
      %dma_wait3A_96 = arith.constant 0 : i32
      %dma_wait3A_97 = tpu.memref_slice %arg9[%add3A_68, %dma_wait3A_96] : memref<10112x128xf32, #tpu.memory_space<vmem_shared>> -> memref<128x128xf32, #tpu.memory_space<vmem_shared>>
      tpu.wait_dma2 semaphore(%run_scoped3A : memref<!tpu.dma_semaphore, #tpu.memory_space<semaphore_mem>>) src(%dma_wait3A_97 : memref<128x128xf32, #tpu.memory_space<vmem_shared>>) dst(%dma_wait3A_95 : memref<128x128xf32, #tpu.memory_space<hbm>>)
      tpu.yield
    }) : () -> ()
    %mul3A_73 = arith.constant 632 : i32
    %mul3A_74 = arith.muli %arg1, %mul3A_73 : i32
    %add3A_75 = arith.constant 384 : i32
    %add3A_76 = arith.addi %mul3A_74, %add3A_75 : i32
    %mul3A_77 = arith.constant 632 : i32
    %mul3A_78 = arith.muli %arg1, %mul3A_77 : i32
    %add3A_79 = arith.constant 384 : i32
    %add3A_80 = arith.addi %mul3A_78, %add3A_79 : i32
    "tpu.region"() ({
      %run_scoped3A = tpu.sem_alloc : memref<!tpu.dma_semaphore, #tpu.memory_space<semaphore_mem>>
      %dma_start3A_89 = arith.constant 0 : i32
      %dma_start3A_90 = tpu.memref_slice %arg5[%arg0, %add3A_80, %dma_start3A_89] : memref<2x10112x128xf32, #tpu.memory_space<hbm>> -> memref<1x128x128xf32, #tpu.memory_space<hbm>>
      %dma_start3A_91 = tpu.memref_squeeze %dma_start3A_90 : memref<1x128x128xf32, #tpu.memory_space<hbm>> -> memref<128x128xf32, #tpu.memory_space<hbm>>
      %dma_start3A_92 = arith.constant 0 : i32
      %dma_start3A_93 = tpu.memref_slice %arg9[%add3A_76, %dma_start3A_92] : memref<10112x128xf32, #tpu.memory_space<vmem_shared>> -> memref<128x128xf32, #tpu.memory_space<vmem_shared>>
      tpu.enqueue_dma source(%dma_start3A_93 : memref<128x128xf32, #tpu.memory_space<vmem_shared>>) target(%dma_start3A_91 : memref<128x128xf32, #tpu.memory_space<hbm>>) target_semaphore(%run_scoped3A : memref<!tpu.dma_semaphore, #tpu.memory_space<semaphore_mem>>)
      %dma_wait3A = arith.constant 0 : i32
      %dma_wait3A_94 = tpu.memref_slice %arg5[%arg0, %add3A_80, %dma_wait3A] : memref<2x10112x128xf32, #tpu.memory_space<hbm>> -> memref<1x128x128xf32, #tpu.memory_space<hbm>>
      %dma_wait3A_95 = tpu.memref_squeeze %dma_wait3A_94 : memref<1x128x128xf32, #tpu.memory_space<hbm>> -> memref<128x128xf32, #tpu.memory_space<hbm>>
      %dma_wait3A_96 = arith.constant 0 : i32
      %dma_wait3A_97 = tpu.memref_slice %arg9[%add3A_76, %dma_wait3A_96] : memref<10112x128xf32, #tpu.memory_space<vmem_shared>> -> memref<128x128xf32, #tpu.memory_space<vmem_shared>>
      tpu.wait_dma2 semaphore(%run_scoped3A : memref<!tpu.dma_semaphore, #tpu.memory_space<semaphore_mem>>) src(%dma_wait3A_97 : memref<128x128xf32, #tpu.memory_space<vmem_shared>>) dst(%dma_wait3A_95 : memref<128x128xf32, #tpu.memory_space<hbm>>)
      tpu.yield
    }) : () -> ()
    %mul3A_81 = arith.constant 632 : i32
    %mul3A_82 = arith.muli %arg1, %mul3A_81 : i32
    %add3A_83 = arith.constant 512 : i32
    %add3A_84 = arith.addi %mul3A_82, %add3A_83 : i32
    %mul3A_85 = arith.constant 632 : i32
    %mul3A_86 = arith.muli %arg1, %mul3A_85 : i32
    %add3A_87 = arith.constant 512 : i32
    %add3A_88 = arith.addi %mul3A_86, %add3A_87 : i32
    "tpu.region"() ({
      %run_scoped3A = tpu.sem_alloc : memref<!tpu.dma_semaphore, #tpu.memory_space<semaphore_mem>>
      %dma_start3A_89 = arith.constant 0 : i32
      %dma_start3A_90 = tpu.memref_slice %arg5[%arg0, %add3A_88, %dma_start3A_89] : memref<2x10112x128xf32, #tpu.memory_space<hbm>> -> memref<1x120x128xf32, #tpu.memory_space<hbm>>
      %dma_start3A_91 = tpu.memref_squeeze %dma_start3A_90 : memref<1x120x128xf32, #tpu.memory_space<hbm>> -> memref<120x128xf32, #tpu.memory_space<hbm>>
      %dma_start3A_92 = arith.constant 0 : i32
      %dma_start3A_93 = tpu.memref_slice %arg9[%add3A_84, %dma_start3A_92] : memref<10112x128xf32, #tpu.memory_space<vmem_shared>> -> memref<120x128xf32, #tpu.memory_space<vmem_shared>>
      tpu.enqueue_dma source(%dma_start3A_93 : memref<120x128xf32, #tpu.memory_space<vmem_shared>>) target(%dma_start3A_91 : memref<120x128xf32, #tpu.memory_space<hbm>>) target_semaphore(%run_scoped3A : memref<!tpu.dma_semaphore, #tpu.memory_space<semaphore_mem>>)
      %dma_wait3A = arith.constant 0 : i32
      %dma_wait3A_94 = tpu.memref_slice %arg5[%arg0, %add3A_88, %dma_wait3A] : memref<2x10112x128xf32, #tpu.memory_space<hbm>> -> memref<1x120x128xf32, #tpu.memory_space<hbm>>
      %dma_wait3A_95 = tpu.memref_squeeze %dma_wait3A_94 : memref<1x120x128xf32, #tpu.memory_space<hbm>> -> memref<120x128xf32, #tpu.memory_space<hbm>>
      %dma_wait3A_96 = arith.constant 0 : i32
      %dma_wait3A_97 = tpu.memref_slice %arg9[%add3A_84, %dma_wait3A_96] : memref<10112x128xf32, #tpu.memory_space<vmem_shared>> -> memref<120x128xf32, #tpu.memory_space<vmem_shared>>
      tpu.wait_dma2 semaphore(%run_scoped3A : memref<!tpu.dma_semaphore, #tpu.memory_space<semaphore_mem>>) src(%dma_wait3A_97 : memref<120x128xf32, #tpu.memory_space<vmem_shared>>) dst(%dma_wait3A_95 : memref<120x128xf32, #tpu.memory_space<hbm>>)
      tpu.yield
    }) : () -> ()
    return
  }
}

module attributes {stable_mosaic.version = 14 : i64} {
  func.func @_tc1_body(%arg0: memref<2x10240x1xf32, #tpu.memory_space<vmem>>, %arg1: memref<10000x128xf32, #tpu.memory_space<vmem>>, %arg2: memref<10000x1xf32, #tpu.memory_space<vmem>>, %arg3: memref<10001x128xf32, #tpu.memory_space<vmem>>) attributes {dimension_semantics = [], scalar_prefetch = 0 : i64, scratch_operands = 0 : i64, tpu.core_type = #tpu.core_type<tc>} {
    %get3A = arith.constant 0 : index
    %get3A_0 = arith.constant 0 : index
    %get3A_1 = arith.constant 0 : index
    %get3A_2 = vector.load %arg0[%get3A, %get3A_0, %get3A_1] : memref<2x10240x1xf32, #tpu.memory_space<vmem>>, vector<1x10240x1xf32>
    %get3A_3 = vector.shape_cast %get3A_2 : vector<1x10240x1xf32> to vector<10240x1xf32>
    %get3A_4 = arith.constant 1 : index
    %get3A_5 = arith.constant 0 : index
    %get3A_6 = arith.constant 0 : index
    %get3A_7 = vector.load %arg0[%get3A_4, %get3A_5, %get3A_6] : memref<2x10240x1xf32, #tpu.memory_space<vmem>>, vector<1x10240x1xf32>
    %get3A_8 = vector.shape_cast %get3A_7 : vector<1x10240x1xf32> to vector<10240x1xf32>
    %add3A = arith.addf %get3A_3, %get3A_8 : vector<10240x1xf32>
    %max3A = arith.constant 1.000000e+00 : f32
    %max3A_9 = vector.broadcast %max3A : f32 to vector<10240x1xf32>
    %max3A_10 = arith.maximumf %add3A, %max3A_9 : vector<10240x1xf32>
    %rsqrt3A = math.rsqrt %max3A_10 : vector<10240x1xf32>
    %slice3A = vector.extract_strided_slice %rsqrt3A {offsets = [0, 0], sizes = [10000, 1], strides = [1, 1]} : vector<10240x1xf32> to vector<10000x1xf32>
    %swap3A = arith.constant 0 : index
    %swap3A_11 = arith.constant 0 : index
    %swap3A_12 = vector.load %arg2[%swap3A, %swap3A_11] : memref<10000x1xf32, #tpu.memory_space<vmem>>, vector<10000x1xf32>
    tpu.vector_store %arg2[%swap3A, %swap3A_11], %slice3A {strides = array<i32>} : memref<10000x1xf32, #tpu.memory_space<vmem>>, vector<10000x1xf32>,
    %get3A_13 = arith.constant 0 : index
    %get3A_14 = arith.constant 0 : index
    %get3A_15 = vector.load %arg1[%get3A_13, %get3A_14] : memref<10000x128xf32, #tpu.memory_space<vmem>>, vector<10000x128xf32>
    %mul3A = vector.broadcast %slice3A : vector<10000x1xf32> to vector<10000x128xf32>
    %mul3A_16 = arith.mulf %get3A_15, %mul3A : vector<10000x128xf32>
    %swap3A_17 = arith.constant 0 : index
    %swap3A_18 = arith.constant 0 : index
    %swap3A_19 = vector.load %arg3[%swap3A_17, %swap3A_18] : memref<10001x128xf32, #tpu.memory_space<vmem>>, vector<10000x128xf32>
    tpu.vector_store %arg3[%swap3A_17, %swap3A_18], %mul3A_16 {strides = array<i32>} : memref<10001x128xf32, #tpu.memory_space<vmem>>, vector<10000x128xf32>,
    %broadcast_in_dim3A = arith.constant 0.000000e+00 : f32
    %broadcast_in_dim3A_20 = vector.broadcast %broadcast_in_dim3A : f32 to vector<1x128xf32>
    %swap3A_21 = arith.constant 10000 : index
    %swap3A_22 = arith.constant 0 : index
    %swap3A_23 = vector.load %arg3[%swap3A_21, %swap3A_22] : memref<10001x128xf32, #tpu.memory_space<vmem>>, vector<1x128xf32>
    tpu.vector_store %arg3[%swap3A_21, %swap3A_22], %broadcast_in_dim3A_20 {strides = array<i32>} : memref<10001x128xf32, #tpu.memory_space<vmem>>, vector<1x128xf32>,
    return
  }
}

module attributes {stable_mosaic.version = 14 : i64} {
  func.func @_tc2_body(%arg0: memref<2x10112x128xf32, #tpu.memory_space<vmem>>, %arg1: memref<10000x1xf32, #tpu.memory_space<vmem>>, %arg2: memref<128x128xf32, #tpu.memory_space<vmem>>, %arg3: memref<10001x128xf32, #tpu.memory_space<vmem>>) attributes {dimension_semantics = [], scalar_prefetch = 0 : i64, scratch_operands = 0 : i64, tpu.core_type = #tpu.core_type<tc>} {
    %get3A = arith.constant 0 : index
    %get3A_0 = arith.constant 0 : index
    %get3A_1 = arith.constant 0 : index
    %get3A_2 = vector.load %arg0[%get3A, %get3A_0, %get3A_1] : memref<2x10112x128xf32, #tpu.memory_space<vmem>>, vector<1x10000x128xf32>
    %get3A_3 = vector.shape_cast %get3A_2 : vector<1x10000x128xf32> to vector<10000x128xf32>
    %get3A_4 = arith.constant 1 : index
    %get3A_5 = arith.constant 0 : index
    %get3A_6 = arith.constant 0 : index
    %get3A_7 = vector.load %arg0[%get3A_4, %get3A_5, %get3A_6] : memref<2x10112x128xf32, #tpu.memory_space<vmem>>, vector<1x10000x128xf32>
    %get3A_8 = vector.shape_cast %get3A_7 : vector<1x10000x128xf32> to vector<10000x128xf32>
    %add3A = arith.addf %get3A_3, %get3A_8 : vector<10000x128xf32>
    %get3A_9 = arith.constant 0 : index
    %get3A_10 = arith.constant 0 : index
    %get3A_11 = vector.load %arg1[%get3A_9, %get3A_10] : memref<10000x1xf32, #tpu.memory_space<vmem>>, vector<10000x1xf32>
    %mul3A = vector.broadcast %get3A_11 : vector<10000x1xf32> to vector<10000x128xf32>
    %mul3A_12 = arith.mulf %add3A, %mul3A : vector<10000x128xf32>
    %get3A_13 = arith.constant 0 : index
    %get3A_14 = arith.constant 0 : index
    %get3A_15 = vector.load %arg2[%get3A_13, %get3A_14] : memref<128x128xf32, #tpu.memory_space<vmem>>, vector<128x128xf32>
    %dot_general3A = arith.constant dense<0.000000e+00> : vector<10000x128xf32>
    %dot_general3A_16 = tpu.matmul %mul3A_12, %get3A_15, %dot_general3A {dimension_numbers = #tpu.dot_dimension_numbers<[1], [0], [0], [1], [0, 0, 1, 1], [], []>, transpose_lhs_hint = false} : vector<10000x128xf32>, vector<128x128xf32>, vector<10000x128xf32> -> vector<10000x128xf32>
    %max3A = arith.constant 0.000000e+00 : f32
    %max3A_17 = vector.broadcast %max3A : f32 to vector<10000x128xf32>
    %max3A_18 = arith.maximumf %dot_general3A_16, %max3A_17 : vector<10000x128xf32>
    %get3A_19 = arith.constant 0 : index
    %get3A_20 = arith.constant 0 : index
    %get3A_21 = vector.load %arg1[%get3A_19, %get3A_20] : memref<10000x1xf32, #tpu.memory_space<vmem>>, vector<10000x1xf32>
    %mul3A_22 = vector.broadcast %get3A_21 : vector<10000x1xf32> to vector<10000x128xf32>
    %mul3A_23 = arith.mulf %max3A_18, %mul3A_22 : vector<10000x128xf32>
    %swap3A = arith.constant 0 : index
    %swap3A_24 = arith.constant 0 : index
    %swap3A_25 = vector.load %arg3[%swap3A, %swap3A_24] : memref<10001x128xf32, #tpu.memory_space<vmem>>, vector<10000x128xf32>
    tpu.vector_store %arg3[%swap3A, %swap3A_24], %mul3A_23 {strides = array<i32>} : memref<10001x128xf32, #tpu.memory_space<vmem>>, vector<10000x128xf32>,
    %broadcast_in_dim3A = arith.constant 0.000000e+00 : f32
    %broadcast_in_dim3A_26 = vector.broadcast %broadcast_in_dim3A : f32 to vector<1x128xf32>
    %swap3A_27 = arith.constant 10000 : index
    %swap3A_28 = arith.constant 0 : index
    %swap3A_29 = vector.load %arg3[%swap3A_27, %swap3A_28] : memref<10001x128xf32, #tpu.memory_space<vmem>>, vector<1x128xf32>
    tpu.vector_store %arg3[%swap3A_27, %swap3A_28], %broadcast_in_dim3A_26 {strides = array<i32>} : memref<10001x128xf32, #tpu.memory_space<vmem>>, vector<1x128xf32>,
    return
  }
}

module attributes {stable_mosaic.version = 14 : i64} {
  func.func @_tc3_body(%arg0: memref<2x10112x128xf32, #tpu.memory_space<vmem>>, %arg1: memref<10000x1xf32, #tpu.memory_space<vmem>>, %arg2: memref<128x128xf32, #tpu.memory_space<vmem>>, %arg3: memref<1x128xf32, #tpu.memory_space<vmem>>, %arg4: memref<10001x128xf32, #tpu.memory_space<vmem>>, %arg5: memref<10001x128xf32, #tpu.memory_space<vmem>>) attributes {dimension_semantics = [], scalar_prefetch = 0 : i64, scratch_operands = 0 : i64, tpu.core_type = #tpu.core_type<tc>} {
    %get3A = arith.constant 0 : index
    %get3A_0 = arith.constant 0 : index
    %get3A_1 = arith.constant 0 : index
    %get3A_2 = vector.load %arg0[%get3A, %get3A_0, %get3A_1] : memref<2x10112x128xf32, #tpu.memory_space<vmem>>, vector<1x10000x128xf32>
    %get3A_3 = vector.shape_cast %get3A_2 : vector<1x10000x128xf32> to vector<10000x128xf32>
    %get3A_4 = arith.constant 1 : index
    %get3A_5 = arith.constant 0 : index
    %get3A_6 = arith.constant 0 : index
    %get3A_7 = vector.load %arg0[%get3A_4, %get3A_5, %get3A_6] : memref<2x10112x128xf32, #tpu.memory_space<vmem>>, vector<1x10000x128xf32>
    %get3A_8 = vector.shape_cast %get3A_7 : vector<1x10000x128xf32> to vector<10000x128xf32>
    %add3A = arith.addf %get3A_3, %get3A_8 : vector<10000x128xf32>
    %get3A_9 = arith.constant 0 : index
    %get3A_10 = arith.constant 0 : index
    %get3A_11 = vector.load %arg1[%get3A_9, %get3A_10] : memref<10000x1xf32, #tpu.memory_space<vmem>>, vector<10000x1xf32>
    %mul3A = vector.broadcast %get3A_11 : vector<10000x1xf32> to vector<10000x128xf32>
    %mul3A_12 = arith.mulf %add3A, %mul3A : vector<10000x128xf32>
    %get3A_13 = arith.constant 0 : index
    %get3A_14 = arith.constant 0 : index
    %get3A_15 = vector.load %arg2[%get3A_13, %get3A_14] : memref<128x128xf32, #tpu.memory_space<vmem>>, vector<128x128xf32>
    %dot_general3A = arith.constant dense<0.000000e+00> : vector<10000x128xf32>
    %dot_general3A_16 = tpu.matmul %mul3A_12, %get3A_15, %dot_general3A {dimension_numbers = #tpu.dot_dimension_numbers<[1], [0], [0], [1], [0, 0, 1, 1], [], []>, transpose_lhs_hint = false} : vector<10000x128xf32>, vector<128x128xf32>, vector<10000x128xf32> -> vector<10000x128xf32>
    %max3A = arith.constant 0.000000e+00 : f32
    %max3A_17 = vector.broadcast %max3A : f32 to vector<10000x128xf32>
    %max3A_18 = arith.maximumf %dot_general3A_16, %max3A_17 : vector<10000x128xf32>
    %swap3A = arith.constant 0 : index
    %swap3A_19 = arith.constant 0 : index
    %swap3A_20 = vector.load %arg4[%swap3A, %swap3A_19] : memref<10001x128xf32, #tpu.memory_space<vmem>>, vector<10000x128xf32>
    tpu.vector_store %arg4[%swap3A, %swap3A_19], %max3A_18 {strides = array<i32>} : memref<10001x128xf32, #tpu.memory_space<vmem>>, vector<10000x128xf32>,
    %broadcast_in_dim3A = arith.constant 0.000000e+00 : f32
    %broadcast_in_dim3A_21 = vector.broadcast %broadcast_in_dim3A : f32 to vector<1x128xf32>
    %swap3A_22 = arith.constant 10000 : index
    %swap3A_23 = arith.constant 0 : index
    %swap3A_24 = vector.load %arg4[%swap3A_22, %swap3A_23] : memref<10001x128xf32, #tpu.memory_space<vmem>>, vector<1x128xf32>
    tpu.vector_store %arg4[%swap3A_22, %swap3A_23], %broadcast_in_dim3A_21 {strides = array<i32>} : memref<10001x128xf32, #tpu.memory_space<vmem>>, vector<1x128xf32>,
    %get3A_25 = arith.constant 0 : index
    %get3A_26 = arith.constant 0 : index
    %get3A_27 = vector.load %arg3[%get3A_25, %get3A_26] : memref<1x128xf32, #tpu.memory_space<vmem>>, vector<1x128xf32>
    %mul3A_28 = vector.broadcast %get3A_27 : vector<1x128xf32> to vector<10000x128xf32>
    %mul3A_29 = arith.mulf %max3A_18, %mul3A_28 : vector<10000x128xf32>
    %swap3A_30 = arith.constant 0 : index
    %swap3A_31 = arith.constant 0 : index
    %swap3A_32 = vector.load %arg5[%swap3A_30, %swap3A_31] : memref<10001x128xf32, #tpu.memory_space<vmem>>, vector<10000x128xf32>
    tpu.vector_store %arg5[%swap3A_30, %swap3A_31], %mul3A_29 {strides = array<i32>} : memref<10001x128xf32, #tpu.memory_space<vmem>>, vector<10000x128xf32>,
    %broadcast_in_dim3A_33 = arith.constant 0.000000e+00 : f32
    %broadcast_in_dim3A_34 = vector.broadcast %broadcast_in_dim3A_33 : f32 to vector<1x128xf32>
    %swap3A_35 = arith.constant 10000 : index
    %swap3A_36 = arith.constant 0 : index
    %swap3A_37 = vector.load %arg5[%swap3A_35, %swap3A_36] : memref<10001x128xf32, #tpu.memory_space<vmem>>, vector<1x128xf32>
    tpu.vector_store %arg5[%swap3A_35, %swap3A_36], %broadcast_in_dim3A_34 {strides = array<i32>} : memref<10001x128xf32, #tpu.memory_space<vmem>>, vector<1x128xf32>,
    return
  }
}

module attributes {stable_mosaic.version = 14 : i64} {
  func.func @_tc4_body(%arg0: memref<2x10112x128xf32, #tpu.memory_space<vmem>>, %arg1: memref<128x128xf32, #tpu.memory_space<vmem>>, %arg2: memref<10000x128xf32, #tpu.memory_space<vmem>>) attributes {dimension_semantics = [], scalar_prefetch = 0 : i64, scratch_operands = 0 : i64, tpu.core_type = #tpu.core_type<tc>} {
    %get3A = arith.constant 0 : index
    %get3A_0 = arith.constant 0 : index
    %get3A_1 = arith.constant 0 : index
    %get3A_2 = vector.load %arg0[%get3A, %get3A_0, %get3A_1] : memref<2x10112x128xf32, #tpu.memory_space<vmem>>, vector<1x10000x128xf32>
    %get3A_3 = vector.shape_cast %get3A_2 : vector<1x10000x128xf32> to vector<10000x128xf32>
    %get3A_4 = arith.constant 1 : index
    %get3A_5 = arith.constant 0 : index
    %get3A_6 = arith.constant 0 : index
    %get3A_7 = vector.load %arg0[%get3A_4, %get3A_5, %get3A_6] : memref<2x10112x128xf32, #tpu.memory_space<vmem>>, vector<1x10000x128xf32>
    %get3A_8 = vector.shape_cast %get3A_7 : vector<1x10000x128xf32> to vector<10000x128xf32>
    %add3A = arith.addf %get3A_3, %get3A_8 : vector<10000x128xf32>
    %get3A_9 = arith.constant 0 : index
    %get3A_10 = arith.constant 0 : index
    %get3A_11 = vector.load %arg1[%get3A_9, %get3A_10] : memref<128x128xf32, #tpu.memory_space<vmem>>, vector<128x128xf32>
    %dot_general3A = arith.constant dense<0.000000e+00> : vector<10000x128xf32>
    %dot_general3A_12 = tpu.matmul %add3A, %get3A_11, %dot_general3A {dimension_numbers = #tpu.dot_dimension_numbers<[1], [0], [0], [1], [0, 0, 1, 1], [], []>, transpose_lhs_hint = false} : vector<10000x128xf32>, vector<128x128xf32>, vector<10000x128xf32> -> vector<10000x128xf32>
    %max3A = arith.constant 0.000000e+00 : f32
    %max3A_13 = vector.broadcast %max3A : f32 to vector<10000x128xf32>
    %max3A_14 = arith.maximumf %dot_general3A_12, %max3A_13 : vector<10000x128xf32>
    %swap3A = arith.constant 0 : index
    %swap3A_15 = arith.constant 0 : index
    %swap3A_16 = vector.load %arg2[%swap3A, %swap3A_15] : memref<10000x128xf32, #tpu.memory_space<vmem>>, vector<10000x128xf32>
    tpu.vector_store %arg2[%swap3A, %swap3A_15], %max3A_14 {strides = array<i32>} : memref<10000x128xf32, #tpu.memory_space<vmem>>, vector<10000x128xf32>,
    return
  }
}

</mosaic_0001>

<sc_bundles>
// kernel: kernel.10.cloned.1.call-start
scs
__scs_entry_jumppad:
0x0: {  	(pc) =	sbr.rel $0x88, $3  }
0x1: {  	(tag) =	ssettag $0x0;
	lr =	simm.s32 $0x1  }
0x2: {  	[smem:$0x3F9B] =	sst lr;
	_ =	strace $0xD0000000  }
0x3: {  	_ = 	snop  }
0x4: {  	_ = 	snop  }
0x5: {  	_ = 	snop  }
0x6: {  	_ = 	snop  }
0x7: {  	_ = 	snop  }
__scs_overlays_trampoline_lowered:
0x8: {  	[smem:$0x3FAA] =	sst s0  }
0x9: {  	[smem:$0x3FAB] =	sst s1  }
0xa: {  	[smem:$0x3FAC] =	sst s2  }
0xb: {  	[smem:$0x3FAD] =	sst s3  }
0xc: {  	[smem:$0x3FAE] =	sst s4  }
0xd: {  	[smem:$0x3FAF] =	sst s5  }
0xe: {  	[smem:$0x3FB0] =	sst s6  }
0xf: {  	[smem:$0x3FB1] =	sst s7  }
0x10: {  	[smem:$0x3FB2] =	sst s8  }
0x11: {  	[smem:$0x3FB3] =	sst s9;
	s0 =	simm.s32 @!p0 $0x0  }
0x12: {  	s1 =	sld [smem:$0x3F99];
	s0 =	simm.s32 @p0 $0x1  }
0x13: {  	[smem:$0x3FB4] =	sst s0;
	s0 =	simm.s32 @!p1 $0x0  }
0x14: {  	s2 =	sld [smem:$0x3F98];
	s0 =	simm.s32 @p1 $0x1  }
0x15: {  	[smem:$0x3FB5] =	sst s0;
	s0 =	simm.s32 @!p2 $0x0  }
0x16: {  	s3 =	sld [smem:$0x3FDB];
	s0 =	simm.s32 @p2 $0x1  }
0x17: {  	s4 =	simm.s32 $0x1BF5;
	[smem:$0x3FB7] =	sst s0  }
0x18: {  	s0 =	sld [smem:$0x3F9A];
	_ =	swait.ge [sflag:s4], $0x0  }
0x19: {  	s7 =	sld [smem:$0x3F9B]  }
0x1a: {  	s8 =	sadd.s32 $0xFFFFE003, lr  }
0x1b: {  	s9 =	sadd.s32 $0xFFFFFEF7, lr;
	s5 =	simm.s32 $0xFFFFFFFF;
	p2 =	slt.u32 s8, $0xFFFFF086  }
0x1c: {  	p1 =	slt.u32 s9, $0xF7A;
	s5 =	simm.s32 @!p2 $0x0  }
0x1d: {  	s5 =	simm.s32 @p1 $0x1;
	p0 =	seq.s32 s7, s2  }
0x1e: {  	s7 =	smul.u32 @!p0 $0xF7A, s2;
	p2 =	seq.s32 @!p0 s5, $0x0  }
0x1f: {  	s9 =	smul.u32 $0xF7A, s1;
	s8 =	simm.s32 @!p0 $0x1BF5;
	p2 =	por !p2, p0  }
0x20: {  	[sflag:s8] =	ssyncset.s32 @!p0 $0xFFFFF086;
	s6 =	sadd.s32 @!p0 s3, s7;
	s7 =	simm.s32 @!p0 $0x108  }
0x21: {  	s3 =	sadd.s32 s3, s9;
	s6 =	sadd.s32 @!p0 $0x88, s6;
	s7 =	simm.s32 @p2 $0x1082  }
0x22: {  	[simem:s7], [sflag:s8] =	dma.local @!p0 [hbm:s6], $0xF7A  }
0x23: {  	s9 =	sor.u32 $0xD0000000, s2;
	s6 =	simm.s32 $0x108;
	_ =	swait.ge @!p0 [sflag:s8], $0x0  }
0x24: {  	s3 =	sadd.s32 $0x88, s3;
	s6 =	simm.s32 @!p1 $0x1082;
	[sflag:s4] =	ssyncset.s32 $0xFFFFF086  }
0x25: {  	[simem:s6], [sflag:s4] =	dma.local [hbm:s3], $0xF7A  }
0x26: {  	[smem:$0x3F9B] =	sst s1;
	(tag) =	ssettag s2;
	_ =	strace s9  }
0x27: {  	s1 =	sld [smem:$0x3FAB]  }
0x28: {  	s2 =	sld [smem:$0x3FAC]  }
0x29: {  	s4 =	sld [smem:$0x3FAE]  }
0x2a: {  	p0 =	seq.s32 s5, $0x0;
	s5 =	sld [smem:$0x3FAF]  }
0x2b: {  	s6 =	sld [smem:$0x3FB0]  }
0x2c: {  	s7 =	sld [smem:$0x3FB1]  }
0x2d: {  	s3 =	simm.s32 $0x108;
	s8 =	sld [smem:$0x3FB2]  }
0x2e: {  	s3 =	simm.s32 @!p0 $0x1082;
	s9 =	sld [smem:$0x3FB3]  }
0x2f: {  	lr =	sadd.s32 s0, s3;
	s0 =	sld [smem:$0x3FAA]  }
0x30: {  	s3 =	sld [smem:$0x3FAD]  }
0x31: {  	[smem:$0x3FB6] =	sst s10  }
0x32: {  	s10 =	sld [smem:$0x3FB4];
	_ =	sdelay $0x3  }
0x33: {  	p0 =	seq.s32 s10, $0x1;
	s10 =	sld [smem:$0x3FB6];
	_ =	sdelay $0x3  }
0x34: {  	[smem:$0x3FB6] =	sst s10  }
0x35: {  	s10 =	sld [smem:$0x3FB5];
	_ =	sdelay $0x3  }
0x36: {  	p1 =	seq.s32 s10, $0x1;
	s10 =	sld [smem:$0x3FB6];
	_ =	sdelay $0x3  }
0x37: {  	[smem:$0x3FB6] =	sst s10  }
0x38: {  	s10 =	sld [smem:$0x3FB7]  }
0x39: {  	_ = 	snop;
	(pc) =	sbr.ind lr, $3  }
0x3a: {  	_ = 	snop  }
0x3b: {  	_ = 	snop  }
0x3c: {  	p2 =	seq.s32 s10, $0x1;
	s10 =	sld [smem:$0x3FB6]  }
0x3d: {  	_ =	shalt  }
0x3e: {  	_ =	shalt  }
0x3f: {  	_ =	shalt  }
0x40: {  	_ =	shalt  }
0x41: {  	_ =	shalt  }
0x42: {  	_ =	shalt  }
0x43: {  	_ =	shalt  }
0x44: {  	_ =	shalt  }
0x45: {  	_ =	shalt  }
0x46: {  	_ =	shalt  }
0x47: {  	_ =	shalt  }
0x48: {  	_ =	shalt  }
0x49: {  	_ =	shalt  }
0x4a: {  	_ =	shalt  }
0x4b: {  	_ =	shalt  }
0x4c: {  	_ =	shalt  }
0x4d: {  	_ =	shalt  }
0x4e: {  	_ =	shalt  }
0x4f: {  	_ =	shalt  }
0x50: {  	_ =	shalt  }
0x51: {  	_ =	shalt  }
0x52: {  	_ =	shalt  }
0x53: {  	_ =	shalt  }
0x54: {  	_ =	shalt  }
0x55: {  	_ =	shalt  }
0x56: {  	_ =	shalt  }
0x57: {  	_ =	shalt  }
0x58: {  	_ =	shalt  }
0x59: {  	_ =	shalt  }
0x5a: {  	_ =	shalt  }
0x5b: {  	_ =	shalt  }
0x5c: {  	_ =	shalt  }
0x5d: {  	_ =	shalt  }
0x5e: {  	_ =	shalt  }
0x5f: {  	_ =	shalt  }
0x60: {  	_ =	shalt  }
0x61: {  	_ =	shalt  }
0x62: {  	_ =	shalt  }
0x63: {  	_ =	shalt  }
0x64: {  	_ =	shalt  }
0x65: {  	_ =	shalt  }
0x66: {  	_ =	shalt  }
0x67: {  	_ =	shalt  }
0x68: {  	_ =	shalt  }
0x69: {  	_ =	shalt  }
0x6a: {  	_ =	shalt  }
0x6b: {  	_ =	shalt  }
0x6c: {  	_ =	shalt  }
0x6d: {  	_ =	shalt  }
0x6e: {  	_ =	shalt  }
0x6f: {  	_ =	shalt  }
0x70: {  	_ =	shalt  }
0x71: {  	_ =	shalt  }
0x72: {  	_ =	shalt  }
0x73: {  	_ =	shalt  }
0x74: {  	_ =	shalt  }
0x75: {  	_ =	shalt  }
0x76: {  	_ =	shalt  }
0x77: {  	_ =	shalt  }
0x78: {  	_ =	shalt  }
0x79: {  	_ =	shalt  }
0x7a: {  	_ =	shalt  }
0x7b: {  	_ =	shalt  }
0x7c: {  	_ =	shalt  }
0x7d: {  	_ =	shalt  }
0x7e: {  	_ =	shalt  }
0x7f: {  	_ =	shalt  }
0x80: {  	_ =	shalt  }
0x81: {  	_ =	shalt  }
0x82: {  	_ =	shalt  }
0x83: {  	_ =	shalt  }
0x84: {  	_ =	shalt  }
0x85: {  	_ =	shalt  }
0x86: {  	_ =	shalt  }
0x87: {  	_ =	shalt  }
.Lfunc_end0:
.L_simem_size_0:
called_computation_lowered:
.L_overlay_start_0:
0x88: {  	s2 =	sld [smem:$0x3FD9]  }
0x89: {  	s3 =	sld [smem:$0x3FFE];
	_ =	sdelay $0x1  }
0x8a: {  	s1 =	srdreg.scid  }
0x8b: {  	s0 =	sand.u32 $0x1, s1  }
0x8c: {  	s16 =	sshll.u32 s0, $0xA;
	s2 =	sadd.s32 s3, s2  }
0x8d: {  	s2 =	sadd.s32 s2, s16  }
0x8e: {  	[smem:$0x3FC2] =	sst s2  }
0x8f: {  	_ = 	snop  }
0x90: {  	(tm) =	ssettm $0x1  }
0x91: {  	s17 =	sld [smem:$0x3FFB];
	_ =	sdelay $0x3  }
0x92: {  	_ =	strace s17  }
0x93: {  	s2 =	sld [smem:$0x3FFC];
	_ =	sdelay $0x3  }
0x94: {  	_ =	strace s2  }
0x95: {  	s2 =	sld [smem:$0x3FFD];
	_ =	sdelay $0x3  }
0x96: {  	_ =	strace s2  }
0x97: {  	_ =	strace $0x8FFFFFFF  }
0x98: {  	s18 =	sld [smem:$0x3FDB];
	_ =	sdelay $0x1  }
0x99: {  	s19 =	simm.s32 $_scs_section_size  }
0x9a: {  	s4 =	simm.s32 $_size__tile_overlayer_lowered;
	s5 =	simm.s32 $_tile_overlayer_lowered  }
0x9b: {  	s22 =	simm.s32 $0x1BFF;
	s21 =	sshll.u32 s5, $0x1;
	s2 =	sadd.s32 s19, s18  }
0x9c: {  	s6 =	simm.s32 $0x0;
	s20 =	sshll.u32 s4, $0x1;
	s4 =	sadd.s32 s21, s2  }
0x9d: {  	[timem:s6], [sflag:s22] =	dma.local [hbm:s4], s20  }
0x9e: {  	_ =	swait.ge [sflag:s22], s20  }
0x9f: {  	s3 =	ssub.s32 $0x0, s20;
	[sflag:s22] =	ssyncset.done $0x0  }
0xa0: {  	[sflag:s22] =	ssyncadd.s32 s3;
	_ =	sdelay $0x1  }
0xa1: {  	s23 =	simm.s32 $0x1B8B  }
0xa2: {  	_ =	swait.ge [sflag:s23], $0x1  }
0xa3: {  	[sflag:s23] =	ssyncset.done $0x0  }
0xa4: {  	s25 =	simm.s32 $0x1B8E;
	s24 =	sld [smem:$0x3FFE];
	[sflag:s23] =	ssyncadd.s32 $0xFFFFFFFF  }
0xa5: {  	s26 =	simm.s32 $execute0_lowered;
	[smem:$0x3FD2] =	sst s25  }
0xa6: {  	s4 =	sshll.u32 s26, $0x1;
	_ =	strace $0x80000046;
	[dreg:$0x1] =	wrdreg $0xFFFFFFFF  }
0xa7: {  	s28 =	simm.s32 $_size_execute0_lowered;
	s2 =	sadd.s32 s2, s4;
	[dreg:$0x0] =	wrdreg $0x0  }
0xa8: {  	s4 =	sshll.u32 s28, $0x1;
	[dreg:$0x2] =	wrdreg s2  }
0xa9: {  	[dreg:$0x3] =	wrdreg s4  }
0xaa: {  	[dreg:$0x4] =	wrdreg $0xC0  }
0xab: {  	_ =	task [dreg:s6], $0x5FFFF  }
0xac: {  	[dreg:$0x1] =	wrdreg $0xFFFFFFFF  }
0xad: {  	[dreg:$0x0] =	wrdreg $0x60  }
0xae: {  	[dreg:$0x2] =	wrdreg s24  }
0xaf: {  	[dreg:$0x3] =	wrdreg $0x2A800  }
0xb0: {  	[dreg:$0x4] =	wrdreg $0x9  }
0xb1: {  	_ =	task.clear_ibuf [dreg:s6], $0x5FFFF;
	_ =	strace $0x90000046  }
0xb2: {  	s29 =	simm.s32 $0x9;
	_ =	strace $0x80000048  }
0xb3: {  	_ =	swait.ge [sflag:s29], $0x1  }
0xb4: {  	[sflag:s29] =	ssyncadd.s32 $0xFFFFFFFF  }
0xb5: {  	_ =	strace $0x90000048  }
0xb6: {  	_ =	sfence  }
0xb7: {  	s30 =	sld [smem:$0x0];
	_ =	sdelay $0x2  }
0xb8: {  	s31 =	sshll.u32 s1, $0xD;
	s1 =	sshrl.u32 s1, $0x2  }
0xb9: {  	s3 =	sand.u32 $0x4000, s31;
	s1 =	sadd.s32 s1, s30  }
0xba: {  	s0 =	sor.u32 s3, s0;
	s1 =	sshll.u32 s1, $0x11  }
0xbb: {  	s0 =	sor.u32 s1, s0  }
0xbc: {  	s0 =	sadd.s32 $0x8F2B, s0  }
0xbd: {  	[sflag:s0] =	ssyncadd.remote.s32 $0x1  }
0xbe: {  	_ =	sfence.sel $0xFFFF  }
0xbf: {  	[dreg:$0x0] =	wrdreg $0xFFFFFFFF;
	(pc) =	sbr.abs _section_cstart, $3  }
0xc0: {  	[dreg:$0x1] =	wrdreg $0xFFFFFFFF  }
0xc1: {  	_ =	task.clear_ibuf [dreg:s6], $0x2FFFF;
	_ =	strace $0x9FFFFFFF  }
0xc2: {  	(tm) =	ssettm $0x7FFFFFFF  }
0xc3: {  	_ =	shalt  }
tec
execute0_lowered:
.L_overlay_start_1:
0x0: {  	(tag) =	ssettag $0x1  }
0x1: {  	s4 =	rddreg [dreg:$0x0];
	s0 =	srdreg.scid  }
0x2: {  	s2 =	rddreg [dreg:$0x1];
	s1 =	stileid.u32  }
0x3: {  	s3 =	simm.s32 $0x0;
	s10 =	simm.s32 $0x80;
	s11 =	simm.s32 $0x1  }
0x4: {  	s14 =	simm.s32 $0x20;
	s15 =	simm.s32 $0x10;
	s16 =	simm.s32 $0x0  }
0x5: {  	s5 =	sand.u32 $0x1, s0;
	s0 =	rddreg [dreg:$0x2];
	s7 =	smul.u32 $0x500, s1  }
0x6: {  	[smem:$0x7FF] =	sst s3;
	s30 =	smul.u32 $0xA00, s1;
	s12 =	sshll.u32 s1, $0x6  }
0x7: {  	s6 =	sshll.u32 s5, $0x4;
	s8 =	sshll.u32 s5, $0x7;
	_ =	strace $0x80000047  }
0x8: {  	s5 =	ssub.s32 $0x2, s5;
	s12 =	sor.u32 $0x1C02, s12;
	s6 =	sor.u32 s1, s6  }
0x9: {  	s7 =	sor.u32 s8, s7;
	s31 =	sshrl.u32 s5, $0x1;
	s6 =	smul.u32 $0x500, s6  }
0xa: {  	s8 =	sshrl.u32 s30, $0x2;
	s7 =	sshrl.u32 s7, $0x3;
	s9 =	ssub.s32 s5, s31  }
0xb: {  	s7 =	sadd.s32 s7, s4;
	s6 =	sadd.s32 s6, s4;
	s4 =	sadd.s32 s8, s2  }
0xc: {  	s8 =	simm.s32 $0x2800;
	s5 =	sadd.s32 $0x2A00, s6;
	s6 =	sadd.s32 $0xCA00, s7  }
0xd: {  	v0 =	vimm.f32 $0.0e+00;
	v1 =	vimm.f32 $1.000000000e+00;
	s7 =	smax.u32 s9, $0x1;
	s9 =	simm.s32 $0x2;
	s13 =	sshrl.u32 s4, $0x3  }
.LBB2_1:
0xe: {  	[tilespmem:$0x2800] =	vst v0  }
0xf: {  	[tilespmem:$0x2810] =	vst v0  }
0x10: {  	[tilespmem:$0x2820] =	vst v0  }
0x11: {  	[tilespmem:$0x2830] =	vst v0  }
0x12: {  	[tilespmem:$0x2840] =	vst v0  }
0x13: {  	[tilespmem:$0x2850] =	vst v0  }
0x14: {  	[tilespmem:$0x2860] =	vst v0  }
0x15: {  	[tilespmem:$0x2870] =	vst v0  }
0x16: {  	[tilespmem:$0x2880] =	vst v0  }
0x17: {  	[tilespmem:$0x2890] =	vst v0  }
0x18: {  	[tilespmem:$0x28A0] =	vst v0  }
0x19: {  	[tilespmem:$0x28B0] =	vst v0  }
0x1a: {  	[tilespmem:$0x28C0] =	vst v0  }
0x1b: {  	[tilespmem:$0x28D0] =	vst v0  }
0x1c: {  	[tilespmem:$0x28E0] =	vst v0  }
0x1d: {  	[tilespmem:$0x28F0] =	vst v0  }
0x1e: {  	[tilespmem:$0x2900] =	vst v0  }
0x1f: {  	[tilespmem:$0x2910] =	vst v0  }
0x20: {  	[tilespmem:$0x2920] =	vst v0  }
0x21: {  	[tilespmem:$0x2930] =	vst v0  }
0x22: {  	[tilespmem:$0x2940] =	vst v0  }
0x23: {  	[tilespmem:$0x2950] =	vst v0  }
0x24: {  	[tilespmem:$0x2960] =	vst v0  }
0x25: {  	[tilespmem:$0x2970] =	vst v0  }
0x26: {  	[tilespmem:$0x2980] =	vst v0  }
0x27: {  	[tilespmem:$0x2990] =	vst v0  }
0x28: {  	[tilespmem:$0x29A0] =	vst v0  }
0x29: {  	[tilespmem:$0x29B0] =	vst v0  }
0x2a: {  	[tilespmem:$0x29C0] =	vst v0  }
0x2b: {  	[tilespmem:$0x29D0] =	vst v0  }
0x2c: {  	[tilespmem:$0x29E0] =	vst v0  }
0x2d: {  	[tilespmem:$0x29F0] =	vst v0  }
0x2e: {  	[tilespmem:$0x2A00] =	vst v0  }
0x2f: {  	[tilespmem:$0x2A10] =	vst v0  }
0x30: {  	[tilespmem:$0x2A20] =	vst v0  }
0x31: {  	[tilespmem:$0x2A30] =	vst v0  }
0x32: {  	[tilespmem:$0x2A40] =	vst v0  }
0x33: {  	[tilespmem:$0x2A50] =	vst v0  }
0x34: {  	[tilespmem:$0x2A60] =	vst v0  }
0x35: {  	[tilespmem:$0x2A70] =	vst v0  }
0x36: {  	[spmem:s4] =	stream.linear.scatter [tilespmem:s8], [sflag:$0x2], $0x280, $0x38;
	[tilespmem:$0x2D00] =	vst v63  }
0x37: {  	_ =	swait.ge [sflag:s9], $0x280  }
0x38: {  	[sflag:s9] =	ssyncset.done $0x0  }
0x39: {  	[sflag:s9] =	ssyncadd.s32 $0xFFFFFD80  }
0x3a: {  	[tilespmem:s3], [sflag:$0x2] =	stream.linear.gather [hbm4b:s5+s3], $0x2800, $0x38;
	[tilespmem:$0x2D00] =	vst v63  }
0x3b: {  	_ =	swait.ge [sflag:s9], $0x2800  }
0x3c: {  	[sflag:s9] =	ssyncset.done $0x0  }
0x3d: {  	[sflag:s9] =	ssyncadd.s32 $0xFFFFD800  }
0x3e: {  	[tilespmem:$0x2800] =	vst v1  }
0x3f: {  	[tilespmem:$0x2810] =	vst v1  }
0x40: {  	[tilespmem:$0x2820] =	vst v1  }
0x41: {  	[tilespmem:$0x2830] =	vst v1  }
0x42: {  	[tilespmem:$0x2840] =	vst v1  }
0x43: {  	[tilespmem:$0x2850] =	vst v1  }
0x44: {  	[tilespmem:$0x2860] =	vst v1  }
0x45: {  	[tilespmem:$0x2870] =	vst v1  }
0x46: {  	s17 =	simm.s32 $0x0;
	[bflag:$0x0] =	sbarrier.arrive $0xFFFF  }
.LBB2_2:
0x47: {  	p0 =	sne.s32 s17, $0x9E00  }
.Ltmp0:
0x48: {  	_ = 	snop;
	(pc) =	sbr.rel @p0 .LBB2_2-.Ltmp0, $3  }
0x49: {  	_ =	sdelay $0x1  }
0x4a: {  	s18 =	sshra.s32 s17, $0x2;
	s17 =	sadd.s32 $0x200, s17  }
0x4b: {  	[spmem:s2] =	stream.indirect.scatter.add.f32 [tilespmem:s8], [sflag:$0x1], $0x1, s18, s10, $0xb8;
	[tilespmem:$0x2D00] =	vst v63  }
0x4c: {  	_ =	swait.ge [sflag:s11], $0x80  }
0x4d: {  	s17 =	simm.s32 $0x4F;
	[sflag:s11] =	ssyncset.done $0x0  }
.LBB2_4:
0x4e: {  	p0 =	sne.s32 s17, $0x1;
	s17 =	sadd.s32 $0xFFFFFFFF, s17;
	[sflag:s11] =	ssyncadd.s32 $0xFFFFFF80  }
.Ltmp1:
0x4f: {  	(pc) =	sbr.rel @p0 .LBB2_4-.Ltmp1, $3  }
0x50: {  	_ =	sdelay $0x1  }
0x51: {  	_ =	swait.ge [sflag:s11], $0x80  }
0x52: {  	[sflag:s11] =	ssyncset.done $0x0  }
0x53: {  	s16 =	sadd.s32 $0x1, s16  }
0x54: {  	[sflag:s11] =	ssyncadd.s32 $0xFFFFFF80;
	p0 =	sne.s32 s16, s7  }
.Ltmp2:
0x55: {  	[bflag:$0x0] =	sbarrier.arrive $0xFFFF;
	(pc) =	sbr.rel @p0 .LBB2_1-.Ltmp2, $4  }
0x56: {  	[hbm:s6@s14], [sflag:s12] =	dma.strided [spmem:s13@s15], $0x50, s11, $0x10   }
0x57: {  	_ =	swait.ge [sflag:s9], $0x50  }
0x58: {  	[sflag:s9] =	ssyncset.done $0x0  }
0x59: {  	[sflag:s9] =	ssyncadd.s32 $0xFFFFFFB0  }
0x5a: {  	_ =	sfence.sel $0x180000  }
0x5b: {  	[bflag:$0x0] =	sbarrier.arrive $0xFFFF  }
0x5c: {  	p0 =	sne.s32 s1, $0x0;
	_ =	strace $0x90000047  }
0x5d: {  	s0 =	sadd.s32 @!p0 $0x100000, s0;
	[bflag:$0x2] =	sbarrier.arrive $0xFFFF  }
0x5e: {  	[sflag:s0] =	ssyncadd.tile.s32 @!p0 $0x1;
	_ =	shalt  }
.Lfunc_end2:
_tile_overlayer_lowered:
.L_overlay_start_2:
0x5f: {  	(tag) =	ssettag $0x2  }
0x60: {  	s0 =	rddreg [dreg:$0x0];
	s2 =	stileid.u32  }
0x61: {  	s1 =	rddreg [dreg:$0x1];
	p0 =	sne.s32 s2, $0x0  }
0x62: {  	s3 =	rddreg [dreg:$0x2];
	[bflag:$0x3] =	sbarrier.arrive $0xFFFF;
	s2 =	simm.s32 @!p0 $0x1C02  }
0x63: {  	[timem:s3], [sflag:s2] =	dma.local @!p0 [hbm:s0], s1  }
0x64: {  	s0 =	simm.s32 @!p0 $0x2  }
0x65: {  	_ =	swait.ge @!p0 [sflag:s0], s1  }
0x66: {  	s1 =	ssub.s32 @!p0 $0x0, s1;
	[sflag:s0] =	ssyncset.done @!p0 $0x0  }
0x67: {  	[sflag:s0] =	ssyncadd.s32 @!p0 s1  }
0x68: {  	[bflag:$0x3] =	sbarrier.arrive $0xFFFF  }
0x69: {  	_ =	shalt  }

// kernel: kernel.13.cloned.1.call-start
scs
__scs_entry_jumppad:
0x0: {  	(pc) =	sbr.rel $0x88, $3  }
0x1: {  	(tag) =	ssettag $0x0;
	lr =	simm.s32 $0x1  }
0x2: {  	[smem:$0x3F9B] =	sst lr;
	_ =	strace $0xD0000000  }
0x3: {  	_ = 	snop  }
0x4: {  	_ = 	snop  }
0x5: {  	_ = 	snop  }
0x6: {  	_ = 	snop  }
0x7: {  	_ = 	snop  }
__scs_overlays_trampoline_lowered:
0x8: {  	[smem:$0x3FAA] =	sst s0  }
0x9: {  	[smem:$0x3FAB] =	sst s1  }
0xa: {  	[smem:$0x3FAC] =	sst s2  }
0xb: {  	[smem:$0x3FAD] =	sst s3  }
0xc: {  	[smem:$0x3FAE] =	sst s4  }
0xd: {  	[smem:$0x3FAF] =	sst s5  }
0xe: {  	[smem:$0x3FB0] =	sst s6  }
0xf: {  	[smem:$0x3FB1] =	sst s7  }
0x10: {  	[smem:$0x3FB2] =	sst s8  }
0x11: {  	[smem:$0x3FB3] =	sst s9;
	s0 =	simm.s32 @!p0 $0x0  }
0x12: {  	s1 =	sld [smem:$0x3F99];
	s0 =	simm.s32 @p0 $0x1  }
0x13: {  	[smem:$0x3FB4] =	sst s0;
	s0 =	simm.s32 @!p1 $0x0  }
0x14: {  	s2 =	sld [smem:$0x3F98];
	s0 =	simm.s32 @p1 $0x1  }
0x15: {  	[smem:$0x3FB5] =	sst s0;
	s0 =	simm.s32 @!p2 $0x0  }
0x16: {  	s3 =	sld [smem:$0x3FDB];
	s0 =	simm.s32 @p2 $0x1  }
0x17: {  	s4 =	simm.s32 $0x1BF5;
	[smem:$0x3FB7] =	sst s0  }
0x18: {  	s0 =	sld [smem:$0x3F9A];
	_ =	swait.ge [sflag:s4], $0x0  }
0x19: {  	s7 =	sld [smem:$0x3F9B]  }
0x1a: {  	s8 =	sadd.s32 $0xFFFFE003, lr  }
0x1b: {  	s9 =	sadd.s32 $0xFFFFFEF7, lr;
	s5 =	simm.s32 $0xFFFFFFFF;
	p2 =	slt.u32 s8, $0xFFFFF086  }
0x1c: {  	p1 =	slt.u32 s9, $0xF7A;
	s5 =	simm.s32 @!p2 $0x0  }
0x1d: {  	s5 =	simm.s32 @p1 $0x1;
	p0 =	seq.s32 s7, s2  }
0x1e: {  	s7 =	smul.u32 @!p0 $0xF7A, s2;
	p2 =	seq.s32 @!p0 s5, $0x0  }
0x1f: {  	s9 =	smul.u32 $0xF7A, s1;
	s8 =	simm.s32 @!p0 $0x1BF5;
	p2 =	por !p2, p0  }
0x20: {  	[sflag:s8] =	ssyncset.s32 @!p0 $0xFFFFF086;
	s6 =	sadd.s32 @!p0 s3, s7;
	s7 =	simm.s32 @!p0 $0x108  }
0x21: {  	s3 =	sadd.s32 s3, s9;
	s6 =	sadd.s32 @!p0 $0x88, s6;
	s7 =	simm.s32 @p2 $0x1082  }
0x22: {  	[simem:s7], [sflag:s8] =	dma.local @!p0 [hbm:s6], $0xF7A  }
0x23: {  	s9 =	sor.u32 $0xD0000000, s2;
	s6 =	simm.s32 $0x108;
	_ =	swait.ge @!p0 [sflag:s8], $0x0  }
0x24: {  	s3 =	sadd.s32 $0x88, s3;
	s6 =	simm.s32 @!p1 $0x1082;
	[sflag:s4] =	ssyncset.s32 $0xFFFFF086  }
0x25: {  	[simem:s6], [sflag:s4] =	dma.local [hbm:s3], $0xF7A  }
0x26: {  	[smem:$0x3F9B] =	sst s1;
	(tag) =	ssettag s2;
	_ =	strace s9  }
0x27: {  	s1 =	sld [smem:$0x3FAB]  }
0x28: {  	s2 =	sld [smem:$0x3FAC]  }
0x29: {  	s4 =	sld [smem:$0x3FAE]  }
0x2a: {  	p0 =	seq.s32 s5, $0x0;
	s5 =	sld [smem:$0x3FAF]  }
0x2b: {  	s6 =	sld [smem:$0x3FB0]  }
0x2c: {  	s7 =	sld [smem:$0x3FB1]  }
0x2d: {  	s3 =	simm.s32 $0x108;
	s8 =	sld [smem:$0x3FB2]  }
0x2e: {  	s3 =	simm.s32 @!p0 $0x1082;
	s9 =	sld [smem:$0x3FB3]  }
0x2f: {  	lr =	sadd.s32 s0, s3;
	s0 =	sld [smem:$0x3FAA]  }
0x30: {  	s3 =	sld [smem:$0x3FAD]  }
0x31: {  	[smem:$0x3FB6] =	sst s10  }
0x32: {  	s10 =	sld [smem:$0x3FB4];
	_ =	sdelay $0x3  }
0x33: {  	p0 =	seq.s32 s10, $0x1;
	s10 =	sld [smem:$0x3FB6];
	_ =	sdelay $0x3  }
0x34: {  	[smem:$0x3FB6] =	sst s10  }
0x35: {  	s10 =	sld [smem:$0x3FB5];
	_ =	sdelay $0x3  }
0x36: {  	p1 =	seq.s32 s10, $0x1;
	s10 =	sld [smem:$0x3FB6];
	_ =	sdelay $0x3  }
0x37: {  	[smem:$0x3FB6] =	sst s10  }
0x38: {  	s10 =	sld [smem:$0x3FB7]  }
0x39: {  	_ = 	snop;
	(pc) =	sbr.ind lr, $3  }
0x3a: {  	_ = 	snop  }
0x3b: {  	_ = 	snop  }
0x3c: {  	p2 =	seq.s32 s10, $0x1;
	s10 =	sld [smem:$0x3FB6]  }
0x3d: {  	_ =	shalt  }
0x3e: {  	_ =	shalt  }
0x3f: {  	_ =	shalt  }
0x40: {  	_ =	shalt  }
0x41: {  	_ =	shalt  }
0x42: {  	_ =	shalt  }
0x43: {  	_ =	shalt  }
0x44: {  	_ =	shalt  }
0x45: {  	_ =	shalt  }
0x46: {  	_ =	shalt  }
0x47: {  	_ =	shalt  }
0x48: {  	_ =	shalt  }
0x49: {  	_ =	shalt  }
0x4a: {  	_ =	shalt  }
0x4b: {  	_ =	shalt  }
0x4c: {  	_ =	shalt  }
0x4d: {  	_ =	shalt  }
0x4e: {  	_ =	shalt  }
0x4f: {  	_ =	shalt  }
0x50: {  	_ =	shalt  }
0x51: {  	_ =	shalt  }
0x52: {  	_ =	shalt  }
0x53: {  	_ =	shalt  }
0x54: {  	_ =	shalt  }
0x55: {  	_ =	shalt  }
0x56: {  	_ =	shalt  }
0x57: {  	_ =	shalt  }
0x58: {  	_ =	shalt  }
0x59: {  	_ =	shalt  }
0x5a: {  	_ =	shalt  }
0x5b: {  	_ =	shalt  }
0x5c: {  	_ =	shalt  }
0x5d: {  	_ =	shalt  }
0x5e: {  	_ =	shalt  }
0x5f: {  	_ =	shalt  }
0x60: {  	_ =	shalt  }
0x61: {  	_ =	shalt  }
0x62: {  	_ =	shalt  }
0x63: {  	_ =	shalt  }
0x64: {  	_ =	shalt  }
0x65: {  	_ =	shalt  }
0x66: {  	_ =	shalt  }
0x67: {  	_ =	shalt  }
0x68: {  	_ =	shalt  }
0x69: {  	_ =	shalt  }
0x6a: {  	_ =	shalt  }
0x6b: {  	_ =	shalt  }
0x6c: {  	_ =	shalt  }
0x6d: {  	_ =	shalt  }
0x6e: {  	_ =	shalt  }
0x6f: {  	_ =	shalt  }
0x70: {  	_ =	shalt  }
0x71: {  	_ =	shalt  }
0x72: {  	_ =	shalt  }
0x73: {  	_ =	shalt  }
0x74: {  	_ =	shalt  }
0x75: {  	_ =	shalt  }
0x76: {  	_ =	shalt  }
0x77: {  	_ =	shalt  }
0x78: {  	_ =	shalt  }
0x79: {  	_ =	shalt  }
0x7a: {  	_ =	shalt  }
0x7b: {  	_ =	shalt  }
0x7c: {  	_ =	shalt  }
0x7d: {  	_ =	shalt  }
0x7e: {  	_ =	shalt  }
0x7f: {  	_ =	shalt  }
0x80: {  	_ =	shalt  }
0x81: {  	_ =	shalt  }
0x82: {  	_ =	shalt  }
0x83: {  	_ =	shalt  }
0x84: {  	_ =	shalt  }
0x85: {  	_ =	shalt  }
0x86: {  	_ =	shalt  }
0x87: {  	_ =	shalt  }
.Lfunc_end0:
.L_simem_size_0:
called_computation.1_lowered:
.L_overlay_start_0:
0x88: {  	s2 =	sld [smem:$0x3FD9]  }
0x89: {  	s3 =	sld [smem:$0x3FFE];
	_ =	sdelay $0x1  }
0x8a: {  	s1 =	srdreg.scid  }
0x8b: {  	s0 =	sand.u32 $0x1, s1  }
0x8c: {  	s17 =	sshll.u32 s0, $0xA;
	s2 =	sadd.s32 s3, s2  }
0x8d: {  	s2 =	sadd.s32 s2, s17  }
0x8e: {  	[smem:$0x3FC2] =	sst s2  }
0x8f: {  	_ = 	snop  }
0x90: {  	s2 =	sld [smem:$0x3FD0];
	(tm) =	ssettm $0x1  }
0x91: {  	s18 =	sld [smem:$0x3FFB];
	_ =	sdelay $0x3  }
0x92: {  	_ =	strace s18  }
0x93: {  	s3 =	sld [smem:$0x3FFC];
	_ =	sdelay $0x3  }
0x94: {  	_ =	strace s3  }
0x95: {  	s3 =	sld [smem:$0x3FFD];
	_ =	sdelay $0x3  }
0x96: {  	_ =	strace s3  }
0x97: {  	_ =	strace $0x8FFFFFFF  }
0x98: {  	s19 =	sld [smem:$0x3FDB];
	_ =	sdelay $0x1  }
0x99: {  	s4 =	simm.s32 $_scs_section_size  }
0x9a: {  	s5 =	simm.s32 $_size__tile_overlayer_lowered;
	s6 =	simm.s32 $_tile_overlayer_lowered  }
0x9b: {  	s22 =	simm.s32 $0x1BFF;
	s21 =	sshll.u32 s6, $0x1;
	s3 =	sadd.s32 s4, s19  }
0x9c: {  	s7 =	simm.s32 $0x0;
	s20 =	sshll.u32 s5, $0x1;
	s5 =	sadd.s32 s21, s3  }
0x9d: {  	[timem:s7], [sflag:s22] =	dma.local [hbm:s5], s20  }
0x9e: {  	_ =	swait.ge [sflag:s22], s20  }
0x9f: {  	s4 =	ssub.s32 $0x0, s20;
	[sflag:s22] =	ssyncset.done $0x0  }
0xa0: {  	[sflag:s22] =	ssyncadd.s32 s4;
	_ =	sdelay $0x1  }
0xa1: {  	s23 =	simm.s32 $0x1B8B  }
0xa2: {  	_ =	swait.ge [sflag:s23], $0x1  }
0xa3: {  	[sflag:s23] =	ssyncset.done $0x0  }
0xa4: {  	s25 =	simm.s32 $0x1B8E;
	s24 =	sld [smem:$0x3FFE];
	[sflag:s23] =	ssyncadd.s32 $0xFFFFFFFF  }
0xa5: {  	s26 =	simm.s32 $execute0_lowered;
	[smem:$0x3FD2] =	sst s25  }
0xa6: {  	s5 =	sshll.u32 s26, $0x1;
	_ =	strace $0x80000049;
	[dreg:$0x1] =	wrdreg $0xFFFFFFFF  }
0xa7: {  	s28 =	simm.s32 $_size_execute0_lowered;
	s3 =	sadd.s32 s3, s5;
	[dreg:$0x0] =	wrdreg $0x0  }
0xa8: {  	s5 =	sshll.u32 s28, $0x1;
	[dreg:$0x2] =	wrdreg s3  }
0xa9: {  	[dreg:$0x3] =	wrdreg s5  }
0xaa: {  	[dreg:$0x4] =	wrdreg $0xC0  }
0xab: {  	_ =	task [dreg:s7], $0x5FFFF  }
0xac: {  	[dreg:$0x1] =	wrdreg $0xFFFFFFFF  }
0xad: {  	[dreg:$0x0] =	wrdreg $0x60  }
0xae: {  	[dreg:$0x2] =	wrdreg s24  }
0xaf: {  	[dreg:$0x3] =	wrdreg s2  }
0xb0: {  	[dreg:$0x4] =	wrdreg $0x90000  }
0xb1: {  	[dreg:$0x5] =	wrdreg $0x9  }
0xb2: {  	_ =	task.clear_ibuf [dreg:s7], $0x6FFFF;
	_ =	strace $0x90000049  }
0xb3: {  	s29 =	simm.s32 $0x9;
	_ =	strace $0x8000004B  }
0xb4: {  	_ =	swait.ge [sflag:s29], $0x1  }
0xb5: {  	[sflag:s29] =	ssyncadd.s32 $0xFFFFFFFF  }
0xb6: {  	_ =	strace $0x9000004B  }
0xb7: {  	_ =	sfence  }
0xb8: {  	s30 =	sld [smem:$0x0];
	_ =	sdelay $0x2  }
0xb9: {  	s31 =	sshll.u32 s1, $0xD;
	s1 =	sshrl.u32 s1, $0x2  }
0xba: {  	s3 =	sand.u32 $0x4000, s31;
	s1 =	sadd.s32 s1, s30  }
0xbb: {  	s0 =	sor.u32 s3, s0;
	s1 =	sshll.u32 s1, $0x11  }
0xbc: {  	s0 =	sor.u32 s1, s0  }
0xbd: {  	s0 =	sadd.s32 $0x8F2B, s0  }
0xbe: {  	[sflag:s0] =	ssyncadd.remote.s32 $0x1  }
0xbf: {  	_ =	sfence.sel $0xFFFF  }
0xc0: {  	[dreg:$0x0] =	wrdreg $0xFFFFFFFF;
	(pc) =	sbr.abs _section_cstart, $3  }
0xc1: {  	[dreg:$0x1] =	wrdreg $0xFFFFFFFF  }
0xc2: {  	_ =	task.clear_ibuf [dreg:s7], $0x2FFFF;
	_ =	strace $0x9FFFFFFF  }
0xc3: {  	(tm) =	ssettm $0x7FFFFFFF  }
tec
execute0_lowered:
.L_overlay_start_1:
0x0: {  	(tag) =	ssettag $0x1  }
0x1: {  	s0 =	rddreg [dreg:$0x0]  }
0x2: {  	s3 =	rddreg [dreg:$0x1]  }
0x3: {  	s1 =	rddreg [dreg:$0x2]  }
0x4: {  	s2 =	simm.s32 $0x0;
	s5 =	srdreg.scid;
	s10 =	stileid.u32  }
0x5: {  	[smem:$0x7FF] =	sst s2;
	s4 =	sadd.s32 $0xCA00, s0;
	s6 =	smul.u32 $0x4F000, s10  }
0x6: {  	s15 =	sand.u32 $0x1, s5;
	s17 =	sadd.s32 $0x2A00, s0;
	s12 =	smul.u32 $0x13C00, s10  }
0x7: {  	s0 =	sadd.s32 $0x33C00, s0;
	s29 =	smul.u32 $0x500, s10;
	_ =	strace $0x8000004A  }
0x8: {  	s5 =	ssub.s32 $0x2, s15;
	s21 =	sshll.u32 s15, $0x4;
	s20 =	smul.u32 $0x13C000, s15  }
0x9: {  	s26 =	smul.u32 $0x5000, s15;
	s7 =	sshrl.u32 s5, $0x1;
	s6 =	sshrl.u32 s6, $0x2  }
0xa: {  	s22 =	sor.u32 s10, s21;
	s13 =	sadd.s32 $0x4000, s12;
	s14 =	sadd.s32 $0x8000, s12  }
0xb: {  	s16 =	sadd.s32 $0xC000, s12;
	s19 =	sadd.s32 $0x10000, s12;
	s18 =	ssub.s32 s5, s7  }
0xc: {  	s5 =	sadd.s32 s6, s1;
	s6 =	sadd.s32 s13, s1;
	s11 =	smul.u32 $0x500, s22  }
0xd: {  	s7 =	sadd.s32 s14, s1;
	s8 =	sadd.s32 s16, s1;
	s9 =	sadd.s32 s19, s1  }
0xe: {  	s12 =	sadd.s32 s12, s20;
	s13 =	sadd.s32 s20, s13;
	s14 =	sadd.s32 s20, s14  }
0xf: {  	s16 =	sadd.s32 s20, s16;
	s19 =	sadd.s32 s20, s19;
	s30 =	sadd.s32 s26, s3  }
0x10: {  	s31 =	sadd.s32 s26, s17;
	s20 =	simm.s32 $0x1000;
	s12 =	sshrl.u32 s12, $0x3  }
0x11: {  	s13 =	sshrl.u32 s13, $0x3;
	s14 =	sshrl.u32 s14, $0x3;
	s16 =	sshrl.u32 s16, $0x3  }
0x12: {  	s28 =	sshrl.u32 s19, $0x3;
	s21 =	sadd.s32 s3, s11;
	s11 =	sadd.s32 s17, s11  }
0x13: {  	s23 =	sadd.s32 s0, s12;
	s24 =	sadd.s32 s0, s13;
	[dreg:$0x4] =	wrdreg s21  }
0x14: {  	s25 =	sadd.s32 s0, s14;
	s15 =	sadd.s32 s0, s16;
	[dreg:$0x5] =	wrdreg s11  }
0x15: {  	s16 =	sadd.s32 s0, s28;
	s17 =	smax.u32 s18, $0x1;
	[dreg:$0x6] =	wrdreg s23  }
0x16: {  	s0 =	sadd.s32 s29, s30;
	s3 =	sadd.s32 s29, s31;
	[dreg:$0x7] =	wrdreg s24  }
0x17: {  	[dreg:$0x8] =	wrdreg s25;
	s18 =	sadd.s32 $0x80, s0;
	s22 =	sadd.s32 $0x80, s3  }
0x18: {  	v0 =	vimm.f32 $0.0e+00;
	s21 =	simm.s32 $0x5;
	s23 =	simm.s32 $0x80;
	s24 =	simm.s32 $0x2  }
.LBB2_1:
0x19: {  	s0 =	simm.s32 $0x0;
	s3 =	simm.s32 $0x200  }
.LBB2_2:
0x1a: {  	p0 =	sne.s32 s3, $0x1FE00;
	[tilespmem:s0+$0x1070] =	vst v0  }
0x1b: {  	[tilespmem:s0+$0x1000] =	vst v0  }
0x1c: {  	[tilespmem:s0+$0x1010] =	vst v0  }
.Ltmp0:
0x1d: {  	[tilespmem:s0+$0x1020] =	vst v0;
	(pc) =	sbr.rel @p0 .LBB2_2-.Ltmp0, $4  }
0x1e: {  	[tilespmem:s0+$0x1030] =	vst v0  }
0x1f: {  	[tilespmem:s0+$0x1040] =	vst v0  }
0x20: {  	[tilespmem:s0+$0x1050] =	vst v0  }
0x21: {  	[tilespmem:s0+$0x1060] =	vst v0;
	s0 =	sshra.s32 s3, $0x2;
	s3 =	sadd.s32 $0x200, s3  }
0x22: {  	[tilespmem:s0+$0x1070] =	vst v0  }
0x23: {  	[tilespmem:s0+$0x1000] =	vst v0  }
0x24: {  	[tilespmem:s0+$0x1010] =	vst v0  }
0x25: {  	[tilespmem:s0+$0x1020] =	vst v0  }
0x26: {  	[tilespmem:s0+$0x1030] =	vst v0  }
0x27: {  	[tilespmem:s0+$0x1040] =	vst v0  }
0x28: {  	[tilespmem:s0+$0x1050] =	vst v0  }
0x29: {  	[tilespmem:s0+$0x1060] =	vst v0  }
0x2a: {  	[spmem:s5] =	stream.linear.scatter [tilespmem:s20], [sflag:$0x5], $0x4000, $0x38;
	[tilespmem:$0x1CC00] =	vst v63  }
0x2b: {  	_ =	swait.ge [sflag:s21], $0x4000  }
0x2c: {  	[sflag:s21] =	ssyncset.done $0x0  }
0x2d: {  	[sflag:s21] =	ssyncadd.s32 $0xFFFFC000  }
0x2e: {  	[spmem:s6] =	stream.linear.scatter [tilespmem:s20], [sflag:$0x5], $0x4000, $0x38;
	[tilespmem:$0x1CC00] =	vst v63  }
0x2f: {  	_ =	swait.ge [sflag:s21], $0x4000  }
0x30: {  	[sflag:s21] =	ssyncset.done $0x0  }
0x31: {  	[sflag:s21] =	ssyncadd.s32 $0xFFFFC000  }
0x32: {  	[spmem:s7] =	stream.linear.scatter [tilespmem:s20], [sflag:$0x5], $0x4000, $0x38;
	[tilespmem:$0x1CC00] =	vst v63  }
0x33: {  	_ =	swait.ge [sflag:s21], $0x4000  }
0x34: {  	[sflag:s21] =	ssyncset.done $0x0  }
0x35: {  	[sflag:s21] =	ssyncadd.s32 $0xFFFFC000  }
0x36: {  	[spmem:s8] =	stream.linear.scatter [tilespmem:s20], [sflag:$0x5], $0x4000, $0x38;
	[tilespmem:$0x1CC00] =	vst v63  }
0x37: {  	_ =	swait.ge [sflag:s21], $0x4000  }
0x38: {  	[sflag:s21] =	ssyncset.done $0x0  }
0x39: {  	[sflag:s21] =	ssyncadd.s32 $0xFFFFC000  }
0x3a: {  	[spmem:s9] =	stream.linear.scatter [tilespmem:s20], [sflag:$0x5], $0x3C00, $0x38;
	[tilespmem:$0x1CC00] =	vst v63  }
0x3b: {  	_ =	swait.ge [sflag:s21], $0x3C00  }
0x3c: {  	[sflag:s21] =	ssyncset.done $0x0  }
0x3d: {  	s0 =	simm.s32 $0x0;
	s3 =	rddreg [dreg:$0x4];
	[sflag:s21] =	ssyncadd.s32 $0xFFFFC400  }
0x3e: {  	[tilespmem:s0], [sflag:$0x5] =	stream.linear.gather [hbm4b:s3+s0], $0x400, $0x38;
	[tilespmem:$0x1CC00] =	vst v63  }
0x3f: {  	_ =	swait.ge [sflag:s21], $0x400  }
0x40: {  	[sflag:s21] =	ssyncset.done $0x0  }
0x41: {  	s10 =	simm.s32 $0x800;
	s11 =	rddreg [dreg:$0x5];
	[sflag:s21] =	ssyncadd.s32 $0xFFFFFC00  }
0x42: {  	[tilespmem:s10], [sflag:$0x5] =	stream.linear.gather [hbm4b:s11+s0], $0x400, $0x38;
	[tilespmem:$0x1CC00] =	vst v63  }
0x43: {  	_ =	swait.ge [sflag:s21], $0x400  }
0x44: {  	s28 =	simm.s32 $0x1;
	[sflag:s21] =	ssyncset.done $0x0  }
0x45: {  	s26 =	simm.s32 $0x200;
	s12 =	sand.u32 $0x1, s0;
	[sflag:s21] =	ssyncadd.s32 $0xFFFFFC00  }
0x46: {  	p0 =	por $0x0, $0x0;
	s19 =	sadd.s32 $0x1, s12;
	[bflag:$0x0] =	sbarrier.arrive $0xFFFF  }
0x47: {  	[tilespmem:s20], [sflag:$0x1] =	stream.indirect.gather [hbm4b:s4+s23], $0x80, s0, s23, $0xb8;
	[tilespmem:$0x1CC00] =	vst v63  }
0x48: {  	s31 =	simm.s32 $0x0;
	s25 =	sand.u32 $0x7, s28;
	_ =	swait.ge [sflag:s19], $0x4000  }
0x49: {  	s13 =	sand.u32 $0x1, s28;
	p1 =	sne.s32 s25, $0x0;
	[sflag:s19] =	ssyncset.done $0x0  }
0x4a: {  	s30 =	sand.u32 $0x7, s0;
	[sflag:s19] =	ssyncadd.s32 $0xFFFFC000;
	s19 =	simm.s32 @!p1 $0x3  }
0x4b: {  	s26 =	sand.u32 $0x1E00, s26;
	s29 =	sshll.u32 s13, $0xE;
	_ =	swait.ge @!p1 [sflag:s19], $0x400  }
0x4c: {  	s26 =	sshrl.u32 s26, $0x2;
	s25 =	sadd.s32 $0x1, s13;
	[sflag:s19] =	ssyncset.done @!p1 $0x0  }
0x4d: {  	s14 =	sor.u32 $0x1000, s29;
	[sflag:s19] =	ssyncadd.s32 @!p1 $0xFFFFFC00;
	s19 =	simm.s32 @!p1 $0x4  }
0x4e: {  	s29 =	sand.u32 $0x1E00, s31;
	s31 =	sadd.s32 $0x10, s18;
	_ =	swait.ge @!p1 [sflag:s19], $0x400  }
0x4f: {  	s29 =	sshrl.u32 s29, $0x2;
	s3 =	sshll.u32 s12, $0xE;
	[sflag:s19] =	ssyncset.done @!p1 $0x0  }
0x50: {  	s3 =	sor.u32 $0x1000, s3;
	[sflag:s19] =	ssyncadd.s32 @!p1 $0xFFFFFC00;
	p1 =	sne.s32 @!p0 s30, $0x0  }
0x51: {  	[tilespmem:s14], [sflag:s25] =	stream.indirect.gather [hbm4b:s4+s23], $0x80, s26, s23, $0xb8;
	[tilespmem:$0x1CC00] =	vst v63  }
0x52: {  	s30 =	sadd.s32 $0x10, s22;
	s19 =	smov.u32 s22;
	s26 =	sor.u32 $0x800, s29  }
0x53: {  	[spmem:s1] =	stream.indirect.scatter.add.f32 [tilespmem:s3], [sflag:$0x5], $0x80, s26, s23, $0xb8;
	[tilespmem:$0x1CC00] =	vst v63  }
0x54: {  	p1 =	por p1, p0;
	s29 =	simm.s32 $0x400;
	_ =	swait.ge [sflag:s21], $0x4000  }
0x55: {  	s0 =	sxor.u32 @!p1 $0xFFFFFFFF, s0;
	s25 =	simm.s32 @!p1 $0x0;
	[sflag:s21] =	ssyncset.done $0x0  }
0x56: {  	s26 =	sand.u32 @!p1 $0x400, s0;
	s0 =	simm.s32 $0x80;
	[sflag:s21] =	ssyncadd.s32 $0xFFFFC000  }
0x57: {  	[tilespmem:s26], [sflag:$0x3] =	stream.linear.gather @!p1 [hbm4b:s18+s25], $0x400, $0x38;
	[tilespmem:$0x1CC00] =	vst v63  }
.LBB2_4:
0x58: {  	s10 =	sand.u32 $0x1, s28;
	s26 =	sor.u32 @!p1 $0x800, s26;
	s11 =	smov.u32 s28  }
0x59: {  	s28 =	sadd.s32 $0x1, s28;
	s12 =	smov.u32 s29;
	s3 =	smov.u32 s31  }
0x5a: {  	[tilespmem:s26], [sflag:$0x4] =	stream.linear.gather @!p1 [hbm4b:s19+s25], $0x400, $0x38;
	[tilespmem:$0x1CC00] =	vst v63  }
0x5b: {  	s19 =	sadd.s32 $0x1, s10;
	s25 =	sand.u32 $0x1, s28;
	s26 =	sand.u32 $0x7, s28  }
0x5c: {  	s10 =	sshll.u32 s10, $0xE;
	s13 =	sshll.u32 s25, $0xE;
	_ =	swait.ge [sflag:s19], $0x4000  }
0x5d: {  	p0 =	sne.s32 s28, $0x4F;
	p2 =	sne.s32 s26, $0x0;
	[sflag:s19] =	ssyncset.done $0x0  }
0x5e: {  	s26 =	simm.s32 @!p2 $0x3;
	[sflag:s19] =	ssyncadd.s32 $0xFFFFC000;
	s19 =	smov.u32 s30  }
0x5f: {  	_ =	swait.ge @!p2 [sflag:s26], $0x400  }
0x60: {  	s29 =	sadd.s32 $0x200, s29;
	[sflag:s26] =	ssyncset.done @!p2 $0x0  }
0x61: {  	p1 =	sgt.u32 s11, $0x47;
	[sflag:s26] =	ssyncadd.s32 @!p2 $0xFFFFFC00;
	s26 =	simm.s32 @!p2 $0x4  }
0x62: {  	s11 =	sand.u32 $0x7, s11;
	s10 =	sor.u32 $0x1000, s10;
	_ =	swait.ge @!p2 [sflag:s26], $0x400  }
0x63: {  	s14 =	sand.u32 $0x1E00, s12;
	s12 =	sadd.s32 $0xFFFFFE00, s12;
	[sflag:s26] =	ssyncset.done @!p2 $0x0  }
0x64: {  	s12 =	sand.u32 $0x1E00, s12;
	s13 =	sor.u32 $0x1000, s13;
	[sflag:s26] =	ssyncadd.s32 @!p2 $0xFFFFFC00  }
0x65: {  	s14 =	sshrl.u32 s14, $0x2;
	s25 =	sadd.s32 $0x1, s25;
	s12 =	sshrl.u32 s12, $0x2  }
0x66: {  	[tilespmem:s13], [sflag:s25] =	stream.indirect.gather [hbm4b:s4+s23], $0x80, s14, s23, $0xb8;
	[tilespmem:$0x1CC00] =	vst v63  }
0x67: {  	s12 =	sor.u32 $0x800, s12;
	s30 =	sadd.s32 $0x10, s30;
	p2 =	sne.s32 @!p1 s11, $0x0  }
0x68: {  	[spmem:s1] =	stream.indirect.scatter.add.f32 [tilespmem:s10], [sflag:$0x5], $0x80, s12, s23, $0xb8;
	[tilespmem:$0x1CC00] =	vst v63  }
.Ltmp1:
0x69: {  	_ = 	snop;
	(pc) =	sbr.rel @p0 .LBB2_4-.Ltmp1, $4  }
0x6a: {  	s31 =	sadd.s32 $0x10, s31;
	p1 =	por p2, p1;
	_ =	swait.ge [sflag:s21], $0x4000  }
0x6b: {  	s25 =	simm.s32 @!p1 $0x0;
	s10 =	sxor.u32 @!p1 $0xFFFFFFFF, s0;
	[sflag:s21] =	ssyncset.done $0x0  }
0x6c: {  	s0 =	sadd.s32 $0x80, s0;
	s26 =	sand.u32 @!p1 $0x400, s10;
	[sflag:s21] =	ssyncadd.s32 $0xFFFFC000  }
0x6d: {  	[tilespmem:s26], [sflag:$0x3] =	stream.linear.gather @!p1 [hbm4b:s3+s25], $0x400, $0x38;
	[tilespmem:$0x1CC00] =	vst v63  }
0x6e: {  	s0 =	sor.u32 @!p1 $0x800, s26  }
0x6f: {  	[tilespmem:s0], [sflag:$0x4] =	stream.linear.gather @!p1 [hbm4b:s19+s25], $0x400, $0x38;
	[tilespmem:$0x1CC00] =	vst v63  }
0x70: {  	_ =	swait.ge [sflag:s24], $0x4000  }
0x71: {  	[sflag:s24] =	ssyncset.done $0x0  }
0x72: {  	s13 =	simm.s32 $0xF80;
	s3 =	simm.s32 $0x5000;
	[sflag:s24] =	ssyncadd.s32 $0xFFFFC000  }
0x73: {  	[spmem:s1] =	stream.indirect.scatter.add.f32 [tilespmem:s3], [sflag:$0x5], $0x80, s13, s23, $0xb8;
	[tilespmem:$0x1CC00] =	vst v63  }
0x74: {  	_ =	swait.ge [sflag:s21], $0x4000  }
0x75: {  	[sflag:s21] =	ssyncset.done $0x0  }
0x76: {  	s14 =	stileid.u32;
	[sflag:s21] =	ssyncadd.s32 $0xFFFFC000  }
0x77: {  	s0 =	sshll.u32 s14, $0x6;
	[bflag:$0x0] =	sbarrier.arrive $0xFFFF  }
0x78: {  	s19 =	sshrl.u32 s5, $0x3;
	s0 =	sor.u32 $0x1C05, s0;
	s10 =	rddreg [dreg:$0x6]  }
0x79: {  	[hbm:s10], [sflag:s0] =	dma.local [spmem:s19], $0x800  }
0x7a: {  	_ =	swait.ge [sflag:s21], $0x800  }
0x7b: {  	[sflag:s21] =	ssyncset.done $0x0  }
0x7c: {  	s25 =	sshrl.u32 s6, $0x3;
	s26 =	rddreg [dreg:$0x7];
	[sflag:s21] =	ssyncadd.s32 $0xFFFFF800  }
0x7d: {  	[hbm:s26], [sflag:s0] =	dma.local [spmem:s25], $0x800  }
0x7e: {  	_ =	swait.ge [sflag:s21], $0x800  }
0x7f: {  	[sflag:s21] =	ssyncset.done $0x0  }
0x80: {  	s28 =	sshrl.u32 s7, $0x3;
	s29 =	rddreg [dreg:$0x8];
	[sflag:s21] =	ssyncadd.s32 $0xFFFFF800  }
0x81: {  	[hbm:s29], [sflag:s0] =	dma.local [spmem:s28], $0x800  }
0x82: {  	_ =	swait.ge [sflag:s21], $0x800  }
0x83: {  	[sflag:s21] =	ssyncset.done $0x0  }
0x84: {  	s30 =	sshrl.u32 s8, $0x3;
	[sflag:s21] =	ssyncadd.s32 $0xFFFFF800  }
0x85: {  	[hbm:s15], [sflag:s0] =	dma.local [spmem:s30], $0x800  }
0x86: {  	s2 =	sadd.s32 $0x1, s2;
	_ =	swait.ge [sflag:s21], $0x800  }
0x87: {  	p0 =	sne.s32 s2, s17;
	[sflag:s21] =	ssyncset.done $0x0  }
.Ltmp2:
0x88: {  	s31 =	sshrl.u32 s9, $0x3;
	[sflag:s21] =	ssyncadd.s32 $0xFFFFF800;
	(pc) =	sbr.rel @p0 .LBB2_1-.Ltmp2, $4  }
0x89: {  	[hbm:s16], [sflag:s0] =	dma.local [spmem:s31], $0x780  }
0x8a: {  	_ =	swait.ge [sflag:s21], $0x780  }
0x8b: {  	[sflag:s21] =	ssyncset.done $0x0  }
0x8c: {  	[sflag:s21] =	ssyncadd.s32 $0xFFFFF880  }
0x8d: {  	_ =	sfence.sel $0x180000  }
0x8e: {  	[bflag:$0x0] =	sbarrier.arrive $0xFFFF  }
0x8f: {  	_ =	strace $0x9000004A  }
0x90: {  	s0 =	stileid.u32;
	[bflag:$0x2] =	sbarrier.arrive $0xFFFF  }
0x91: {  	p0 =	sne.s32 s0, $0x0;
	s0 =	rddreg [dreg:$0x3]  }
0x92: {  	s0 =	sadd.s32 @!p0 $0x100000, s0  }
0x93: {  	[sflag:s0] =	ssyncadd.tile.s32 @!p0 $0x1;
	_ =	shalt  }
.Lfunc_end2:
_tile_overlayer_lowered:
.L_overlay_start_2:
0x94: {  	(tag) =	ssettag $0x2  }
0x95: {  	s0 =	rddreg [dreg:$0x0];
	s2 =	stileid.u32  }
0x96: {  	s1 =	rddreg [dreg:$0x1];
	p0 =	sne.s32 s2, $0x0  }
0x97: {  	s3 =	rddreg [dreg:$0x2];
	[bflag:$0x3] =	sbarrier.arrive $0xFFFF;
	s2 =	simm.s32 @!p0 $0x1C05  }
0x98: {  	[timem:s3], [sflag:s2] =	dma.local @!p0 [hbm:s0], s1  }
0x99: {  	s0 =	simm.s32 @!p0 $0x5  }
0x9a: {  	_ =	swait.ge @!p0 [sflag:s0], s1  }
0x9b: {  	s1 =	ssub.s32 @!p0 $0x0, s1;
	[sflag:s0] =	ssyncset.done @!p0 $0x0  }
0x9c: {  	[sflag:s0] =	ssyncadd.s32 @!p0 s1  }
0x9d: {  	[bflag:$0x3] =	sbarrier.arrive $0xFFFF  }
0x9e: {  	_ =	shalt  }

// kernel: kernel.16.cloned.1.call-start
scs
__scs_entry_jumppad:
0x0: {  	(pc) =	sbr.rel $0x88, $3  }
0x1: {  	(tag) =	ssettag $0x0;
	lr =	simm.s32 $0x1  }
0x2: {  	[smem:$0x3F9B] =	sst lr;
	_ =	strace $0xD0000000  }
0x3: {  	_ = 	snop  }
0x4: {  	_ = 	snop  }
0x5: {  	_ = 	snop  }
0x6: {  	_ = 	snop  }
0x7: {  	_ = 	snop  }
__scs_overlays_trampoline_lowered:
0x8: {  	[smem:$0x3FAA] =	sst s0  }
0x9: {  	[smem:$0x3FAB] =	sst s1  }
0xa: {  	[smem:$0x3FAC] =	sst s2  }
0xb: {  	[smem:$0x3FAD] =	sst s3  }
0xc: {  	[smem:$0x3FAE] =	sst s4  }
0xd: {  	[smem:$0x3FAF] =	sst s5  }
0xe: {  	[smem:$0x3FB0] =	sst s6  }
0xf: {  	[smem:$0x3FB1] =	sst s7  }
0x10: {  	[smem:$0x3FB2] =	sst s8  }
0x11: {  	[smem:$0x3FB3] =	sst s9;
	s0 =	simm.s32 @!p0 $0x0  }
0x12: {  	s1 =	sld [smem:$0x3F99];
	s0 =	simm.s32 @p0 $0x1  }
0x13: {  	[smem:$0x3FB4] =	sst s0;
	s0 =	simm.s32 @!p1 $0x0  }
0x14: {  	s2 =	sld [smem:$0x3F98];
	s0 =	simm.s32 @p1 $0x1  }
0x15: {  	[smem:$0x3FB5] =	sst s0;
	s0 =	simm.s32 @!p2 $0x0  }
0x16: {  	s3 =	sld [smem:$0x3FDB];
	s0 =	simm.s32 @p2 $0x1  }
0x17: {  	s4 =	simm.s32 $0x1BF5;
	[smem:$0x3FB7] =	sst s0  }
0x18: {  	s0 =	sld [smem:$0x3F9A];
	_ =	swait.ge [sflag:s4], $0x0  }
0x19: {  	s7 =	sld [smem:$0x3F9B]  }
0x1a: {  	s8 =	sadd.s32 $0xFFFFE003, lr  }
0x1b: {  	s9 =	sadd.s32 $0xFFFFFEF7, lr;
	s5 =	simm.s32 $0xFFFFFFFF;
	p2 =	slt.u32 s8, $0xFFFFF086  }
0x1c: {  	p1 =	slt.u32 s9, $0xF7A;
	s5 =	simm.s32 @!p2 $0x0  }
0x1d: {  	s5 =	simm.s32 @p1 $0x1;
	p0 =	seq.s32 s7, s2  }
0x1e: {  	s7 =	smul.u32 @!p0 $0xF7A, s2;
	p2 =	seq.s32 @!p0 s5, $0x0  }
0x1f: {  	s9 =	smul.u32 $0xF7A, s1;
	s8 =	simm.s32 @!p0 $0x1BF5;
	p2 =	por !p2, p0  }
0x20: {  	[sflag:s8] =	ssyncset.s32 @!p0 $0xFFFFF086;
	s6 =	sadd.s32 @!p0 s3, s7;
	s7 =	simm.s32 @!p0 $0x108  }
0x21: {  	s3 =	sadd.s32 s3, s9;
	s6 =	sadd.s32 @!p0 $0x88, s6;
	s7 =	simm.s32 @p2 $0x1082  }
0x22: {  	[simem:s7], [sflag:s8] =	dma.local @!p0 [hbm:s6], $0xF7A  }
0x23: {  	s9 =	sor.u32 $0xD0000000, s2;
	s6 =	simm.s32 $0x108;
	_ =	swait.ge @!p0 [sflag:s8], $0x0  }
0x24: {  	s3 =	sadd.s32 $0x88, s3;
	s6 =	simm.s32 @!p1 $0x1082;
	[sflag:s4] =	ssyncset.s32 $0xFFFFF086  }
0x25: {  	[simem:s6], [sflag:s4] =	dma.local [hbm:s3], $0xF7A  }
0x26: {  	[smem:$0x3F9B] =	sst s1;
	(tag) =	ssettag s2;
	_ =	strace s9  }
0x27: {  	s1 =	sld [smem:$0x3FAB]  }
0x28: {  	s2 =	sld [smem:$0x3FAC]  }
0x29: {  	s4 =	sld [smem:$0x3FAE]  }
0x2a: {  	p0 =	seq.s32 s5, $0x0;
	s5 =	sld [smem:$0x3FAF]  }
0x2b: {  	s6 =	sld [smem:$0x3FB0]  }
0x2c: {  	s7 =	sld [smem:$0x3FB1]  }
0x2d: {  	s3 =	simm.s32 $0x108;
	s8 =	sld [smem:$0x3FB2]  }
0x2e: {  	s3 =	simm.s32 @!p0 $0x1082;
	s9 =	sld [smem:$0x3FB3]  }
0x2f: {  	lr =	sadd.s32 s0, s3;
	s0 =	sld [smem:$0x3FAA]  }
0x30: {  	s3 =	sld [smem:$0x3FAD]  }
0x31: {  	[smem:$0x3FB6] =	sst s10  }
0x32: {  	s10 =	sld [smem:$0x3FB4];
	_ =	sdelay $0x3  }
0x33: {  	p0 =	seq.s32 s10, $0x1;
	s10 =	sld [smem:$0x3FB6];
	_ =	sdelay $0x3  }
0x34: {  	[smem:$0x3FB6] =	sst s10  }
0x35: {  	s10 =	sld [smem:$0x3FB5];
	_ =	sdelay $0x3  }
0x36: {  	p1 =	seq.s32 s10, $0x1;
	s10 =	sld [smem:$0x3FB6];
	_ =	sdelay $0x3  }
0x37: {  	[smem:$0x3FB6] =	sst s10  }
0x38: {  	s10 =	sld [smem:$0x3FB7]  }
0x39: {  	_ = 	snop;
	(pc) =	sbr.ind lr, $3  }
0x3a: {  	_ = 	snop  }
0x3b: {  	_ = 	snop  }
0x3c: {  	p2 =	seq.s32 s10, $0x1;
	s10 =	sld [smem:$0x3FB6]  }
0x3d: {  	_ =	shalt  }
0x3e: {  	_ =	shalt  }
0x3f: {  	_ =	shalt  }
0x40: {  	_ =	shalt  }
0x41: {  	_ =	shalt  }
0x42: {  	_ =	shalt  }
0x43: {  	_ =	shalt  }
0x44: {  	_ =	shalt  }
0x45: {  	_ =	shalt  }
0x46: {  	_ =	shalt  }
0x47: {  	_ =	shalt  }
0x48: {  	_ =	shalt  }
0x49: {  	_ =	shalt  }
0x4a: {  	_ =	shalt  }
0x4b: {  	_ =	shalt  }
0x4c: {  	_ =	shalt  }
0x4d: {  	_ =	shalt  }
0x4e: {  	_ =	shalt  }
0x4f: {  	_ =	shalt  }
0x50: {  	_ =	shalt  }
0x51: {  	_ =	shalt  }
0x52: {  	_ =	shalt  }
0x53: {  	_ =	shalt  }
0x54: {  	_ =	shalt  }
0x55: {  	_ =	shalt  }
0x56: {  	_ =	shalt  }
0x57: {  	_ =	shalt  }
0x58: {  	_ =	shalt  }
0x59: {  	_ =	shalt  }
0x5a: {  	_ =	shalt  }
0x5b: {  	_ =	shalt  }
0x5c: {  	_ =	shalt  }
0x5d: {  	_ =	shalt  }
0x5e: {  	_ =	shalt  }
0x5f: {  	_ =	shalt  }
0x60: {  	_ =	shalt  }
0x61: {  	_ =	shalt  }
0x62: {  	_ =	shalt  }
0x63: {  	_ =	shalt  }
0x64: {  	_ =	shalt  }
0x65: {  	_ =	shalt  }
0x66: {  	_ =	shalt  }
0x67: {  	_ =	shalt  }
0x68: {  	_ =	shalt  }
0x69: {  	_ =	shalt  }
0x6a: {  	_ =	shalt  }
0x6b: {  	_ =	shalt  }
0x6c: {  	_ =	shalt  }
0x6d: {  	_ =	shalt  }
0x6e: {  	_ =	shalt  }
0x6f: {  	_ =	shalt  }
0x70: {  	_ =	shalt  }
0x71: {  	_ =	shalt  }
0x72: {  	_ =	shalt  }
0x73: {  	_ =	shalt  }
0x74: {  	_ =	shalt  }
0x75: {  	_ =	shalt  }
0x76: {  	_ =	shalt  }
0x77: {  	_ =	shalt  }
0x78: {  	_ =	shalt  }
0x79: {  	_ =	shalt  }
0x7a: {  	_ =	shalt  }
0x7b: {  	_ =	shalt  }
0x7c: {  	_ =	shalt  }
0x7d: {  	_ =	shalt  }
0x7e: {  	_ =	shalt  }
0x7f: {  	_ =	shalt  }
0x80: {  	_ =	shalt  }
0x81: {  	_ =	shalt  }
0x82: {  	_ =	shalt  }
0x83: {  	_ =	shalt  }
0x84: {  	_ =	shalt  }
0x85: {  	_ =	shalt  }
0x86: {  	_ =	shalt  }
0x87: {  	_ =	shalt  }
.Lfunc_end0:
.L_simem_size_0:
called_computation.2_lowered:
.L_overlay_start_0:
0x88: {  	s2 =	sld [smem:$0x3FD9]  }
0x89: {  	s3 =	sld [smem:$0x3FFE];
	_ =	sdelay $0x1  }
0x8a: {  	s1 =	srdreg.scid  }
0x8b: {  	s0 =	sand.u32 $0x1, s1  }
0x8c: {  	s17 =	sshll.u32 s0, $0xA;
	s2 =	sadd.s32 s3, s2  }
0x8d: {  	s2 =	sadd.s32 s2, s17  }
0x8e: {  	[smem:$0x3FC2] =	sst s2  }
0x8f: {  	_ = 	snop  }
0x90: {  	s2 =	sld [smem:$0x3FD0];
	(tm) =	ssettm $0x1  }
0x91: {  	s18 =	sld [smem:$0x3FFB];
	_ =	sdelay $0x3  }
0x92: {  	_ =	strace s18  }
0x93: {  	s3 =	sld [smem:$0x3FFC];
	_ =	sdelay $0x3  }
0x94: {  	_ =	strace s3  }
0x95: {  	s3 =	sld [smem:$0x3FFD];
	_ =	sdelay $0x3  }
0x96: {  	_ =	strace s3  }
0x97: {  	_ =	strace $0x8FFFFFFF  }
0x98: {  	s19 =	sld [smem:$0x3FDB];
	_ =	sdelay $0x1  }
0x99: {  	s4 =	simm.s32 $_scs_section_size  }
0x9a: {  	s5 =	simm.s32 $_size__tile_overlayer_lowered;
	s6 =	simm.s32 $_tile_overlayer_lowered  }
0x9b: {  	s22 =	simm.s32 $0x1BFF;
	s21 =	sshll.u32 s6, $0x1;
	s3 =	sadd.s32 s4, s19  }
0x9c: {  	s7 =	simm.s32 $0x0;
	s20 =	sshll.u32 s5, $0x1;
	s5 =	sadd.s32 s21, s3  }
0x9d: {  	[timem:s7], [sflag:s22] =	dma.local [hbm:s5], s20  }
0x9e: {  	_ =	swait.ge [sflag:s22], s20  }
0x9f: {  	s4 =	ssub.s32 $0x0, s20;
	[sflag:s22] =	ssyncset.done $0x0  }
0xa0: {  	[sflag:s22] =	ssyncadd.s32 s4;
	_ =	sdelay $0x1  }
0xa1: {  	s23 =	simm.s32 $0x1B8B  }
0xa2: {  	_ =	swait.ge [sflag:s23], $0x1  }
0xa3: {  	[sflag:s23] =	ssyncset.done $0x0  }
0xa4: {  	s25 =	simm.s32 $0x1B8E;
	s24 =	sld [smem:$0x3FFE];
	[sflag:s23] =	ssyncadd.s32 $0xFFFFFFFF  }
0xa5: {  	s26 =	simm.s32 $execute0_lowered;
	[smem:$0x3FD2] =	sst s25  }
0xa6: {  	s5 =	sshll.u32 s26, $0x1;
	_ =	strace $0x8000004C;
	[dreg:$0x1] =	wrdreg $0xFFFFFFFF  }
0xa7: {  	s28 =	simm.s32 $_size_execute0_lowered;
	s3 =	sadd.s32 s3, s5;
	[dreg:$0x0] =	wrdreg $0x0  }
0xa8: {  	s5 =	sshll.u32 s28, $0x1;
	[dreg:$0x2] =	wrdreg s3  }
0xa9: {  	[dreg:$0x3] =	wrdreg s5  }
0xaa: {  	[dreg:$0x4] =	wrdreg $0xC0  }
0xab: {  	_ =	task [dreg:s7], $0x5FFFF  }
0xac: {  	[dreg:$0x1] =	wrdreg $0xFFFFFFFF  }
0xad: {  	[dreg:$0x0] =	wrdreg $0x60  }
0xae: {  	[dreg:$0x2] =	wrdreg s24  }
0xaf: {  	[dreg:$0x3] =	wrdreg s2  }
0xb0: {  	[dreg:$0x4] =	wrdreg $0x90000  }
0xb1: {  	[dreg:$0x5] =	wrdreg $0x9  }
0xb2: {  	_ =	task.clear_ibuf [dreg:s7], $0x6FFFF;
	_ =	strace $0x9000004C  }
0xb3: {  	s29 =	simm.s32 $0x9;
	_ =	strace $0x8000004E  }
0xb4: {  	_ =	swait.ge [sflag:s29], $0x1  }
0xb5: {  	[sflag:s29] =	ssyncadd.s32 $0xFFFFFFFF  }
0xb6: {  	_ =	strace $0x9000004E  }
0xb7: {  	_ =	sfence  }
0xb8: {  	s30 =	sld [smem:$0x0];
	_ =	sdelay $0x2  }
0xb9: {  	s31 =	sshll.u32 s1, $0xD;
	s1 =	sshrl.u32 s1, $0x2  }
0xba: {  	s3 =	sand.u32 $0x4000, s31;
	s1 =	sadd.s32 s1, s30  }
0xbb: {  	s0 =	sor.u32 s3, s0;
	s1 =	sshll.u32 s1, $0x11  }
0xbc: {  	s0 =	sor.u32 s1, s0  }
0xbd: {  	s0 =	sadd.s32 $0x8F2B, s0  }
0xbe: {  	[sflag:s0] =	ssyncadd.remote.s32 $0x1  }
0xbf: {  	_ =	sfence.sel $0xFFFF  }
0xc0: {  	[dreg:$0x0] =	wrdreg $0xFFFFFFFF;
	(pc) =	sbr.abs _section_cstart, $3  }
0xc1: {  	[dreg:$0x1] =	wrdreg $0xFFFFFFFF  }
0xc2: {  	_ =	task.clear_ibuf [dreg:s7], $0x2FFFF;
	_ =	strace $0x9FFFFFFF  }
0xc3: {  	(tm) =	ssettm $0x7FFFFFFF  }
tec
execute0_lowered:
.L_overlay_start_1:
0x0: {  	(tag) =	ssettag $0x1  }
0x1: {  	s0 =	rddreg [dreg:$0x0]  }
0x2: {  	s3 =	rddreg [dreg:$0x1]  }
0x3: {  	s1 =	rddreg [dreg:$0x2]  }
0x4: {  	s2 =	simm.s32 $0x0;
	s5 =	srdreg.scid;
	s10 =	stileid.u32  }
0x5: {  	[smem:$0x7FF] =	sst s2;
	s4 =	sadd.s32 $0xCA00, s0;
	s6 =	smul.u32 $0x4F000, s10  }
0x6: {  	s15 =	sand.u32 $0x1, s5;
	s17 =	sadd.s32 $0x2A00, s0;
	s12 =	smul.u32 $0x13C00, s10  }
0x7: {  	s0 =	sadd.s32 $0x33C00, s0;
	s29 =	smul.u32 $0x500, s10;
	_ =	strace $0x8000004D  }
0x8: {  	s5 =	ssub.s32 $0x2, s15;
	s21 =	sshll.u32 s15, $0x4;
	s20 =	smul.u32 $0x13C000, s15  }
0x9: {  	s26 =	smul.u32 $0x5000, s15;
	s7 =	sshrl.u32 s5, $0x1;
	s6 =	sshrl.u32 s6, $0x2  }
0xa: {  	s22 =	sor.u32 s10, s21;
	s13 =	sadd.s32 $0x4000, s12;
	s14 =	sadd.s32 $0x8000, s12  }
0xb: {  	s16 =	sadd.s32 $0xC000, s12;
	s19 =	sadd.s32 $0x10000, s12;
	s18 =	ssub.s32 s5, s7  }
0xc: {  	s5 =	sadd.s32 s6, s1;
	s6 =	sadd.s32 s13, s1;
	s11 =	smul.u32 $0x500, s22  }
0xd: {  	s7 =	sadd.s32 s14, s1;
	s8 =	sadd.s32 s16, s1;
	s9 =	sadd.s32 s19, s1  }
0xe: {  	s12 =	sadd.s32 s12, s20;
	s13 =	sadd.s32 s20, s13;
	s14 =	sadd.s32 s20, s14  }
0xf: {  	s16 =	sadd.s32 s20, s16;
	s19 =	sadd.s32 s20, s19;
	s30 =	sadd.s32 s26, s3  }
0x10: {  	s31 =	sadd.s32 s26, s17;
	s20 =	simm.s32 $0x1000;
	s12 =	sshrl.u32 s12, $0x3  }
0x11: {  	s13 =	sshrl.u32 s13, $0x3;
	s14 =	sshrl.u32 s14, $0x3;
	s16 =	sshrl.u32 s16, $0x3  }
0x12: {  	s28 =	sshrl.u32 s19, $0x3;
	s21 =	sadd.s32 s3, s11;
	s11 =	sadd.s32 s17, s11  }
0x13: {  	s23 =	sadd.s32 s0, s12;
	s24 =	sadd.s32 s0, s13;
	[dreg:$0x4] =	wrdreg s21  }
0x14: {  	s25 =	sadd.s32 s0, s14;
	s15 =	sadd.s32 s0, s16;
	[dreg:$0x5] =	wrdreg s11  }
0x15: {  	s16 =	sadd.s32 s0, s28;
	s17 =	smax.u32 s18, $0x1;
	[dreg:$0x6] =	wrdreg s23  }
0x16: {  	s0 =	sadd.s32 s29, s30;
	s3 =	sadd.s32 s29, s31;
	[dreg:$0x7] =	wrdreg s24  }
0x17: {  	[dreg:$0x8] =	wrdreg s25;
	s18 =	sadd.s32 $0x80, s0;
	s22 =	sadd.s32 $0x80, s3  }
0x18: {  	v0 =	vimm.f32 $0.0e+00;
	s21 =	simm.s32 $0x5;
	s23 =	simm.s32 $0x80;
	s24 =	simm.s32 $0x2  }
.LBB2_1:
0x19: {  	s0 =	simm.s32 $0x0;
	s3 =	simm.s32 $0x200  }
.LBB2_2:
0x1a: {  	p0 =	sne.s32 s3, $0x1FE00;
	[tilespmem:s0+$0x1070] =	vst v0  }
0x1b: {  	[tilespmem:s0+$0x1000] =	vst v0  }
0x1c: {  	[tilespmem:s0+$0x1010] =	vst v0  }
.Ltmp0:
0x1d: {  	[tilespmem:s0+$0x1020] =	vst v0;
	(pc) =	sbr.rel @p0 .LBB2_2-.Ltmp0, $4  }
0x1e: {  	[tilespmem:s0+$0x1030] =	vst v0  }
0x1f: {  	[tilespmem:s0+$0x1040] =	vst v0  }
0x20: {  	[tilespmem:s0+$0x1050] =	vst v0  }
0x21: {  	[tilespmem:s0+$0x1060] =	vst v0;
	s0 =	sshra.s32 s3, $0x2;
	s3 =	sadd.s32 $0x200, s3  }
0x22: {  	[tilespmem:s0+$0x1070] =	vst v0  }
0x23: {  	[tilespmem:s0+$0x1000] =	vst v0  }
0x24: {  	[tilespmem:s0+$0x1010] =	vst v0  }
0x25: {  	[tilespmem:s0+$0x1020] =	vst v0  }
0x26: {  	[tilespmem:s0+$0x1030] =	vst v0  }
0x27: {  	[tilespmem:s0+$0x1040] =	vst v0  }
0x28: {  	[tilespmem:s0+$0x1050] =	vst v0  }
0x29: {  	[tilespmem:s0+$0x1060] =	vst v0  }
0x2a: {  	[spmem:s5] =	stream.linear.scatter [tilespmem:s20], [sflag:$0x5], $0x4000, $0x38;
	[tilespmem:$0x1CC00] =	vst v63  }
0x2b: {  	_ =	swait.ge [sflag:s21], $0x4000  }
0x2c: {  	[sflag:s21] =	ssyncset.done $0x0  }
0x2d: {  	[sflag:s21] =	ssyncadd.s32 $0xFFFFC000  }
0x2e: {  	[spmem:s6] =	stream.linear.scatter [tilespmem:s20], [sflag:$0x5], $0x4000, $0x38;
	[tilespmem:$0x1CC00] =	vst v63  }
0x2f: {  	_ =	swait.ge [sflag:s21], $0x4000  }
0x30: {  	[sflag:s21] =	ssyncset.done $0x0  }
0x31: {  	[sflag:s21] =	ssyncadd.s32 $0xFFFFC000  }
0x32: {  	[spmem:s7] =	stream.linear.scatter [tilespmem:s20], [sflag:$0x5], $0x4000, $0x38;
	[tilespmem:$0x1CC00] =	vst v63  }
0x33: {  	_ =	swait.ge [sflag:s21], $0x4000  }
0x34: {  	[sflag:s21] =	ssyncset.done $0x0  }
0x35: {  	[sflag:s21] =	ssyncadd.s32 $0xFFFFC000  }
0x36: {  	[spmem:s8] =	stream.linear.scatter [tilespmem:s20], [sflag:$0x5], $0x4000, $0x38;
	[tilespmem:$0x1CC00] =	vst v63  }
0x37: {  	_ =	swait.ge [sflag:s21], $0x4000  }
0x38: {  	[sflag:s21] =	ssyncset.done $0x0  }
0x39: {  	[sflag:s21] =	ssyncadd.s32 $0xFFFFC000  }
0x3a: {  	[spmem:s9] =	stream.linear.scatter [tilespmem:s20], [sflag:$0x5], $0x3C00, $0x38;
	[tilespmem:$0x1CC00] =	vst v63  }
0x3b: {  	_ =	swait.ge [sflag:s21], $0x3C00  }
0x3c: {  	[sflag:s21] =	ssyncset.done $0x0  }
0x3d: {  	s0 =	simm.s32 $0x0;
	s3 =	rddreg [dreg:$0x4];
	[sflag:s21] =	ssyncadd.s32 $0xFFFFC400  }
0x3e: {  	[tilespmem:s0], [sflag:$0x5] =	stream.linear.gather [hbm4b:s3+s0], $0x400, $0x38;
	[tilespmem:$0x1CC00] =	vst v63  }
0x3f: {  	_ =	swait.ge [sflag:s21], $0x400  }
0x40: {  	[sflag:s21] =	ssyncset.done $0x0  }
0x41: {  	s10 =	simm.s32 $0x800;
	s11 =	rddreg [dreg:$0x5];
	[sflag:s21] =	ssyncadd.s32 $0xFFFFFC00  }
0x42: {  	[tilespmem:s10], [sflag:$0x5] =	stream.linear.gather [hbm4b:s11+s0], $0x400, $0x38;
	[tilespmem:$0x1CC00] =	vst v63  }
0x43: {  	_ =	swait.ge [sflag:s21], $0x400  }
0x44: {  	s28 =	simm.s32 $0x1;
	[sflag:s21] =	ssyncset.done $0x0  }
0x45: {  	s26 =	simm.s32 $0x200;
	s12 =	sand.u32 $0x1, s0;
	[sflag:s21] =	ssyncadd.s32 $0xFFFFFC00  }
0x46: {  	p0 =	por $0x0, $0x0;
	s19 =	sadd.s32 $0x1, s12;
	[bflag:$0x0] =	sbarrier.arrive $0xFFFF  }
0x47: {  	[tilespmem:s20], [sflag:$0x1] =	stream.indirect.gather [hbm4b:s4+s23], $0x80, s0, s23, $0xb8;
	[tilespmem:$0x1CC00] =	vst v63  }
0x48: {  	s31 =	simm.s32 $0x0;
	s25 =	sand.u32 $0x7, s28;
	_ =	swait.ge [sflag:s19], $0x4000  }
0x49: {  	s13 =	sand.u32 $0x1, s28;
	p1 =	sne.s32 s25, $0x0;
	[sflag:s19] =	ssyncset.done $0x0  }
0x4a: {  	s30 =	sand.u32 $0x7, s0;
	[sflag:s19] =	ssyncadd.s32 $0xFFFFC000;
	s19 =	simm.s32 @!p1 $0x3  }
0x4b: {  	s26 =	sand.u32 $0x1E00, s26;
	s29 =	sshll.u32 s13, $0xE;
	_ =	swait.ge @!p1 [sflag:s19], $0x400  }
0x4c: {  	s26 =	sshrl.u32 s26, $0x2;
	s25 =	sadd.s32 $0x1, s13;
	[sflag:s19] =	ssyncset.done @!p1 $0x0  }
0x4d: {  	s14 =	sor.u32 $0x1000, s29;
	[sflag:s19] =	ssyncadd.s32 @!p1 $0xFFFFFC00;
	s19 =	simm.s32 @!p1 $0x4  }
0x4e: {  	s29 =	sand.u32 $0x1E00, s31;
	s31 =	sadd.s32 $0x10, s18;
	_ =	swait.ge @!p1 [sflag:s19], $0x400  }
0x4f: {  	s29 =	sshrl.u32 s29, $0x2;
	s3 =	sshll.u32 s12, $0xE;
	[sflag:s19] =	ssyncset.done @!p1 $0x0  }
0x50: {  	s3 =	sor.u32 $0x1000, s3;
	[sflag:s19] =	ssyncadd.s32 @!p1 $0xFFFFFC00;
	p1 =	sne.s32 @!p0 s30, $0x0  }
0x51: {  	[tilespmem:s14], [sflag:s25] =	stream.indirect.gather [hbm4b:s4+s23], $0x80, s26, s23, $0xb8;
	[tilespmem:$0x1CC00] =	vst v63  }
0x52: {  	s30 =	sadd.s32 $0x10, s22;
	s19 =	smov.u32 s22;
	s26 =	sor.u32 $0x800, s29  }
0x53: {  	[spmem:s1] =	stream.indirect.scatter.add.f32 [tilespmem:s3], [sflag:$0x5], $0x80, s26, s23, $0xb8;
	[tilespmem:$0x1CC00] =	vst v63  }
0x54: {  	p1 =	por p1, p0;
	s29 =	simm.s32 $0x400;
	_ =	swait.ge [sflag:s21], $0x4000  }
0x55: {  	s0 =	sxor.u32 @!p1 $0xFFFFFFFF, s0;
	s25 =	simm.s32 @!p1 $0x0;
	[sflag:s21] =	ssyncset.done $0x0  }
0x56: {  	s26 =	sand.u32 @!p1 $0x400, s0;
	s0 =	simm.s32 $0x80;
	[sflag:s21] =	ssyncadd.s32 $0xFFFFC000  }
0x57: {  	[tilespmem:s26], [sflag:$0x3] =	stream.linear.gather @!p1 [hbm4b:s18+s25], $0x400, $0x38;
	[tilespmem:$0x1CC00] =	vst v63  }
.LBB2_4:
0x58: {  	s10 =	sand.u32 $0x1, s28;
	s26 =	sor.u32 @!p1 $0x800, s26;
	s11 =	smov.u32 s28  }
0x59: {  	s28 =	sadd.s32 $0x1, s28;
	s12 =	smov.u32 s29;
	s3 =	smov.u32 s31  }
0x5a: {  	[tilespmem:s26], [sflag:$0x4] =	stream.linear.gather @!p1 [hbm4b:s19+s25], $0x400, $0x38;
	[tilespmem:$0x1CC00] =	vst v63  }
0x5b: {  	s19 =	sadd.s32 $0x1, s10;
	s25 =	sand.u32 $0x1, s28;
	s26 =	sand.u32 $0x7, s28  }
0x5c: {  	s10 =	sshll.u32 s10, $0xE;
	s13 =	sshll.u32 s25, $0xE;
	_ =	swait.ge [sflag:s19], $0x4000  }
0x5d: {  	p0 =	sne.s32 s28, $0x4F;
	p2 =	sne.s32 s26, $0x0;
	[sflag:s19] =	ssyncset.done $0x0  }
0x5e: {  	s26 =	simm.s32 @!p2 $0x3;
	[sflag:s19] =	ssyncadd.s32 $0xFFFFC000;
	s19 =	smov.u32 s30  }
0x5f: {  	_ =	swait.ge @!p2 [sflag:s26], $0x400  }
0x60: {  	s29 =	sadd.s32 $0x200, s29;
	[sflag:s26] =	ssyncset.done @!p2 $0x0  }
0x61: {  	p1 =	sgt.u32 s11, $0x47;
	[sflag:s26] =	ssyncadd.s32 @!p2 $0xFFFFFC00;
	s26 =	simm.s32 @!p2 $0x4  }
0x62: {  	s11 =	sand.u32 $0x7, s11;
	s10 =	sor.u32 $0x1000, s10;
	_ =	swait.ge @!p2 [sflag:s26], $0x400  }
0x63: {  	s14 =	sand.u32 $0x1E00, s12;
	s12 =	sadd.s32 $0xFFFFFE00, s12;
	[sflag:s26] =	ssyncset.done @!p2 $0x0  }
0x64: {  	s12 =	sand.u32 $0x1E00, s12;
	s13 =	sor.u32 $0x1000, s13;
	[sflag:s26] =	ssyncadd.s32 @!p2 $0xFFFFFC00  }
0x65: {  	s14 =	sshrl.u32 s14, $0x2;
	s25 =	sadd.s32 $0x1, s25;
	s12 =	sshrl.u32 s12, $0x2  }
0x66: {  	[tilespmem:s13], [sflag:s25] =	stream.indirect.gather [hbm4b:s4+s23], $0x80, s14, s23, $0xb8;
	[tilespmem:$0x1CC00] =	vst v63  }
0x67: {  	s12 =	sor.u32 $0x800, s12;
	s30 =	sadd.s32 $0x10, s30;
	p2 =	sne.s32 @!p1 s11, $0x0  }
0x68: {  	[spmem:s1] =	stream.indirect.scatter.add.f32 [tilespmem:s10], [sflag:$0x5], $0x80, s12, s23, $0xb8;
	[tilespmem:$0x1CC00] =	vst v63  }
.Ltmp1:
0x69: {  	_ = 	snop;
	(pc) =	sbr.rel @p0 .LBB2_4-.Ltmp1, $4  }
0x6a: {  	s31 =	sadd.s32 $0x10, s31;
	p1 =	por p2, p1;
	_ =	swait.ge [sflag:s21], $0x4000  }
0x6b: {  	s25 =	simm.s32 @!p1 $0x0;
	s10 =	sxor.u32 @!p1 $0xFFFFFFFF, s0;
	[sflag:s21] =	ssyncset.done $0x0  }
0x6c: {  	s0 =	sadd.s32 $0x80, s0;
	s26 =	sand.u32 @!p1 $0x400, s10;
	[sflag:s21] =	ssyncadd.s32 $0xFFFFC000  }
0x6d: {  	[tilespmem:s26], [sflag:$0x3] =	stream.linear.gather @!p1 [hbm4b:s3+s25], $0x400, $0x38;
	[tilespmem:$0x1CC00] =	vst v63  }
0x6e: {  	s0 =	sor.u32 @!p1 $0x800, s26  }
0x6f: {  	[tilespmem:s0], [sflag:$0x4] =	stream.linear.gather @!p1 [hbm4b:s19+s25], $0x400, $0x38;
	[tilespmem:$0x1CC00] =	vst v63  }
0x70: {  	_ =	swait.ge [sflag:s24], $0x4000  }
0x71: {  	[sflag:s24] =	ssyncset.done $0x0  }
0x72: {  	s13 =	simm.s32 $0xF80;
	s3 =	simm.s32 $0x5000;
	[sflag:s24] =	ssyncadd.s32 $0xFFFFC000  }
0x73: {  	[spmem:s1] =	stream.indirect.scatter.add.f32 [tilespmem:s3], [sflag:$0x5], $0x80, s13, s23, $0xb8;
	[tilespmem:$0x1CC00] =	vst v63  }
0x74: {  	_ =	swait.ge [sflag:s21], $0x4000  }
0x75: {  	[sflag:s21] =	ssyncset.done $0x0  }
0x76: {  	s14 =	stileid.u32;
	[sflag:s21] =	ssyncadd.s32 $0xFFFFC000  }
0x77: {  	s0 =	sshll.u32 s14, $0x6;
	[bflag:$0x0] =	sbarrier.arrive $0xFFFF  }
0x78: {  	s19 =	sshrl.u32 s5, $0x3;
	s0 =	sor.u32 $0x1C05, s0;
	s10 =	rddreg [dreg:$0x6]  }
0x79: {  	[hbm:s10], [sflag:s0] =	dma.local [spmem:s19], $0x800  }
0x7a: {  	_ =	swait.ge [sflag:s21], $0x800  }
0x7b: {  	[sflag:s21] =	ssyncset.done $0x0  }
0x7c: {  	s25 =	sshrl.u32 s6, $0x3;
	s26 =	rddreg [dreg:$0x7];
	[sflag:s21] =	ssyncadd.s32 $0xFFFFF800  }
0x7d: {  	[hbm:s26], [sflag:s0] =	dma.local [spmem:s25], $0x800  }
0x7e: {  	_ =	swait.ge [sflag:s21], $0x800  }
0x7f: {  	[sflag:s21] =	ssyncset.done $0x0  }
0x80: {  	s28 =	sshrl.u32 s7, $0x3;
	s29 =	rddreg [dreg:$0x8];
	[sflag:s21] =	ssyncadd.s32 $0xFFFFF800  }
0x81: {  	[hbm:s29], [sflag:s0] =	dma.local [spmem:s28], $0x800  }
0x82: {  	_ =	swait.ge [sflag:s21], $0x800  }
0x83: {  	[sflag:s21] =	ssyncset.done $0x0  }
0x84: {  	s30 =	sshrl.u32 s8, $0x3;
	[sflag:s21] =	ssyncadd.s32 $0xFFFFF800  }
0x85: {  	[hbm:s15], [sflag:s0] =	dma.local [spmem:s30], $0x800  }
0x86: {  	s2 =	sadd.s32 $0x1, s2;
	_ =	swait.ge [sflag:s21], $0x800  }
0x87: {  	p0 =	sne.s32 s2, s17;
	[sflag:s21] =	ssyncset.done $0x0  }
.Ltmp2:
0x88: {  	s31 =	sshrl.u32 s9, $0x3;
	[sflag:s21] =	ssyncadd.s32 $0xFFFFF800;
	(pc) =	sbr.rel @p0 .LBB2_1-.Ltmp2, $4  }
0x89: {  	[hbm:s16], [sflag:s0] =	dma.local [spmem:s31], $0x780  }
0x8a: {  	_ =	swait.ge [sflag:s21], $0x780  }
0x8b: {  	[sflag:s21] =	ssyncset.done $0x0  }
0x8c: {  	[sflag:s21] =	ssyncadd.s32 $0xFFFFF880  }
0x8d: {  	_ =	sfence.sel $0x180000  }
0x8e: {  	[bflag:$0x0] =	sbarrier.arrive $0xFFFF  }
0x8f: {  	_ =	strace $0x9000004D  }
0x90: {  	s0 =	stileid.u32;
	[bflag:$0x2] =	sbarrier.arrive $0xFFFF  }
0x91: {  	p0 =	sne.s32 s0, $0x0;
	s0 =	rddreg [dreg:$0x3]  }
0x92: {  	s0 =	sadd.s32 @!p0 $0x100000, s0  }
0x93: {  	[sflag:s0] =	ssyncadd.tile.s32 @!p0 $0x1;
	_ =	shalt  }
.Lfunc_end2:
_tile_overlayer_lowered:
.L_overlay_start_2:
0x94: {  	(tag) =	ssettag $0x2  }
0x95: {  	s0 =	rddreg [dreg:$0x0];
	s2 =	stileid.u32  }
0x96: {  	s1 =	rddreg [dreg:$0x1];
	p0 =	sne.s32 s2, $0x0  }
0x97: {  	s3 =	rddreg [dreg:$0x2];
	[bflag:$0x3] =	sbarrier.arrive $0xFFFF;
	s2 =	simm.s32 @!p0 $0x1C05  }
0x98: {  	[timem:s3], [sflag:s2] =	dma.local @!p0 [hbm:s0], s1  }
0x99: {  	s0 =	simm.s32 @!p0 $0x5  }
0x9a: {  	_ =	swait.ge @!p0 [sflag:s0], s1  }
0x9b: {  	s1 =	ssub.s32 @!p0 $0x0, s1;
	[sflag:s0] =	ssyncset.done @!p0 $0x0  }
0x9c: {  	[sflag:s0] =	ssyncadd.s32 @!p0 s1  }
0x9d: {  	[bflag:$0x3] =	sbarrier.arrive $0xFFFF  }
0x9e: {  	_ =	shalt  }

// kernel: kernel.19.cloned.1.call-start
scs
__scs_entry_jumppad:
0x0: {  	(pc) =	sbr.rel $0x88, $3  }
0x1: {  	(tag) =	ssettag $0x0;
	lr =	simm.s32 $0x1  }
0x2: {  	[smem:$0x3F9B] =	sst lr;
	_ =	strace $0xD0000000  }
0x3: {  	_ = 	snop  }
0x4: {  	_ = 	snop  }
0x5: {  	_ = 	snop  }
0x6: {  	_ = 	snop  }
0x7: {  	_ = 	snop  }
__scs_overlays_trampoline_lowered:
0x8: {  	[smem:$0x3FAA] =	sst s0  }
0x9: {  	[smem:$0x3FAB] =	sst s1  }
0xa: {  	[smem:$0x3FAC] =	sst s2  }
0xb: {  	[smem:$0x3FAD] =	sst s3  }
0xc: {  	[smem:$0x3FAE] =	sst s4  }
0xd: {  	[smem:$0x3FAF] =	sst s5  }
0xe: {  	[smem:$0x3FB0] =	sst s6  }
0xf: {  	[smem:$0x3FB1] =	sst s7  }
0x10: {  	[smem:$0x3FB2] =	sst s8  }
0x11: {  	[smem:$0x3FB3] =	sst s9;
	s0 =	simm.s32 @!p0 $0x0  }
0x12: {  	s1 =	sld [smem:$0x3F99];
	s0 =	simm.s32 @p0 $0x1  }
0x13: {  	[smem:$0x3FB4] =	sst s0;
	s0 =	simm.s32 @!p1 $0x0  }
0x14: {  	s2 =	sld [smem:$0x3F98];
	s0 =	simm.s32 @p1 $0x1  }
0x15: {  	[smem:$0x3FB5] =	sst s0;
	s0 =	simm.s32 @!p2 $0x0  }
0x16: {  	s3 =	sld [smem:$0x3FDB];
	s0 =	simm.s32 @p2 $0x1  }
0x17: {  	s4 =	simm.s32 $0x1BF5;
	[smem:$0x3FB7] =	sst s0  }
0x18: {  	s0 =	sld [smem:$0x3F9A];
	_ =	swait.ge [sflag:s4], $0x0  }
0x19: {  	s7 =	sld [smem:$0x3F9B]  }
0x1a: {  	s8 =	sadd.s32 $0xFFFFE003, lr  }
0x1b: {  	s9 =	sadd.s32 $0xFFFFFEF7, lr;
	s5 =	simm.s32 $0xFFFFFFFF;
	p2 =	slt.u32 s8, $0xFFFFF086  }
0x1c: {  	p1 =	slt.u32 s9, $0xF7A;
	s5 =	simm.s32 @!p2 $0x0  }
0x1d: {  	s5 =	simm.s32 @p1 $0x1;
	p0 =	seq.s32 s7, s2  }
0x1e: {  	s7 =	smul.u32 @!p0 $0xF7A, s2;
	p2 =	seq.s32 @!p0 s5, $0x0  }
0x1f: {  	s9 =	smul.u32 $0xF7A, s1;
	s8 =	simm.s32 @!p0 $0x1BF5;
	p2 =	por !p2, p0  }
0x20: {  	[sflag:s8] =	ssyncset.s32 @!p0 $0xFFFFF086;
	s6 =	sadd.s32 @!p0 s3, s7;
	s7 =	simm.s32 @!p0 $0x108  }
0x21: {  	s3 =	sadd.s32 s3, s9;
	s6 =	sadd.s32 @!p0 $0x88, s6;
	s7 =	simm.s32 @p2 $0x1082  }
0x22: {  	[simem:s7], [sflag:s8] =	dma.local @!p0 [hbm:s6], $0xF7A  }
0x23: {  	s9 =	sor.u32 $0xD0000000, s2;
	s6 =	simm.s32 $0x108;
	_ =	swait.ge @!p0 [sflag:s8], $0x0  }
0x24: {  	s3 =	sadd.s32 $0x88, s3;
	s6 =	simm.s32 @!p1 $0x1082;
	[sflag:s4] =	ssyncset.s32 $0xFFFFF086  }
0x25: {  	[simem:s6], [sflag:s4] =	dma.local [hbm:s3], $0xF7A  }
0x26: {  	[smem:$0x3F9B] =	sst s1;
	(tag) =	ssettag s2;
	_ =	strace s9  }
0x27: {  	s1 =	sld [smem:$0x3FAB]  }
0x28: {  	s2 =	sld [smem:$0x3FAC]  }
0x29: {  	s4 =	sld [smem:$0x3FAE]  }
0x2a: {  	p0 =	seq.s32 s5, $0x0;
	s5 =	sld [smem:$0x3FAF]  }
0x2b: {  	s6 =	sld [smem:$0x3FB0]  }
0x2c: {  	s7 =	sld [smem:$0x3FB1]  }
0x2d: {  	s3 =	simm.s32 $0x108;
	s8 =	sld [smem:$0x3FB2]  }
0x2e: {  	s3 =	simm.s32 @!p0 $0x1082;
	s9 =	sld [smem:$0x3FB3]  }
0x2f: {  	lr =	sadd.s32 s0, s3;
	s0 =	sld [smem:$0x3FAA]  }
0x30: {  	s3 =	sld [smem:$0x3FAD]  }
0x31: {  	[smem:$0x3FB6] =	sst s10  }
0x32: {  	s10 =	sld [smem:$0x3FB4];
	_ =	sdelay $0x3  }
0x33: {  	p0 =	seq.s32 s10, $0x1;
	s10 =	sld [smem:$0x3FB6];
	_ =	sdelay $0x3  }
0x34: {  	[smem:$0x3FB6] =	sst s10  }
0x35: {  	s10 =	sld [smem:$0x3FB5];
	_ =	sdelay $0x3  }
0x36: {  	p1 =	seq.s32 s10, $0x1;
	s10 =	sld [smem:$0x3FB6];
	_ =	sdelay $0x3  }
0x37: {  	[smem:$0x3FB6] =	sst s10  }
0x38: {  	s10 =	sld [smem:$0x3FB7]  }
0x39: {  	_ = 	snop;
	(pc) =	sbr.ind lr, $3  }
0x3a: {  	_ = 	snop  }
0x3b: {  	_ = 	snop  }
0x3c: {  	p2 =	seq.s32 s10, $0x1;
	s10 =	sld [smem:$0x3FB6]  }
0x3d: {  	_ =	shalt  }
0x3e: {  	_ =	shalt  }
0x3f: {  	_ =	shalt  }
0x40: {  	_ =	shalt  }
0x41: {  	_ =	shalt  }
0x42: {  	_ =	shalt  }
0x43: {  	_ =	shalt  }
0x44: {  	_ =	shalt  }
0x45: {  	_ =	shalt  }
0x46: {  	_ =	shalt  }
0x47: {  	_ =	shalt  }
0x48: {  	_ =	shalt  }
0x49: {  	_ =	shalt  }
0x4a: {  	_ =	shalt  }
0x4b: {  	_ =	shalt  }
0x4c: {  	_ =	shalt  }
0x4d: {  	_ =	shalt  }
0x4e: {  	_ =	shalt  }
0x4f: {  	_ =	shalt  }
0x50: {  	_ =	shalt  }
0x51: {  	_ =	shalt  }
0x52: {  	_ =	shalt  }
0x53: {  	_ =	shalt  }
0x54: {  	_ =	shalt  }
0x55: {  	_ =	shalt  }
0x56: {  	_ =	shalt  }
0x57: {  	_ =	shalt  }
0x58: {  	_ =	shalt  }
0x59: {  	_ =	shalt  }
0x5a: {  	_ =	shalt  }
0x5b: {  	_ =	shalt  }
0x5c: {  	_ =	shalt  }
0x5d: {  	_ =	shalt  }
0x5e: {  	_ =	shalt  }
0x5f: {  	_ =	shalt  }
0x60: {  	_ =	shalt  }
0x61: {  	_ =	shalt  }
0x62: {  	_ =	shalt  }
0x63: {  	_ =	shalt  }
0x64: {  	_ =	shalt  }
0x65: {  	_ =	shalt  }
0x66: {  	_ =	shalt  }
0x67: {  	_ =	shalt  }
0x68: {  	_ =	shalt  }
0x69: {  	_ =	shalt  }
0x6a: {  	_ =	shalt  }
0x6b: {  	_ =	shalt  }
0x6c: {  	_ =	shalt  }
0x6d: {  	_ =	shalt  }
0x6e: {  	_ =	shalt  }
0x6f: {  	_ =	shalt  }
0x70: {  	_ =	shalt  }
0x71: {  	_ =	shalt  }
0x72: {  	_ =	shalt  }
0x73: {  	_ =	shalt  }
0x74: {  	_ =	shalt  }
0x75: {  	_ =	shalt  }
0x76: {  	_ =	shalt  }
0x77: {  	_ =	shalt  }
0x78: {  	_ =	shalt  }
0x79: {  	_ =	shalt  }
0x7a: {  	_ =	shalt  }
0x7b: {  	_ =	shalt  }
0x7c: {  	_ =	shalt  }
0x7d: {  	_ =	shalt  }
0x7e: {  	_ =	shalt  }
0x7f: {  	_ =	shalt  }
0x80: {  	_ =	shalt  }
0x81: {  	_ =	shalt  }
0x82: {  	_ =	shalt  }
0x83: {  	_ =	shalt  }
0x84: {  	_ =	shalt  }
0x85: {  	_ =	shalt  }
0x86: {  	_ =	shalt  }
0x87: {  	_ =	shalt  }
.Lfunc_end0:
.L_simem_size_0:
called_computation.3_lowered:
.L_overlay_start_0:
0x88: {  	s2 =	sld [smem:$0x3FD9]  }
0x89: {  	s3 =	sld [smem:$0x3FFE];
	_ =	sdelay $0x1  }
0x8a: {  	s1 =	srdreg.scid  }
0x8b: {  	s0 =	sand.u32 $0x1, s1  }
0x8c: {  	s17 =	sshll.u32 s0, $0xA;
	s2 =	sadd.s32 s3, s2  }
0x8d: {  	s2 =	sadd.s32 s2, s17  }
0x8e: {  	[smem:$0x3FC2] =	sst s2  }
0x8f: {  	_ = 	snop  }
0x90: {  	s2 =	sld [smem:$0x3FD0];
	(tm) =	ssettm $0x1  }
0x91: {  	s18 =	sld [smem:$0x3FFB];
	_ =	sdelay $0x3  }
0x92: {  	_ =	strace s18  }
0x93: {  	s3 =	sld [smem:$0x3FFC];
	_ =	sdelay $0x3  }
0x94: {  	_ =	strace s3  }
0x95: {  	s3 =	sld [smem:$0x3FFD];
	_ =	sdelay $0x3  }
0x96: {  	_ =	strace s3  }
0x97: {  	_ =	strace $0x8FFFFFFF  }
0x98: {  	s19 =	sld [smem:$0x3FDB];
	_ =	sdelay $0x1  }
0x99: {  	s4 =	simm.s32 $_scs_section_size  }
0x9a: {  	s5 =	simm.s32 $_size__tile_overlayer_lowered;
	s6 =	simm.s32 $_tile_overlayer_lowered  }
0x9b: {  	s22 =	simm.s32 $0x1BFF;
	s21 =	sshll.u32 s6, $0x1;
	s3 =	sadd.s32 s4, s19  }
0x9c: {  	s7 =	simm.s32 $0x0;
	s20 =	sshll.u32 s5, $0x1;
	s5 =	sadd.s32 s21, s3  }
0x9d: {  	[timem:s7], [sflag:s22] =	dma.local [hbm:s5], s20  }
0x9e: {  	_ =	swait.ge [sflag:s22], s20  }
0x9f: {  	s4 =	ssub.s32 $0x0, s20;
	[sflag:s22] =	ssyncset.done $0x0  }
0xa0: {  	[sflag:s22] =	ssyncadd.s32 s4;
	_ =	sdelay $0x1  }
0xa1: {  	s23 =	simm.s32 $0x1B8B  }
0xa2: {  	_ =	swait.ge [sflag:s23], $0x1  }
0xa3: {  	[sflag:s23] =	ssyncset.done $0x0  }
0xa4: {  	s25 =	simm.s32 $0x1B8E;
	s24 =	sld [smem:$0x3FFE];
	[sflag:s23] =	ssyncadd.s32 $0xFFFFFFFF  }
0xa5: {  	s26 =	simm.s32 $execute0_lowered;
	[smem:$0x3FD2] =	sst s25  }
0xa6: {  	s5 =	sshll.u32 s26, $0x1;
	_ =	strace $0x8000004F;
	[dreg:$0x1] =	wrdreg $0xFFFFFFFF  }
0xa7: {  	s28 =	simm.s32 $_size_execute0_lowered;
	s3 =	sadd.s32 s3, s5;
	[dreg:$0x0] =	wrdreg $0x0  }
0xa8: {  	s5 =	sshll.u32 s28, $0x1;
	[dreg:$0x2] =	wrdreg s3  }
0xa9: {  	[dreg:$0x3] =	wrdreg s5  }
0xaa: {  	[dreg:$0x4] =	wrdreg $0xC0  }
0xab: {  	_ =	task [dreg:s7], $0x5FFFF  }
0xac: {  	[dreg:$0x1] =	wrdreg $0xFFFFFFFF  }
0xad: {  	[dreg:$0x0] =	wrdreg $0x60  }
0xae: {  	[dreg:$0x2] =	wrdreg s24  }
0xaf: {  	[dreg:$0x3] =	wrdreg s2  }
0xb0: {  	[dreg:$0x4] =	wrdreg $0x90800  }
0xb1: {  	[dreg:$0x5] =	wrdreg $0x9  }
0xb2: {  	_ =	task.clear_ibuf [dreg:s7], $0x6FFFF;
	_ =	strace $0x9000004F  }
0xb3: {  	s29 =	simm.s32 $0x9;
	_ =	strace $0x80000051  }
0xb4: {  	_ =	swait.ge [sflag:s29], $0x1  }
0xb5: {  	[sflag:s29] =	ssyncadd.s32 $0xFFFFFFFF  }
0xb6: {  	_ =	strace $0x90000051  }
0xb7: {  	_ =	sfence  }
0xb8: {  	s30 =	sld [smem:$0x0];
	_ =	sdelay $0x2  }
0xb9: {  	s31 =	sshll.u32 s1, $0xD;
	s1 =	sshrl.u32 s1, $0x2  }
0xba: {  	s3 =	sand.u32 $0x4000, s31;
	s1 =	sadd.s32 s1, s30  }
0xbb: {  	s0 =	sor.u32 s3, s0;
	s1 =	sshll.u32 s1, $0x11  }
0xbc: {  	s0 =	sor.u32 s1, s0  }
0xbd: {  	s0 =	sadd.s32 $0x8F2B, s0  }
0xbe: {  	[sflag:s0] =	ssyncadd.remote.s32 $0x1  }
0xbf: {  	_ =	sfence.sel $0xFFFF  }
0xc0: {  	[dreg:$0x0] =	wrdreg $0xFFFFFFFF;
	(pc) =	sbr.abs _section_cstart, $3  }
0xc1: {  	[dreg:$0x1] =	wrdreg $0xFFFFFFFF  }
0xc2: {  	_ =	task.clear_ibuf [dreg:s7], $0x2FFFF;
	_ =	strace $0x9FFFFFFF  }
0xc3: {  	(tm) =	ssettm $0x7FFFFFFF  }
tec
execute0_lowered:
.L_overlay_start_1:
0x0: {  	(tag) =	ssettag $0x1  }
0x1: {  	s0 =	rddreg [dreg:$0x0]  }
0x2: {  	s1 =	rddreg [dreg:$0x1]  }
0x3: {  	s2 =	rddreg [dreg:$0x2]  }
0x4: {  	s4 =	simm.s32 $0x0;
	s3 =	srdreg.scid;
	s11 =	stileid.u32  }
0x5: {  	s21 =	simm.s32 $0x3;
	s22 =	simm.s32 $0x400;
	s28 =	simm.s32 $0x8800  }
0x6: {  	s29 =	simm.s32 $0x9000;
	s30 =	simm.s32 $0x0;
	[smem:$0x7FF] =	sst s4  }
0x7: {  	s3 =	sand.u32 $0x1, s3;
	s5 =	sadd.s32 $0xCA00, s0;
	s9 =	smul.u32 $0x4F000, s11  }
0x8: {  	s6 =	sadd.s32 $0x33C00, s0;
	s13 =	smul.u32 $0x13C00, s11;
	s7 =	sadd.s32 $0x2A00, s0  }
0x9: {  	s0 =	sadd.s32 $0x5AE00, s0;
	_ =	strace $0x80000050;
	s8 =	ssub.s32 $0x2, s3  }
0xa: {  	s23 =	sshll.u32 s3, $0x4;
	s3 =	smul.u32 $0x13C000, s3;
	s10 =	sshrl.u32 s8, $0x1  }
0xb: {  	s9 =	sshrl.u32 s9, $0x2;
	s15 =	sadd.s32 $0x4000, s13;
	s16 =	sor.u32 s11, s23  }
0xc: {  	v0 =	vlaneseq.u32;
	v1 =	vimm.f32 $0.0e+00;
	v17 =	vimm.s32 $0x1;
	s17 =	sadd.s32 $0x8000, s13;
	s18 =	sadd.s32 $0xC000, s13;
	s19 =	sadd.s32 $0x10000, s13  }
0xd: {  	v18 =	vimm.s32 $0x2;
	v19 =	vimm.s32 $0x3;
	v20 =	vimm.s32 $0x4;
	s23 =	simm.s32 $0x80;
	s14 =	ssub.s32 s8, s10;
	s8 =	sadd.s32 s9, s2  }
0xe: {  	v21 =	vimm.s32 $0x5;
	v22 =	vimm.s32 $0x6;
	v23 =	vimm.s32 $0x7;
	s9 =	sadd.s32 s15, s2;
	s10 =	sadd.s32 s17, s2;
	s11 =	sadd.s32 s18, s2  }
0xf: {  	v24 =	vimm.s32 $0x8;
	v25 =	vimm.s32 $0x9;
	v26 =	vimm.s32 $0xA;
	s12 =	sadd.s32 s19, s2;
	s20 =	sadd.s32 s13, s3;
	s15 =	sadd.s32 s3, s15  }
0x10: {  	v27 =	vimm.s32 $0xB;
	v28 =	vimm.s32 $0xC;
	v0 =	vmul.u32 $0x80, v0;
	s13 =	smul.u32 $0xA, s16;
	s25 =	sadd.s32 s3, s17;
	s26 =	sadd.s32 s3, s18  }
0x11: {  	v29 =	vimm.s32 $0xD;
	v30 =	vimm.s32 $0xE;
	v31 =	vimm.s32 $0xF;
	s3 =	sadd.s32 s3, s19;
	s24 =	sshrl.u32 s20, $0x3;
	s15 =	sshrl.u32 s15, $0x3  }
0x12: {  	v2 =	vor.u32 $0x1, v0;
	v3 =	vor.u32 $0x2, v0;
	v4 =	vor.u32 $0x3, v0;
	s31 =	sshrl.u32 s26, $0x3;
	s3 =	sshrl.u32 s3, $0x3;
	s19 =	smax.u32 s14, $0x1  }
0x13: {  	v5 =	vor.u32 $0x4, v0;
	v6 =	vor.u32 $0x5, v0;
	v7 =	vor.u32 $0x6, v0;
	s20 =	simm.s32 $0x800;
	s26 =	simm.s32 $0x2;
	s16 =	sadd.s32 s0, s24  }
0x14: {  	v8 =	vor.u32 $0x7, v0;
	v9 =	vor.u32 $0x8, v0;
	v10 =	vor.u32 $0x9, v0;
	s15 =	sadd.s32 s0, s15;
	s17 =	sadd.s32 s0, s31;
	s18 =	sadd.s32 s0, s3  }
0x15: {  	v11 =	vor.u32 $0xA, v0;
	v12 =	vor.u32 $0xB, v0;
	v13 =	vor.u32 $0xC, v0;
	s24 =	simm.s32 $0x4800;
	[dreg:$0x5] =	wrdreg s15;
	s15 =	sshrl.u32 s25, $0x3  }
0x16: {  	v14 =	vor.u32 $0xD, v0;
	v15 =	vor.u32 $0xE, v0;
	v16 =	vor.u32 $0xF, v0;
	[dreg:$0x4] =	wrdreg s16;
	s25 =	simm.s32 $0x1;
	s16 =	sadd.s32 s0, s15  }
.LBB2_1:
0x17: {  	s0 =	simm.s32 $0x0;
	s3 =	simm.s32 $0x200  }
.LBB2_2:
0x18: {  	p0 =	sne.s32 s3, $0xFE00;
	[tilespmem:s0+$0x870] =	vst v1  }
0x19: {  	[tilespmem:s0+$0x800] =	vst v1  }
0x1a: {  	[tilespmem:s0+$0x810] =	vst v1  }
.Ltmp0:
0x1b: {  	[tilespmem:s0+$0x820] =	vst v1;
	(pc) =	sbr.rel @p0 .LBB2_2-.Ltmp0, $4  }
0x1c: {  	[tilespmem:s0+$0x830] =	vst v1  }
0x1d: {  	[tilespmem:s0+$0x840] =	vst v1  }
0x1e: {  	[tilespmem:s0+$0x850] =	vst v1  }
0x1f: {  	[tilespmem:s0+$0x860] =	vst v1;
	s0 =	sshra.s32 s3, $0x2;
	s3 =	sadd.s32 $0x200, s3  }
0x20: {  	[tilespmem:s0+$0x870] =	vst v1  }
0x21: {  	[tilespmem:s0+$0x800] =	vst v1  }
0x22: {  	[tilespmem:s0+$0x810] =	vst v1  }
0x23: {  	[tilespmem:s0+$0x820] =	vst v1  }
0x24: {  	[tilespmem:s0+$0x830] =	vst v1  }
0x25: {  	[tilespmem:s0+$0x840] =	vst v1  }
0x26: {  	[tilespmem:s0+$0x850] =	vst v1  }
0x27: {  	[tilespmem:s0+$0x860] =	vst v1  }
0x28: {  	[spmem:s8] =	stream.linear.scatter [tilespmem:s20], [sflag:$0x3], $0x4000, $0x38;
	[tilespmem:$0x1CC80] =	vst v63  }
0x29: {  	_ =	swait.ge [sflag:s21], $0x4000  }
0x2a: {  	[sflag:s21] =	ssyncset.done $0x0  }
0x2b: {  	[sflag:s21] =	ssyncadd.s32 $0xFFFFC000  }
0x2c: {  	[spmem:s9] =	stream.linear.scatter [tilespmem:s20], [sflag:$0x3], $0x4000, $0x38;
	[tilespmem:$0x1CC80] =	vst v63  }
0x2d: {  	_ =	swait.ge [sflag:s21], $0x4000  }
0x2e: {  	[sflag:s21] =	ssyncset.done $0x0  }
0x2f: {  	[sflag:s21] =	ssyncadd.s32 $0xFFFFC000  }
0x30: {  	[spmem:s10] =	stream.linear.scatter [tilespmem:s20], [sflag:$0x3], $0x4000, $0x38;
	[tilespmem:$0x1CC80] =	vst v63  }
0x31: {  	_ =	swait.ge [sflag:s21], $0x4000  }
0x32: {  	[sflag:s21] =	ssyncset.done $0x0  }
0x33: {  	[sflag:s21] =	ssyncadd.s32 $0xFFFFC000  }
0x34: {  	[spmem:s11] =	stream.linear.scatter [tilespmem:s20], [sflag:$0x3], $0x4000, $0x38;
	[tilespmem:$0x1CC80] =	vst v63  }
0x35: {  	_ =	swait.ge [sflag:s21], $0x4000  }
0x36: {  	[sflag:s21] =	ssyncset.done $0x0  }
0x37: {  	[sflag:s21] =	ssyncadd.s32 $0xFFFFC000  }
0x38: {  	[spmem:s12] =	stream.linear.scatter [tilespmem:s20], [sflag:$0x3], $0x3C00, $0x38;
	[tilespmem:$0x1CC80] =	vst v63  }
0x39: {  	_ =	swait.ge [sflag:s21], $0x3C00  }
0x3a: {  	[sflag:s21] =	ssyncset.done $0x0  }
0x3b: {  	[sflag:s21] =	ssyncadd.s32 $0xFFFFC400  }
0x3c: {  	s31 =	simm.s32 $0x0;
	[bflag:$0x0] =	sbarrier.arrive $0xFFFF  }
.LBB2_4:
0x3d: {  	s0 =	sadd.s32 s13, s31  }
0x3e: {  	s0 =	sshll.u32 s0, $0x7  }
0x3f: {  	s3 =	sadd.s32 s1, s0  }
0x40: {  	[tilespmem:s30], [sflag:$0x3] =	stream.linear.gather [hbm4b:s3+s30], $0x400, $0x38;
	[tilespmem:$0x1CC80] =	vst v63  }
0x41: {  	_ =	swait.ge [sflag:s21], $0x400  }
0x42: {  	[sflag:s21] =	ssyncset.done $0x0  }
0x43: {  	s0 =	sadd.s32 s7, s0;
	[sflag:s21] =	ssyncadd.s32 $0xFFFFFC00  }
0x44: {  	[tilespmem:s22], [sflag:$0x3] =	stream.linear.gather [hbm4b:s0+s30], $0x400, $0x38;
	[tilespmem:$0x1CC80] =	vst v63  }
0x45: {  	_ =	swait.ge [sflag:s21], $0x400  }
0x46: {  	[sflag:s21] =	ssyncset.done $0x0  }
0x47: {  	s0 =	simm.s32 $0x0;
	[sflag:s21] =	ssyncadd.s32 $0xFFFFFC00  }
.LBB2_5:
0x48: {  	s3 =	sshll.u32 s0, $0x7  }
0x49: {  	[tilespmem:s20], [sflag:$0x1] =	stream.indirect.gather [hbm4b:s5+s23], $0x80, s3, s23, $0xb8;
	[tilespmem:$0x1CC80] =	vst v63  }
0x4a: {  	s3 =	sadd.s32 $0x400, s3  }
0x4b: {  	[tilespmem:s24], [sflag:$0x2] =	stream.indirect.gather [hbm4b:s6+s23], $0x80, s3, s23, $0xb8;
	[tilespmem:$0x1CC80] =	vst v63  }
0x4c: {  	_ =	swait.ge [sflag:s25], $0x4000  }
0x4d: {  	[sflag:s25] =	ssyncset.done $0x0  }
0x4e: {  	[sflag:s25] =	ssyncadd.s32 $0xFFFFC000  }
0x4f: {  	_ =	swait.ge [sflag:s26], $0x4000  }
0x50: {  	[sflag:s26] =	ssyncset.done $0x0  }
0x51: {  	s14 =	simm.s32 $0x0;
	[sflag:s26] =	ssyncadd.s32 $0xFFFFC000  }
.LBB2_6:
0x52: {  	s15 =	sshll.u32 s14, $0xB  }
0x53: {  	v32 =	vld [tilespmem:s15+$0x800]  }
0x54: {  	v33 =	vld [tilespmem:s15+$0x4800]  }
0x55: {  	v34 =	vld [tilespmem:s15+$0x810]  }
0x56: {  	v35 =	vld [tilespmem:s15+$0x4810]  }
0x57: {  	v36 =	vld [tilespmem:s15+$0x820]  }
0x58: {  	v37 =	vld [tilespmem:s15+$0x4820]  }
0x59: {  	v38 =	vld [tilespmem:s15+$0x830]  }
0x5a: {  	v39 =	vld [tilespmem:s15+$0x4830]  }
0x5b: {  	v56 =	vld [tilespmem:s15+$0x840];
	v32 =	vmul.f32 v33, v32;
	v55 =	vmul.f32 v35, v34  }
0x5c: {  	v57 =	vld [tilespmem:s15+$0x4840]  }
0x5d: {  	v59 =	vld [tilespmem:s15+$0x850];
	v58 =	vmul.f32 v37, v36;
	v32 =	vadd.f32 v55, v32  }
0x5e: {  	v60 =	vld [tilespmem:s15+$0x4850]  }
0x5f: {  	v62 =	vld [tilespmem:s15+$0x860];
	v61 =	vmul.f32 v39, v38;
	v32 =	vadd.f32 v58, v32  }
0x60: {  	v63 =	vld [tilespmem:s15+$0x4860]  }
0x61: {  	v43 =	vld [tilespmem:s15+$0x870];
	v42 =	vmul.f32 v57, v56;
	v32 =	vadd.f32 v61, v32  }
0x62: {  	v44 =	vld [tilespmem:s15+$0x4870]  }
0x63: {  	v45 =	vmul.f32 v60, v59;
	v32 =	vadd.f32 v42, v32;
	_ =	sdelay $0x1  }
0x64: {  	v46 =	vmul.f32 v63, v62;
	v32 =	vadd.f32 v45, v32;
	_ =	sdelay $0x1  }
0x65: {  	v47 =	vmul.f32 v44, v43;
	v32 =	vadd.f32 v46, v32;
	_ =	sdelay $0x1  }
0x66: {  	v32 =	vadd.f32 v47, v32;
	_ =	sdelay $0x1  }
0x67: {  	[tilespmem:v0+s28+$0x0] =	vst.idx.msk $0xffff, v32  }
0x68: {  	v32 =	vld [tilespmem:s15+$0x880]  }
0x69: {  	v48 =	vld [tilespmem:s15+$0x4880]  }
0x6a: {  	v49 =	vld [tilespmem:s15+$0x890]  }
0x6b: {  	v50 =	vld [tilespmem:s15+$0x4890]  }
0x6c: {  	v51 =	vld [tilespmem:s15+$0x8A0]  }
0x6d: {  	v52 =	vld [tilespmem:s15+$0x48A0]  }
0x6e: {  	v53 =	vld [tilespmem:s15+$0x8B0]  }
0x6f: {  	v54 =	vld [tilespmem:s15+$0x48B0]  }
0x70: {  	v56 =	vld [tilespmem:s15+$0x8C0];
	v32 =	vmul.f32 v48, v32;
	v55 =	vmul.f32 v50, v49  }
0x71: {  	v57 =	vld [tilespmem:s15+$0x48C0]  }
0x72: {  	v59 =	vld [tilespmem:s15+$0x8D0];
	v58 =	vmul.f32 v52, v51;
	v32 =	vadd.f32 v55, v32  }
0x73: {  	v60 =	vld [tilespmem:s15+$0x48D0]  }
0x74: {  	v62 =	vld [tilespmem:s15+$0x8E0];
	v61 =	vmul.f32 v54, v53;
	v32 =	vadd.f32 v58, v32  }
0x75: {  	v63 =	vld [tilespmem:s15+$0x48E0]  }
0x76: {  	v43 =	vld [tilespmem:s15+$0x8F0];
	v42 =	vmul.f32 v57, v56;
	v32 =	vadd.f32 v61, v32  }
0x77: {  	v44 =	vld [tilespmem:s15+$0x48F0]  }
0x78: {  	v45 =	vmul.f32 v60, v59;
	v32 =	vadd.f32 v42, v32;
	_ =	sdelay $0x1  }
0x79: {  	v46 =	vmul.f32 v63, v62;
	v32 =	vadd.f32 v45, v32;
	_ =	sdelay $0x1  }
0x7a: {  	v47 =	vmul.f32 v44, v43;
	v32 =	vadd.f32 v46, v32;
	_ =	sdelay $0x1  }
0x7b: {  	v32 =	vadd.f32 v47, v32;
	_ =	sdelay $0x1  }
0x7c: {  	[tilespmem:v2+s28+$0x0] =	vst.idx.msk $0xffff, v32  }
0x7d: {  	v32 =	vld [tilespmem:s15+$0x900]  }
0x7e: {  	v48 =	vld [tilespmem:s15+$0x4900]  }
0x7f: {  	v49 =	vld [tilespmem:s15+$0x910]  }
0x80: {  	v50 =	vld [tilespmem:s15+$0x4910]  }
0x81: {  	v51 =	vld [tilespmem:s15+$0x920]  }
0x82: {  	v52 =	vld [tilespmem:s15+$0x4920]  }
0x83: {  	v53 =	vld [tilespmem:s15+$0x930]  }
0x84: {  	v54 =	vld [tilespmem:s15+$0x4930]  }
0x85: {  	v56 =	vld [tilespmem:s15+$0x940];
	v32 =	vmul.f32 v48, v32;
	v55 =	vmul.f32 v50, v49  }
0x86: {  	v57 =	vld [tilespmem:s15+$0x4940]  }
0x87: {  	v59 =	vld [tilespmem:s15+$0x950];
	v58 =	vmul.f32 v52, v51;
	v32 =	vadd.f32 v55, v32  }
0x88: {  	v60 =	vld [tilespmem:s15+$0x4950]  }
0x89: {  	v62 =	vld [tilespmem:s15+$0x960];
	v61 =	vmul.f32 v54, v53;
	v32 =	vadd.f32 v58, v32  }
0x8a: {  	v63 =	vld [tilespmem:s15+$0x4960]  }
0x8b: {  	v43 =	vld [tilespmem:s15+$0x970];
	v42 =	vmul.f32 v57, v56;
	v32 =	vadd.f32 v61, v32  }
0x8c: {  	v44 =	vld [tilespmem:s15+$0x4970]  }
0x8d: {  	v45 =	vmul.f32 v60, v59;
	v32 =	vadd.f32 v42, v32;
	_ =	sdelay $0x1  }
0x8e: {  	v46 =	vmul.f32 v63, v62;
	v32 =	vadd.f32 v45, v32;
	_ =	sdelay $0x1  }
0x8f: {  	v47 =	vmul.f32 v44, v43;
	v32 =	vadd.f32 v46, v32;
	_ =	sdelay $0x1  }
0x90: {  	v32 =	vadd.f32 v47, v32;
	_ =	sdelay $0x1  }
0x91: {  	[tilespmem:v3+s28+$0x0] =	vst.idx.msk $0xffff, v32  }
0x92: {  	v32 =	vld [tilespmem:s15+$0x980]  }
0x93: {  	v48 =	vld [tilespmem:s15+$0x4980]  }
0x94: {  	v49 =	vld [tilespmem:s15+$0x990]  }
0x95: {  	v50 =	vld [tilespmem:s15+$0x4990]  }
0x96: {  	v51 =	vld [tilespmem:s15+$0x9A0]  }
0x97: {  	v52 =	vld [tilespmem:s15+$0x49A0]  }
0x98: {  	v53 =	vld [tilespmem:s15+$0x9B0]  }
0x99: {  	v54 =	vld [tilespmem:s15+$0x49B0]  }
0x9a: {  	v56 =	vld [tilespmem:s15+$0x9C0];
	v32 =	vmul.f32 v48, v32;
	v55 =	vmul.f32 v50, v49  }
0x9b: {  	v57 =	vld [tilespmem:s15+$0x49C0]  }
0x9c: {  	v59 =	vld [tilespmem:s15+$0x9D0];
	v58 =	vmul.f32 v52, v51;
	v32 =	vadd.f32 v55, v32  }
0x9d: {  	v60 =	vld [tilespmem:s15+$0x49D0]  }
0x9e: {  	v62 =	vld [tilespmem:s15+$0x9E0];
	v61 =	vmul.f32 v54, v53;
	v32 =	vadd.f32 v58, v32  }
0x9f: {  	v63 =	vld [tilespmem:s15+$0x49E0]  }
0xa0: {  	v43 =	vld [tilespmem:s15+$0x9F0];
	v42 =	vmul.f32 v57, v56;
	v32 =	vadd.f32 v61, v32  }
0xa1: {  	v44 =	vld [tilespmem:s15+$0x49F0]  }
0xa2: {  	v45 =	vmul.f32 v60, v59;
	v32 =	vadd.f32 v42, v32;
	_ =	sdelay $0x1  }
0xa3: {  	v46 =	vmul.f32 v63, v62;
	v32 =	vadd.f32 v45, v32;
	_ =	sdelay $0x1  }
0xa4: {  	v47 =	vmul.f32 v44, v43;
	v32 =	vadd.f32 v46, v32;
	_ =	sdelay $0x1  }
0xa5: {  	v32 =	vadd.f32 v47, v32;
	_ =	sdelay $0x1  }
0xa6: {  	[tilespmem:v4+s28+$0x0] =	vst.idx.msk $0xffff, v32  }
0xa7: {  	v32 =	vld [tilespmem:s15+$0xA00]  }
0xa8: {  	v48 =	vld [tilespmem:s15+$0x4A00]  }
0xa9: {  	v49 =	vld [tilespmem:s15+$0xA10]  }
0xaa: {  	v50 =	vld [tilespmem:s15+$0x4A10]  }
0xab: {  	v51 =	vld [tilespmem:s15+$0xA20]  }
0xac: {  	v52 =	vld [tilespmem:s15+$0x4A20]  }
0xad: {  	v53 =	vld [tilespmem:s15+$0xA30]  }
0xae: {  	v54 =	vld [tilespmem:s15+$0x4A30]  }
0xaf: {  	v56 =	vld [tilespmem:s15+$0xA40];
	v32 =	vmul.f32 v48, v32;
	v55 =	vmul.f32 v50, v49  }
0xb0: {  	v57 =	vld [tilespmem:s15+$0x4A40]  }
0xb1: {  	v59 =	vld [tilespmem:s15+$0xA50];
	v58 =	vmul.f32 v52, v51;
	v32 =	vadd.f32 v55, v32  }
0xb2: {  	v60 =	vld [tilespmem:s15+$0x4A50]  }
0xb3: {  	v62 =	vld [tilespmem:s15+$0xA60];
	v61 =	vmul.f32 v54, v53;
	v32 =	vadd.f32 v58, v32  }
0xb4: {  	v63 =	vld [tilespmem:s15+$0x4A60]  }
0xb5: {  	v43 =	vld [tilespmem:s15+$0xA70];
	v42 =	vmul.f32 v57, v56;
	v32 =	vadd.f32 v61, v32  }
0xb6: {  	v44 =	vld [tilespmem:s15+$0x4A70]  }
0xb7: {  	v45 =	vmul.f32 v60, v59;
	v32 =	vadd.f32 v42, v32;
	_ =	sdelay $0x1  }
0xb8: {  	v46 =	vmul.f32 v63, v62;
	v32 =	vadd.f32 v45, v32;
	_ =	sdelay $0x1  }
0xb9: {  	v47 =	vmul.f32 v44, v43;
	v32 =	vadd.f32 v46, v32;
	_ =	sdelay $0x1  }
0xba: {  	v32 =	vadd.f32 v47, v32;
	_ =	sdelay $0x1  }
0xbb: {  	[tilespmem:v5+s28+$0x0] =	vst.idx.msk $0xffff, v32  }
0xbc: {  	v32 =	vld [tilespmem:s15+$0xA80]  }
0xbd: {  	v48 =	vld [tilespmem:s15+$0x4A80]  }
0xbe: {  	v49 =	vld [tilespmem:s15+$0xA90]  }
0xbf: {  	v50 =	vld [tilespmem:s15+$0x4A90]  }
0xc0: {  	v51 =	vld [tilespmem:s15+$0xAA0]  }
0xc1: {  	v52 =	vld [tilespmem:s15+$0x4AA0]  }
0xc2: {  	v53 =	vld [tilespmem:s15+$0xAB0]  }
0xc3: {  	v54 =	vld [tilespmem:s15+$0x4AB0]  }
0xc4: {  	v56 =	vld [tilespmem:s15+$0xAC0];
	v32 =	vmul.f32 v48, v32;
	v55 =	vmul.f32 v50, v49  }
0xc5: {  	v57 =	vld [tilespmem:s15+$0x4AC0]  }
0xc6: {  	v59 =	vld [tilespmem:s15+$0xAD0];
	v58 =	vmul.f32 v52, v51;
	v32 =	vadd.f32 v55, v32  }
0xc7: {  	v60 =	vld [tilespmem:s15+$0x4AD0]  }
0xc8: {  	v62 =	vld [tilespmem:s15+$0xAE0];
	v61 =	vmul.f32 v54, v53;
	v32 =	vadd.f32 v58, v32  }
0xc9: {  	v63 =	vld [tilespmem:s15+$0x4AE0]  }
0xca: {  	v43 =	vld [tilespmem:s15+$0xAF0];
	v42 =	vmul.f32 v57, v56;
	v32 =	vadd.f32 v61, v32  }
0xcb: {  	v44 =	vld [tilespmem:s15+$0x4AF0]  }
0xcc: {  	v45 =	vmul.f32 v60, v59;
	v32 =	vadd.f32 v42, v32;
	_ =	sdelay $0x1  }
0xcd: {  	v46 =	vmul.f32 v63, v62;
	v32 =	vadd.f32 v45, v32;
	_ =	sdelay $0x1  }
0xce: {  	v47 =	vmul.f32 v44, v43;
	v32 =	vadd.f32 v46, v32;
	_ =	sdelay $0x1  }
0xcf: {  	v32 =	vadd.f32 v47, v32;
	_ =	sdelay $0x1  }
0xd0: {  	[tilespmem:v6+s28+$0x0] =	vst.idx.msk $0xffff, v32  }
0xd1: {  	v32 =	vld [tilespmem:s15+$0xB00]  }
0xd2: {  	v48 =	vld [tilespmem:s15+$0x4B00]  }
0xd3: {  	v49 =	vld [tilespmem:s15+$0xB10]  }
0xd4: {  	v50 =	vld [tilespmem:s15+$0x4B10]  }
0xd5: {  	v51 =	vld [tilespmem:s15+$0xB20]  }
0xd6: {  	v52 =	vld [tilespmem:s15+$0x4B20]  }
0xd7: {  	v53 =	vld [tilespmem:s15+$0xB30]  }
0xd8: {  	v54 =	vld [tilespmem:s15+$0x4B30]  }
0xd9: {  	v56 =	vld [tilespmem:s15+$0xB40];
	v32 =	vmul.f32 v48, v32;
	v55 =	vmul.f32 v50, v49  }
0xda: {  	v57 =	vld [tilespmem:s15+$0x4B40]  }
0xdb: {  	v59 =	vld [tilespmem:s15+$0xB50];
	v58 =	vmul.f32 v52, v51;
	v32 =	vadd.f32 v55, v32  }
0xdc: {  	v60 =	vld [tilespmem:s15+$0x4B50]  }
0xdd: {  	v62 =	vld [tilespmem:s15+$0xB60];
	v61 =	vmul.f32 v54, v53;
	v32 =	vadd.f32 v58, v32  }
0xde: {  	v63 =	vld [tilespmem:s15+$0x4B60]  }
0xdf: {  	v43 =	vld [tilespmem:s15+$0xB70];
	v42 =	vmul.f32 v57, v56;
	v32 =	vadd.f32 v61, v32  }
0xe0: {  	v44 =	vld [tilespmem:s15+$0x4B70]  }
0xe1: {  	v45 =	vmul.f32 v60, v59;
	v32 =	vadd.f32 v42, v32;
	_ =	sdelay $0x1  }
0xe2: {  	v46 =	vmul.f32 v63, v62;
	v32 =	vadd.f32 v45, v32;
	_ =	sdelay $0x1  }
0xe3: {  	v47 =	vmul.f32 v44, v43;
	v32 =	vadd.f32 v46, v32;
	_ =	sdelay $0x1  }
0xe4: {  	v32 =	vadd.f32 v47, v32;
	_ =	sdelay $0x1  }
0xe5: {  	[tilespmem:v7+s28+$0x0] =	vst.idx.msk $0xffff, v32  }
0xe6: {  	v32 =	vld [tilespmem:s15+$0xB80]  }
0xe7: {  	v48 =	vld [tilespmem:s15+$0x4B80]  }
0xe8: {  	v49 =	vld [tilespmem:s15+$0xB90]  }
0xe9: {  	v50 =	vld [tilespmem:s15+$0x4B90]  }
0xea: {  	v51 =	vld [tilespmem:s15+$0xBA0]  }
0xeb: {  	v52 =	vld [tilespmem:s15+$0x4BA0]  }
0xec: {  	v53 =	vld [tilespmem:s15+$0xBB0]  }
0xed: {  	v54 =	vld [tilespmem:s15+$0x4BB0]  }
0xee: {  	v56 =	vld [tilespmem:s15+$0xBC0];
	v32 =	vmul.f32 v48, v32;
	v55 =	vmul.f32 v50, v49  }
0xef: {  	v57 =	vld [tilespmem:s15+$0x4BC0]  }
0xf0: {  	v59 =	vld [tilespmem:s15+$0xBD0];
	v58 =	vmul.f32 v52, v51;
	v32 =	vadd.f32 v55, v32  }
0xf1: {  	v60 =	vld [tilespmem:s15+$0x4BD0]  }
0xf2: {  	v62 =	vld [tilespmem:s15+$0xBE0];
	v61 =	vmul.f32 v54, v53;
	v32 =	vadd.f32 v58, v32  }
0xf3: {  	v63 =	vld [tilespmem:s15+$0x4BE0]  }
0xf4: {  	v43 =	vld [tilespmem:s15+$0xBF0];
	v42 =	vmul.f32 v57, v56;
	v32 =	vadd.f32 v61, v32  }
0xf5: {  	v44 =	vld [tilespmem:s15+$0x4BF0]  }
0xf6: {  	v45 =	vmul.f32 v60, v59;
	v32 =	vadd.f32 v42, v32;
	_ =	sdelay $0x1  }
0xf7: {  	v46 =	vmul.f32 v63, v62;
	v32 =	vadd.f32 v45, v32;
	_ =	sdelay $0x1  }
0xf8: {  	v47 =	vmul.f32 v44, v43;
	v32 =	vadd.f32 v46, v32;
	_ =	sdelay $0x1  }
0xf9: {  	v32 =	vadd.f32 v47, v32;
	_ =	sdelay $0x1  }
0xfa: {  	[tilespmem:v8+s28+$0x0] =	vst.idx.msk $0xffff, v32  }
0xfb: {  	v32 =	vld [tilespmem:s15+$0xC00]  }
0xfc: {  	v48 =	vld [tilespmem:s15+$0x4C00]  }
0xfd: {  	v49 =	vld [tilespmem:s15+$0xC10]  }
0xfe: {  	v50 =	vld [tilespmem:s15+$0x4C10]  }
0xff: {  	v51 =	vld [tilespmem:s15+$0xC20]  }
0x100: {  	v52 =	vld [tilespmem:s15+$0x4C20]  }
0x101: {  	v53 =	vld [tilespmem:s15+$0xC30]  }
0x102: {  	v54 =	vld [tilespmem:s15+$0x4C30]  }
0x103: {  	v56 =	vld [tilespmem:s15+$0xC40];
	v32 =	vmul.f32 v48, v32;
	v55 =	vmul.f32 v50, v49  }
0x104: {  	v57 =	vld [tilespmem:s15+$0x4C40]  }
0x105: {  	v59 =	vld [tilespmem:s15+$0xC50];
	v58 =	vmul.f32 v52, v51;
	v32 =	vadd.f32 v55, v32  }
0x106: {  	v60 =	vld [tilespmem:s15+$0x4C50]  }
0x107: {  	v62 =	vld [tilespmem:s15+$0xC60];
	v61 =	vmul.f32 v54, v53;
	v32 =	vadd.f32 v58, v32  }
0x108: {  	v63 =	vld [tilespmem:s15+$0x4C60]  }
0x109: {  	v43 =	vld [tilespmem:s15+$0xC70];
	v42 =	vmul.f32 v57, v56;
	v32 =	vadd.f32 v61, v32  }
0x10a: {  	v44 =	vld [tilespmem:s15+$0x4C70]  }
0x10b: {  	v45 =	vmul.f32 v60, v59;
	v32 =	vadd.f32 v42, v32;
	_ =	sdelay $0x1  }
0x10c: {  	v46 =	vmul.f32 v63, v62;
	v32 =	vadd.f32 v45, v32;
	_ =	sdelay $0x1  }
0x10d: {  	v47 =	vmul.f32 v44, v43;
	v32 =	vadd.f32 v46, v32;
	_ =	sdelay $0x1  }
0x10e: {  	v32 =	vadd.f32 v47, v32;
	_ =	sdelay $0x1  }
0x10f: {  	[tilespmem:v9+s28+$0x0] =	vst.idx.msk $0xffff, v32  }
0x110: {  	v32 =	vld [tilespmem:s15+$0xC80]  }
0x111: {  	v48 =	vld [tilespmem:s15+$0x4C80]  }
0x112: {  	v49 =	vld [tilespmem:s15+$0xC90]  }
0x113: {  	v50 =	vld [tilespmem:s15+$0x4C90]  }
0x114: {  	v51 =	vld [tilespmem:s15+$0xCA0]  }
0x115: {  	v52 =	vld [tilespmem:s15+$0x4CA0]  }
0x116: {  	v53 =	vld [tilespmem:s15+$0xCB0]  }
0x117: {  	v54 =	vld [tilespmem:s15+$0x4CB0]  }
0x118: {  	v56 =	vld [tilespmem:s15+$0xCC0];
	v32 =	vmul.f32 v48, v32;
	v55 =	vmul.f32 v50, v49  }
0x119: {  	v57 =	vld [tilespmem:s15+$0x4CC0]  }
0x11a: {  	v59 =	vld [tilespmem:s15+$0xCD0];
	v58 =	vmul.f32 v52, v51;
	v32 =	vadd.f32 v55, v32  }
0x11b: {  	v60 =	vld [tilespmem:s15+$0x4CD0]  }
0x11c: {  	v62 =	vld [tilespmem:s15+$0xCE0];
	v61 =	vmul.f32 v54, v53;
	v32 =	vadd.f32 v58, v32  }
0x11d: {  	v63 =	vld [tilespmem:s15+$0x4CE0]  }
0x11e: {  	v43 =	vld [tilespmem:s15+$0xCF0];
	v42 =	vmul.f32 v57, v56;
	v32 =	vadd.f32 v61, v32  }
0x11f: {  	v44 =	vld [tilespmem:s15+$0x4CF0]  }
0x120: {  	v45 =	vmul.f32 v60, v59;
	v32 =	vadd.f32 v42, v32;
	_ =	sdelay $0x1  }
0x121: {  	v46 =	vmul.f32 v63, v62;
	v32 =	vadd.f32 v45, v32;
	_ =	sdelay $0x1  }
0x122: {  	v47 =	vmul.f32 v44, v43;
	v32 =	vadd.f32 v46, v32;
	_ =	sdelay $0x1  }
0x123: {  	v32 =	vadd.f32 v47, v32;
	_ =	sdelay $0x1  }
0x124: {  	[tilespmem:v10+s28+$0x0] =	vst.idx.msk $0xffff, v32  }
0x125: {  	v32 =	vld [tilespmem:s15+$0xD00]  }
0x126: {  	v48 =	vld [tilespmem:s15+$0x4D00]  }
0x127: {  	v49 =	vld [tilespmem:s15+$0xD10]  }
0x128: {  	v50 =	vld [tilespmem:s15+$0x4D10]  }
0x129: {  	v51 =	vld [tilespmem:s15+$0xD20]  }
0x12a: {  	v52 =	vld [tilespmem:s15+$0x4D20]  }
0x12b: {  	v53 =	vld [tilespmem:s15+$0xD30]  }
0x12c: {  	v54 =	vld [tilespmem:s15+$0x4D30]  }
0x12d: {  	v56 =	vld [tilespmem:s15+$0xD40];
	v32 =	vmul.f32 v48, v32;
	v55 =	vmul.f32 v50, v49  }
0x12e: {  	v57 =	vld [tilespmem:s15+$0x4D40]  }
0x12f: {  	v59 =	vld [tilespmem:s15+$0xD50];
	v58 =	vmul.f32 v52, v51;
	v32 =	vadd.f32 v55, v32  }
0x130: {  	v60 =	vld [tilespmem:s15+$0x4D50]  }
0x131: {  	v62 =	vld [tilespmem:s15+$0xD60];
	v61 =	vmul.f32 v54, v53;
	v32 =	vadd.f32 v58, v32  }
0x132: {  	v63 =	vld [tilespmem:s15+$0x4D60]  }
0x133: {  	v43 =	vld [tilespmem:s15+$0xD70];
	v42 =	vmul.f32 v57, v56;
	v32 =	vadd.f32 v61, v32  }
0x134: {  	v44 =	vld [tilespmem:s15+$0x4D70]  }
0x135: {  	v45 =	vmul.f32 v60, v59;
	v32 =	vadd.f32 v42, v32;
	_ =	sdelay $0x1  }
0x136: {  	v46 =	vmul.f32 v63, v62;
	v32 =	vadd.f32 v45, v32;
	_ =	sdelay $0x1  }
0x137: {  	v47 =	vmul.f32 v44, v43;
	v32 =	vadd.f32 v46, v32;
	_ =	sdelay $0x1  }
0x138: {  	v32 =	vadd.f32 v47, v32;
	_ =	sdelay $0x1  }
0x139: {  	[tilespmem:v11+s28+$0x0] =	vst.idx.msk $0xffff, v32  }
0x13a: {  	v32 =	vld [tilespmem:s15+$0xD80]  }
0x13b: {  	v48 =	vld [tilespmem:s15+$0x4D80]  }
0x13c: {  	v49 =	vld [tilespmem:s15+$0xD90]  }
0x13d: {  	v50 =	vld [tilespmem:s15+$0x4D90]  }
0x13e: {  	v51 =	vld [tilespmem:s15+$0xDA0]  }
0x13f: {  	v52 =	vld [tilespmem:s15+$0x4DA0]  }
0x140: {  	v53 =	vld [tilespmem:s15+$0xDB0]  }
0x141: {  	v54 =	vld [tilespmem:s15+$0x4DB0]  }
0x142: {  	v56 =	vld [tilespmem:s15+$0xDC0];
	v32 =	vmul.f32 v48, v32;
	v55 =	vmul.f32 v50, v49  }
0x143: {  	v57 =	vld [tilespmem:s15+$0x4DC0]  }
0x144: {  	v59 =	vld [tilespmem:s15+$0xDD0];
	v58 =	vmul.f32 v52, v51;
	v32 =	vadd.f32 v55, v32  }
0x145: {  	v60 =	vld [tilespmem:s15+$0x4DD0]  }
0x146: {  	v62 =	vld [tilespmem:s15+$0xDE0];
	v61 =	vmul.f32 v54, v53;
	v32 =	vadd.f32 v58, v32  }
0x147: {  	v63 =	vld [tilespmem:s15+$0x4DE0]  }
0x148: {  	v43 =	vld [tilespmem:s15+$0xDF0];
	v42 =	vmul.f32 v57, v56;
	v32 =	vadd.f32 v61, v32  }
0x149: {  	v44 =	vld [tilespmem:s15+$0x4DF0]  }
0x14a: {  	v45 =	vmul.f32 v60, v59;
	v32 =	vadd.f32 v42, v32;
	_ =	sdelay $0x1  }
0x14b: {  	v46 =	vmul.f32 v63, v62;
	v32 =	vadd.f32 v45, v32;
	_ =	sdelay $0x1  }
0x14c: {  	v47 =	vmul.f32 v44, v43;
	v32 =	vadd.f32 v46, v32;
	_ =	sdelay $0x1  }
0x14d: {  	v32 =	vadd.f32 v47, v32;
	_ =	sdelay $0x1  }
0x14e: {  	[tilespmem:v12+s28+$0x0] =	vst.idx.msk $0xffff, v32  }
0x14f: {  	v32 =	vld [tilespmem:s15+$0xE00]  }
0x150: {  	v48 =	vld [tilespmem:s15+$0x4E00]  }
0x151: {  	v49 =	vld [tilespmem:s15+$0xE10]  }
0x152: {  	v50 =	vld [tilespmem:s15+$0x4E10]  }
0x153: {  	v51 =	vld [tilespmem:s15+$0xE20]  }
0x154: {  	v52 =	vld [tilespmem:s15+$0x4E20]  }
0x155: {  	v53 =	vld [tilespmem:s15+$0xE30]  }
0x156: {  	v54 =	vld [tilespmem:s15+$0x4E30]  }
0x157: {  	v56 =	vld [tilespmem:s15+$0xE40];
	v32 =	vmul.f32 v48, v32;
	v55 =	vmul.f32 v50, v49  }
0x158: {  	v57 =	vld [tilespmem:s15+$0x4E40]  }
0x159: {  	v59 =	vld [tilespmem:s15+$0xE50];
	v58 =	vmul.f32 v52, v51;
	v32 =	vadd.f32 v55, v32  }
0x15a: {  	v60 =	vld [tilespmem:s15+$0x4E50]  }
0x15b: {  	v62 =	vld [tilespmem:s15+$0xE60];
	v61 =	vmul.f32 v54, v53;
	v32 =	vadd.f32 v58, v32  }
0x15c: {  	v63 =	vld [tilespmem:s15+$0x4E60]  }
0x15d: {  	v43 =	vld [tilespmem:s15+$0xE70];
	v42 =	vmul.f32 v57, v56;
	v32 =	vadd.f32 v61, v32  }
0x15e: {  	v44 =	vld [tilespmem:s15+$0x4E70]  }
0x15f: {  	v45 =	vmul.f32 v60, v59;
	v32 =	vadd.f32 v42, v32;
	_ =	sdelay $0x1  }
0x160: {  	v46 =	vmul.f32 v63, v62;
	v32 =	vadd.f32 v45, v32;
	_ =	sdelay $0x1  }
0x161: {  	v47 =	vmul.f32 v44, v43;
	v32 =	vadd.f32 v46, v32;
	_ =	sdelay $0x1  }
0x162: {  	v32 =	vadd.f32 v47, v32;
	_ =	sdelay $0x1  }
0x163: {  	[tilespmem:v13+s28+$0x0] =	vst.idx.msk $0xffff, v32  }
0x164: {  	v32 =	vld [tilespmem:s15+$0xE80]  }
0x165: {  	v48 =	vld [tilespmem:s15+$0x4E80]  }
0x166: {  	v49 =	vld [tilespmem:s15+$0xE90]  }
0x167: {  	v50 =	vld [tilespmem:s15+$0x4E90]  }
0x168: {  	v51 =	vld [tilespmem:s15+$0xEA0]  }
0x169: {  	v52 =	vld [tilespmem:s15+$0x4EA0]  }
0x16a: {  	v53 =	vld [tilespmem:s15+$0xEB0]  }
0x16b: {  	v54 =	vld [tilespmem:s15+$0x4EB0]  }
0x16c: {  	v56 =	vld [tilespmem:s15+$0xEC0];
	v32 =	vmul.f32 v48, v32;
	v55 =	vmul.f32 v50, v49  }
0x16d: {  	v57 =	vld [tilespmem:s15+$0x4EC0]  }
0x16e: {  	v59 =	vld [tilespmem:s15+$0xED0];
	v58 =	vmul.f32 v52, v51;
	v32 =	vadd.f32 v55, v32  }
0x16f: {  	v60 =	vld [tilespmem:s15+$0x4ED0]  }
0x170: {  	v62 =	vld [tilespmem:s15+$0xEE0];
	v61 =	vmul.f32 v54, v53;
	v32 =	vadd.f32 v58, v32  }
0x171: {  	v63 =	vld [tilespmem:s15+$0x4EE0]  }
0x172: {  	v42 =	vld [tilespmem:s15+$0xEF0];
	v41 =	vmul.f32 v57, v56;
	v32 =	vadd.f32 v61, v32  }
0x173: {  	v43 =	vld [tilespmem:s15+$0x4EF0]  }
0x174: {  	v44 =	vmul.f32 v60, v59;
	v32 =	vadd.f32 v41, v32;
	_ =	sdelay $0x1  }
0x175: {  	v45 =	vmul.f32 v63, v62;
	v32 =	vadd.f32 v44, v32;
	_ =	sdelay $0x1  }
0x176: {  	v46 =	vmul.f32 v43, v42;
	v32 =	vadd.f32 v45, v32;
	_ =	sdelay $0x1  }
0x177: {  	v32 =	vadd.f32 v46, v32;
	_ =	sdelay $0x1  }
0x178: {  	[tilespmem:v14+s28+$0x0] =	vst.idx.msk $0xffff, v32  }
0x179: {  	v32 =	vld [tilespmem:s15+$0xF00]  }
0x17a: {  	v47 =	vld [tilespmem:s15+$0x4F00]  }
0x17b: {  	v48 =	vld [tilespmem:s15+$0xF10]  }
0x17c: {  	v49 =	vld [tilespmem:s15+$0x4F10]  }
0x17d: {  	v50 =	vld [tilespmem:s15+$0xF20]  }
0x17e: {  	v51 =	vld [tilespmem:s15+$0x4F20]  }
0x17f: {  	v52 =	vld [tilespmem:s15+$0xF30]  }
0x180: {  	v53 =	vld [tilespmem:s15+$0x4F30]  }
0x181: {  	v55 =	vld [tilespmem:s15+$0xF40];
	v32 =	vmul.f32 v47, v32;
	v54 =	vmul.f32 v49, v48  }
0x182: {  	v56 =	vld [tilespmem:s15+$0x4F40]  }
0x183: {  	v58 =	vld [tilespmem:s15+$0xF50];
	v57 =	vmul.f32 v51, v50;
	v32 =	vadd.f32 v54, v32  }
0x184: {  	v59 =	vld [tilespmem:s15+$0x4F50]  }
0x185: {  	v61 =	vld [tilespmem:s15+$0xF60];
	v60 =	vmul.f32 v53, v52;
	v32 =	vadd.f32 v57, v32  }
0x186: {  	v62 =	vld [tilespmem:s15+$0x4F60]  }
0x187: {  	v40 =	vld [tilespmem:s15+$0xF70];
	v63 =	vmul.f32 v56, v55;
	v32 =	vadd.f32 v60, v32  }
0x188: {  	v41 =	vld [tilespmem:s15+$0x4F70]  }
0x189: {  	v42 =	vmul.f32 v59, v58;
	v32 =	vadd.f32 v63, v32;
	_ =	sdelay $0x1  }
0x18a: {  	v43 =	vmul.f32 v62, v61;
	v32 =	vadd.f32 v42, v32;
	_ =	sdelay $0x1  }
0x18b: {  	v44 =	vmul.f32 v41, v40;
	v32 =	vadd.f32 v43, v32;
	_ =	sdelay $0x1  }
0x18c: {  	v32 =	vadd.f32 v44, v32;
	_ =	sdelay $0x1  }
0x18d: {  	[tilespmem:v15+s28+$0x0] =	vst.idx.msk $0xffff, v32  }
0x18e: {  	v32 =	vld [tilespmem:s15+$0xF80]  }
0x18f: {  	v45 =	vld [tilespmem:s15+$0x4F80]  }
0x190: {  	v46 =	vld [tilespmem:s15+$0xF90]  }
0x191: {  	v47 =	vld [tilespmem:s15+$0x4F90]  }
0x192: {  	v48 =	vld [tilespmem:s15+$0xFA0]  }
0x193: {  	v49 =	vld [tilespmem:s15+$0x4FA0]  }
0x194: {  	v50 =	vld [tilespmem:s15+$0xFB0]  }
0x195: {  	v51 =	vld [tilespmem:s15+$0x4FB0]  }
0x196: {  	v53 =	vld [tilespmem:s15+$0xFC0];
	v32 =	vmul.f32 v45, v32;
	v52 =	vmul.f32 v47, v46  }
0x197: {  	v54 =	vld [tilespmem:s15+$0x4FC0]  }
0x198: {  	v56 =	vld [tilespmem:s15+$0xFD0];
	v55 =	vmul.f32 v49, v48;
	v32 =	vadd.f32 v52, v32  }
0x199: {  	v57 =	vld [tilespmem:s15+$0x4FD0]  }
0x19a: {  	v59 =	vld [tilespmem:s15+$0xFE0];
	v58 =	vmul.f32 v51, v50;
	v32 =	vadd.f32 v55, v32  }
0x19b: {  	v60 =	vld [tilespmem:s15+$0x4FE0]  }
0x19c: {  	v62 =	vld [tilespmem:s15+$0xFF0];
	v61 =	vmul.f32 v54, v53;
	v32 =	vadd.f32 v58, v32  }
0x19d: {  	v63 =	vld [tilespmem:s15+$0x4FF0]  }
0x19e: {  	v37 =	vmul.f32 v57, v56;
	v32 =	vadd.f32 v61, v32;
	_ =	sdelay $0x1  }
0x19f: {  	v38 =	vmul.f32 v60, v59;
	v32 =	vadd.f32 v37, v32;
	_ =	sdelay $0x1  }
0x1a0: {  	v39 =	vmul.f32 v63, v62;
	v32 =	vadd.f32 v38, v32;
	_ =	sdelay $0x1  }
0x1a1: {  	v32 =	vadd.f32 v39, v32;
	_ =	sdelay $0x1  }
0x1a2: {  	[tilespmem:v16+s28+$0x0] =	vst.idx.msk $0xffff, v32  }
0x1a3: {  	v32 =	vld [tilespmem:$0x8800]  }
0x1a4: {  	v40 =	vld [tilespmem:$0x8880];
	_ =	sdelay $0x1  }
0x1a5: {  	v41 =	vld [tilespmem:$0x8900];
	_ =	sdelay $0x1  }
0x1a6: {  	v42 =	vld [tilespmem:$0x8980]  }
0x1a7: {  	v32 =	vadd.f32 v40, v32  }
0x1a8: {  	v43 =	vld [tilespmem:$0x8A00]  }
0x1a9: {  	v32 =	vadd.f32 v41, v32  }
0x1aa: {  	v44 =	vld [tilespmem:$0x8A80]  }
0x1ab: {  	v32 =	vadd.f32 v42, v32  }
0x1ac: {  	v45 =	vld [tilespmem:$0x8B00]  }
0x1ad: {  	v32 =	vadd.f32 v43, v32  }
0x1ae: {  	v46 =	vld [tilespmem:$0x8B80]  }
0x1af: {  	v32 =	vadd.f32 v44, v32  }
0x1b0: {  	v47 =	vld [tilespmem:$0x8C00]  }
0x1b1: {  	v32 =	vadd.f32 v45, v32  }
0x1b2: {  	v48 =	vld [tilespmem:$0x8C80]  }
0x1b3: {  	v32 =	vadd.f32 v46, v32  }
0x1b4: {  	v49 =	vld [tilespmem:$0x8D00]  }
0x1b5: {  	v32 =	vadd.f32 v47, v32  }
0x1b6: {  	v50 =	vld [tilespmem:$0x8D80]  }
0x1b7: {  	v32 =	vadd.f32 v48, v32  }
0x1b8: {  	v51 =	vld [tilespmem:$0x8E00]  }
0x1b9: {  	v32 =	vadd.f32 v49, v32  }
0x1ba: {  	v52 =	vld [tilespmem:$0x8E80]  }
0x1bb: {  	v32 =	vadd.f32 v50, v32  }
0x1bc: {  	v53 =	vld [tilespmem:$0x8F00]  }
0x1bd: {  	v32 =	vadd.f32 v51, v32  }
0x1be: {  	v54 =	vld [tilespmem:$0x8F80]  }
0x1bf: {  	v32 =	vadd.f32 v52, v32;
	_ =	sdelay $0x1  }
0x1c0: {  	v32 =	vadd.f32 v53, v32;
	_ =	sdelay $0x1  }
0x1c1: {  	v32 =	vadd.f32 v54, v32;
	_ =	sdelay $0x1  }
0x1c2: {  	v32 =	vsub.f32 $0.0e+00, v32;
	_ =	sdelay $0x1  }
0x1c3: {  	v32 =	vmul.f32 $1.442695020e+00, v32;
	_ =	sdelay $0x1  }
0x1c4: {  	(erf) = vpow2.f32 v32;
	_ =	sdelay $0x8  }
0x1c5: {  	v32 =	vpop (erf)  }
0x1c6: {  	v32 =	vadd.f32 $1.000000000e+00, v32;
	_ =	sdelay $0x1  }
0x1c7: {  	(erf) = vrcp.f32 v32;
	_ =	sdelay $0x8  }
0x1c8: {  	v32 =	vpop (erf)  }
0x1c9: {  	[tilespmem:$0x9000] =	vst v32  }
0x1ca: {  	v32 =	vld.msk [tilespmem:s29+$0x0], $0xffff  }
0x1cb: {  	v55 =	vld [tilespmem:s15+$0x800]  }
0x1cc: {  	v56 =	vld [tilespmem:s15+$0x810]  }
0x1cd: {  	v57 =	vld [tilespmem:s15+$0x820]  }
0x1ce: {  	v58 =	vld [tilespmem:s15+$0x830]  }
0x1cf: {  	v59 =	vld [tilespmem:s15+$0x840]  }
0x1d0: {  	v60 =	vld [tilespmem:s15+$0x850];
	v33 =	vmul.f32 v55, v32  }
0x1d1: {  	v61 =	vld [tilespmem:s15+$0x860];
	v34 =	vmul.f32 v56, v32  }
0x1d2: {  	v63 =	vld [tilespmem:s15+$0x870];
	v62 =	vmul.f32 v57, v32;
	[tilespmem:s15+$0x800] =	vst v33  }
0x1d3: {  	v36 =	vmul.f32 v58, v32;
	[tilespmem:s15+$0x810] =	vst v34  }
0x1d4: {  	v37 =	vmul.f32 v59, v32;
	[tilespmem:s15+$0x820] =	vst v62  }
0x1d5: {  	v40 =	vmul.f32 v60, v32;
	[tilespmem:s15+$0x830] =	vst v36  }
0x1d6: {  	v41 =	vmul.f32 v61, v32;
	[tilespmem:s15+$0x840] =	vst v37  }
0x1d7: {  	v32 =	vmul.f32 v63, v32;
	[tilespmem:s15+$0x850] =	vst v40  }
0x1d8: {  	[tilespmem:s15+$0x860] =	vst v41  }
0x1d9: {  	v42 =	vld [tilespmem:s15+$0x880];
	[tilespmem:s15+$0x870] =	vst v32  }
0x1da: {  	v32 =	vld.idx.msk [tilespmem:v17+s29+$0x0], $0xffff  }
0x1db: {  	v43 =	vld [tilespmem:s15+$0x890]  }
0x1dc: {  	v44 =	vld [tilespmem:s15+$0x8A0]  }
0x1dd: {  	v45 =	vld [tilespmem:s15+$0x8B0]  }
0x1de: {  	v46 =	vld [tilespmem:s15+$0x8C0]  }
0x1df: {  	v47 =	vld [tilespmem:s15+$0x8D0];
	v33 =	vmul.f32 v42, v32  }
0x1e0: {  	v48 =	vld [tilespmem:s15+$0x8E0];
	v34 =	vmul.f32 v43, v32  }
0x1e1: {  	v50 =	vld [tilespmem:s15+$0x8F0];
	v49 =	vmul.f32 v44, v32;
	[tilespmem:s15+$0x880] =	vst v33  }
0x1e2: {  	v51 =	vmul.f32 v45, v32;
	[tilespmem:s15+$0x890] =	vst v34  }
0x1e3: {  	v52 =	vmul.f32 v46, v32;
	[tilespmem:s15+$0x8A0] =	vst v49  }
0x1e4: {  	v53 =	vmul.f32 v47, v32;
	[tilespmem:s15+$0x8B0] =	vst v51  }
0x1e5: {  	v54 =	vmul.f32 v48, v32;
	[tilespmem:s15+$0x8C0] =	vst v52  }
0x1e6: {  	v32 =	vmul.f32 v50, v32;
	[tilespmem:s15+$0x8D0] =	vst v53  }
0x1e7: {  	[tilespmem:s15+$0x8E0] =	vst v54  }
0x1e8: {  	v55 =	vld [tilespmem:s15+$0x900];
	[tilespmem:s15+$0x8F0] =	vst v32  }
0x1e9: {  	v32 =	vld.idx.msk [tilespmem:v18+s29+$0x0], $0xffff  }
0x1ea: {  	v56 =	vld [tilespmem:s15+$0x910]  }
0x1eb: {  	v57 =	vld [tilespmem:s15+$0x920]  }
0x1ec: {  	v58 =	vld [tilespmem:s15+$0x930]  }
0x1ed: {  	v59 =	vld [tilespmem:s15+$0x940]  }
0x1ee: {  	v60 =	vld [tilespmem:s15+$0x950];
	v33 =	vmul.f32 v55, v32  }
0x1ef: {  	v61 =	vld [tilespmem:s15+$0x960];
	v34 =	vmul.f32 v56, v32  }
0x1f0: {  	v63 =	vld [tilespmem:s15+$0x970];
	v62 =	vmul.f32 v57, v32;
	[tilespmem:s15+$0x900] =	vst v33  }
0x1f1: {  	v36 =	vmul.f32 v58, v32;
	[tilespmem:s15+$0x910] =	vst v34  }
0x1f2: {  	v37 =	vmul.f32 v59, v32;
	[tilespmem:s15+$0x920] =	vst v62  }
0x1f3: {  	v40 =	vmul.f32 v60, v32;
	[tilespmem:s15+$0x930] =	vst v36  }
0x1f4: {  	v41 =	vmul.f32 v61, v32;
	[tilespmem:s15+$0x940] =	vst v37  }
0x1f5: {  	v32 =	vmul.f32 v63, v32;
	[tilespmem:s15+$0x950] =	vst v40  }
0x1f6: {  	[tilespmem:s15+$0x960] =	vst v41  }
0x1f7: {  	v42 =	vld [tilespmem:s15+$0x980];
	[tilespmem:s15+$0x970] =	vst v32  }
0x1f8: {  	v32 =	vld.idx.msk [tilespmem:v19+s29+$0x0], $0xffff  }
0x1f9: {  	v43 =	vld [tilespmem:s15+$0x990]  }
0x1fa: {  	v44 =	vld [tilespmem:s15+$0x9A0]  }
0x1fb: {  	v45 =	vld [tilespmem:s15+$0x9B0]  }
0x1fc: {  	v46 =	vld [tilespmem:s15+$0x9C0]  }
0x1fd: {  	v47 =	vld [tilespmem:s15+$0x9D0];
	v33 =	vmul.f32 v42, v32  }
0x1fe: {  	v48 =	vld [tilespmem:s15+$0x9E0];
	v34 =	vmul.f32 v43, v32  }
0x1ff: {  	v50 =	vld [tilespmem:s15+$0x9F0];
	v49 =	vmul.f32 v44, v32;
	[tilespmem:s15+$0x980] =	vst v33  }
0x200: {  	v51 =	vmul.f32 v45, v32;
	[tilespmem:s15+$0x990] =	vst v34  }
0x201: {  	v52 =	vmul.f32 v46, v32;
	[tilespmem:s15+$0x9A0] =	vst v49  }
0x202: {  	v53 =	vmul.f32 v47, v32;
	[tilespmem:s15+$0x9B0] =	vst v51  }
0x203: {  	v54 =	vmul.f32 v48, v32;
	[tilespmem:s15+$0x9C0] =	vst v52  }
0x204: {  	v32 =	vmul.f32 v50, v32;
	[tilespmem:s15+$0x9D0] =	vst v53  }
0x205: {  	[tilespmem:s15+$0x9E0] =	vst v54  }
0x206: {  	v55 =	vld [tilespmem:s15+$0xA00];
	[tilespmem:s15+$0x9F0] =	vst v32  }
0x207: {  	v32 =	vld.idx.msk [tilespmem:v20+s29+$0x0], $0xffff  }
0x208: {  	v56 =	vld [tilespmem:s15+$0xA10]  }
0x209: {  	v57 =	vld [tilespmem:s15+$0xA20]  }
0x20a: {  	v58 =	vld [tilespmem:s15+$0xA30]  }
0x20b: {  	v59 =	vld [tilespmem:s15+$0xA40]  }
0x20c: {  	v60 =	vld [tilespmem:s15+$0xA50];
	v33 =	vmul.f32 v55, v32  }
0x20d: {  	v61 =	vld [tilespmem:s15+$0xA60];
	v34 =	vmul.f32 v56, v32  }
0x20e: {  	v63 =	vld [tilespmem:s15+$0xA70];
	v62 =	vmul.f32 v57, v32;
	[tilespmem:s15+$0xA00] =	vst v33  }
0x20f: {  	v36 =	vmul.f32 v58, v32;
	[tilespmem:s15+$0xA10] =	vst v34  }
0x210: {  	v37 =	vmul.f32 v59, v32;
	[tilespmem:s15+$0xA20] =	vst v62  }
0x211: {  	v40 =	vmul.f32 v60, v32;
	[tilespmem:s15+$0xA30] =	vst v36  }
0x212: {  	v41 =	vmul.f32 v61, v32;
	[tilespmem:s15+$0xA40] =	vst v37  }
0x213: {  	v32 =	vmul.f32 v63, v32;
	[tilespmem:s15+$0xA50] =	vst v40  }
0x214: {  	[tilespmem:s15+$0xA60] =	vst v41  }
0x215: {  	v42 =	vld [tilespmem:s15+$0xA80];
	[tilespmem:s15+$0xA70] =	vst v32  }
0x216: {  	v32 =	vld.idx.msk [tilespmem:v21+s29+$0x0], $0xffff  }
0x217: {  	v43 =	vld [tilespmem:s15+$0xA90]  }
0x218: {  	v44 =	vld [tilespmem:s15+$0xAA0]  }
0x219: {  	v45 =	vld [tilespmem:s15+$0xAB0]  }
0x21a: {  	v46 =	vld [tilespmem:s15+$0xAC0]  }
0x21b: {  	v47 =	vld [tilespmem:s15+$0xAD0];
	v33 =	vmul.f32 v42, v32  }
0x21c: {  	v48 =	vld [tilespmem:s15+$0xAE0];
	v34 =	vmul.f32 v43, v32  }
0x21d: {  	v50 =	vld [tilespmem:s15+$0xAF0];
	v49 =	vmul.f32 v44, v32;
	[tilespmem:s15+$0xA80] =	vst v33  }
0x21e: {  	v51 =	vmul.f32 v45, v32;
	[tilespmem:s15+$0xA90] =	vst v34  }
0x21f: {  	v52 =	vmul.f32 v46, v32;
	[tilespmem:s15+$0xAA0] =	vst v49  }
0x220: {  	v53 =	vmul.f32 v47, v32;
	[tilespmem:s15+$0xAB0] =	vst v51  }
0x221: {  	v54 =	vmul.f32 v48, v32;
	[tilespmem:s15+$0xAC0] =	vst v52  }
0x222: {  	v32 =	vmul.f32 v50, v32;
	[tilespmem:s15+$0xAD0] =	vst v53  }
0x223: {  	[tilespmem:s15+$0xAE0] =	vst v54  }
0x224: {  	v55 =	vld [tilespmem:s15+$0xB00];
	[tilespmem:s15+$0xAF0] =	vst v32  }
0x225: {  	v32 =	vld.idx.msk [tilespmem:v22+s29+$0x0], $0xffff  }
0x226: {  	v56 =	vld [tilespmem:s15+$0xB10]  }
0x227: {  	v57 =	vld [tilespmem:s15+$0xB20]  }
0x228: {  	v58 =	vld [tilespmem:s15+$0xB30]  }
0x229: {  	v59 =	vld [tilespmem:s15+$0xB40]  }
0x22a: {  	v60 =	vld [tilespmem:s15+$0xB50];
	v33 =	vmul.f32 v55, v32  }
0x22b: {  	v61 =	vld [tilespmem:s15+$0xB60];
	v34 =	vmul.f32 v56, v32  }
0x22c: {  	v63 =	vld [tilespmem:s15+$0xB70];
	v62 =	vmul.f32 v57, v32;
	[tilespmem:s15+$0xB00] =	vst v33  }
0x22d: {  	v36 =	vmul.f32 v58, v32;
	[tilespmem:s15+$0xB10] =	vst v34  }
0x22e: {  	v37 =	vmul.f32 v59, v32;
	[tilespmem:s15+$0xB20] =	vst v62  }
0x22f: {  	v40 =	vmul.f32 v60, v32;
	[tilespmem:s15+$0xB30] =	vst v36  }
0x230: {  	v41 =	vmul.f32 v61, v32;
	[tilespmem:s15+$0xB40] =	vst v37  }
0x231: {  	v32 =	vmul.f32 v63, v32;
	[tilespmem:s15+$0xB50] =	vst v40  }
0x232: {  	[tilespmem:s15+$0xB60] =	vst v41  }
0x233: {  	v42 =	vld [tilespmem:s15+$0xB80];
	[tilespmem:s15+$0xB70] =	vst v32  }
0x234: {  	v32 =	vld.idx.msk [tilespmem:v23+s29+$0x0], $0xffff  }
0x235: {  	v43 =	vld [tilespmem:s15+$0xB90]  }
0x236: {  	v44 =	vld [tilespmem:s15+$0xBA0]  }
0x237: {  	v45 =	vld [tilespmem:s15+$0xBB0]  }
0x238: {  	v46 =	vld [tilespmem:s15+$0xBC0]  }
0x239: {  	v47 =	vld [tilespmem:s15+$0xBD0];
	v33 =	vmul.f32 v42, v32  }
0x23a: {  	v48 =	vld [tilespmem:s15+$0xBE0];
	v34 =	vmul.f32 v43, v32  }
0x23b: {  	v50 =	vld [tilespmem:s15+$0xBF0];
	v49 =	vmul.f32 v44, v32;
	[tilespmem:s15+$0xB80] =	vst v33  }
0x23c: {  	v51 =	vmul.f32 v45, v32;
	[tilespmem:s15+$0xB90] =	vst v34  }
0x23d: {  	v52 =	vmul.f32 v46, v32;
	[tilespmem:s15+$0xBA0] =	vst v49  }
0x23e: {  	v53 =	vmul.f32 v47, v32;
	[tilespmem:s15+$0xBB0] =	vst v51  }
0x23f: {  	v54 =	vmul.f32 v48, v32;
	[tilespmem:s15+$0xBC0] =	vst v52  }
0x240: {  	v32 =	vmul.f32 v50, v32;
	[tilespmem:s15+$0xBD0] =	vst v53  }
0x241: {  	[tilespmem:s15+$0xBE0] =	vst v54  }
0x242: {  	v55 =	vld [tilespmem:s15+$0xC00];
	[tilespmem:s15+$0xBF0] =	vst v32  }
0x243: {  	v32 =	vld.idx.msk [tilespmem:v24+s29+$0x0], $0xffff  }
0x244: {  	v56 =	vld [tilespmem:s15+$0xC10]  }
0x245: {  	v57 =	vld [tilespmem:s15+$0xC20]  }
0x246: {  	v58 =	vld [tilespmem:s15+$0xC30]  }
0x247: {  	v59 =	vld [tilespmem:s15+$0xC40]  }
0x248: {  	v60 =	vld [tilespmem:s15+$0xC50];
	v33 =	vmul.f32 v55, v32  }
0x249: {  	v61 =	vld [tilespmem:s15+$0xC60];
	v34 =	vmul.f32 v56, v32  }
0x24a: {  	v63 =	vld [tilespmem:s15+$0xC70];
	v62 =	vmul.f32 v57, v32;
	[tilespmem:s15+$0xC00] =	vst v33  }
0x24b: {  	v36 =	vmul.f32 v58, v32;
	[tilespmem:s15+$0xC10] =	vst v34  }
0x24c: {  	v37 =	vmul.f32 v59, v32;
	[tilespmem:s15+$0xC20] =	vst v62  }
0x24d: {  	v40 =	vmul.f32 v60, v32;
	[tilespmem:s15+$0xC30] =	vst v36  }
0x24e: {  	v41 =	vmul.f32 v61, v32;
	[tilespmem:s15+$0xC40] =	vst v37  }
0x24f: {  	v32 =	vmul.f32 v63, v32;
	[tilespmem:s15+$0xC50] =	vst v40  }
0x250: {  	[tilespmem:s15+$0xC60] =	vst v41  }
0x251: {  	v42 =	vld [tilespmem:s15+$0xC80];
	[tilespmem:s15+$0xC70] =	vst v32  }
0x252: {  	v32 =	vld.idx.msk [tilespmem:v25+s29+$0x0], $0xffff  }
0x253: {  	v43 =	vld [tilespmem:s15+$0xC90]  }
0x254: {  	v44 =	vld [tilespmem:s15+$0xCA0]  }
0x255: {  	v45 =	vld [tilespmem:s15+$0xCB0]  }
0x256: {  	v46 =	vld [tilespmem:s15+$0xCC0]  }
0x257: {  	v47 =	vld [tilespmem:s15+$0xCD0];
	v33 =	vmul.f32 v42, v32  }
0x258: {  	v48 =	vld [tilespmem:s15+$0xCE0];
	v34 =	vmul.f32 v43, v32  }
0x259: {  	v50 =	vld [tilespmem:s15+$0xCF0];
	v49 =	vmul.f32 v44, v32;
	[tilespmem:s15+$0xC80] =	vst v33  }
0x25a: {  	v51 =	vmul.f32 v45, v32;
	[tilespmem:s15+$0xC90] =	vst v34  }
0x25b: {  	v52 =	vmul.f32 v46, v32;
	[tilespmem:s15+$0xCA0] =	vst v49  }
0x25c: {  	v53 =	vmul.f32 v47, v32;
	[tilespmem:s15+$0xCB0] =	vst v51  }
0x25d: {  	v54 =	vmul.f32 v48, v32;
	[tilespmem:s15+$0xCC0] =	vst v52  }
0x25e: {  	v32 =	vmul.f32 v50, v32;
	[tilespmem:s15+$0xCD0] =	vst v53  }
0x25f: {  	[tilespmem:s15+$0xCE0] =	vst v54  }
0x260: {  	v55 =	vld [tilespmem:s15+$0xD00];
	[tilespmem:s15+$0xCF0] =	vst v32  }
0x261: {  	v32 =	vld.idx.msk [tilespmem:v26+s29+$0x0], $0xffff  }
0x262: {  	v56 =	vld [tilespmem:s15+$0xD10]  }
0x263: {  	v57 =	vld [tilespmem:s15+$0xD20]  }
0x264: {  	v58 =	vld [tilespmem:s15+$0xD30]  }
0x265: {  	v59 =	vld [tilespmem:s15+$0xD40]  }
0x266: {  	v60 =	vld [tilespmem:s15+$0xD50];
	v33 =	vmul.f32 v55, v32  }
0x267: {  	v61 =	vld [tilespmem:s15+$0xD60];
	v34 =	vmul.f32 v56, v32  }
0x268: {  	v63 =	vld [tilespmem:s15+$0xD70];
	v62 =	vmul.f32 v57, v32;
	[tilespmem:s15+$0xD00] =	vst v33  }
0x269: {  	v40 =	vmul.f32 v58, v32;
	[tilespmem:s15+$0xD10] =	vst v34  }
0x26a: {  	v41 =	vmul.f32 v59, v32;
	[tilespmem:s15+$0xD20] =	vst v62  }
0x26b: {  	v42 =	vmul.f32 v60, v32;
	[tilespmem:s15+$0xD30] =	vst v40  }
0x26c: {  	v43 =	vmul.f32 v61, v32;
	[tilespmem:s15+$0xD40] =	vst v41  }
0x26d: {  	v32 =	vmul.f32 v63, v32;
	[tilespmem:s15+$0xD50] =	vst v42  }
0x26e: {  	[tilespmem:s15+$0xD60] =	vst v43  }
0x26f: {  	v44 =	vld [tilespmem:s15+$0xD80];
	[tilespmem:s15+$0xD70] =	vst v32  }
0x270: {  	v32 =	vld.idx.msk [tilespmem:v27+s29+$0x0], $0xffff  }
0x271: {  	v45 =	vld [tilespmem:s15+$0xD90]  }
0x272: {  	v46 =	vld [tilespmem:s15+$0xDA0]  }
0x273: {  	v47 =	vld [tilespmem:s15+$0xDB0]  }
0x274: {  	v48 =	vld [tilespmem:s15+$0xDC0]  }
0x275: {  	v49 =	vld [tilespmem:s15+$0xDD0];
	v33 =	vmul.f32 v44, v32  }
0x276: {  	v50 =	vld [tilespmem:s15+$0xDE0];
	v34 =	vmul.f32 v45, v32  }
0x277: {  	v52 =	vld [tilespmem:s15+$0xDF0];
	v51 =	vmul.f32 v46, v32;
	[tilespmem:s15+$0xD80] =	vst v33  }
0x278: {  	v53 =	vmul.f32 v47, v32;
	[tilespmem:s15+$0xD90] =	vst v34  }
0x279: {  	v54 =	vmul.f32 v48, v32;
	[tilespmem:s15+$0xDA0] =	vst v51  }
0x27a: {  	v55 =	vmul.f32 v49, v32;
	[tilespmem:s15+$0xDB0] =	vst v53  }
0x27b: {  	v56 =	vmul.f32 v50, v32;
	[tilespmem:s15+$0xDC0] =	vst v54  }
0x27c: {  	v32 =	vmul.f32 v52, v32;
	[tilespmem:s15+$0xDD0] =	vst v55  }
0x27d: {  	[tilespmem:s15+$0xDE0] =	vst v56  }
0x27e: {  	v57 =	vld [tilespmem:s15+$0xE00];
	[tilespmem:s15+$0xDF0] =	vst v32  }
0x27f: {  	v32 =	vld.idx.msk [tilespmem:v28+s29+$0x0], $0xffff  }
0x280: {  	v58 =	vld [tilespmem:s15+$0xE10]  }
0x281: {  	v59 =	vld [tilespmem:s15+$0xE20]  }
0x282: {  	v60 =	vld [tilespmem:s15+$0xE30]  }
0x283: {  	v61 =	vld [tilespmem:s15+$0xE40]  }
0x284: {  	v62 =	vld [tilespmem:s15+$0xE50];
	v33 =	vmul.f32 v57, v32  }
0x285: {  	v63 =	vld [tilespmem:s15+$0xE60];
	v34 =	vmul.f32 v58, v32  }
0x286: {  	v42 =	vld [tilespmem:s15+$0xE70];
	v41 =	vmul.f32 v59, v32;
	[tilespmem:s15+$0xE00] =	vst v33  }
0x287: {  	v43 =	vmul.f32 v60, v32;
	[tilespmem:s15+$0xE10] =	vst v34  }
0x288: {  	v44 =	vmul.f32 v61, v32;
	[tilespmem:s15+$0xE20] =	vst v41  }
0x289: {  	v45 =	vmul.f32 v62, v32;
	[tilespmem:s15+$0xE30] =	vst v43  }
0x28a: {  	v46 =	vmul.f32 v63, v32;
	[tilespmem:s15+$0xE40] =	vst v44  }
0x28b: {  	v32 =	vmul.f32 v42, v32;
	[tilespmem:s15+$0xE50] =	vst v45  }
0x28c: {  	[tilespmem:s15+$0xE60] =	vst v46  }
0x28d: {  	v47 =	vld [tilespmem:s15+$0xE80];
	[tilespmem:s15+$0xE70] =	vst v32  }
0x28e: {  	v32 =	vld.idx.msk [tilespmem:v29+s29+$0x0], $0xffff  }
0x28f: {  	v48 =	vld [tilespmem:s15+$0xE90]  }
0x290: {  	v49 =	vld [tilespmem:s15+$0xEA0]  }
0x291: {  	v50 =	vld [tilespmem:s15+$0xEB0]  }
0x292: {  	v51 =	vld [tilespmem:s15+$0xEC0]  }
0x293: {  	v52 =	vld [tilespmem:s15+$0xED0];
	v33 =	vmul.f32 v47, v32  }
0x294: {  	v53 =	vld [tilespmem:s15+$0xEE0];
	v34 =	vmul.f32 v48, v32  }
0x295: {  	v55 =	vld [tilespmem:s15+$0xEF0];
	v54 =	vmul.f32 v49, v32;
	[tilespmem:s15+$0xE80] =	vst v33  }
0x296: {  	v56 =	vmul.f32 v50, v32;
	[tilespmem:s15+$0xE90] =	vst v34  }
0x297: {  	v57 =	vmul.f32 v51, v32;
	[tilespmem:s15+$0xEA0] =	vst v54  }
0x298: {  	v58 =	vmul.f32 v52, v32;
	[tilespmem:s15+$0xEB0] =	vst v56  }
0x299: {  	v59 =	vmul.f32 v53, v32;
	[tilespmem:s15+$0xEC0] =	vst v57  }
0x29a: {  	v32 =	vmul.f32 v55, v32;
	[tilespmem:s15+$0xED0] =	vst v58  }
0x29b: {  	[tilespmem:s15+$0xEE0] =	vst v59  }
0x29c: {  	v60 =	vld [tilespmem:s15+$0xF00];
	[tilespmem:s15+$0xEF0] =	vst v32  }
0x29d: {  	v32 =	vld.idx.msk [tilespmem:v30+s29+$0x0], $0xffff  }
0x29e: {  	v61 =	vld [tilespmem:s15+$0xF10]  }
0x29f: {  	v62 =	vld [tilespmem:s15+$0xF20]  }
0x2a0: {  	v63 =	vld [tilespmem:s15+$0xF30]  }
0x2a1: {  	v42 =	vld [tilespmem:s15+$0xF40]  }
0x2a2: {  	v43 =	vld [tilespmem:s15+$0xF50];
	v33 =	vmul.f32 v60, v32  }
0x2a3: {  	v44 =	vld [tilespmem:s15+$0xF60];
	v34 =	vmul.f32 v61, v32  }
0x2a4: {  	v46 =	vld [tilespmem:s15+$0xF70];
	v45 =	vmul.f32 v62, v32;
	[tilespmem:s15+$0xF00] =	vst v33  }
0x2a5: {  	v47 =	vmul.f32 v63, v32;
	[tilespmem:s15+$0xF10] =	vst v34  }
0x2a6: {  	v48 =	vmul.f32 v42, v32;
	[tilespmem:s15+$0xF20] =	vst v45  }
0x2a7: {  	v49 =	vmul.f32 v43, v32;
	[tilespmem:s15+$0xF30] =	vst v47  }
0x2a8: {  	v50 =	vmul.f32 v44, v32;
	[tilespmem:s15+$0xF40] =	vst v48  }
0x2a9: {  	v32 =	vmul.f32 v46, v32;
	[tilespmem:s15+$0xF50] =	vst v49  }
0x2aa: {  	[tilespmem:s15+$0xF60] =	vst v50  }
0x2ab: {  	v51 =	vld [tilespmem:s15+$0xF80];
	[tilespmem:s15+$0xF70] =	vst v32  }
0x2ac: {  	v32 =	vld.idx.msk [tilespmem:v31+s29+$0x0], $0xffff  }
0x2ad: {  	v52 =	vld [tilespmem:s15+$0xF90]  }
0x2ae: {  	v53 =	vld [tilespmem:s15+$0xFA0]  }
0x2af: {  	v54 =	vld [tilespmem:s15+$0xFB0]  }
0x2b0: {  	v55 =	vld [tilespmem:s15+$0xFC0]  }
0x2b1: {  	v56 =	vld [tilespmem:s15+$0xFD0];
	v33 =	vmul.f32 v51, v32  }
0x2b2: {  	v57 =	vld [tilespmem:s15+$0xFE0];
	v34 =	vmul.f32 v52, v32  }
0x2b3: {  	v59 =	vld [tilespmem:s15+$0xFF0];
	v58 =	vmul.f32 v53, v32;
	[tilespmem:s15+$0xF80] =	vst v33  }
0x2b4: {  	v60 =	vmul.f32 v54, v32;
	[tilespmem:s15+$0xF90] =	vst v34  }
0x2b5: {  	p0 =	sne.s32 s14, $0x7;
	v61 =	vmul.f32 v55, v32;
	[tilespmem:s15+$0xFA0] =	vst v58  }
.Ltmp1:
0x2b6: {  	v62 =	vmul.f32 v56, v32;
	[tilespmem:s15+$0xFB0] =	vst v60;
	(pc) =	sbr.rel @p0 .LBB2_6-.Ltmp1, $4  }
0x2b7: {  	v63 =	vmul.f32 v57, v32;
	[tilespmem:s15+$0xFC0] =	vst v61  }
0x2b8: {  	v32 =	vmul.f32 v59, v32;
	[tilespmem:s15+$0xFD0] =	vst v62  }
0x2b9: {  	[tilespmem:s15+$0xFE0] =	vst v63  }
0x2ba: {  	s14 =	sadd.s32 $0x1, s14;
	[tilespmem:s15+$0xFF0] =	vst v32  }
0x2bb: {  	s0 =	sadd.s32 $0x1, s0  }
0x2bc: {  	p0 =	sne.s32 s0, $0x8  }
.Ltmp2:
0x2bd: {  	_ = 	snop;
	(pc) =	sbr.rel @p0 .LBB2_5-.Ltmp2, $4  }
0x2be: {  	[spmem:s2] =	stream.indirect.scatter.add.f32 [tilespmem:s20], [sflag:$0x3], $0x80, s3, s23, $0xb8;
	[tilespmem:$0x1CC80] =	vst v63  }
0x2bf: {  	_ =	swait.ge [sflag:s21], $0x4000  }
0x2c0: {  	[sflag:s21] =	ssyncset.done $0x0  }
0x2c1: {  	[sflag:s21] =	ssyncadd.s32 $0xFFFFC000  }
0x2c2: {  	s31 =	sadd.s32 $0x1, s31  }
0x2c3: {  	p0 =	sne.s32 s31, $0xA  }
.Ltmp3:
0x2c4: {  	_ = 	snop;
	(pc) =	sbr.rel @p0 .LBB2_4-.Ltmp3, $1  }
0x2c5: {  	_ =	sdelay $0x3  }
0x2c6: {  	s0 =	stileid.u32  }
0x2c7: {  	[bflag:$0x0] =	sbarrier.arrive $0xFFFF;
	s0 =	sshll.u32 s0, $0x6  }
0x2c8: {  	s3 =	sshrl.u32 s8, $0x3;
	s14 =	rddreg [dreg:$0x4];
	s0 =	sor.u32 $0x1C03, s0  }
0x2c9: {  	[hbm:s14], [sflag:s0] =	dma.local [spmem:s3], $0x800  }
0x2ca: {  	_ =	swait.ge [sflag:s21], $0x800  }
0x2cb: {  	[sflag:s21] =	ssyncset.done $0x0  }
0x2cc: {  	s15 =	sshrl.u32 s9, $0x3;
	s31 =	rddreg [dreg:$0x5];
	[sflag:s21] =	ssyncadd.s32 $0xFFFFF800  }
0x2cd: {  	[hbm:s31], [sflag:s0] =	dma.local [spmem:s15], $0x800  }
0x2ce: {  	_ =	swait.ge [sflag:s21], $0x800  }
0x2cf: {  	[sflag:s21] =	ssyncset.done $0x0  }
0x2d0: {  	s14 =	sshrl.u32 s10, $0x3;
	[sflag:s21] =	ssyncadd.s32 $0xFFFFF800  }
0x2d1: {  	[hbm:s16], [sflag:s0] =	dma.local [spmem:s14], $0x800  }
0x2d2: {  	_ =	swait.ge [sflag:s21], $0x800  }
0x2d3: {  	[sflag:s21] =	ssyncset.done $0x0  }
0x2d4: {  	s15 =	sshrl.u32 s11, $0x3;
	[sflag:s21] =	ssyncadd.s32 $0xFFFFF800  }
0x2d5: {  	[hbm:s17], [sflag:s0] =	dma.local [spmem:s15], $0x800  }
0x2d6: {  	s4 =	sadd.s32 $0x1, s4;
	_ =	swait.ge [sflag:s21], $0x800  }
0x2d7: {  	p0 =	sne.s32 s4, s19;
	[sflag:s21] =	ssyncset.done $0x0  }
.Ltmp4:
0x2d8: {  	s31 =	sshrl.u32 s12, $0x3;
	[sflag:s21] =	ssyncadd.s32 $0xFFFFF800;
	(pc) =	sbr.rel @p0 .LBB2_1-.Ltmp4, $4  }
0x2d9: {  	[hbm:s18], [sflag:s0] =	dma.local [spmem:s31], $0x780  }
0x2da: {  	_ =	swait.ge [sflag:s21], $0x780  }
0x2db: {  	[sflag:s21] =	ssyncset.done $0x0  }
0x2dc: {  	[sflag:s21] =	ssyncadd.s32 $0xFFFFF880  }
0x2dd: {  	_ =	sfence.sel $0x180000  }
0x2de: {  	[bflag:$0x0] =	sbarrier.arrive $0xFFFF  }
0x2df: {  	_ =	strace $0x90000050  }
0x2e0: {  	s0 =	stileid.u32;
	[bflag:$0x2] =	sbarrier.arrive $0xFFFF  }
0x2e1: {  	p0 =	sne.s32 s0, $0x0;
	s0 =	rddreg [dreg:$0x3]  }
0x2e2: {  	s0 =	sadd.s32 @!p0 $0x100000, s0  }
0x2e3: {  	[sflag:s0] =	ssyncadd.tile.s32 @!p0 $0x1;
	_ =	shalt  }
.Lfunc_end2:
_tile_overlayer_lowered:
.L_overlay_start_2:
0x2e4: {  	(tag) =	ssettag $0x2  }
0x2e5: {  	s0 =	rddreg [dreg:$0x0];
	s2 =	stileid.u32  }
0x2e6: {  	s1 =	rddreg [dreg:$0x1];
	p0 =	sne.s32 s2, $0x0  }
0x2e7: {  	s3 =	rddreg [dreg:$0x2];
	[bflag:$0x3] =	sbarrier.arrive $0xFFFF;
	s2 =	simm.s32 @!p0 $0x1C03  }
0x2e8: {  	[timem:s3], [sflag:s2] =	dma.local @!p0 [hbm:s0], s1  }
0x2e9: {  	s0 =	simm.s32 @!p0 $0x3  }
0x2ea: {  	_ =	swait.ge @!p0 [sflag:s0], s1  }
0x2eb: {  	s1 =	ssub.s32 @!p0 $0x0, s1;
	[sflag:s0] =	ssyncset.done @!p0 $0x0  }
0x2ec: {  	[sflag:s0] =	ssyncadd.s32 @!p0 s1  }
0x2ed: {  	[bflag:$0x3] =	sbarrier.arrive $0xFFFF  }
0x2ee: {  	_ =	shalt  }

</sc_bundles>
